<compile_context>
chip_gen: v7x
topology: tpu7x:2x2x1
jax: 0.10.2.dev20260603
libtpu: 0.0.44.dev20260713+nightly
codegen_flags: <defaults>
</compile_context>

<pallas_src>
import functools

import jax
import jax.numpy as jnp
from jax import lax
from jax.experimental import pallas as pl
from jax.experimental.pallas import tpu as pltpu
from jax.experimental.pallas import tpu_sc as plsc

N = 10000
E = 320000
D = 128
H = 512
L = 64

NC = 4
BN = 1000
NB = N // BN
NTILE = 16
WE = 256
NW = E // WE
NROW = 624
NROW_LAST = N - 15 * NROW


def _stage_a_body(x_ref, wg_ref, wgc_ref, asrc_ref, adst_ref, h4_ref,
                  init_ref, scal_ref):
    h = jnp.dot(x_ref[...], wg_ref[...], preferred_element_type=jnp.float32)
    a_s = jnp.dot(h, asrc_ref[...], preferred_element_type=jnp.float32)
    a_d = jnp.dot(h, adst_ref[...], preferred_element_type=jnp.float32)
    t = a_s + a_d
    w_self = jnp.exp(jnp.where(t >= 0, t, 0.2 * t))
    hc = jnp.dot(x_ref[...], wgc_ref[...],
                 preferred_element_type=jnp.float32)
    h4_ref[...] = hc
    init_ref[...] = w_self * hc
    scal_ref[...] = jnp.concatenate([a_s, a_d, w_self], axis=1)


def _stage_a(x, Wg, att_src, att_dst):
    return pl.pallas_call(
        _stage_a_body,
        grid=(NB, NC),
        in_specs=[
            pl.BlockSpec((BN, D), lambda i, c: (i, 0)),
            pl.BlockSpec((D, H), lambda i, c: (0, 0)),
            pl.BlockSpec((D, D), lambda i, c: (0, c)),
            pl.BlockSpec((H, 1), lambda i, c: (0, 0)),
            pl.BlockSpec((H, 1), lambda i, c: (0, 0)),
        ],
        out_specs=[
            pl.BlockSpec((BN, D), lambda i, c: (c * NB + i, 0)),
            pl.BlockSpec((BN, D), lambda i, c: (c * NB + i, 0)),
            pl.BlockSpec((BN, 3), lambda i, c: (i, 0)),
        ],
        out_shape=[
            jax.ShapeDtypeStruct((NC * N, D), jnp.float32),
            jax.ShapeDtypeStruct((NC * N, D), jnp.float32),
            jax.ShapeDtypeStruct((N, 3), jnp.float32),
        ],
    )(x, Wg, Wg, att_src.reshape(H, 1), att_dst.reshape(H, 1))


def _sc_body(h4, init4, a_s_h, a_d_h, wself_h, src_h, dst_h,
             agg_out, den_out,
             src_v, dst_v, gidx_v, a_s_v, a_d_v, w_v, w_f, rows_v,
             agg_sh, den_sh, sem):
    c = lax.axis_index("c")
    s = lax.axis_index("s")

    pltpu.sync_copy(a_s_h, a_s_v)
    pltpu.sync_copy(a_d_h, a_d_v)

    nw_s = jnp.where(s < NW % NTILE, NW // NTILE + 1, NW // NTILE)

    for cc in range(2):
        chunk = c + 2 * cc

        srow = pl.multiple_of(s * NROW, 8)
        row0 = pl.multiple_of(chunk * N + s * NROW, 8)

        @pl.when(s < NTILE - 1)
        def _():
            pltpu.sync_copy(init4.at[pl.ds(row0, NROW)],
                            agg_sh.at[pl.ds(srow, NROW)])

        @pl.when(s == NTILE - 1)
        def _():
            pltpu.sync_copy(init4.at[pl.ds(chunk * N + 15 * NROW, NROW_LAST)],
                            agg_sh.at[pl.ds(15 * NROW, NROW_LAST)])
        if cc == 0:
            @pl.when(jnp.logical_and(c == 0, s == 0))
            def _():
                pltpu.sync_copy(wself_h, den_sh)
        plsc.subcore_barrier()

        def window(k, carry):
            w = k * NTILE + s
            pltpu.sync_copy(src_h.at[w], src_v)
            pltpu.sync_copy(dst_h.at[w], dst_v)
            for j2 in range(2):
                for g2 in range(8):
                    sl = pl.ds(g2 * 16, 16)
                    sv = src_v[j2, sl]
                    dv = dst_v[j2, sl]
                    gidx_v[j2, sl] = sv + chunk * N
                    asv = plsc.load_gather(a_s_v, [sv])
                    adv = plsc.load_gather(a_d_v, [dv])
                    t = asv + adv
                    wv = jnp.exp(jnp.where(t >= 0, t, 0.2 * t))
                    w_v[j2, sl] = wv
                    w_f[sl] = wv
                pltpu.async_copy(h4.at[gidx_v.at[j2]], rows_v, sem).wait()

                @plsc.parallel_loop(0, 128, unroll=4)
                def _(e):
                    ws = plsc.load_gather(
                        w_f, [jnp.full((16,), e, jnp.int32)])
                    for q in range(8):
                        sl = pl.ds(q * 16, 16)
                        rows_v[e, sl] = rows_v[e, sl] * ws

                pltpu.sync_copy(rows_v, agg_sh.at[dst_v.at[j2]], add=True)
                if cc == 0:
                    @pl.when(c == 0)
                    def _():
                        pltpu.sync_copy(w_v.at[j2],
                                        den_sh.at[dst_v.at[j2]], add=True)
            return carry

        lax.fori_loop(0, nw_s, window, 0)
        plsc.subcore_barrier()

        @pl.when(s < NTILE - 1)
        def _():
            pltpu.sync_copy(agg_sh.at[pl.ds(srow, NROW)],
                            agg_out.at[pl.ds(row0, NROW)])

        @pl.when(s == NTILE - 1)
        def _():
            pltpu.sync_copy(agg_sh.at[pl.ds(15 * NROW, NROW_LAST)],
                            agg_out.at[pl.ds(chunk * N + 15 * NROW,
                                             NROW_LAST)])
        if cc == 0:
            @pl.when(jnp.logical_and(c == 0, s == 0))
            def _():
                pltpu.sync_copy(den_sh, den_out)


def _stage_b(h4, init4, a_s, a_d, w_self, srcr, dstr):
    mesh = plsc.VectorSubcoreMesh(core_axis_name="c", subcore_axis_name="s")
    kern = functools.partial(
        pl.kernel,
        out_type=[
            jax.ShapeDtypeStruct((NC * N, D), jnp.float32),
            jax.ShapeDtypeStruct((N,), jnp.float32),
        ],
        mesh=mesh,
        compiler_params=pltpu.CompilerParams(needs_layout_passes=False),
        scratch_types=[
            pltpu.VMEM((2, 128), jnp.int32),
            pltpu.VMEM((2, 128), jnp.int32),
            pltpu.VMEM((2, 128), jnp.int32),
            pltpu.VMEM((N,), jnp.float32),
            pltpu.VMEM((N,), jnp.float32),
            pltpu.VMEM((2, 128), jnp.float32),
            pltpu.VMEM((128,), jnp.float32),
            pltpu.VMEM((128, D), jnp.float32),
            pltpu.VMEM_SHARED((N, D), jnp.float32),
            pltpu.VMEM_SHARED((N,), jnp.float32),
            pltpu.SemaphoreType.DMA,
        ],
    )(_sc_body)
    return kern(h4, init4, a_s, a_d, w_self, srcr, dstr)


def _stage_c_body(a0, a1, a2, a3, den_ref, x_ref, bg_ref,
                  we1_ref, be1_ref, we2_ref, be2_ref,
                  wd1_ref, bd1_ref, wd2_ref, bd2_ref, wd3_ref, bd3_ref,
                  recon_ref, z_ref, reg_ref, sse_ref):
    i = pl.program_id(0)
    dn = 1.0 / (den_ref[...] + 1e-16)
    aggs = [a0[...], a1[...], a2[...], a3[...]]
    bg = bg_ref[...]
    acc = jnp.zeros((BN, H), jnp.float32)
    for cidx in range(NC):
        hg = aggs[cidx] * dn + bg[:, cidx * D:(cidx + 1) * D]
        h1 = jnp.maximum(hg, 0.0)
        acc = acc + jnp.dot(h1, we1_ref[cidx * D:(cidx + 1) * D, :],
                            preferred_element_type=jnp.float32)
    h2 = jnp.maximum(acc + be1_ref[...], 0.0)
    z = jnp.dot(h2, we2_ref[...], preferred_element_type=jnp.float32) \
        + be2_ref[...]
    d1 = jnp.maximum(jnp.dot(z, wd1_ref[...],
                             preferred_element_type=jnp.float32)
                     + bd1_ref[...], 0.0)
    d2 = jnp.maximum(jnp.dot(d1, wd2_ref[...],
                             preferred_element_type=jnp.float32)
                     + bd2_ref[...], 0.0)
    recon = jnp.dot(d2, wd3_ref[...], preferred_element_type=jnp.float32) \
        + bd3_ref[...]
    recon_ref[...] = recon
    z_ref[...] = z
    reg_ref[...] = jnp.sum(z * z, axis=1, keepdims=True)

    @pl.when(i == 0)
    def _():
        sse_ref[...] = jnp.zeros((1, 1), jnp.float32)
    diff = recon - x_ref[...]
    sse_ref[...] += jnp.sum(diff * diff).reshape(1, 1)


def _stage_c(agg, den, x, bg, We1, be1, We2, be2, Wd1, bd1, Wd2, bd2,
             Wd3, bd3):
    full = lambda r, c: pl.BlockSpec((r, c), lambda i: (0, 0))
    in_specs = [
        pl.BlockSpec((BN, D), lambda i, cc=cc: (cc * NB + i, 0))
        for cc in range(NC)
    ] + [
        pl.BlockSpec((BN, 1), lambda i: (i, 0)),
        pl.BlockSpec((BN, D), lambda i: (i, 0)),
        full(1, H),
        full(H, H), full(1, H),
        full(H, L), full(1, L),
        full(L, H), full(1, H),
        full(H, H), full(1, H),
        full(H, D), full(1, D),
    ]
    out_specs = [
        pl.BlockSpec((BN, D), lambda i: (i, 0)),
        pl.BlockSpec((BN, L), lambda i: (i, 0)),
        pl.BlockSpec((BN, 1), lambda i: (i, 0)),
        pl.BlockSpec((1, 1), lambda i: (0, 0)),
    ]
    out_shape = [
        jax.ShapeDtypeStruct((N, D), jnp.float32),
        jax.ShapeDtypeStruct((N, L), jnp.float32),
        jax.ShapeDtypeStruct((N, 1), jnp.float32),
        jax.ShapeDtypeStruct((1, 1), jnp.float32),
    ]
    return pl.pallas_call(
        _stage_c_body, grid=(NB,), in_specs=in_specs, out_specs=out_specs,
        out_shape=out_shape,
    )(agg, agg, agg, agg, den, x,
      bg.reshape(1, H), We1, be1.reshape(1, H), We2, be2.reshape(1, L),
      Wd1, bd1.reshape(1, H), Wd2, bd2.reshape(1, H), Wd3,
      bd3.reshape(1, D))


def kernel(inputs, edge_index, Wg, att_src, att_dst, bg, We1, be1, We2,
           be2, Wd1, bd1, Wd2, bd2, Wd3, bd3):
    x = inputs[:, 0, :]
    h4, init4, scal = _stage_a(x, Wg, att_src, att_dst)
    a_s = scal[:, 0]
    a_d = scal[:, 1]
    w_self = scal[:, 2]
    ei = edge_index.astype(jnp.int32)
    srcr = ei[0].reshape(NW, 2, 128)
    dstr = ei[1].reshape(NW, 2, 128)
    agg, den = _stage_b(h4, init4, a_s, a_d, w_self, srcr, dstr)
    recon, z, reg2, sse = _stage_c(
        agg, den.reshape(N, 1), x, bg, We1, be1, We2, be2,
        Wd1, bd1, Wd2, bd2, Wd3, bd3)
    reg = reg2[:, 0]
    mse = sse[0, 0] / (N * D)
    total = mse + 0.0 * reg
    return (total, mse, reg, recon, z)

# --- scband reference (transcript-rebuilt; emitter-appended) ---
"""Pipeline reference for scband-graph-auto-encoder-28879360099185 (READ-ONLY COPY).

The authoritative reference and input builder live on the scoring server;
editing this copy changes nothing except your own understanding.
"""

import jax, jax.numpy as jnp
import numpy as np

N = 10000
E = 320000
D = 128
H = 512
L = 64


def setup_inputs(seed: int = 0) -> dict:
    key = jax.random.key(seed)
    ks = jax.random.split(key, 20)
    inputs = jax.random.normal(ks[0], (N, 1, D), dtype=jnp.float32)
    edge_index = jax.random.randint(ks[1], (2, E), 0, N)
    s = 0.05
    params = {
        'Wg': jax.random.normal(ks[2], (D, H), dtype=jnp.float32) * s,
        'att_src': jax.random.normal(ks[3], (H,), dtype=jnp.float32) * s,
        'att_dst': jax.random.normal(ks[4], (H,), dtype=jnp.float32) * s,
        'bg': jnp.zeros((H,), dtype=jnp.float32),
        'We1': jax.random.normal(ks[5], (H, H), dtype=jnp.float32) * s,
        'be1': jnp.zeros((H,), dtype=jnp.float32),
        'We2': jax.random.normal(ks[6], (H, L), dtype=jnp.float32) * s,
        'be2': jnp.zeros((L,), dtype=jnp.float32),
        'Wd1': jax.random.normal(ks[7], (L, H), dtype=jnp.float32) * s,
        'bd1': jnp.zeros((H,), dtype=jnp.float32),
        'Wd2': jax.random.normal(ks[8], (H, H), dtype=jnp.float32) * s,
        'bd2': jnp.zeros((H,), dtype=jnp.float32),
        'Wd3': jax.random.normal(ks[9], (H, D), dtype=jnp.float32) * s,
        'bd3': jnp.zeros((D,), dtype=jnp.float32),
    }
    out = {'inputs': inputs, 'edge_index': edge_index}
    out.update(params)
    return out


def reference(inputs, edge_index, Wg, att_src, att_dst, bg, We1, be1, We2, be2, Wd1, bd1, Wd2, bd2, Wd3, bd3):
    beta = 0.0
    x = inputs[:, 0, :]  # squeeze(1)
    n = x.shape[0]
    # GATConv (heads=1, concat=True, add_self_loops=True, negative_slope=0.2)
    loops = jnp.arange(n)
    src = jnp.concatenate([edge_index[0], loops])
    dst = jnp.concatenate([edge_index[1], loops])
    h = x @ Wg  # [N, H]
    a_s = h @ att_src  # [N]
    a_d = h @ att_dst  # [N]
    e = jax.nn.leaky_relu(a_s[src] + a_d[dst], negative_slope=0.2)
    emax = jax.ops.segment_max(e, dst, num_segments=n)
    emax = jnp.where(jnp.isfinite(emax), emax, 0.0)
    ex = jnp.exp(e - emax[dst])
    denom = jax.ops.segment_sum(ex, dst, num_segments=n)
    alpha = ex / (denom[dst] + 1e-16)
    agg = jax.ops.segment_sum(alpha[:, None] * h[src], dst, num_segments=n)
    hgat = agg + bg
    # encoder MLP tail
    h1 = jax.nn.relu(hgat)
    h2 = jax.nn.relu(h1 @ We1 + be1)
    z = h2 @ We2 + be2
    # decoder
    d1 = jax.nn.relu(z @ Wd1 + bd1)
    d2 = jax.nn.relu(d1 @ Wd2 + bd2)
    recon = d2 @ Wd3 + bd3
    # loss (rank_weights=None): mse is scalar (MSELoss reduction='mean')
    mse = jnp.mean((recon - x) ** 2)
    reg = jnp.sum(z * z, axis=-1)  # ||z||^2 per node
    total = mse + beta * reg
    return (total, mse, reg, recon, z)

if __name__ == "__main__":
    import jax
    _d = setup_inputs()
    print(jax.jit(kernel)(*tuple(_d.values())))

</pallas_src>

<mosaic_0001>
#map = affine_map<(d0, d1) -> (0, 0)>
#map1 = affine_map<(d0, d1) -> (0)>
#map2 = affine_map<(d0, d1) -> (0, 0, 0)>
module attributes {stable_mosaic.version = 14 : i64} {
  func.func @_sc_body(%arg0: i32, %arg1: i32, %arg2: memref<40000x128xf32, #tpu.memory_space<hbm>>, %arg3: memref<40000x128xf32, #tpu.memory_space<hbm>>, %arg4: memref<10000xf32, #tpu.memory_space<hbm>>, %arg5: memref<10000xf32, #tpu.memory_space<hbm>>, %arg6: memref<10000xf32, #tpu.memory_space<hbm>>, %arg7: memref<1250x2x128xi32, #tpu.memory_space<hbm>>, %arg8: memref<1250x2x128xi32, #tpu.memory_space<hbm>>, %arg9: memref<40000x128xf32, #tpu.memory_space<hbm>>, %arg10: memref<10000xf32, #tpu.memory_space<hbm>>, %arg11: memref<2x128xi32, #tpu.memory_space<vmem>>, %arg12: memref<2x128xi32, #tpu.memory_space<vmem>>, %arg13: memref<2x128xi32, #tpu.memory_space<vmem>>, %arg14: memref<10000xf32, #tpu.memory_space<vmem>>, %arg15: memref<10000xf32, #tpu.memory_space<vmem>>, %arg16: memref<2x128xf32, #tpu.memory_space<vmem>>, %arg17: memref<128xf32, #tpu.memory_space<vmem>>, %arg18: memref<128x128xf32, #tpu.memory_space<vmem>>, %arg19: memref<10000x128xf32, #tpu.memory_space<vmem_shared>>, %arg20: memref<10000xf32, #tpu.memory_space<vmem_shared>>, %arg21: memref<!tpu.dma_semaphore, #tpu.memory_space<semaphore_mem>>) attributes {dimension_semantics = [#tpu.dimension_semantics<core_parallel>, #tpu.dimension_semantics<subcore_parallel>], iteration_bounds = array<i64: 2, 16>, scalar_prefetch = 0 : i64, scratch_operands = 11 : i64, tpu.core_type = #tpu.core_type<sc_vector_subcore>, window_params = [{transform_indices = #map}, {transform_indices = #map}, {transform_indices = #map1}, {transform_indices = #map1}, {transform_indices = #map1}, {transform_indices = #map2}, {transform_indices = #map2}, {transform_indices = #map}, {transform_indices = #map1}]} {
    "tpu.region"() ({
      %run_scoped3A = tpu.sem_alloc : memref<!tpu.dma_semaphore, #tpu.memory_space<semaphore_mem>>
      tpu.enqueue_dma source(%arg4 : memref<10000xf32, #tpu.memory_space<hbm>>) target(%arg14 : memref<10000xf32, #tpu.memory_space<vmem>>) target_semaphore(%run_scoped3A : memref<!tpu.dma_semaphore, #tpu.memory_space<semaphore_mem>>)
      tpu.wait_dma2 semaphore(%run_scoped3A : memref<!tpu.dma_semaphore, #tpu.memory_space<semaphore_mem>>) src(%arg4 : memref<10000xf32, #tpu.memory_space<hbm>>) dst(%arg14 : memref<10000xf32, #tpu.memory_space<vmem>>)
      tpu.yield
    }) : () -> ()
    "tpu.region"() ({
      %run_scoped3A = tpu.sem_alloc : memref<!tpu.dma_semaphore, #tpu.memory_space<semaphore_mem>>
      tpu.enqueue_dma source(%arg5 : memref<10000xf32, #tpu.memory_space<hbm>>) target(%arg15 : memref<10000xf32, #tpu.memory_space<vmem>>) target_semaphore(%run_scoped3A : memref<!tpu.dma_semaphore, #tpu.memory_space<semaphore_mem>>)
      tpu.wait_dma2 semaphore(%run_scoped3A : memref<!tpu.dma_semaphore, #tpu.memory_space<semaphore_mem>>) src(%arg5 : memref<10000xf32, #tpu.memory_space<hbm>>) dst(%arg15 : memref<10000xf32, #tpu.memory_space<vmem>>)
      tpu.yield
    }) : () -> ()
    %lt3A = arith.constant 2 : i32
    %lt3A_0 = arith.cmpi slt, %arg1, %lt3A : i32
    %jit3A = arith.constant 79 : i32
    %jit3A_1 = arith.constant 78 : i32
    %select_n3A = arith.select %lt3A_0, %jit3A, %jit3A_1 : i32
    %add3A = arith.constant 0 : i32
    %add3A_2 = arith.addi %arg0, %add3A : i32
    %mul3A = arith.constant 624 : i32
    %mul3A_3 = arith.muli %arg1, %mul3A : i32
    %multiple_of3A = tpu.assume_multiple %mul3A_3, 8 : i32
    %mul3A_4 = arith.constant 10000 : i32
    %mul3A_5 = arith.muli %add3A_2, %mul3A_4 : i32
    %mul3A_6 = arith.constant 624 : i32
    %mul3A_7 = arith.muli %arg1, %mul3A_6 : i32
    %add3A_8 = arith.addi %mul3A_5, %mul3A_7 : i32
    %multiple_of3A_9 = tpu.assume_multiple %add3A_8, 8 : i32
    %lt3A_10 = arith.constant 15 : i32
    %lt3A_11 = arith.cmpi slt, %arg1, %lt3A_10 : i32
    %convert_element_type3A = arith.extui %lt3A_11 : i1 to i32
    %cond3A = arith.constant 0 : i32
    %cond3A_12 = arith.cmpi ne, %convert_element_type3A, %cond3A : i32
    scf.if %cond3A_12 {
      "tpu.region"() ({
        %run_scoped3A = tpu.sem_alloc : memref<!tpu.dma_semaphore, #tpu.memory_space<semaphore_mem>>
        %dma_start3A = arith.constant 0 : i32
        %dma_start3A_95 = tpu.memref_slice %arg19[%multiple_of3A, %dma_start3A] : memref<10000x128xf32, #tpu.memory_space<vmem_shared>> -> memref<624x128xf32, #tpu.memory_space<vmem_shared>>
        %dma_start3A_96 = arith.constant 0 : i32
        %dma_start3A_97 = tpu.memref_slice %arg3[%multiple_of3A_9, %dma_start3A_96] : memref<40000x128xf32, #tpu.memory_space<hbm>> -> memref<624x128xf32, #tpu.memory_space<hbm>>
        tpu.enqueue_dma source(%dma_start3A_97 : memref<624x128xf32, #tpu.memory_space<hbm>>) target(%dma_start3A_95 : memref<624x128xf32, #tpu.memory_space<vmem_shared>>) target_semaphore(%run_scoped3A : memref<!tpu.dma_semaphore, #tpu.memory_space<semaphore_mem>>)
        %dma_wait3A = arith.constant 0 : i32
        %dma_wait3A_98 = tpu.memref_slice %arg19[%multiple_of3A, %dma_wait3A] : memref<10000x128xf32, #tpu.memory_space<vmem_shared>> -> memref<624x128xf32, #tpu.memory_space<vmem_shared>>
        %dma_wait3A_99 = arith.constant 0 : i32
        %dma_wait3A_100 = tpu.memref_slice %arg3[%multiple_of3A_9, %dma_wait3A_99] : memref<40000x128xf32, #tpu.memory_space<hbm>> -> memref<624x128xf32, #tpu.memory_space<hbm>>
        tpu.wait_dma2 semaphore(%run_scoped3A : memref<!tpu.dma_semaphore, #tpu.memory_space<semaphore_mem>>) src(%dma_wait3A_100 : memref<624x128xf32, #tpu.memory_space<hbm>>) dst(%dma_wait3A_98 : memref<624x128xf32, #tpu.memory_space<vmem_shared>>)
        tpu.yield
      }) : () -> ()
    } else {
    }
    %eq3A = arith.constant 15 : i32
    %eq3A_13 = arith.cmpi eq, %arg1, %eq3A : i32
    %convert_element_type3A_14 = arith.extui %eq3A_13 : i1 to i32
    %cond3A_15 = arith.constant 0 : i32
    %cond3A_16 = arith.cmpi ne, %convert_element_type3A_14, %cond3A_15 : i32
    scf.if %cond3A_16 {
      %mul3A_95 = arith.constant 10000 : i32
      %mul3A_96 = arith.muli %add3A_2, %mul3A_95 : i32
      %add3A_97 = arith.constant 9360 : i32
      %add3A_98 = arith.addi %mul3A_96, %add3A_97 : i32
      "tpu.region"() ({
        %run_scoped3A = tpu.sem_alloc : memref<!tpu.dma_semaphore, #tpu.memory_space<semaphore_mem>>
        %dma_start3A = arith.constant 9360 : i32
        %dma_start3A_99 = arith.constant 0 : i32
        %dma_start3A_100 = tpu.memref_slice %arg19[%dma_start3A, %dma_start3A_99] : memref<10000x128xf32, #tpu.memory_space<vmem_shared>> -> memref<640x128xf32, #tpu.memory_space<vmem_shared>>
        %dma_start3A_101 = arith.constant 0 : i32
        %dma_start3A_102 = tpu.memref_slice %arg3[%add3A_98, %dma_start3A_101] : memref<40000x128xf32, #tpu.memory_space<hbm>> -> memref<640x128xf32, #tpu.memory_space<hbm>>
        tpu.enqueue_dma source(%dma_start3A_102 : memref<640x128xf32, #tpu.memory_space<hbm>>) target(%dma_start3A_100 : memref<640x128xf32, #tpu.memory_space<vmem_shared>>) target_semaphore(%run_scoped3A : memref<!tpu.dma_semaphore, #tpu.memory_space<semaphore_mem>>)
        %dma_wait3A = arith.constant 9360 : i32
        %dma_wait3A_103 = arith.constant 0 : i32
        %dma_wait3A_104 = tpu.memref_slice %arg19[%dma_wait3A, %dma_wait3A_103] : memref<10000x128xf32, #tpu.memory_space<vmem_shared>> -> memref<640x128xf32, #tpu.memory_space<vmem_shared>>
        %dma_wait3A_105 = arith.constant 0 : i32
        %dma_wait3A_106 = tpu.memref_slice %arg3[%add3A_98, %dma_wait3A_105] : memref<40000x128xf32, #tpu.memory_space<hbm>> -> memref<640x128xf32, #tpu.memory_space<hbm>>
        tpu.wait_dma2 semaphore(%run_scoped3A : memref<!tpu.dma_semaphore, #tpu.memory_space<semaphore_mem>>) src(%dma_wait3A_106 : memref<640x128xf32, #tpu.memory_space<hbm>>) dst(%dma_wait3A_104 : memref<640x128xf32, #tpu.memory_space<vmem_shared>>)
        tpu.yield
      }) : () -> ()
    } else {
    }
    %eq3A_17 = arith.constant 0 : i32
    %eq3A_18 = arith.cmpi eq, %arg0, %eq3A_17 : i32
    %eq3A_19 = arith.constant 0 : i32
    %eq3A_20 = arith.cmpi eq, %arg1, %eq3A_19 : i32
    %and3A = arith.andi %eq3A_18, %eq3A_20 : i1
    %convert_element_type3A_21 = arith.extui %and3A : i1 to i32
    %cond3A_22 = arith.constant 0 : i32
    %cond3A_23 = arith.cmpi ne, %convert_element_type3A_21, %cond3A_22 : i32
    scf.if %cond3A_23 {
      "tpu.region"() ({
        %run_scoped3A = tpu.sem_alloc : memref<!tpu.dma_semaphore, #tpu.memory_space<semaphore_mem>>
        tpu.enqueue_dma source(%arg6 : memref<10000xf32, #tpu.memory_space<hbm>>) target(%arg20 : memref<10000xf32, #tpu.memory_space<vmem_shared>>) target_semaphore(%run_scoped3A : memref<!tpu.dma_semaphore, #tpu.memory_space<semaphore_mem>>)
        tpu.wait_dma2 semaphore(%run_scoped3A : memref<!tpu.dma_semaphore, #tpu.memory_space<semaphore_mem>>) src(%arg6 : memref<10000xf32, #tpu.memory_space<hbm>>) dst(%arg20 : memref<10000xf32, #tpu.memory_space<vmem_shared>>)
        tpu.yield
      }) : () -> ()
    } else {
    }
    %barrier3A = arith.constant 0 : index
    tpu.barrier barrier_id(%barrier3A)
    %while3A = arith.constant 0 : i32
    %while3A_24 = arith.constant 0 : i32
    %while3A_25 = arith.subi %select_n3A, %while3A_24 : i32
    %while3A_26 = arith.addi %while3A_24, %while3A_25 : i32
    %while3A_27 = arith.constant 1 : i32
    %while3A_28 = arith.divsi %while3A_25, %while3A_27 : i32
    %while3A_29 = arith.muli %while3A_28, %while3A_27 : i32
    %while3A_30 = arith.addi %while3A_24, %while3A_29 : i32
    %while3A_31 = arith.constant 1 : i32
    scf.for %while3A_95 = %while3A_24 to %while3A_30 step %while3A_31  : i32 {
      %mul3A_96 = arith.constant 16 : i32
      %mul3A_97 = arith.muli %while3A_95, %mul3A_96 : i32
      %add3A_98 = arith.addi %mul3A_97, %arg1 : i32
      "tpu.region"() ({
        %run_scoped3A_664 = tpu.sem_alloc : memref<!tpu.dma_semaphore, #tpu.memory_space<semaphore_mem>>
        %dma_start3A_665 = arith.constant 0 : i32
        %dma_start3A_666 = arith.constant 0 : i32
        %dma_start3A_667 = tpu.memref_slice %arg7[%add3A_98, %dma_start3A_665, %dma_start3A_666] : memref<1250x2x128xi32, #tpu.memory_space<hbm>> -> memref<1x2x128xi32, #tpu.memory_space<hbm>>
        %dma_start3A_668 = tpu.memref_squeeze %dma_start3A_667 : memref<1x2x128xi32, #tpu.memory_space<hbm>> -> memref<2x128xi32, #tpu.memory_space<hbm>>
        %dma_start3A_669 = arith.constant 0 : i32
        %dma_start3A_670 = arith.constant 0 : i32
        %dma_start3A_671 = tpu.memref_slice %arg7[%add3A_98, %dma_start3A_669, %dma_start3A_670] : memref<1250x2x128xi32, #tpu.memory_space<hbm>> -> memref<1x2x128xi32, #tpu.memory_space<hbm>>
        %dma_start3A_672 = tpu.memref_squeeze %dma_start3A_671 : memref<1x2x128xi32, #tpu.memory_space<hbm>> -> memref<2x128xi32, #tpu.memory_space<hbm>>
        tpu.enqueue_dma source(%dma_start3A_672 : memref<2x128xi32, #tpu.memory_space<hbm>>) target(%arg11 : memref<2x128xi32, #tpu.memory_space<vmem>>) target_semaphore(%run_scoped3A_664 : memref<!tpu.dma_semaphore, #tpu.memory_space<semaphore_mem>>)
        %dma_wait3A_673 = arith.constant 0 : i32
        %dma_wait3A_674 = arith.constant 0 : i32
        %dma_wait3A_675 = tpu.memref_slice %arg7[%add3A_98, %dma_wait3A_673, %dma_wait3A_674] : memref<1250x2x128xi32, #tpu.memory_space<hbm>> -> memref<1x2x128xi32, #tpu.memory_space<hbm>>
        %dma_wait3A_676 = tpu.memref_squeeze %dma_wait3A_675 : memref<1x2x128xi32, #tpu.memory_space<hbm>> -> memref<2x128xi32, #tpu.memory_space<hbm>>
        %dma_wait3A_677 = arith.constant 0 : i32
        %dma_wait3A_678 = arith.constant 0 : i32
        %dma_wait3A_679 = tpu.memref_slice %arg7[%add3A_98, %dma_wait3A_677, %dma_wait3A_678] : memref<1250x2x128xi32, #tpu.memory_space<hbm>> -> memref<1x2x128xi32, #tpu.memory_space<hbm>>
        %dma_wait3A_680 = tpu.memref_squeeze %dma_wait3A_679 : memref<1x2x128xi32, #tpu.memory_space<hbm>> -> memref<2x128xi32, #tpu.memory_space<hbm>>
        tpu.wait_dma2 semaphore(%run_scoped3A_664 : memref<!tpu.dma_semaphore, #tpu.memory_space<semaphore_mem>>) src(%dma_wait3A_680 : memref<2x128xi32, #tpu.memory_space<hbm>>) dst(%arg11 : memref<2x128xi32, #tpu.memory_space<vmem>>)
        tpu.yield
      }) : () -> ()
      "tpu.region"() ({
        %run_scoped3A_664 = tpu.sem_alloc : memref<!tpu.dma_semaphore, #tpu.memory_space<semaphore_mem>>
        %dma_start3A_665 = arith.constant 0 : i32
        %dma_start3A_666 = arith.constant 0 : i32
        %dma_start3A_667 = tpu.memref_slice %arg8[%add3A_98, %dma_start3A_665, %dma_start3A_666] : memref<1250x2x128xi32, #tpu.memory_space<hbm>> -> memref<1x2x128xi32, #tpu.memory_space<hbm>>
        %dma_start3A_668 = tpu.memref_squeeze %dma_start3A_667 : memref<1x2x128xi32, #tpu.memory_space<hbm>> -> memref<2x128xi32, #tpu.memory_space<hbm>>
        %dma_start3A_669 = arith.constant 0 : i32
        %dma_start3A_670 = arith.constant 0 : i32
        %dma_start3A_671 = tpu.memref_slice %arg8[%add3A_98, %dma_start3A_669, %dma_start3A_670] : memref<1250x2x128xi32, #tpu.memory_space<hbm>> -> memref<1x2x128xi32, #tpu.memory_space<hbm>>
        %dma_start3A_672 = tpu.memref_squeeze %dma_start3A_671 : memref<1x2x128xi32, #tpu.memory_space<hbm>> -> memref<2x128xi32, #tpu.memory_space<hbm>>
        tpu.enqueue_dma source(%dma_start3A_672 : memref<2x128xi32, #tpu.memory_space<hbm>>) target(%arg12 : memref<2x128xi32, #tpu.memory_space<vmem>>) target_semaphore(%run_scoped3A_664 : memref<!tpu.dma_semaphore, #tpu.memory_space<semaphore_mem>>)
        %dma_wait3A_673 = arith.constant 0 : i32
        %dma_wait3A_674 = arith.constant 0 : i32
        %dma_wait3A_675 = tpu.memref_slice %arg8[%add3A_98, %dma_wait3A_673, %dma_wait3A_674] : memref<1250x2x128xi32, #tpu.memory_space<hbm>> -> memref<1x2x128xi32, #tpu.memory_space<hbm>>
        %dma_wait3A_676 = tpu.memref_squeeze %dma_wait3A_675 : memref<1x2x128xi32, #tpu.memory_space<hbm>> -> memref<2x128xi32, #tpu.memory_space<hbm>>
        %dma_wait3A_677 = arith.constant 0 : i32
        %dma_wait3A_678 = arith.constant 0 : i32
        %dma_wait3A_679 = tpu.memref_slice %arg8[%add3A_98, %dma_wait3A_677, %dma_wait3A_678] : memref<1250x2x128xi32, #tpu.memory_space<hbm>> -> memref<1x2x128xi32, #tpu.memory_space<hbm>>
        %dma_wait3A_680 = tpu.memref_squeeze %dma_wait3A_679 : memref<1x2x128xi32, #tpu.memory_space<hbm>> -> memref<2x128xi32, #tpu.memory_space<hbm>>
        tpu.wait_dma2 semaphore(%run_scoped3A_664 : memref<!tpu.dma_semaphore, #tpu.memory_space<semaphore_mem>>) src(%dma_wait3A_680 : memref<2x128xi32, #tpu.memory_space<hbm>>) dst(%arg12 : memref<2x128xi32, #tpu.memory_space<vmem>>)
        tpu.yield
      }) : () -> ()
      %get3A = arith.constant 0 : i32
      %get3A_99 = arith.index_cast %get3A : i32 to index
      %get3A_100 = arith.constant 0 : index
      %get3A_101 = tpu.vector_load %arg11[%get3A_99, %get3A_100] {strides = array<i32>} : memref<2x128xi32, #tpu.memory_space<vmem>>, vector<16xi32>,
      %get3A_102 = arith.constant 0 : i32
      %get3A_103 = arith.index_cast %get3A_102 : i32 to index
      %get3A_104 = arith.constant 0 : index
      %get3A_105 = tpu.vector_load %arg12[%get3A_103, %get3A_104] {strides = array<i32>} : memref<2x128xi32, #tpu.memory_space<vmem>>, vector<16xi32>,
      %mul3A_106 = arith.constant 10000 : i32
      %mul3A_107 = arith.muli %add3A_2, %mul3A_106 : i32
      %add3A_108 = vector.broadcast %mul3A_107 : i32 to vector<16xi32>
      %add3A_109 = arith.addi %get3A_101, %add3A_108 : vector<16xi32>
      %swap3A = arith.constant 0 : i32
      %swap3A_110 = arith.index_cast %swap3A : i32 to index
      %swap3A_111 = arith.constant 0 : index
      %swap3A_112 = tpu.vector_load %arg13[%swap3A_110, %swap3A_111] {strides = array<i32>} : memref<2x128xi32, #tpu.memory_space<vmem>>, vector<16xi32>,
      tpu.vector_store %arg13[%swap3A_110, %swap3A_111], %add3A_109 {strides = array<i32>} : memref<2x128xi32, #tpu.memory_space<vmem>>, vector<16xi32>,
      %gather3A = tpu.vector_load_idx %arg14[%get3A_101] : memref<10000xf32, #tpu.memory_space<vmem>>[vector<16xi32>], vector<16xf32>,
      %gather3A_113 = tpu.vector_load_idx %arg15[%get3A_105] : memref<10000xf32, #tpu.memory_space<vmem>>[vector<16xi32>], vector<16xf32>,
      %add3A_114 = arith.addf %gather3A, %gather3A_113 : vector<16xf32>
      %ge3A = arith.constant 0.000000e+00 : f32
      %ge3A_115 = vector.broadcast %ge3A : f32 to vector<16xf32>
      %ge3A_116 = arith.cmpf oge, %add3A_114, %ge3A_115 : vector<16xf32>
      %mul3A_117 = arith.constant 2.000000e-01 : f32
      %mul3A_118 = vector.broadcast %mul3A_117 : f32 to vector<16xf32>
      %mul3A_119 = arith.mulf %mul3A_118, %add3A_114 : vector<16xf32>
      %select_n3A_120 = arith.select %ge3A_116, %add3A_114, %mul3A_119 : vector<16xi1>, vector<16xf32>
      %exp3A = math.exp %select_n3A_120 : vector<16xf32>
      %swap3A_121 = arith.constant 0 : i32
      %swap3A_122 = arith.index_cast %swap3A_121 : i32 to index
      %swap3A_123 = arith.constant 0 : index
      %swap3A_124 = tpu.vector_load %arg16[%swap3A_122, %swap3A_123] {strides = array<i32>} : memref<2x128xf32, #tpu.memory_space<vmem>>, vector<16xf32>,
      tpu.vector_store %arg16[%swap3A_122, %swap3A_123], %exp3A {strides = array<i32>} : memref<2x128xf32, #tpu.memory_space<vmem>>, vector<16xf32>,
      %swap3A_125 = arith.constant 0 : index
      %swap3A_126 = tpu.vector_load %arg17[%swap3A_125] {strides = array<i32>} : memref<128xf32, #tpu.memory_space<vmem>>, vector<16xf32>,
      tpu.vector_store %arg17[%swap3A_125], %exp3A {strides = array<i32>} : memref<128xf32, #tpu.memory_space<vmem>>, vector<16xf32>,
      %get3A_127 = arith.constant 0 : i32
      %get3A_128 = arith.index_cast %get3A_127 : i32 to index
      %get3A_129 = arith.constant 16 : index
      %get3A_130 = tpu.vector_load %arg11[%get3A_128, %get3A_129] {strides = array<i32>} : memref<2x128xi32, #tpu.memory_space<vmem>>, vector<16xi32>,
      %get3A_131 = arith.constant 0 : i32
      %get3A_132 = arith.index_cast %get3A_131 : i32 to index
      %get3A_133 = arith.constant 16 : index
      %get3A_134 = tpu.vector_load %arg12[%get3A_132, %get3A_133] {strides = array<i32>} : memref<2x128xi32, #tpu.memory_space<vmem>>, vector<16xi32>,
      %mul3A_135 = arith.constant 10000 : i32
      %mul3A_136 = arith.muli %add3A_2, %mul3A_135 : i32
      %add3A_137 = vector.broadcast %mul3A_136 : i32 to vector<16xi32>
      %add3A_138 = arith.addi %get3A_130, %add3A_137 : vector<16xi32>
      %swap3A_139 = arith.constant 0 : i32
      %swap3A_140 = arith.index_cast %swap3A_139 : i32 to index
      %swap3A_141 = arith.constant 16 : index
      %swap3A_142 = tpu.vector_load %arg13[%swap3A_140, %swap3A_141] {strides = array<i32>} : memref<2x128xi32, #tpu.memory_space<vmem>>, vector<16xi32>,
      tpu.vector_store %arg13[%swap3A_140, %swap3A_141], %add3A_138 {strides = array<i32>} : memref<2x128xi32, #tpu.memory_space<vmem>>, vector<16xi32>,
      %gather3A_143 = tpu.vector_load_idx %arg14[%get3A_130] : memref<10000xf32, #tpu.memory_space<vmem>>[vector<16xi32>], vector<16xf32>,
      %gather3A_144 = tpu.vector_load_idx %arg15[%get3A_134] : memref<10000xf32, #tpu.memory_space<vmem>>[vector<16xi32>], vector<16xf32>,
      %add3A_145 = arith.addf %gather3A_143, %gather3A_144 : vector<16xf32>
      %ge3A_146 = arith.constant 0.000000e+00 : f32
      %ge3A_147 = vector.broadcast %ge3A_146 : f32 to vector<16xf32>
      %ge3A_148 = arith.cmpf oge, %add3A_145, %ge3A_147 : vector<16xf32>
      %mul3A_149 = arith.constant 2.000000e-01 : f32
      %mul3A_150 = vector.broadcast %mul3A_149 : f32 to vector<16xf32>
      %mul3A_151 = arith.mulf %mul3A_150, %add3A_145 : vector<16xf32>
      %select_n3A_152 = arith.select %ge3A_148, %add3A_145, %mul3A_151 : vector<16xi1>, vector<16xf32>
      %exp3A_153 = math.exp %select_n3A_152 : vector<16xf32>
      %swap3A_154 = arith.constant 0 : i32
      %swap3A_155 = arith.index_cast %swap3A_154 : i32 to index
      %swap3A_156 = arith.constant 16 : index
      %swap3A_157 = tpu.vector_load %arg16[%swap3A_155, %swap3A_156] {strides = array<i32>} : memref<2x128xf32, #tpu.memory_space<vmem>>, vector<16xf32>,
      tpu.vector_store %arg16[%swap3A_155, %swap3A_156], %exp3A_153 {strides = array<i32>} : memref<2x128xf32, #tpu.memory_space<vmem>>, vector<16xf32>,
      %swap3A_158 = arith.constant 16 : index
      %swap3A_159 = tpu.vector_load %arg17[%swap3A_158] {strides = array<i32>} : memref<128xf32, #tpu.memory_space<vmem>>, vector<16xf32>,
      tpu.vector_store %arg17[%swap3A_158], %exp3A_153 {strides = array<i32>} : memref<128xf32, #tpu.memory_space<vmem>>, vector<16xf32>,
      %get3A_160 = arith.constant 0 : i32
      %get3A_161 = arith.index_cast %get3A_160 : i32 to index
      %get3A_162 = arith.constant 32 : index
      %get3A_163 = tpu.vector_load %arg11[%get3A_161, %get3A_162] {strides = array<i32>} : memref<2x128xi32, #tpu.memory_space<vmem>>, vector<16xi32>,
      %get3A_164 = arith.constant 0 : i32
      %get3A_165 = arith.index_cast %get3A_164 : i32 to index
      %get3A_166 = arith.constant 32 : index
      %get3A_167 = tpu.vector_load %arg12[%get3A_165, %get3A_166] {strides = array<i32>} : memref<2x128xi32, #tpu.memory_space<vmem>>, vector<16xi32>,
      %mul3A_168 = arith.constant 10000 : i32
      %mul3A_169 = arith.muli %add3A_2, %mul3A_168 : i32
      %add3A_170 = vector.broadcast %mul3A_169 : i32 to vector<16xi32>
      %add3A_171 = arith.addi %get3A_163, %add3A_170 : vector<16xi32>
      %swap3A_172 = arith.constant 0 : i32
      %swap3A_173 = arith.index_cast %swap3A_172 : i32 to index
      %swap3A_174 = arith.constant 32 : index
      %swap3A_175 = tpu.vector_load %arg13[%swap3A_173, %swap3A_174] {strides = array<i32>} : memref<2x128xi32, #tpu.memory_space<vmem>>, vector<16xi32>,
      tpu.vector_store %arg13[%swap3A_173, %swap3A_174], %add3A_171 {strides = array<i32>} : memref<2x128xi32, #tpu.memory_space<vmem>>, vector<16xi32>,
      %gather3A_176 = tpu.vector_load_idx %arg14[%get3A_163] : memref<10000xf32, #tpu.memory_space<vmem>>[vector<16xi32>], vector<16xf32>,
      %gather3A_177 = tpu.vector_load_idx %arg15[%get3A_167] : memref<10000xf32, #tpu.memory_space<vmem>>[vector<16xi32>], vector<16xf32>,
      %add3A_178 = arith.addf %gather3A_176, %gather3A_177 : vector<16xf32>
      %ge3A_179 = arith.constant 0.000000e+00 : f32
      %ge3A_180 = vector.broadcast %ge3A_179 : f32 to vector<16xf32>
      %ge3A_181 = arith.cmpf oge, %add3A_178, %ge3A_180 : vector<16xf32>
      %mul3A_182 = arith.constant 2.000000e-01 : f32
      %mul3A_183 = vector.broadcast %mul3A_182 : f32 to vector<16xf32>
      %mul3A_184 = arith.mulf %mul3A_183, %add3A_178 : vector<16xf32>
      %select_n3A_185 = arith.select %ge3A_181, %add3A_178, %mul3A_184 : vector<16xi1>, vector<16xf32>
      %exp3A_186 = math.exp %select_n3A_185 : vector<16xf32>
      %swap3A_187 = arith.constant 0 : i32
      %swap3A_188 = arith.index_cast %swap3A_187 : i32 to index
      %swap3A_189 = arith.constant 32 : index
      %swap3A_190 = tpu.vector_load %arg16[%swap3A_188, %swap3A_189] {strides = array<i32>} : memref<2x128xf32, #tpu.memory_space<vmem>>, vector<16xf32>,
      tpu.vector_store %arg16[%swap3A_188, %swap3A_189], %exp3A_186 {strides = array<i32>} : memref<2x128xf32, #tpu.memory_space<vmem>>, vector<16xf32>,
      %swap3A_191 = arith.constant 32 : index
      %swap3A_192 = tpu.vector_load %arg17[%swap3A_191] {strides = array<i32>} : memref<128xf32, #tpu.memory_space<vmem>>, vector<16xf32>,
      tpu.vector_store %arg17[%swap3A_191], %exp3A_186 {strides = array<i32>} : memref<128xf32, #tpu.memory_space<vmem>>, vector<16xf32>,
      %get3A_193 = arith.constant 0 : i32
      %get3A_194 = arith.index_cast %get3A_193 : i32 to index
      %get3A_195 = arith.constant 48 : index
      %get3A_196 = tpu.vector_load %arg11[%get3A_194, %get3A_195] {strides = array<i32>} : memref<2x128xi32, #tpu.memory_space<vmem>>, vector<16xi32>,
      %get3A_197 = arith.constant 0 : i32
      %get3A_198 = arith.index_cast %get3A_197 : i32 to index
      %get3A_199 = arith.constant 48 : index
      %get3A_200 = tpu.vector_load %arg12[%get3A_198, %get3A_199] {strides = array<i32>} : memref<2x128xi32, #tpu.memory_space<vmem>>, vector<16xi32>,
      %mul3A_201 = arith.constant 10000 : i32
      %mul3A_202 = arith.muli %add3A_2, %mul3A_201 : i32
      %add3A_203 = vector.broadcast %mul3A_202 : i32 to vector<16xi32>
      %add3A_204 = arith.addi %get3A_196, %add3A_203 : vector<16xi32>
      %swap3A_205 = arith.constant 0 : i32
      %swap3A_206 = arith.index_cast %swap3A_205 : i32 to index
      %swap3A_207 = arith.constant 48 : index
      %swap3A_208 = tpu.vector_load %arg13[%swap3A_206, %swap3A_207] {strides = array<i32>} : memref<2x128xi32, #tpu.memory_space<vmem>>, vector<16xi32>,
      tpu.vector_store %arg13[%swap3A_206, %swap3A_207], %add3A_204 {strides = array<i32>} : memref<2x128xi32, #tpu.memory_space<vmem>>, vector<16xi32>,
      %gather3A_209 = tpu.vector_load_idx %arg14[%get3A_196] : memref<10000xf32, #tpu.memory_space<vmem>>[vector<16xi32>], vector<16xf32>,
      %gather3A_210 = tpu.vector_load_idx %arg15[%get3A_200] : memref<10000xf32, #tpu.memory_space<vmem>>[vector<16xi32>], vector<16xf32>,
      %add3A_211 = arith.addf %gather3A_209, %gather3A_210 : vector<16xf32>
      %ge3A_212 = arith.constant 0.000000e+00 : f32
      %ge3A_213 = vector.broadcast %ge3A_212 : f32 to vector<16xf32>
      %ge3A_214 = arith.cmpf oge, %add3A_211, %ge3A_213 : vector<16xf32>
      %mul3A_215 = arith.constant 2.000000e-01 : f32
      %mul3A_216 = vector.broadcast %mul3A_215 : f32 to vector<16xf32>
      %mul3A_217 = arith.mulf %mul3A_216, %add3A_211 : vector<16xf32>
      %select_n3A_218 = arith.select %ge3A_214, %add3A_211, %mul3A_217 : vector<16xi1>, vector<16xf32>
      %exp3A_219 = math.exp %select_n3A_218 : vector<16xf32>
      %swap3A_220 = arith.constant 0 : i32
      %swap3A_221 = arith.index_cast %swap3A_220 : i32 to index
      %swap3A_222 = arith.constant 48 : index
      %swap3A_223 = tpu.vector_load %arg16[%swap3A_221, %swap3A_222] {strides = array<i32>} : memref<2x128xf32, #tpu.memory_space<vmem>>, vector<16xf32>,
      tpu.vector_store %arg16[%swap3A_221, %swap3A_222], %exp3A_219 {strides = array<i32>} : memref<2x128xf32, #tpu.memory_space<vmem>>, vector<16xf32>,
      %swap3A_224 = arith.constant 48 : index
      %swap3A_225 = tpu.vector_load %arg17[%swap3A_224] {strides = array<i32>} : memref<128xf32, #tpu.memory_space<vmem>>, vector<16xf32>,
      tpu.vector_store %arg17[%swap3A_224], %exp3A_219 {strides = array<i32>} : memref<128xf32, #tpu.memory_space<vmem>>, vector<16xf32>,
      %get3A_226 = arith.constant 0 : i32
      %get3A_227 = arith.index_cast %get3A_226 : i32 to index
      %get3A_228 = arith.constant 64 : index
      %get3A_229 = tpu.vector_load %arg11[%get3A_227, %get3A_228] {strides = array<i32>} : memref<2x128xi32, #tpu.memory_space<vmem>>, vector<16xi32>,
      %get3A_230 = arith.constant 0 : i32
      %get3A_231 = arith.index_cast %get3A_230 : i32 to index
      %get3A_232 = arith.constant 64 : index
      %get3A_233 = tpu.vector_load %arg12[%get3A_231, %get3A_232] {strides = array<i32>} : memref<2x128xi32, #tpu.memory_space<vmem>>, vector<16xi32>,
      %mul3A_234 = arith.constant 10000 : i32
      %mul3A_235 = arith.muli %add3A_2, %mul3A_234 : i32
      %add3A_236 = vector.broadcast %mul3A_235 : i32 to vector<16xi32>
      %add3A_237 = arith.addi %get3A_229, %add3A_236 : vector<16xi32>
      %swap3A_238 = arith.constant 0 : i32
      %swap3A_239 = arith.index_cast %swap3A_238 : i32 to index
      %swap3A_240 = arith.constant 64 : index
      %swap3A_241 = tpu.vector_load %arg13[%swap3A_239, %swap3A_240] {strides = array<i32>} : memref<2x128xi32, #tpu.memory_space<vmem>>, vector<16xi32>,
      tpu.vector_store %arg13[%swap3A_239, %swap3A_240], %add3A_237 {strides = array<i32>} : memref<2x128xi32, #tpu.memory_space<vmem>>, vector<16xi32>,
      %gather3A_242 = tpu.vector_load_idx %arg14[%get3A_229] : memref<10000xf32, #tpu.memory_space<vmem>>[vector<16xi32>], vector<16xf32>,
      %gather3A_243 = tpu.vector_load_idx %arg15[%get3A_233] : memref<10000xf32, #tpu.memory_space<vmem>>[vector<16xi32>], vector<16xf32>,
      %add3A_244 = arith.addf %gather3A_242, %gather3A_243 : vector<16xf32>
      %ge3A_245 = arith.constant 0.000000e+00 : f32
      %ge3A_246 = vector.broadcast %ge3A_245 : f32 to vector<16xf32>
      %ge3A_247 = arith.cmpf oge, %add3A_244, %ge3A_246 : vector<16xf32>
      %mul3A_248 = arith.constant 2.000000e-01 : f32
      %mul3A_249 = vector.broadcast %mul3A_248 : f32 to vector<16xf32>
      %mul3A_250 = arith.mulf %mul3A_249, %add3A_244 : vector<16xf32>
      %select_n3A_251 = arith.select %ge3A_247, %add3A_244, %mul3A_250 : vector<16xi1>, vector<16xf32>
      %exp3A_252 = math.exp %select_n3A_251 : vector<16xf32>
      %swap3A_253 = arith.constant 0 : i32
      %swap3A_254 = arith.index_cast %swap3A_253 : i32 to index
      %swap3A_255 = arith.constant 64 : index
      %swap3A_256 = tpu.vector_load %arg16[%swap3A_254, %swap3A_255] {strides = array<i32>} : memref<2x128xf32, #tpu.memory_space<vmem>>, vector<16xf32>,
      tpu.vector_store %arg16[%swap3A_254, %swap3A_255], %exp3A_252 {strides = array<i32>} : memref<2x128xf32, #tpu.memory_space<vmem>>, vector<16xf32>,
      %swap3A_257 = arith.constant 64 : index
      %swap3A_258 = tpu.vector_load %arg17[%swap3A_257] {strides = array<i32>} : memref<128xf32, #tpu.memory_space<vmem>>, vector<16xf32>,
      tpu.vector_store %arg17[%swap3A_257], %exp3A_252 {strides = array<i32>} : memref<128xf32, #tpu.memory_space<vmem>>, vector<16xf32>,
      %get3A_259 = arith.constant 0 : i32
      %get3A_260 = arith.index_cast %get3A_259 : i32 to index
      %get3A_261 = arith.constant 80 : index
      %get3A_262 = tpu.vector_load %arg11[%get3A_260, %get3A_261] {strides = array<i32>} : memref<2x128xi32, #tpu.memory_space<vmem>>, vector<16xi32>,
      %get3A_263 = arith.constant 0 : i32
      %get3A_264 = arith.index_cast %get3A_263 : i32 to index
      %get3A_265 = arith.constant 80 : index
      %get3A_266 = tpu.vector_load %arg12[%get3A_264, %get3A_265] {strides = array<i32>} : memref<2x128xi32, #tpu.memory_space<vmem>>, vector<16xi32>,
      %mul3A_267 = arith.constant 10000 : i32
      %mul3A_268 = arith.muli %add3A_2, %mul3A_267 : i32
      %add3A_269 = vector.broadcast %mul3A_268 : i32 to vector<16xi32>
      %add3A_270 = arith.addi %get3A_262, %add3A_269 : vector<16xi32>
      %swap3A_271 = arith.constant 0 : i32
      %swap3A_272 = arith.index_cast %swap3A_271 : i32 to index
      %swap3A_273 = arith.constant 80 : index
      %swap3A_274 = tpu.vector_load %arg13[%swap3A_272, %swap3A_273] {strides = array<i32>} : memref<2x128xi32, #tpu.memory_space<vmem>>, vector<16xi32>,
      tpu.vector_store %arg13[%swap3A_272, %swap3A_273], %add3A_270 {strides = array<i32>} : memref<2x128xi32, #tpu.memory_space<vmem>>, vector<16xi32>,
      %gather3A_275 = tpu.vector_load_idx %arg14[%get3A_262] : memref<10000xf32, #tpu.memory_space<vmem>>[vector<16xi32>], vector<16xf32>,
      %gather3A_276 = tpu.vector_load_idx %arg15[%get3A_266] : memref<10000xf32, #tpu.memory_space<vmem>>[vector<16xi32>], vector<16xf32>,
      %add3A_277 = arith.addf %gather3A_275, %gather3A_276 : vector<16xf32>
      %ge3A_278 = arith.constant 0.000000e+00 : f32
      %ge3A_279 = vector.broadcast %ge3A_278 : f32 to vector<16xf32>
      %ge3A_280 = arith.cmpf oge, %add3A_277, %ge3A_279 : vector<16xf32>
      %mul3A_281 = arith.constant 2.000000e-01 : f32
      %mul3A_282 = vector.broadcast %mul3A_281 : f32 to vector<16xf32>
      %mul3A_283 = arith.mulf %mul3A_282, %add3A_277 : vector<16xf32>
      %select_n3A_284 = arith.select %ge3A_280, %add3A_277, %mul3A_283 : vector<16xi1>, vector<16xf32>
      %exp3A_285 = math.exp %select_n3A_284 : vector<16xf32>
      %swap3A_286 = arith.constant 0 : i32
      %swap3A_287 = arith.index_cast %swap3A_286 : i32 to index
      %swap3A_288 = arith.constant 80 : index
      %swap3A_289 = tpu.vector_load %arg16[%swap3A_287, %swap3A_288] {strides = array<i32>} : memref<2x128xf32, #tpu.memory_space<vmem>>, vector<16xf32>,
      tpu.vector_store %arg16[%swap3A_287, %swap3A_288], %exp3A_285 {strides = array<i32>} : memref<2x128xf32, #tpu.memory_space<vmem>>, vector<16xf32>,
      %swap3A_290 = arith.constant 80 : index
      %swap3A_291 = tpu.vector_load %arg17[%swap3A_290] {strides = array<i32>} : memref<128xf32, #tpu.memory_space<vmem>>, vector<16xf32>,
      tpu.vector_store %arg17[%swap3A_290], %exp3A_285 {strides = array<i32>} : memref<128xf32, #tpu.memory_space<vmem>>, vector<16xf32>,
      %get3A_292 = arith.constant 0 : i32
      %get3A_293 = arith.index_cast %get3A_292 : i32 to index
      %get3A_294 = arith.constant 96 : index
      %get3A_295 = tpu.vector_load %arg11[%get3A_293, %get3A_294] {strides = array<i32>} : memref<2x128xi32, #tpu.memory_space<vmem>>, vector<16xi32>,
      %get3A_296 = arith.constant 0 : i32
      %get3A_297 = arith.index_cast %get3A_296 : i32 to index
      %get3A_298 = arith.constant 96 : index
      %get3A_299 = tpu.vector_load %arg12[%get3A_297, %get3A_298] {strides = array<i32>} : memref<2x128xi32, #tpu.memory_space<vmem>>, vector<16xi32>,
      %mul3A_300 = arith.constant 10000 : i32
      %mul3A_301 = arith.muli %add3A_2, %mul3A_300 : i32
      %add3A_302 = vector.broadcast %mul3A_301 : i32 to vector<16xi32>
      %add3A_303 = arith.addi %get3A_295, %add3A_302 : vector<16xi32>
      %swap3A_304 = arith.constant 0 : i32
      %swap3A_305 = arith.index_cast %swap3A_304 : i32 to index
      %swap3A_306 = arith.constant 96 : index
      %swap3A_307 = tpu.vector_load %arg13[%swap3A_305, %swap3A_306] {strides = array<i32>} : memref<2x128xi32, #tpu.memory_space<vmem>>, vector<16xi32>,
      tpu.vector_store %arg13[%swap3A_305, %swap3A_306], %add3A_303 {strides = array<i32>} : memref<2x128xi32, #tpu.memory_space<vmem>>, vector<16xi32>,
      %gather3A_308 = tpu.vector_load_idx %arg14[%get3A_295] : memref<10000xf32, #tpu.memory_space<vmem>>[vector<16xi32>], vector<16xf32>,
      %gather3A_309 = tpu.vector_load_idx %arg15[%get3A_299] : memref<10000xf32, #tpu.memory_space<vmem>>[vector<16xi32>], vector<16xf32>,
      %add3A_310 = arith.addf %gather3A_308, %gather3A_309 : vector<16xf32>
      %ge3A_311 = arith.constant 0.000000e+00 : f32
      %ge3A_312 = vector.broadcast %ge3A_311 : f32 to vector<16xf32>
      %ge3A_313 = arith.cmpf oge, %add3A_310, %ge3A_312 : vector<16xf32>
      %mul3A_314 = arith.constant 2.000000e-01 : f32
      %mul3A_315 = vector.broadcast %mul3A_314 : f32 to vector<16xf32>
      %mul3A_316 = arith.mulf %mul3A_315, %add3A_310 : vector<16xf32>
      %select_n3A_317 = arith.select %ge3A_313, %add3A_310, %mul3A_316 : vector<16xi1>, vector<16xf32>
      %exp3A_318 = math.exp %select_n3A_317 : vector<16xf32>
      %swap3A_319 = arith.constant 0 : i32
      %swap3A_320 = arith.index_cast %swap3A_319 : i32 to index
      %swap3A_321 = arith.constant 96 : index
      %swap3A_322 = tpu.vector_load %arg16[%swap3A_320, %swap3A_321] {strides = array<i32>} : memref<2x128xf32, #tpu.memory_space<vmem>>, vector<16xf32>,
      tpu.vector_store %arg16[%swap3A_320, %swap3A_321], %exp3A_318 {strides = array<i32>} : memref<2x128xf32, #tpu.memory_space<vmem>>, vector<16xf32>,
      %swap3A_323 = arith.constant 96 : index
      %swap3A_324 = tpu.vector_load %arg17[%swap3A_323] {strides = array<i32>} : memref<128xf32, #tpu.memory_space<vmem>>, vector<16xf32>,
      tpu.vector_store %arg17[%swap3A_323], %exp3A_318 {strides = array<i32>} : memref<128xf32, #tpu.memory_space<vmem>>, vector<16xf32>,
      %get3A_325 = arith.constant 0 : i32
      %get3A_326 = arith.index_cast %get3A_325 : i32 to index
      %get3A_327 = arith.constant 112 : index
      %get3A_328 = tpu.vector_load %arg11[%get3A_326, %get3A_327] {strides = array<i32>} : memref<2x128xi32, #tpu.memory_space<vmem>>, vector<16xi32>,
      %get3A_329 = arith.constant 0 : i32
      %get3A_330 = arith.index_cast %get3A_329 : i32 to index
      %get3A_331 = arith.constant 112 : index
      %get3A_332 = tpu.vector_load %arg12[%get3A_330, %get3A_331] {strides = array<i32>} : memref<2x128xi32, #tpu.memory_space<vmem>>, vector<16xi32>,
      %mul3A_333 = arith.constant 10000 : i32
      %mul3A_334 = arith.muli %add3A_2, %mul3A_333 : i32
      %add3A_335 = vector.broadcast %mul3A_334 : i32 to vector<16xi32>
      %add3A_336 = arith.addi %get3A_328, %add3A_335 : vector<16xi32>
      %swap3A_337 = arith.constant 0 : i32
      %swap3A_338 = arith.index_cast %swap3A_337 : i32 to index
      %swap3A_339 = arith.constant 112 : index
      %swap3A_340 = tpu.vector_load %arg13[%swap3A_338, %swap3A_339] {strides = array<i32>} : memref<2x128xi32, #tpu.memory_space<vmem>>, vector<16xi32>,
      tpu.vector_store %arg13[%swap3A_338, %swap3A_339], %add3A_336 {strides = array<i32>} : memref<2x128xi32, #tpu.memory_space<vmem>>, vector<16xi32>,
      %gather3A_341 = tpu.vector_load_idx %arg14[%get3A_328] : memref<10000xf32, #tpu.memory_space<vmem>>[vector<16xi32>], vector<16xf32>,
      %gather3A_342 = tpu.vector_load_idx %arg15[%get3A_332] : memref<10000xf32, #tpu.memory_space<vmem>>[vector<16xi32>], vector<16xf32>,
      %add3A_343 = arith.addf %gather3A_341, %gather3A_342 : vector<16xf32>
      %ge3A_344 = arith.constant 0.000000e+00 : f32
      %ge3A_345 = vector.broadcast %ge3A_344 : f32 to vector<16xf32>
      %ge3A_346 = arith.cmpf oge, %add3A_343, %ge3A_345 : vector<16xf32>
      %mul3A_347 = arith.constant 2.000000e-01 : f32
      %mul3A_348 = vector.broadcast %mul3A_347 : f32 to vector<16xf32>
      %mul3A_349 = arith.mulf %mul3A_348, %add3A_343 : vector<16xf32>
      %select_n3A_350 = arith.select %ge3A_346, %add3A_343, %mul3A_349 : vector<16xi1>, vector<16xf32>
      %exp3A_351 = math.exp %select_n3A_350 : vector<16xf32>
      %swap3A_352 = arith.constant 0 : i32
      %swap3A_353 = arith.index_cast %swap3A_352 : i32 to index
      %swap3A_354 = arith.constant 112 : index
      %swap3A_355 = tpu.vector_load %arg16[%swap3A_353, %swap3A_354] {strides = array<i32>} : memref<2x128xf32, #tpu.memory_space<vmem>>, vector<16xf32>,
      tpu.vector_store %arg16[%swap3A_353, %swap3A_354], %exp3A_351 {strides = array<i32>} : memref<2x128xf32, #tpu.memory_space<vmem>>, vector<16xf32>,
      %swap3A_356 = arith.constant 112 : index
      %swap3A_357 = tpu.vector_load %arg17[%swap3A_356] {strides = array<i32>} : memref<128xf32, #tpu.memory_space<vmem>>, vector<16xf32>,
      tpu.vector_store %arg17[%swap3A_356], %exp3A_351 {strides = array<i32>} : memref<128xf32, #tpu.memory_space<vmem>>, vector<16xf32>,
      %dma_start3A = arith.constant 0 : i32
      %dma_start3A_358 = arith.constant 0 : i32
      %dma_start3A_359 = tpu.memref_slice %arg13[%dma_start3A, %dma_start3A_358] : memref<2x128xi32, #tpu.memory_space<vmem>> -> memref<1x128xi32, #tpu.memory_space<vmem>>
      %dma_start3A_360 = tpu.memref_squeeze %dma_start3A_359 : memref<1x128xi32, #tpu.memory_space<vmem>> -> memref<128xi32, #tpu.memory_space<vmem>>
      %dma_start3A_361 = arith.constant 0 : i32
      %dma_start3A_362 = arith.constant 0 : i32
      %dma_start3A_363 = tpu.memref_slice %arg2[%dma_start3A_361, %dma_start3A_362] : memref<40000x128xf32, #tpu.memory_space<hbm>> -> memref<40000x128xf32, #tpu.memory_space<hbm>>
      tpu.enqueue_indirect_dma source(%dma_start3A_363 : memref<40000x128xf32, #tpu.memory_space<hbm>>) target(%arg18 : memref<128x128xf32, #tpu.memory_space<vmem>>) offsets(%dma_start3A_360 : memref<128xi32, #tpu.memory_space<vmem>>) semaphore(%arg21 : memref<!tpu.dma_semaphore, #tpu.memory_space<semaphore_mem>>)
      %dma_wait3A = arith.constant 0 : i32
      %dma_wait3A_364 = arith.constant 0 : i32
      %dma_wait3A_365 = tpu.memref_slice %arg13[%dma_wait3A, %dma_wait3A_364] : memref<2x128xi32, #tpu.memory_space<vmem>> -> memref<1x128xi32, #tpu.memory_space<vmem>>
      %dma_wait3A_366 = tpu.memref_squeeze %dma_wait3A_365 : memref<1x128xi32, #tpu.memory_space<vmem>> -> memref<128xi32, #tpu.memory_space<vmem>>
      %dma_wait3A_367 = arith.constant 0 : i32
      %dma_wait3A_368 = arith.constant 0 : i32
      %dma_wait3A_369 = tpu.memref_slice %arg2[%dma_wait3A_367, %dma_wait3A_368] : memref<40000x128xf32, #tpu.memory_space<hbm>> -> memref<40000x128xf32, #tpu.memory_space<hbm>>
      tpu.wait_indirect_dma semaphore(%arg21 : memref<!tpu.dma_semaphore, #tpu.memory_space<semaphore_mem>>) src(%dma_wait3A_369 : memref<40000x128xf32, #tpu.memory_space<hbm>>) dst(%arg18 : memref<128x128xf32, #tpu.memory_space<vmem>>)
      %parallel_loop3A = arith.constant 0 : i32
      %parallel_loop3A_370 = arith.constant 128 : i32
      %parallel_loop3A_371 = arith.constant 1 : i32
      scf.for %parallel_loop3A_664 = %parallel_loop3A to %parallel_loop3A_370 step %parallel_loop3A_371  : i32 {
        %parallel_loop3A_665 = vector.broadcast %parallel_loop3A_664 : i32 to vector<16xi32>
        %parallel_loop3A_666 = tpu.vector_load_idx %arg17[%parallel_loop3A_665] : memref<128xf32, #tpu.memory_space<vmem>>[vector<16xi32>], vector<16xf32>,
        %parallel_loop3A_667 = arith.index_cast %parallel_loop3A_664 : i32 to index
        %parallel_loop3A_668 = arith.constant 0 : index
        %parallel_loop3A_669 = tpu.vector_load %arg18[%parallel_loop3A_667, %parallel_loop3A_668] {strides = array<i32>} : memref<128x128xf32, #tpu.memory_space<vmem>>, vector<16xf32>,
        %parallel_loop3A_670 = arith.mulf %parallel_loop3A_669, %parallel_loop3A_666 : vector<16xf32>
        %parallel_loop3A_671 = arith.index_cast %parallel_loop3A_664 : i32 to index
        %parallel_loop3A_672 = arith.constant 0 : index
        %parallel_loop3A_673 = tpu.vector_load %arg18[%parallel_loop3A_671, %parallel_loop3A_672] {strides = array<i32>} : memref<128x128xf32, #tpu.memory_space<vmem>>, vector<16xf32>,
        tpu.vector_store %arg18[%parallel_loop3A_671, %parallel_loop3A_672], %parallel_loop3A_670 {strides = array<i32>} : memref<128x128xf32, #tpu.memory_space<vmem>>, vector<16xf32>,
        %parallel_loop3A_674 = arith.index_cast %parallel_loop3A_664 : i32 to index
        %parallel_loop3A_675 = arith.constant 16 : index
        %parallel_loop3A_676 = tpu.vector_load %arg18[%parallel_loop3A_674, %parallel_loop3A_675] {strides = array<i32>} : memref<128x128xf32, #tpu.memory_space<vmem>>, vector<16xf32>,
        %parallel_loop3A_677 = arith.mulf %parallel_loop3A_676, %parallel_loop3A_666 : vector<16xf32>
        %parallel_loop3A_678 = arith.index_cast %parallel_loop3A_664 : i32 to index
        %parallel_loop3A_679 = arith.constant 16 : index
        %parallel_loop3A_680 = tpu.vector_load %arg18[%parallel_loop3A_678, %parallel_loop3A_679] {strides = array<i32>} : memref<128x128xf32, #tpu.memory_space<vmem>>, vector<16xf32>,
        tpu.vector_store %arg18[%parallel_loop3A_678, %parallel_loop3A_679], %parallel_loop3A_677 {strides = array<i32>} : memref<128x128xf32, #tpu.memory_space<vmem>>, vector<16xf32>,
        %parallel_loop3A_681 = arith.index_cast %parallel_loop3A_664 : i32 to index
        %parallel_loop3A_682 = arith.constant 32 : index
        %parallel_loop3A_683 = tpu.vector_load %arg18[%parallel_loop3A_681, %parallel_loop3A_682] {strides = array<i32>} : memref<128x128xf32, #tpu.memory_space<vmem>>, vector<16xf32>,
        %parallel_loop3A_684 = arith.mulf %parallel_loop3A_683, %parallel_loop3A_666 : vector<16xf32>
        %parallel_loop3A_685 = arith.index_cast %parallel_loop3A_664 : i32 to index
        %parallel_loop3A_686 = arith.constant 32 : index
        %parallel_loop3A_687 = tpu.vector_load %arg18[%parallel_loop3A_685, %parallel_loop3A_686] {strides = array<i32>} : memref<128x128xf32, #tpu.memory_space<vmem>>, vector<16xf32>,
        tpu.vector_store %arg18[%parallel_loop3A_685, %parallel_loop3A_686], %parallel_loop3A_684 {strides = array<i32>} : memref<128x128xf32, #tpu.memory_space<vmem>>, vector<16xf32>,
        %parallel_loop3A_688 = arith.index_cast %parallel_loop3A_664 : i32 to index
        %parallel_loop3A_689 = arith.constant 48 : index
        %parallel_loop3A_690 = tpu.vector_load %arg18[%parallel_loop3A_688, %parallel_loop3A_689] {strides = array<i32>} : memref<128x128xf32, #tpu.memory_space<vmem>>, vector<16xf32>,
        %parallel_loop3A_691 = arith.mulf %parallel_loop3A_690, %parallel_loop3A_666 : vector<16xf32>
        %parallel_loop3A_692 = arith.index_cast %parallel_loop3A_664 : i32 to index
        %parallel_loop3A_693 = arith.constant 48 : index
        %parallel_loop3A_694 = tpu.vector_load %arg18[%parallel_loop3A_692, %parallel_loop3A_693] {strides = array<i32>} : memref<128x128xf32, #tpu.memory_space<vmem>>, vector<16xf32>,
        tpu.vector_store %arg18[%parallel_loop3A_692, %parallel_loop3A_693], %parallel_loop3A_691 {strides = array<i32>} : memref<128x128xf32, #tpu.memory_space<vmem>>, vector<16xf32>,
        %parallel_loop3A_695 = arith.index_cast %parallel_loop3A_664 : i32 to index
        %parallel_loop3A_696 = arith.constant 64 : index
        %parallel_loop3A_697 = tpu.vector_load %arg18[%parallel_loop3A_695, %parallel_loop3A_696] {strides = array<i32>} : memref<128x128xf32, #tpu.memory_space<vmem>>, vector<16xf32>,
        %parallel_loop3A_698 = arith.mulf %parallel_loop3A_697, %parallel_loop3A_666 : vector<16xf32>
        %parallel_loop3A_699 = arith.index_cast %parallel_loop3A_664 : i32 to index
        %parallel_loop3A_700 = arith.constant 64 : index
        %parallel_loop3A_701 = tpu.vector_load %arg18[%parallel_loop3A_699, %parallel_loop3A_700] {strides = array<i32>} : memref<128x128xf32, #tpu.memory_space<vmem>>, vector<16xf32>,
        tpu.vector_store %arg18[%parallel_loop3A_699, %parallel_loop3A_700], %parallel_loop3A_698 {strides = array<i32>} : memref<128x128xf32, #tpu.memory_space<vmem>>, vector<16xf32>,
        %parallel_loop3A_702 = arith.index_cast %parallel_loop3A_664 : i32 to index
        %parallel_loop3A_703 = arith.constant 80 : index
        %parallel_loop3A_704 = tpu.vector_load %arg18[%parallel_loop3A_702, %parallel_loop3A_703] {strides = array<i32>} : memref<128x128xf32, #tpu.memory_space<vmem>>, vector<16xf32>,
        %parallel_loop3A_705 = arith.mulf %parallel_loop3A_704, %parallel_loop3A_666 : vector<16xf32>
        %parallel_loop3A_706 = arith.index_cast %parallel_loop3A_664 : i32 to index
        %parallel_loop3A_707 = arith.constant 80 : index
        %parallel_loop3A_708 = tpu.vector_load %arg18[%parallel_loop3A_706, %parallel_loop3A_707] {strides = array<i32>} : memref<128x128xf32, #tpu.memory_space<vmem>>, vector<16xf32>,
        tpu.vector_store %arg18[%parallel_loop3A_706, %parallel_loop3A_707], %parallel_loop3A_705 {strides = array<i32>} : memref<128x128xf32, #tpu.memory_space<vmem>>, vector<16xf32>,
        %parallel_loop3A_709 = arith.index_cast %parallel_loop3A_664 : i32 to index
        %parallel_loop3A_710 = arith.constant 96 : index
        %parallel_loop3A_711 = tpu.vector_load %arg18[%parallel_loop3A_709, %parallel_loop3A_710] {strides = array<i32>} : memref<128x128xf32, #tpu.memory_space<vmem>>, vector<16xf32>,
        %parallel_loop3A_712 = arith.mulf %parallel_loop3A_711, %parallel_loop3A_666 : vector<16xf32>
        %parallel_loop3A_713 = arith.index_cast %parallel_loop3A_664 : i32 to index
        %parallel_loop3A_714 = arith.constant 96 : index
        %parallel_loop3A_715 = tpu.vector_load %arg18[%parallel_loop3A_713, %parallel_loop3A_714] {strides = array<i32>} : memref<128x128xf32, #tpu.memory_space<vmem>>, vector<16xf32>,
        tpu.vector_store %arg18[%parallel_loop3A_713, %parallel_loop3A_714], %parallel_loop3A_712 {strides = array<i32>} : memref<128x128xf32, #tpu.memory_space<vmem>>, vector<16xf32>,
        %parallel_loop3A_716 = arith.index_cast %parallel_loop3A_664 : i32 to index
        %parallel_loop3A_717 = arith.constant 112 : index
        %parallel_loop3A_718 = tpu.vector_load %arg18[%parallel_loop3A_716, %parallel_loop3A_717] {strides = array<i32>} : memref<128x128xf32, #tpu.memory_space<vmem>>, vector<16xf32>,
        %parallel_loop3A_719 = arith.mulf %parallel_loop3A_718, %parallel_loop3A_666 : vector<16xf32>
        %parallel_loop3A_720 = arith.index_cast %parallel_loop3A_664 : i32 to index
        %parallel_loop3A_721 = arith.constant 112 : index
        %parallel_loop3A_722 = tpu.vector_load %arg18[%parallel_loop3A_720, %parallel_loop3A_721] {strides = array<i32>} : memref<128x128xf32, #tpu.memory_space<vmem>>, vector<16xf32>,
        tpu.vector_store %arg18[%parallel_loop3A_720, %parallel_loop3A_721], %parallel_loop3A_719 {strides = array<i32>} : memref<128x128xf32, #tpu.memory_space<vmem>>, vector<16xf32>,
      } {sc.loop_unroll_factor = 4 : i64, sc.parallel_access}
      %run_scoped3A = arith.constant 0 : i32
      "tpu.region"() ({
        %run_scoped3A_664 = tpu.sem_alloc : memref<!tpu.dma_semaphore, #tpu.memory_space<semaphore_mem>>
        %dma_start3A_665 = arith.constant 0 : i32
        %dma_start3A_666 = tpu.memref_slice %arg12[%run_scoped3A, %dma_start3A_665] : memref<2x128xi32, #tpu.memory_space<vmem>> -> memref<1x128xi32, #tpu.memory_space<vmem>>
        %dma_start3A_667 = tpu.memref_squeeze %dma_start3A_666 : memref<1x128xi32, #tpu.memory_space<vmem>> -> memref<128xi32, #tpu.memory_space<vmem>>
        %dma_start3A_668 = arith.constant 0 : i32
        %dma_start3A_669 = arith.constant 0 : i32
        %dma_start3A_670 = tpu.memref_slice %arg19[%dma_start3A_668, %dma_start3A_669] : memref<10000x128xf32, #tpu.memory_space<vmem_shared>> -> memref<10000x128xf32, #tpu.memory_space<vmem_shared>>
        tpu.enqueue_indirect_dma source(%arg18 : memref<128x128xf32, #tpu.memory_space<vmem>>) target(%dma_start3A_670 : memref<10000x128xf32, #tpu.memory_space<vmem_shared>>) offsets(%dma_start3A_667 : memref<128xi32, #tpu.memory_space<vmem>>) semaphore(%run_scoped3A_664 : memref<!tpu.dma_semaphore, #tpu.memory_space<semaphore_mem>>) {add = true}
        %dma_wait3A_671 = arith.constant 0 : i32
        %dma_wait3A_672 = tpu.memref_slice %arg12[%run_scoped3A, %dma_wait3A_671] : memref<2x128xi32, #tpu.memory_space<vmem>> -> memref<1x128xi32, #tpu.memory_space<vmem>>
        %dma_wait3A_673 = tpu.memref_squeeze %dma_wait3A_672 : memref<1x128xi32, #tpu.memory_space<vmem>> -> memref<128xi32, #tpu.memory_space<vmem>>
        %dma_wait3A_674 = arith.constant 0 : i32
        %dma_wait3A_675 = arith.constant 0 : i32
        %dma_wait3A_676 = tpu.memref_slice %arg19[%dma_wait3A_674, %dma_wait3A_675] : memref<10000x128xf32, #tpu.memory_space<vmem_shared>> -> memref<10000x128xf32, #tpu.memory_space<vmem_shared>>
        tpu.wait_indirect_dma semaphore(%run_scoped3A_664 : memref<!tpu.dma_semaphore, #tpu.memory_space<semaphore_mem>>) src(%arg18 : memref<128x128xf32, #tpu.memory_space<vmem>>) dst(%dma_wait3A_676 : memref<10000x128xf32, #tpu.memory_space<vmem_shared>>)
        tpu.yield
      }) : () -> ()
      %eq3A_372 = arith.constant 0 : i32
      %eq3A_373 = arith.cmpi eq, %arg0, %eq3A_372 : i32
      %convert_element_type3A_374 = arith.extui %eq3A_373 : i1 to i32
      %cond3A_375 = arith.constant 0 : i32
      %cond3A_376 = arith.cmpi ne, %convert_element_type3A_374, %cond3A_375 : i32
      scf.if %cond3A_376 {
        %run_scoped3A_664 = arith.constant 0 : i32
        %run_scoped3A_665 = arith.constant 0 : i32
        "tpu.region"() ({
          %run_scoped3A_666 = tpu.sem_alloc : memref<!tpu.dma_semaphore, #tpu.memory_space<semaphore_mem>>
          %dma_start3A_667 = arith.constant 0 : i32
          %dma_start3A_668 = tpu.memref_slice %arg16[%run_scoped3A_664, %dma_start3A_667] : memref<2x128xf32, #tpu.memory_space<vmem>> -> memref<1x128xf32, #tpu.memory_space<vmem>>
          %dma_start3A_669 = tpu.memref_squeeze %dma_start3A_668 : memref<1x128xf32, #tpu.memory_space<vmem>> -> memref<128xf32, #tpu.memory_space<vmem>>
          %dma_start3A_670 = arith.constant 0 : i32
          %dma_start3A_671 = tpu.memref_slice %arg12[%run_scoped3A_665, %dma_start3A_670] : memref<2x128xi32, #tpu.memory_space<vmem>> -> memref<1x128xi32, #tpu.memory_space<vmem>>
          %dma_start3A_672 = tpu.memref_squeeze %dma_start3A_671 : memref<1x128xi32, #tpu.memory_space<vmem>> -> memref<128xi32, #tpu.memory_space<vmem>>
          %dma_start3A_673 = arith.constant 0 : i32
          %dma_start3A_674 = tpu.memref_slice %arg20[%dma_start3A_673] : memref<10000xf32, #tpu.memory_space<vmem_shared>> -> memref<10000xf32, #tpu.memory_space<vmem_shared>>
          tpu.enqueue_indirect_dma source(%dma_start3A_669 : memref<128xf32, #tpu.memory_space<vmem>>) target(%dma_start3A_674 : memref<10000xf32, #tpu.memory_space<vmem_shared>>) offsets(%dma_start3A_672 : memref<128xi32, #tpu.memory_space<vmem>>) semaphore(%run_scoped3A_666 : memref<!tpu.dma_semaphore, #tpu.memory_space<semaphore_mem>>) {add = true}
          %dma_wait3A_675 = arith.constant 0 : i32
          %dma_wait3A_676 = tpu.memref_slice %arg16[%run_scoped3A_664, %dma_wait3A_675] : memref<2x128xf32, #tpu.memory_space<vmem>> -> memref<1x128xf32, #tpu.memory_space<vmem>>
          %dma_wait3A_677 = tpu.memref_squeeze %dma_wait3A_676 : memref<1x128xf32, #tpu.memory_space<vmem>> -> memref<128xf32, #tpu.memory_space<vmem>>
          %dma_wait3A_678 = arith.constant 0 : i32
          %dma_wait3A_679 = tpu.memref_slice %arg12[%run_scoped3A_665, %dma_wait3A_678] : memref<2x128xi32, #tpu.memory_space<vmem>> -> memref<1x128xi32, #tpu.memory_space<vmem>>
          %dma_wait3A_680 = tpu.memref_squeeze %dma_wait3A_679 : memref<1x128xi32, #tpu.memory_space<vmem>> -> memref<128xi32, #tpu.memory_space<vmem>>
          %dma_wait3A_681 = arith.constant 0 : i32
          %dma_wait3A_682 = tpu.memref_slice %arg20[%dma_wait3A_681] : memref<10000xf32, #tpu.memory_space<vmem_shared>> -> memref<10000xf32, #tpu.memory_space<vmem_shared>>
          tpu.wait_indirect_dma semaphore(%run_scoped3A_666 : memref<!tpu.dma_semaphore, #tpu.memory_space<semaphore_mem>>) src(%dma_wait3A_677 : memref<128xf32, #tpu.memory_space<vmem>>) dst(%dma_wait3A_682 : memref<10000xf32, #tpu.memory_space<vmem_shared>>)
          tpu.yield
        }) : () -> ()
      } else {
      }
      %get3A_377 = arith.constant 1 : i32
      %get3A_378 = arith.index_cast %get3A_377 : i32 to index
      %get3A_379 = arith.constant 0 : index
      %get3A_380 = tpu.vector_load %arg11[%get3A_378, %get3A_379] {strides = array<i32>} : memref<2x128xi32, #tpu.memory_space<vmem>>, vector<16xi32>,
      %get3A_381 = arith.constant 1 : i32
      %get3A_382 = arith.index_cast %get3A_381 : i32 to index
      %get3A_383 = arith.constant 0 : index
      %get3A_384 = tpu.vector_load %arg12[%get3A_382, %get3A_383] {strides = array<i32>} : memref<2x128xi32, #tpu.memory_space<vmem>>, vector<16xi32>,
      %mul3A_385 = arith.constant 10000 : i32
      %mul3A_386 = arith.muli %add3A_2, %mul3A_385 : i32
      %add3A_387 = vector.broadcast %mul3A_386 : i32 to vector<16xi32>
      %add3A_388 = arith.addi %get3A_380, %add3A_387 : vector<16xi32>
      %swap3A_389 = arith.constant 1 : i32
      %swap3A_390 = arith.index_cast %swap3A_389 : i32 to index
      %swap3A_391 = arith.constant 0 : index
      %swap3A_392 = tpu.vector_load %arg13[%swap3A_390, %swap3A_391] {strides = array<i32>} : memref<2x128xi32, #tpu.memory_space<vmem>>, vector<16xi32>,
      tpu.vector_store %arg13[%swap3A_390, %swap3A_391], %add3A_388 {strides = array<i32>} : memref<2x128xi32, #tpu.memory_space<vmem>>, vector<16xi32>,
      %gather3A_393 = tpu.vector_load_idx %arg14[%get3A_380] : memref<10000xf32, #tpu.memory_space<vmem>>[vector<16xi32>], vector<16xf32>,
      %gather3A_394 = tpu.vector_load_idx %arg15[%get3A_384] : memref<10000xf32, #tpu.memory_space<vmem>>[vector<16xi32>], vector<16xf32>,
      %add3A_395 = arith.addf %gather3A_393, %gather3A_394 : vector<16xf32>
      %ge3A_396 = arith.constant 0.000000e+00 : f32
      %ge3A_397 = vector.broadcast %ge3A_396 : f32 to vector<16xf32>
      %ge3A_398 = arith.cmpf oge, %add3A_395, %ge3A_397 : vector<16xf32>
      %mul3A_399 = arith.constant 2.000000e-01 : f32
      %mul3A_400 = vector.broadcast %mul3A_399 : f32 to vector<16xf32>
      %mul3A_401 = arith.mulf %mul3A_400, %add3A_395 : vector<16xf32>
      %select_n3A_402 = arith.select %ge3A_398, %add3A_395, %mul3A_401 : vector<16xi1>, vector<16xf32>
      %exp3A_403 = math.exp %select_n3A_402 : vector<16xf32>
      %swap3A_404 = arith.constant 1 : i32
      %swap3A_405 = arith.index_cast %swap3A_404 : i32 to index
      %swap3A_406 = arith.constant 0 : index
      %swap3A_407 = tpu.vector_load %arg16[%swap3A_405, %swap3A_406] {strides = array<i32>} : memref<2x128xf32, #tpu.memory_space<vmem>>, vector<16xf32>,
      tpu.vector_store %arg16[%swap3A_405, %swap3A_406], %exp3A_403 {strides = array<i32>} : memref<2x128xf32, #tpu.memory_space<vmem>>, vector<16xf32>,
      %swap3A_408 = arith.constant 0 : index
      %swap3A_409 = tpu.vector_load %arg17[%swap3A_408] {strides = array<i32>} : memref<128xf32, #tpu.memory_space<vmem>>, vector<16xf32>,
      tpu.vector_store %arg17[%swap3A_408], %exp3A_403 {strides = array<i32>} : memref<128xf32, #tpu.memory_space<vmem>>, vector<16xf32>,
      %get3A_410 = arith.constant 1 : i32
      %get3A_411 = arith.index_cast %get3A_410 : i32 to index
      %get3A_412 = arith.constant 16 : index
      %get3A_413 = tpu.vector_load %arg11[%get3A_411, %get3A_412] {strides = array<i32>} : memref<2x128xi32, #tpu.memory_space<vmem>>, vector<16xi32>,
      %get3A_414 = arith.constant 1 : i32
      %get3A_415 = arith.index_cast %get3A_414 : i32 to index
      %get3A_416 = arith.constant 16 : index
      %get3A_417 = tpu.vector_load %arg12[%get3A_415, %get3A_416] {strides = array<i32>} : memref<2x128xi32, #tpu.memory_space<vmem>>, vector<16xi32>,
      %mul3A_418 = arith.constant 10000 : i32
      %mul3A_419 = arith.muli %add3A_2, %mul3A_418 : i32
      %add3A_420 = vector.broadcast %mul3A_419 : i32 to vector<16xi32>
      %add3A_421 = arith.addi %get3A_413, %add3A_420 : vector<16xi32>
      %swap3A_422 = arith.constant 1 : i32
      %swap3A_423 = arith.index_cast %swap3A_422 : i32 to index
      %swap3A_424 = arith.constant 16 : index
      %swap3A_425 = tpu.vector_load %arg13[%swap3A_423, %swap3A_424] {strides = array<i32>} : memref<2x128xi32, #tpu.memory_space<vmem>>, vector<16xi32>,
      tpu.vector_store %arg13[%swap3A_423, %swap3A_424], %add3A_421 {strides = array<i32>} : memref<2x128xi32, #tpu.memory_space<vmem>>, vector<16xi32>,
      %gather3A_426 = tpu.vector_load_idx %arg14[%get3A_413] : memref<10000xf32, #tpu.memory_space<vmem>>[vector<16xi32>], vector<16xf32>,
      %gather3A_427 = tpu.vector_load_idx %arg15[%get3A_417] : memref<10000xf32, #tpu.memory_space<vmem>>[vector<16xi32>], vector<16xf32>,
      %add3A_428 = arith.addf %gather3A_426, %gather3A_427 : vector<16xf32>
      %ge3A_429 = arith.constant 0.000000e+00 : f32
      %ge3A_430 = vector.broadcast %ge3A_429 : f32 to vector<16xf32>
      %ge3A_431 = arith.cmpf oge, %add3A_428, %ge3A_430 : vector<16xf32>
      %mul3A_432 = arith.constant 2.000000e-01 : f32
      %mul3A_433 = vector.broadcast %mul3A_432 : f32 to vector<16xf32>
      %mul3A_434 = arith.mulf %mul3A_433, %add3A_428 : vector<16xf32>
      %select_n3A_435 = arith.select %ge3A_431, %add3A_428, %mul3A_434 : vector<16xi1>, vector<16xf32>
      %exp3A_436 = math.exp %select_n3A_435 : vector<16xf32>
      %swap3A_437 = arith.constant 1 : i32
      %swap3A_438 = arith.index_cast %swap3A_437 : i32 to index
      %swap3A_439 = arith.constant 16 : index
      %swap3A_440 = tpu.vector_load %arg16[%swap3A_438, %swap3A_439] {strides = array<i32>} : memref<2x128xf32, #tpu.memory_space<vmem>>, vector<16xf32>,
      tpu.vector_store %arg16[%swap3A_438, %swap3A_439], %exp3A_436 {strides = array<i32>} : memref<2x128xf32, #tpu.memory_space<vmem>>, vector<16xf32>,
      %swap3A_441 = arith.constant 16 : index
      %swap3A_442 = tpu.vector_load %arg17[%swap3A_441] {strides = array<i32>} : memref<128xf32, #tpu.memory_space<vmem>>, vector<16xf32>,
      tpu.vector_store %arg17[%swap3A_441], %exp3A_436 {strides = array<i32>} : memref<128xf32, #tpu.memory_space<vmem>>, vector<16xf32>,
      %get3A_443 = arith.constant 1 : i32
      %get3A_444 = arith.index_cast %get3A_443 : i32 to index
      %get3A_445 = arith.constant 32 : index
      %get3A_446 = tpu.vector_load %arg11[%get3A_444, %get3A_445] {strides = array<i32>} : memref<2x128xi32, #tpu.memory_space<vmem>>, vector<16xi32>,
      %get3A_447 = arith.constant 1 : i32
      %get3A_448 = arith.index_cast %get3A_447 : i32 to index
      %get3A_449 = arith.constant 32 : index
      %get3A_450 = tpu.vector_load %arg12[%get3A_448, %get3A_449] {strides = array<i32>} : memref<2x128xi32, #tpu.memory_space<vmem>>, vector<16xi32>,
      %mul3A_451 = arith.constant 10000 : i32
      %mul3A_452 = arith.muli %add3A_2, %mul3A_451 : i32
      %add3A_453 = vector.broadcast %mul3A_452 : i32 to vector<16xi32>
      %add3A_454 = arith.addi %get3A_446, %add3A_453 : vector<16xi32>
      %swap3A_455 = arith.constant 1 : i32
      %swap3A_456 = arith.index_cast %swap3A_455 : i32 to index
      %swap3A_457 = arith.constant 32 : index
      %swap3A_458 = tpu.vector_load %arg13[%swap3A_456, %swap3A_457] {strides = array<i32>} : memref<2x128xi32, #tpu.memory_space<vmem>>, vector<16xi32>,
      tpu.vector_store %arg13[%swap3A_456, %swap3A_457], %add3A_454 {strides = array<i32>} : memref<2x128xi32, #tpu.memory_space<vmem>>, vector<16xi32>,
      %gather3A_459 = tpu.vector_load_idx %arg14[%get3A_446] : memref<10000xf32, #tpu.memory_space<vmem>>[vector<16xi32>], vector<16xf32>,
      %gather3A_460 = tpu.vector_load_idx %arg15[%get3A_450] : memref<10000xf32, #tpu.memory_space<vmem>>[vector<16xi32>], vector<16xf32>,
      %add3A_461 = arith.addf %gather3A_459, %gather3A_460 : vector<16xf32>
      %ge3A_462 = arith.constant 0.000000e+00 : f32
      %ge3A_463 = vector.broadcast %ge3A_462 : f32 to vector<16xf32>
      %ge3A_464 = arith.cmpf oge, %add3A_461, %ge3A_463 : vector<16xf32>
      %mul3A_465 = arith.constant 2.000000e-01 : f32
      %mul3A_466 = vector.broadcast %mul3A_465 : f32 to vector<16xf32>
      %mul3A_467 = arith.mulf %mul3A_466, %add3A_461 : vector<16xf32>
      %select_n3A_468 = arith.select %ge3A_464, %add3A_461, %mul3A_467 : vector<16xi1>, vector<16xf32>
      %exp3A_469 = math.exp %select_n3A_468 : vector<16xf32>
      %swap3A_470 = arith.constant 1 : i32
      %swap3A_471 = arith.index_cast %swap3A_470 : i32 to index
      %swap3A_472 = arith.constant 32 : index
      %swap3A_473 = tpu.vector_load %arg16[%swap3A_471, %swap3A_472] {strides = array<i32>} : memref<2x128xf32, #tpu.memory_space<vmem>>, vector<16xf32>,
      tpu.vector_store %arg16[%swap3A_471, %swap3A_472], %exp3A_469 {strides = array<i32>} : memref<2x128xf32, #tpu.memory_space<vmem>>, vector<16xf32>,
      %swap3A_474 = arith.constant 32 : index
      %swap3A_475 = tpu.vector_load %arg17[%swap3A_474] {strides = array<i32>} : memref<128xf32, #tpu.memory_space<vmem>>, vector<16xf32>,
      tpu.vector_store %arg17[%swap3A_474], %exp3A_469 {strides = array<i32>} : memref<128xf32, #tpu.memory_space<vmem>>, vector<16xf32>,
      %get3A_476 = arith.constant 1 : i32
      %get3A_477 = arith.index_cast %get3A_476 : i32 to index
      %get3A_478 = arith.constant 48 : index
      %get3A_479 = tpu.vector_load %arg11[%get3A_477, %get3A_478] {strides = array<i32>} : memref<2x128xi32, #tpu.memory_space<vmem>>, vector<16xi32>,
      %get3A_480 = arith.constant 1 : i32
      %get3A_481 = arith.index_cast %get3A_480 : i32 to index
      %get3A_482 = arith.constant 48 : index
      %get3A_483 = tpu.vector_load %arg12[%get3A_481, %get3A_482] {strides = array<i32>} : memref<2x128xi32, #tpu.memory_space<vmem>>, vector<16xi32>,
      %mul3A_484 = arith.constant 10000 : i32
      %mul3A_485 = arith.muli %add3A_2, %mul3A_484 : i32
      %add3A_486 = vector.broadcast %mul3A_485 : i32 to vector<16xi32>
      %add3A_487 = arith.addi %get3A_479, %add3A_486 : vector<16xi32>
      %swap3A_488 = arith.constant 1 : i32
      %swap3A_489 = arith.index_cast %swap3A_488 : i32 to index
      %swap3A_490 = arith.constant 48 : index
      %swap3A_491 = tpu.vector_load %arg13[%swap3A_489, %swap3A_490] {strides = array<i32>} : memref<2x128xi32, #tpu.memory_space<vmem>>, vector<16xi32>,
      tpu.vector_store %arg13[%swap3A_489, %swap3A_490], %add3A_487 {strides = array<i32>} : memref<2x128xi32, #tpu.memory_space<vmem>>, vector<16xi32>,
      %gather3A_492 = tpu.vector_load_idx %arg14[%get3A_479] : memref<10000xf32, #tpu.memory_space<vmem>>[vector<16xi32>], vector<16xf32>,
      %gather3A_493 = tpu.vector_load_idx %arg15[%get3A_483] : memref<10000xf32, #tpu.memory_space<vmem>>[vector<16xi32>], vector<16xf32>,
      %add3A_494 = arith.addf %gather3A_492, %gather3A_493 : vector<16xf32>
      %ge3A_495 = arith.constant 0.000000e+00 : f32
      %ge3A_496 = vector.broadcast %ge3A_495 : f32 to vector<16xf32>
      %ge3A_497 = arith.cmpf oge, %add3A_494, %ge3A_496 : vector<16xf32>
      %mul3A_498 = arith.constant 2.000000e-01 : f32
      %mul3A_499 = vector.broadcast %mul3A_498 : f32 to vector<16xf32>
      %mul3A_500 = arith.mulf %mul3A_499, %add3A_494 : vector<16xf32>
      %select_n3A_501 = arith.select %ge3A_497, %add3A_494, %mul3A_500 : vector<16xi1>, vector<16xf32>
      %exp3A_502 = math.exp %select_n3A_501 : vector<16xf32>
      %swap3A_503 = arith.constant 1 : i32
      %swap3A_504 = arith.index_cast %swap3A_503 : i32 to index
      %swap3A_505 = arith.constant 48 : index
      %swap3A_506 = tpu.vector_load %arg16[%swap3A_504, %swap3A_505] {strides = array<i32>} : memref<2x128xf32, #tpu.memory_space<vmem>>, vector<16xf32>,
      tpu.vector_store %arg16[%swap3A_504, %swap3A_505], %exp3A_502 {strides = array<i32>} : memref<2x128xf32, #tpu.memory_space<vmem>>, vector<16xf32>,
      %swap3A_507 = arith.constant 48 : index
      %swap3A_508 = tpu.vector_load %arg17[%swap3A_507] {strides = array<i32>} : memref<128xf32, #tpu.memory_space<vmem>>, vector<16xf32>,
      tpu.vector_store %arg17[%swap3A_507], %exp3A_502 {strides = array<i32>} : memref<128xf32, #tpu.memory_space<vmem>>, vector<16xf32>,
      %get3A_509 = arith.constant 1 : i32
      %get3A_510 = arith.index_cast %get3A_509 : i32 to index
      %get3A_511 = arith.constant 64 : index
      %get3A_512 = tpu.vector_load %arg11[%get3A_510, %get3A_511] {strides = array<i32>} : memref<2x128xi32, #tpu.memory_space<vmem>>, vector<16xi32>,
      %get3A_513 = arith.constant 1 : i32
      %get3A_514 = arith.index_cast %get3A_513 : i32 to index
      %get3A_515 = arith.constant 64 : index
      %get3A_516 = tpu.vector_load %arg12[%get3A_514, %get3A_515] {strides = array<i32>} : memref<2x128xi32, #tpu.memory_space<vmem>>, vector<16xi32>,
      %mul3A_517 = arith.constant 10000 : i32
      %mul3A_518 = arith.muli %add3A_2, %mul3A_517 : i32
      %add3A_519 = vector.broadcast %mul3A_518 : i32 to vector<16xi32>
      %add3A_520 = arith.addi %get3A_512, %add3A_519 : vector<16xi32>
      %swap3A_521 = arith.constant 1 : i32
      %swap3A_522 = arith.index_cast %swap3A_521 : i32 to index
      %swap3A_523 = arith.constant 64 : index
      %swap3A_524 = tpu.vector_load %arg13[%swap3A_522, %swap3A_523] {strides = array<i32>} : memref<2x128xi32, #tpu.memory_space<vmem>>, vector<16xi32>,
      tpu.vector_store %arg13[%swap3A_522, %swap3A_523], %add3A_520 {strides = array<i32>} : memref<2x128xi32, #tpu.memory_space<vmem>>, vector<16xi32>,
      %gather3A_525 = tpu.vector_load_idx %arg14[%get3A_512] : memref<10000xf32, #tpu.memory_space<vmem>>[vector<16xi32>], vector<16xf32>,
      %gather3A_526 = tpu.vector_load_idx %arg15[%get3A_516] : memref<10000xf32, #tpu.memory_space<vmem>>[vector<16xi32>], vector<16xf32>,
      %add3A_527 = arith.addf %gather3A_525, %gather3A_526 : vector<16xf32>
      %ge3A_528 = arith.constant 0.000000e+00 : f32
      %ge3A_529 = vector.broadcast %ge3A_528 : f32 to vector<16xf32>
      %ge3A_530 = arith.cmpf oge, %add3A_527, %ge3A_529 : vector<16xf32>
      %mul3A_531 = arith.constant 2.000000e-01 : f32
      %mul3A_532 = vector.broadcast %mul3A_531 : f32 to vector<16xf32>
      %mul3A_533 = arith.mulf %mul3A_532, %add3A_527 : vector<16xf32>
      %select_n3A_534 = arith.select %ge3A_530, %add3A_527, %mul3A_533 : vector<16xi1>, vector<16xf32>
      %exp3A_535 = math.exp %select_n3A_534 : vector<16xf32>
      %swap3A_536 = arith.constant 1 : i32
      %swap3A_537 = arith.index_cast %swap3A_536 : i32 to index
      %swap3A_538 = arith.constant 64 : index
      %swap3A_539 = tpu.vector_load %arg16[%swap3A_537, %swap3A_538] {strides = array<i32>} : memref<2x128xf32, #tpu.memory_space<vmem>>, vector<16xf32>,
      tpu.vector_store %arg16[%swap3A_537, %swap3A_538], %exp3A_535 {strides = array<i32>} : memref<2x128xf32, #tpu.memory_space<vmem>>, vector<16xf32>,
      %swap3A_540 = arith.constant 64 : index
      %swap3A_541 = tpu.vector_load %arg17[%swap3A_540] {strides = array<i32>} : memref<128xf32, #tpu.memory_space<vmem>>, vector<16xf32>,
      tpu.vector_store %arg17[%swap3A_540], %exp3A_535 {strides = array<i32>} : memref<128xf32, #tpu.memory_space<vmem>>, vector<16xf32>,
      %get3A_542 = arith.constant 1 : i32
      %get3A_543 = arith.index_cast %get3A_542 : i32 to index
      %get3A_544 = arith.constant 80 : index
      %get3A_545 = tpu.vector_load %arg11[%get3A_543, %get3A_544] {strides = array<i32>} : memref<2x128xi32, #tpu.memory_space<vmem>>, vector<16xi32>,
      %get3A_546 = arith.constant 1 : i32
      %get3A_547 = arith.index_cast %get3A_546 : i32 to index
      %get3A_548 = arith.constant 80 : index
      %get3A_549 = tpu.vector_load %arg12[%get3A_547, %get3A_548] {strides = array<i32>} : memref<2x128xi32, #tpu.memory_space<vmem>>, vector<16xi32>,
      %mul3A_550 = arith.constant 10000 : i32
      %mul3A_551 = arith.muli %add3A_2, %mul3A_550 : i32
      %add3A_552 = vector.broadcast %mul3A_551 : i32 to vector<16xi32>
      %add3A_553 = arith.addi %get3A_545, %add3A_552 : vector<16xi32>
      %swap3A_554 = arith.constant 1 : i32
      %swap3A_555 = arith.index_cast %swap3A_554 : i32 to index
      %swap3A_556 = arith.constant 80 : index
      %swap3A_557 = tpu.vector_load %arg13[%swap3A_555, %swap3A_556] {strides = array<i32>} : memref<2x128xi32, #tpu.memory_space<vmem>>, vector<16xi32>,
      tpu.vector_store %arg13[%swap3A_555, %swap3A_556], %add3A_553 {strides = array<i32>} : memref<2x128xi32, #tpu.memory_space<vmem>>, vector<16xi32>,
      %gather3A_558 = tpu.vector_load_idx %arg14[%get3A_545] : memref<10000xf32, #tpu.memory_space<vmem>>[vector<16xi32>], vector<16xf32>,
      %gather3A_559 = tpu.vector_load_idx %arg15[%get3A_549] : memref<10000xf32, #tpu.memory_space<vmem>>[vector<16xi32>], vector<16xf32>,
      %add3A_560 = arith.addf %gather3A_558, %gather3A_559 : vector<16xf32>
      %ge3A_561 = arith.constant 0.000000e+00 : f32
      %ge3A_562 = vector.broadcast %ge3A_561 : f32 to vector<16xf32>
      %ge3A_563 = arith.cmpf oge, %add3A_560, %ge3A_562 : vector<16xf32>
      %mul3A_564 = arith.constant 2.000000e-01 : f32
      %mul3A_565 = vector.broadcast %mul3A_564 : f32 to vector<16xf32>
      %mul3A_566 = arith.mulf %mul3A_565, %add3A_560 : vector<16xf32>
      %select_n3A_567 = arith.select %ge3A_563, %add3A_560, %mul3A_566 : vector<16xi1>, vector<16xf32>
      %exp3A_568 = math.exp %select_n3A_567 : vector<16xf32>
      %swap3A_569 = arith.constant 1 : i32
      %swap3A_570 = arith.index_cast %swap3A_569 : i32 to index
      %swap3A_571 = arith.constant 80 : index
      %swap3A_572 = tpu.vector_load %arg16[%swap3A_570, %swap3A_571] {strides = array<i32>} : memref<2x128xf32, #tpu.memory_space<vmem>>, vector<16xf32>,
      tpu.vector_store %arg16[%swap3A_570, %swap3A_571], %exp3A_568 {strides = array<i32>} : memref<2x128xf32, #tpu.memory_space<vmem>>, vector<16xf32>,
      %swap3A_573 = arith.constant 80 : index
      %swap3A_574 = tpu.vector_load %arg17[%swap3A_573] {strides = array<i32>} : memref<128xf32, #tpu.memory_space<vmem>>, vector<16xf32>,
      tpu.vector_store %arg17[%swap3A_573], %exp3A_568 {strides = array<i32>} : memref<128xf32, #tpu.memory_space<vmem>>, vector<16xf32>,
      %get3A_575 = arith.constant 1 : i32
      %get3A_576 = arith.index_cast %get3A_575 : i32 to index
      %get3A_577 = arith.constant 96 : index
      %get3A_578 = tpu.vector_load %arg11[%get3A_576, %get3A_577] {strides = array<i32>} : memref<2x128xi32, #tpu.memory_space<vmem>>, vector<16xi32>,
      %get3A_579 = arith.constant 1 : i32
      %get3A_580 = arith.index_cast %get3A_579 : i32 to index
      %get3A_581 = arith.constant 96 : index
      %get3A_582 = tpu.vector_load %arg12[%get3A_580, %get3A_581] {strides = array<i32>} : memref<2x128xi32, #tpu.memory_space<vmem>>, vector<16xi32>,
      %mul3A_583 = arith.constant 10000 : i32
      %mul3A_584 = arith.muli %add3A_2, %mul3A_583 : i32
      %add3A_585 = vector.broadcast %mul3A_584 : i32 to vector<16xi32>
      %add3A_586 = arith.addi %get3A_578, %add3A_585 : vector<16xi32>
      %swap3A_587 = arith.constant 1 : i32
      %swap3A_588 = arith.index_cast %swap3A_587 : i32 to index
      %swap3A_589 = arith.constant 96 : index
      %swap3A_590 = tpu.vector_load %arg13[%swap3A_588, %swap3A_589] {strides = array<i32>} : memref<2x128xi32, #tpu.memory_space<vmem>>, vector<16xi32>,
      tpu.vector_store %arg13[%swap3A_588, %swap3A_589], %add3A_586 {strides = array<i32>} : memref<2x128xi32, #tpu.memory_space<vmem>>, vector<16xi32>,
      %gather3A_591 = tpu.vector_load_idx %arg14[%get3A_578] : memref<10000xf32, #tpu.memory_space<vmem>>[vector<16xi32>], vector<16xf32>,
      %gather3A_592 = tpu.vector_load_idx %arg15[%get3A_582] : memref<10000xf32, #tpu.memory_space<vmem>>[vector<16xi32>], vector<16xf32>,
      %add3A_593 = arith.addf %gather3A_591, %gather3A_592 : vector<16xf32>
      %ge3A_594 = arith.constant 0.000000e+00 : f32
      %ge3A_595 = vector.broadcast %ge3A_594 : f32 to vector<16xf32>
      %ge3A_596 = arith.cmpf oge, %add3A_593, %ge3A_595 : vector<16xf32>
      %mul3A_597 = arith.constant 2.000000e-01 : f32
      %mul3A_598 = vector.broadcast %mul3A_597 : f32 to vector<16xf32>
      %mul3A_599 = arith.mulf %mul3A_598, %add3A_593 : vector<16xf32>
      %select_n3A_600 = arith.select %ge3A_596, %add3A_593, %mul3A_599 : vector<16xi1>, vector<16xf32>
      %exp3A_601 = math.exp %select_n3A_600 : vector<16xf32>
      %swap3A_602 = arith.constant 1 : i32
      %swap3A_603 = arith.index_cast %swap3A_602 : i32 to index
      %swap3A_604 = arith.constant 96 : index
      %swap3A_605 = tpu.vector_load %arg16[%swap3A_603, %swap3A_604] {strides = array<i32>} : memref<2x128xf32, #tpu.memory_space<vmem>>, vector<16xf32>,
      tpu.vector_store %arg16[%swap3A_603, %swap3A_604], %exp3A_601 {strides = array<i32>} : memref<2x128xf32, #tpu.memory_space<vmem>>, vector<16xf32>,
      %swap3A_606 = arith.constant 96 : index
      %swap3A_607 = tpu.vector_load %arg17[%swap3A_606] {strides = array<i32>} : memref<128xf32, #tpu.memory_space<vmem>>, vector<16xf32>,
      tpu.vector_store %arg17[%swap3A_606], %exp3A_601 {strides = array<i32>} : memref<128xf32, #tpu.memory_space<vmem>>, vector<16xf32>,
      %get3A_608 = arith.constant 1 : i32
      %get3A_609 = arith.index_cast %get3A_608 : i32 to index
      %get3A_610 = arith.constant 112 : index
      %get3A_611 = tpu.vector_load %arg11[%get3A_609, %get3A_610] {strides = array<i32>} : memref<2x128xi32, #tpu.memory_space<vmem>>, vector<16xi32>,
      %get3A_612 = arith.constant 1 : i32
      %get3A_613 = arith.index_cast %get3A_612 : i32 to index
      %get3A_614 = arith.constant 112 : index
      %get3A_615 = tpu.vector_load %arg12[%get3A_613, %get3A_614] {strides = array<i32>} : memref<2x128xi32, #tpu.memory_space<vmem>>, vector<16xi32>,
      %mul3A_616 = arith.constant 10000 : i32
      %mul3A_617 = arith.muli %add3A_2, %mul3A_616 : i32
      %add3A_618 = vector.broadcast %mul3A_617 : i32 to vector<16xi32>
      %add3A_619 = arith.addi %get3A_611, %add3A_618 : vector<16xi32>
      %swap3A_620 = arith.constant 1 : i32
      %swap3A_621 = arith.index_cast %swap3A_620 : i32 to index
      %swap3A_622 = arith.constant 112 : index
      %swap3A_623 = tpu.vector_load %arg13[%swap3A_621, %swap3A_622] {strides = array<i32>} : memref<2x128xi32, #tpu.memory_space<vmem>>, vector<16xi32>,
      tpu.vector_store %arg13[%swap3A_621, %swap3A_622], %add3A_619 {strides = array<i32>} : memref<2x128xi32, #tpu.memory_space<vmem>>, vector<16xi32>,
      %gather3A_624 = tpu.vector_load_idx %arg14[%get3A_611] : memref<10000xf32, #tpu.memory_space<vmem>>[vector<16xi32>], vector<16xf32>,
      %gather3A_625 = tpu.vector_load_idx %arg15[%get3A_615] : memref<10000xf32, #tpu.memory_space<vmem>>[vector<16xi32>], vector<16xf32>,
      %add3A_626 = arith.addf %gather3A_624, %gather3A_625 : vector<16xf32>
      %ge3A_627 = arith.constant 0.000000e+00 : f32
      %ge3A_628 = vector.broadcast %ge3A_627 : f32 to vector<16xf32>
      %ge3A_629 = arith.cmpf oge, %add3A_626, %ge3A_628 : vector<16xf32>
      %mul3A_630 = arith.constant 2.000000e-01 : f32
      %mul3A_631 = vector.broadcast %mul3A_630 : f32 to vector<16xf32>
      %mul3A_632 = arith.mulf %mul3A_631, %add3A_626 : vector<16xf32>
      %select_n3A_633 = arith.select %ge3A_629, %add3A_626, %mul3A_632 : vector<16xi1>, vector<16xf32>
      %exp3A_634 = math.exp %select_n3A_633 : vector<16xf32>
      %swap3A_635 = arith.constant 1 : i32
      %swap3A_636 = arith.index_cast %swap3A_635 : i32 to index
      %swap3A_637 = arith.constant 112 : index
      %swap3A_638 = tpu.vector_load %arg16[%swap3A_636, %swap3A_637] {strides = array<i32>} : memref<2x128xf32, #tpu.memory_space<vmem>>, vector<16xf32>,
      tpu.vector_store %arg16[%swap3A_636, %swap3A_637], %exp3A_634 {strides = array<i32>} : memref<2x128xf32, #tpu.memory_space<vmem>>, vector<16xf32>,
      %swap3A_639 = arith.constant 112 : index
      %swap3A_640 = tpu.vector_load %arg17[%swap3A_639] {strides = array<i32>} : memref<128xf32, #tpu.memory_space<vmem>>, vector<16xf32>,
      tpu.vector_store %arg17[%swap3A_639], %exp3A_634 {strides = array<i32>} : memref<128xf32, #tpu.memory_space<vmem>>, vector<16xf32>,
      %dma_start3A_641 = arith.constant 1 : i32
      %dma_start3A_642 = arith.constant 0 : i32
      %dma_start3A_643 = tpu.memref_slice %arg13[%dma_start3A_641, %dma_start3A_642] : memref<2x128xi32, #tpu.memory_space<vmem>> -> memref<1x128xi32, #tpu.memory_space<vmem>>
      %dma_start3A_644 = tpu.memref_squeeze %dma_start3A_643 : memref<1x128xi32, #tpu.memory_space<vmem>> -> memref<128xi32, #tpu.memory_space<vmem>>
      %dma_start3A_645 = arith.constant 0 : i32
      %dma_start3A_646 = arith.constant 0 : i32
      %dma_start3A_647 = tpu.memref_slice %arg2[%dma_start3A_645, %dma_start3A_646] : memref<40000x128xf32, #tpu.memory_space<hbm>> -> memref<40000x128xf32, #tpu.memory_space<hbm>>
      tpu.enqueue_indirect_dma source(%dma_start3A_647 : memref<40000x128xf32, #tpu.memory_space<hbm>>) target(%arg18 : memref<128x128xf32, #tpu.memory_space<vmem>>) offsets(%dma_start3A_644 : memref<128xi32, #tpu.memory_space<vmem>>) semaphore(%arg21 : memref<!tpu.dma_semaphore, #tpu.memory_space<semaphore_mem>>)
      %dma_wait3A_648 = arith.constant 1 : i32
      %dma_wait3A_649 = arith.constant 0 : i32
      %dma_wait3A_650 = tpu.memref_slice %arg13[%dma_wait3A_648, %dma_wait3A_649] : memref<2x128xi32, #tpu.memory_space<vmem>> -> memref<1x128xi32, #tpu.memory_space<vmem>>
      %dma_wait3A_651 = tpu.memref_squeeze %dma_wait3A_650 : memref<1x128xi32, #tpu.memory_space<vmem>> -> memref<128xi32, #tpu.memory_space<vmem>>
      %dma_wait3A_652 = arith.constant 0 : i32
      %dma_wait3A_653 = arith.constant 0 : i32
      %dma_wait3A_654 = tpu.memref_slice %arg2[%dma_wait3A_652, %dma_wait3A_653] : memref<40000x128xf32, #tpu.memory_space<hbm>> -> memref<40000x128xf32, #tpu.memory_space<hbm>>
      tpu.wait_indirect_dma semaphore(%arg21 : memref<!tpu.dma_semaphore, #tpu.memory_space<semaphore_mem>>) src(%dma_wait3A_654 : memref<40000x128xf32, #tpu.memory_space<hbm>>) dst(%arg18 : memref<128x128xf32, #tpu.memory_space<vmem>>)
      %parallel_loop3A_655 = arith.constant 0 : i32
      %parallel_loop3A_656 = arith.constant 128 : i32
      %parallel_loop3A_657 = arith.constant 1 : i32
      scf.for %parallel_loop3A_664 = %parallel_loop3A_655 to %parallel_loop3A_656 step %parallel_loop3A_657  : i32 {
        %parallel_loop3A_665 = vector.broadcast %parallel_loop3A_664 : i32 to vector<16xi32>
        %parallel_loop3A_666 = tpu.vector_load_idx %arg17[%parallel_loop3A_665] : memref<128xf32, #tpu.memory_space<vmem>>[vector<16xi32>], vector<16xf32>,
        %parallel_loop3A_667 = arith.index_cast %parallel_loop3A_664 : i32 to index
        %parallel_loop3A_668 = arith.constant 0 : index
        %parallel_loop3A_669 = tpu.vector_load %arg18[%parallel_loop3A_667, %parallel_loop3A_668] {strides = array<i32>} : memref<128x128xf32, #tpu.memory_space<vmem>>, vector<16xf32>,
        %parallel_loop3A_670 = arith.mulf %parallel_loop3A_669, %parallel_loop3A_666 : vector<16xf32>
        %parallel_loop3A_671 = arith.index_cast %parallel_loop3A_664 : i32 to index
        %parallel_loop3A_672 = arith.constant 0 : index
        %parallel_loop3A_673 = tpu.vector_load %arg18[%parallel_loop3A_671, %parallel_loop3A_672] {strides = array<i32>} : memref<128x128xf32, #tpu.memory_space<vmem>>, vector<16xf32>,
        tpu.vector_store %arg18[%parallel_loop3A_671, %parallel_loop3A_672], %parallel_loop3A_670 {strides = array<i32>} : memref<128x128xf32, #tpu.memory_space<vmem>>, vector<16xf32>,
        %parallel_loop3A_674 = arith.index_cast %parallel_loop3A_664 : i32 to index
        %parallel_loop3A_675 = arith.constant 16 : index
        %parallel_loop3A_676 = tpu.vector_load %arg18[%parallel_loop3A_674, %parallel_loop3A_675] {strides = array<i32>} : memref<128x128xf32, #tpu.memory_space<vmem>>, vector<16xf32>,
        %parallel_loop3A_677 = arith.mulf %parallel_loop3A_676, %parallel_loop3A_666 : vector<16xf32>
        %parallel_loop3A_678 = arith.index_cast %parallel_loop3A_664 : i32 to index
        %parallel_loop3A_679 = arith.constant 16 : index
        %parallel_loop3A_680 = tpu.vector_load %arg18[%parallel_loop3A_678, %parallel_loop3A_679] {strides = array<i32>} : memref<128x128xf32, #tpu.memory_space<vmem>>, vector<16xf32>,
        tpu.vector_store %arg18[%parallel_loop3A_678, %parallel_loop3A_679], %parallel_loop3A_677 {strides = array<i32>} : memref<128x128xf32, #tpu.memory_space<vmem>>, vector<16xf32>,
        %parallel_loop3A_681 = arith.index_cast %parallel_loop3A_664 : i32 to index
        %parallel_loop3A_682 = arith.constant 32 : index
        %parallel_loop3A_683 = tpu.vector_load %arg18[%parallel_loop3A_681, %parallel_loop3A_682] {strides = array<i32>} : memref<128x128xf32, #tpu.memory_space<vmem>>, vector<16xf32>,
        %parallel_loop3A_684 = arith.mulf %parallel_loop3A_683, %parallel_loop3A_666 : vector<16xf32>
        %parallel_loop3A_685 = arith.index_cast %parallel_loop3A_664 : i32 to index
        %parallel_loop3A_686 = arith.constant 32 : index
        %parallel_loop3A_687 = tpu.vector_load %arg18[%parallel_loop3A_685, %parallel_loop3A_686] {strides = array<i32>} : memref<128x128xf32, #tpu.memory_space<vmem>>, vector<16xf32>,
        tpu.vector_store %arg18[%parallel_loop3A_685, %parallel_loop3A_686], %parallel_loop3A_684 {strides = array<i32>} : memref<128x128xf32, #tpu.memory_space<vmem>>, vector<16xf32>,
        %parallel_loop3A_688 = arith.index_cast %parallel_loop3A_664 : i32 to index
        %parallel_loop3A_689 = arith.constant 48 : index
        %parallel_loop3A_690 = tpu.vector_load %arg18[%parallel_loop3A_688, %parallel_loop3A_689] {strides = array<i32>} : memref<128x128xf32, #tpu.memory_space<vmem>>, vector<16xf32>,
        %parallel_loop3A_691 = arith.mulf %parallel_loop3A_690, %parallel_loop3A_666 : vector<16xf32>
        %parallel_loop3A_692 = arith.index_cast %parallel_loop3A_664 : i32 to index
        %parallel_loop3A_693 = arith.constant 48 : index
        %parallel_loop3A_694 = tpu.vector_load %arg18[%parallel_loop3A_692, %parallel_loop3A_693] {strides = array<i32>} : memref<128x128xf32, #tpu.memory_space<vmem>>, vector<16xf32>,
        tpu.vector_store %arg18[%parallel_loop3A_692, %parallel_loop3A_693], %parallel_loop3A_691 {strides = array<i32>} : memref<128x128xf32, #tpu.memory_space<vmem>>, vector<16xf32>,
        %parallel_loop3A_695 = arith.index_cast %parallel_loop3A_664 : i32 to index
        %parallel_loop3A_696 = arith.constant 64 : index
        %parallel_loop3A_697 = tpu.vector_load %arg18[%parallel_loop3A_695, %parallel_loop3A_696] {strides = array<i32>} : memref<128x128xf32, #tpu.memory_space<vmem>>, vector<16xf32>,
        %parallel_loop3A_698 = arith.mulf %parallel_loop3A_697, %parallel_loop3A_666 : vector<16xf32>
        %parallel_loop3A_699 = arith.index_cast %parallel_loop3A_664 : i32 to index
        %parallel_loop3A_700 = arith.constant 64 : index
        %parallel_loop3A_701 = tpu.vector_load %arg18[%parallel_loop3A_699, %parallel_loop3A_700] {strides = array<i32>} : memref<128x128xf32, #tpu.memory_space<vmem>>, vector<16xf32>,
        tpu.vector_store %arg18[%parallel_loop3A_699, %parallel_loop3A_700], %parallel_loop3A_698 {strides = array<i32>} : memref<128x128xf32, #tpu.memory_space<vmem>>, vector<16xf32>,
        %parallel_loop3A_702 = arith.index_cast %parallel_loop3A_664 : i32 to index
        %parallel_loop3A_703 = arith.constant 80 : index
        %parallel_loop3A_704 = tpu.vector_load %arg18[%parallel_loop3A_702, %parallel_loop3A_703] {strides = array<i32>} : memref<128x128xf32, #tpu.memory_space<vmem>>, vector<16xf32>,
        %parallel_loop3A_705 = arith.mulf %parallel_loop3A_704, %parallel_loop3A_666 : vector<16xf32>
        %parallel_loop3A_706 = arith.index_cast %parallel_loop3A_664 : i32 to index
        %parallel_loop3A_707 = arith.constant 80 : index
        %parallel_loop3A_708 = tpu.vector_load %arg18[%parallel_loop3A_706, %parallel_loop3A_707] {strides = array<i32>} : memref<128x128xf32, #tpu.memory_space<vmem>>, vector<16xf32>,
        tpu.vector_store %arg18[%parallel_loop3A_706, %parallel_loop3A_707], %parallel_loop3A_705 {strides = array<i32>} : memref<128x128xf32, #tpu.memory_space<vmem>>, vector<16xf32>,
        %parallel_loop3A_709 = arith.index_cast %parallel_loop3A_664 : i32 to index
        %parallel_loop3A_710 = arith.constant 96 : index
        %parallel_loop3A_711 = tpu.vector_load %arg18[%parallel_loop3A_709, %parallel_loop3A_710] {strides = array<i32>} : memref<128x128xf32, #tpu.memory_space<vmem>>, vector<16xf32>,
        %parallel_loop3A_712 = arith.mulf %parallel_loop3A_711, %parallel_loop3A_666 : vector<16xf32>
        %parallel_loop3A_713 = arith.index_cast %parallel_loop3A_664 : i32 to index
        %parallel_loop3A_714 = arith.constant 96 : index
        %parallel_loop3A_715 = tpu.vector_load %arg18[%parallel_loop3A_713, %parallel_loop3A_714] {strides = array<i32>} : memref<128x128xf32, #tpu.memory_space<vmem>>, vector<16xf32>,
        tpu.vector_store %arg18[%parallel_loop3A_713, %parallel_loop3A_714], %parallel_loop3A_712 {strides = array<i32>} : memref<128x128xf32, #tpu.memory_space<vmem>>, vector<16xf32>,
        %parallel_loop3A_716 = arith.index_cast %parallel_loop3A_664 : i32 to index
        %parallel_loop3A_717 = arith.constant 112 : index
        %parallel_loop3A_718 = tpu.vector_load %arg18[%parallel_loop3A_716, %parallel_loop3A_717] {strides = array<i32>} : memref<128x128xf32, #tpu.memory_space<vmem>>, vector<16xf32>,
        %parallel_loop3A_719 = arith.mulf %parallel_loop3A_718, %parallel_loop3A_666 : vector<16xf32>
        %parallel_loop3A_720 = arith.index_cast %parallel_loop3A_664 : i32 to index
        %parallel_loop3A_721 = arith.constant 112 : index
        %parallel_loop3A_722 = tpu.vector_load %arg18[%parallel_loop3A_720, %parallel_loop3A_721] {strides = array<i32>} : memref<128x128xf32, #tpu.memory_space<vmem>>, vector<16xf32>,
        tpu.vector_store %arg18[%parallel_loop3A_720, %parallel_loop3A_721], %parallel_loop3A_719 {strides = array<i32>} : memref<128x128xf32, #tpu.memory_space<vmem>>, vector<16xf32>,
      } {sc.loop_unroll_factor = 4 : i64, sc.parallel_access}
      %run_scoped3A_658 = arith.constant 1 : i32
      "tpu.region"() ({
        %run_scoped3A_664 = tpu.sem_alloc : memref<!tpu.dma_semaphore, #tpu.memory_space<semaphore_mem>>
        %dma_start3A_665 = arith.constant 0 : i32
        %dma_start3A_666 = tpu.memref_slice %arg12[%run_scoped3A_658, %dma_start3A_665] : memref<2x128xi32, #tpu.memory_space<vmem>> -> memref<1x128xi32, #tpu.memory_space<vmem>>
        %dma_start3A_667 = tpu.memref_squeeze %dma_start3A_666 : memref<1x128xi32, #tpu.memory_space<vmem>> -> memref<128xi32, #tpu.memory_space<vmem>>
        %dma_start3A_668 = arith.constant 0 : i32
        %dma_start3A_669 = arith.constant 0 : i32
        %dma_start3A_670 = tpu.memref_slice %arg19[%dma_start3A_668, %dma_start3A_669] : memref<10000x128xf32, #tpu.memory_space<vmem_shared>> -> memref<10000x128xf32, #tpu.memory_space<vmem_shared>>
        tpu.enqueue_indirect_dma source(%arg18 : memref<128x128xf32, #tpu.memory_space<vmem>>) target(%dma_start3A_670 : memref<10000x128xf32, #tpu.memory_space<vmem_shared>>) offsets(%dma_start3A_667 : memref<128xi32, #tpu.memory_space<vmem>>) semaphore(%run_scoped3A_664 : memref<!tpu.dma_semaphore, #tpu.memory_space<semaphore_mem>>) {add = true}
        %dma_wait3A_671 = arith.constant 0 : i32
        %dma_wait3A_672 = tpu.memref_slice %arg12[%run_scoped3A_658, %dma_wait3A_671] : memref<2x128xi32, #tpu.memory_space<vmem>> -> memref<1x128xi32, #tpu.memory_space<vmem>>
        %dma_wait3A_673 = tpu.memref_squeeze %dma_wait3A_672 : memref<1x128xi32, #tpu.memory_space<vmem>> -> memref<128xi32, #tpu.memory_space<vmem>>
        %dma_wait3A_674 = arith.constant 0 : i32
        %dma_wait3A_675 = arith.constant 0 : i32
        %dma_wait3A_676 = tpu.memref_slice %arg19[%dma_wait3A_674, %dma_wait3A_675] : memref<10000x128xf32, #tpu.memory_space<vmem_shared>> -> memref<10000x128xf32, #tpu.memory_space<vmem_shared>>
        tpu.wait_indirect_dma semaphore(%run_scoped3A_664 : memref<!tpu.dma_semaphore, #tpu.memory_space<semaphore_mem>>) src(%arg18 : memref<128x128xf32, #tpu.memory_space<vmem>>) dst(%dma_wait3A_676 : memref<10000x128xf32, #tpu.memory_space<vmem_shared>>)
        tpu.yield
      }) : () -> ()
      %eq3A_659 = arith.constant 0 : i32
      %eq3A_660 = arith.cmpi eq, %arg0, %eq3A_659 : i32
      %convert_element_type3A_661 = arith.extui %eq3A_660 : i1 to i32
      %cond3A_662 = arith.constant 0 : i32
      %cond3A_663 = arith.cmpi ne, %convert_element_type3A_661, %cond3A_662 : i32
      scf.if %cond3A_663 {
        %run_scoped3A_664 = arith.constant 1 : i32
        %run_scoped3A_665 = arith.constant 1 : i32
        "tpu.region"() ({
          %run_scoped3A_666 = tpu.sem_alloc : memref<!tpu.dma_semaphore, #tpu.memory_space<semaphore_mem>>
          %dma_start3A_667 = arith.constant 0 : i32
          %dma_start3A_668 = tpu.memref_slice %arg16[%run_scoped3A_664, %dma_start3A_667] : memref<2x128xf32, #tpu.memory_space<vmem>> -> memref<1x128xf32, #tpu.memory_space<vmem>>
          %dma_start3A_669 = tpu.memref_squeeze %dma_start3A_668 : memref<1x128xf32, #tpu.memory_space<vmem>> -> memref<128xf32, #tpu.memory_space<vmem>>
          %dma_start3A_670 = arith.constant 0 : i32
          %dma_start3A_671 = tpu.memref_slice %arg12[%run_scoped3A_665, %dma_start3A_670] : memref<2x128xi32, #tpu.memory_space<vmem>> -> memref<1x128xi32, #tpu.memory_space<vmem>>
          %dma_start3A_672 = tpu.memref_squeeze %dma_start3A_671 : memref<1x128xi32, #tpu.memory_space<vmem>> -> memref<128xi32, #tpu.memory_space<vmem>>
          %dma_start3A_673 = arith.constant 0 : i32
          %dma_start3A_674 = tpu.memref_slice %arg20[%dma_start3A_673] : memref<10000xf32, #tpu.memory_space<vmem_shared>> -> memref<10000xf32, #tpu.memory_space<vmem_shared>>
          tpu.enqueue_indirect_dma source(%dma_start3A_669 : memref<128xf32, #tpu.memory_space<vmem>>) target(%dma_start3A_674 : memref<10000xf32, #tpu.memory_space<vmem_shared>>) offsets(%dma_start3A_672 : memref<128xi32, #tpu.memory_space<vmem>>) semaphore(%run_scoped3A_666 : memref<!tpu.dma_semaphore, #tpu.memory_space<semaphore_mem>>) {add = true}
          %dma_wait3A_675 = arith.constant 0 : i32
          %dma_wait3A_676 = tpu.memref_slice %arg16[%run_scoped3A_664, %dma_wait3A_675] : memref<2x128xf32, #tpu.memory_space<vmem>> -> memref<1x128xf32, #tpu.memory_space<vmem>>
          %dma_wait3A_677 = tpu.memref_squeeze %dma_wait3A_676 : memref<1x128xf32, #tpu.memory_space<vmem>> -> memref<128xf32, #tpu.memory_space<vmem>>
          %dma_wait3A_678 = arith.constant 0 : i32
          %dma_wait3A_679 = tpu.memref_slice %arg12[%run_scoped3A_665, %dma_wait3A_678] : memref<2x128xi32, #tpu.memory_space<vmem>> -> memref<1x128xi32, #tpu.memory_space<vmem>>
          %dma_wait3A_680 = tpu.memref_squeeze %dma_wait3A_679 : memref<1x128xi32, #tpu.memory_space<vmem>> -> memref<128xi32, #tpu.memory_space<vmem>>
          %dma_wait3A_681 = arith.constant 0 : i32
          %dma_wait3A_682 = tpu.memref_slice %arg20[%dma_wait3A_681] : memref<10000xf32, #tpu.memory_space<vmem_shared>> -> memref<10000xf32, #tpu.memory_space<vmem_shared>>
          tpu.wait_indirect_dma semaphore(%run_scoped3A_666 : memref<!tpu.dma_semaphore, #tpu.memory_space<semaphore_mem>>) src(%dma_wait3A_677 : memref<128xf32, #tpu.memory_space<vmem>>) dst(%dma_wait3A_682 : memref<10000xf32, #tpu.memory_space<vmem_shared>>)
          tpu.yield
        }) : () -> ()
      } else {
      }
    }
    %while3A_32 = arith.constant 1 : i32
    scf.for %while3A_95 = %while3A_30 to %while3A_26 step %while3A_32  : i32 {
      %mul3A_96 = arith.constant 16 : i32
      %mul3A_97 = arith.muli %while3A_95, %mul3A_96 : i32
      %add3A_98 = arith.addi %mul3A_97, %arg1 : i32
      "tpu.region"() ({
        %run_scoped3A_664 = tpu.sem_alloc : memref<!tpu.dma_semaphore, #tpu.memory_space<semaphore_mem>>
        %dma_start3A_665 = arith.constant 0 : i32
        %dma_start3A_666 = arith.constant 0 : i32
        %dma_start3A_667 = tpu.memref_slice %arg7[%add3A_98, %dma_start3A_665, %dma_start3A_666] : memref<1250x2x128xi32, #tpu.memory_space<hbm>> -> memref<1x2x128xi32, #tpu.memory_space<hbm>>
        %dma_start3A_668 = tpu.memref_squeeze %dma_start3A_667 : memref<1x2x128xi32, #tpu.memory_space<hbm>> -> memref<2x128xi32, #tpu.memory_space<hbm>>
        %dma_start3A_669 = arith.constant 0 : i32
        %dma_start3A_670 = arith.constant 0 : i32
        %dma_start3A_671 = tpu.memref_slice %arg7[%add3A_98, %dma_start3A_669, %dma_start3A_670] : memref<1250x2x128xi32, #tpu.memory_space<hbm>> -> memref<1x2x128xi32, #tpu.memory_space<hbm>>
        %dma_start3A_672 = tpu.memref_squeeze %dma_start3A_671 : memref<1x2x128xi32, #tpu.memory_space<hbm>> -> memref<2x128xi32, #tpu.memory_space<hbm>>
        tpu.enqueue_dma source(%dma_start3A_672 : memref<2x128xi32, #tpu.memory_space<hbm>>) target(%arg11 : memref<2x128xi32, #tpu.memory_space<vmem>>) target_semaphore(%run_scoped3A_664 : memref<!tpu.dma_semaphore, #tpu.memory_space<semaphore_mem>>)
        %dma_wait3A_673 = arith.constant 0 : i32
        %dma_wait3A_674 = arith.constant 0 : i32
        %dma_wait3A_675 = tpu.memref_slice %arg7[%add3A_98, %dma_wait3A_673, %dma_wait3A_674] : memref<1250x2x128xi32, #tpu.memory_space<hbm>> -> memref<1x2x128xi32, #tpu.memory_space<hbm>>
        %dma_wait3A_676 = tpu.memref_squeeze %dma_wait3A_675 : memref<1x2x128xi32, #tpu.memory_space<hbm>> -> memref<2x128xi32, #tpu.memory_space<hbm>>
        %dma_wait3A_677 = arith.constant 0 : i32
        %dma_wait3A_678 = arith.constant 0 : i32
        %dma_wait3A_679 = tpu.memref_slice %arg7[%add3A_98, %dma_wait3A_677, %dma_wait3A_678] : memref<1250x2x128xi32, #tpu.memory_space<hbm>> -> memref<1x2x128xi32, #tpu.memory_space<hbm>>
        %dma_wait3A_680 = tpu.memref_squeeze %dma_wait3A_679 : memref<1x2x128xi32, #tpu.memory_space<hbm>> -> memref<2x128xi32, #tpu.memory_space<hbm>>
        tpu.wait_dma2 semaphore(%run_scoped3A_664 : memref<!tpu.dma_semaphore, #tpu.memory_space<semaphore_mem>>) src(%dma_wait3A_680 : memref<2x128xi32, #tpu.memory_space<hbm>>) dst(%arg11 : memref<2x128xi32, #tpu.memory_space<vmem>>)
        tpu.yield
      }) : () -> ()
      "tpu.region"() ({
        %run_scoped3A_664 = tpu.sem_alloc : memref<!tpu.dma_semaphore, #tpu.memory_space<semaphore_mem>>
        %dma_start3A_665 = arith.constant 0 : i32
        %dma_start3A_666 = arith.constant 0 : i32
        %dma_start3A_667 = tpu.memref_slice %arg8[%add3A_98, %dma_start3A_665, %dma_start3A_666] : memref<1250x2x128xi32, #tpu.memory_space<hbm>> -> memref<1x2x128xi32, #tpu.memory_space<hbm>>
        %dma_start3A_668 = tpu.memref_squeeze %dma_start3A_667 : memref<1x2x128xi32, #tpu.memory_space<hbm>> -> memref<2x128xi32, #tpu.memory_space<hbm>>
        %dma_start3A_669 = arith.constant 0 : i32
        %dma_start3A_670 = arith.constant 0 : i32
        %dma_start3A_671 = tpu.memref_slice %arg8[%add3A_98, %dma_start3A_669, %dma_start3A_670] : memref<1250x2x128xi32, #tpu.memory_space<hbm>> -> memref<1x2x128xi32, #tpu.memory_space<hbm>>
        %dma_start3A_672 = tpu.memref_squeeze %dma_start3A_671 : memref<1x2x128xi32, #tpu.memory_space<hbm>> -> memref<2x128xi32, #tpu.memory_space<hbm>>
        tpu.enqueue_dma source(%dma_start3A_672 : memref<2x128xi32, #tpu.memory_space<hbm>>) target(%arg12 : memref<2x128xi32, #tpu.memory_space<vmem>>) target_semaphore(%run_scoped3A_664 : memref<!tpu.dma_semaphore, #tpu.memory_space<semaphore_mem>>)
        %dma_wait3A_673 = arith.constant 0 : i32
        %dma_wait3A_674 = arith.constant 0 : i32
        %dma_wait3A_675 = tpu.memref_slice %arg8[%add3A_98, %dma_wait3A_673, %dma_wait3A_674] : memref<1250x2x128xi32, #tpu.memory_space<hbm>> -> memref<1x2x128xi32, #tpu.memory_space<hbm>>
        %dma_wait3A_676 = tpu.memref_squeeze %dma_wait3A_675 : memref<1x2x128xi32, #tpu.memory_space<hbm>> -> memref<2x128xi32, #tpu.memory_space<hbm>>
        %dma_wait3A_677 = arith.constant 0 : i32
        %dma_wait3A_678 = arith.constant 0 : i32
        %dma_wait3A_679 = tpu.memref_slice %arg8[%add3A_98, %dma_wait3A_677, %dma_wait3A_678] : memref<1250x2x128xi32, #tpu.memory_space<hbm>> -> memref<1x2x128xi32, #tpu.memory_space<hbm>>
        %dma_wait3A_680 = tpu.memref_squeeze %dma_wait3A_679 : memref<1x2x128xi32, #tpu.memory_space<hbm>> -> memref<2x128xi32, #tpu.memory_space<hbm>>
        tpu.wait_dma2 semaphore(%run_scoped3A_664 : memref<!tpu.dma_semaphore, #tpu.memory_space<semaphore_mem>>) src(%dma_wait3A_680 : memref<2x128xi32, #tpu.memory_space<hbm>>) dst(%arg12 : memref<2x128xi32, #tpu.memory_space<vmem>>)
        tpu.yield
      }) : () -> ()
      %get3A = arith.constant 0 : i32
      %get3A_99 = arith.index_cast %get3A : i32 to index
      %get3A_100 = arith.constant 0 : index
      %get3A_101 = tpu.vector_load %arg11[%get3A_99, %get3A_100] {strides = array<i32>} : memref<2x128xi32, #tpu.memory_space<vmem>>, vector<16xi32>,
      %get3A_102 = arith.constant 0 : i32
      %get3A_103 = arith.index_cast %get3A_102 : i32 to index
      %get3A_104 = arith.constant 0 : index
      %get3A_105 = tpu.vector_load %arg12[%get3A_103, %get3A_104] {strides = array<i32>} : memref<2x128xi32, #tpu.memory_space<vmem>>, vector<16xi32>,
      %mul3A_106 = arith.constant 10000 : i32
      %mul3A_107 = arith.muli %add3A_2, %mul3A_106 : i32
      %add3A_108 = vector.broadcast %mul3A_107 : i32 to vector<16xi32>
      %add3A_109 = arith.addi %get3A_101, %add3A_108 : vector<16xi32>
      %swap3A = arith.constant 0 : i32
      %swap3A_110 = arith.index_cast %swap3A : i32 to index
      %swap3A_111 = arith.constant 0 : index
      %swap3A_112 = tpu.vector_load %arg13[%swap3A_110, %swap3A_111] {strides = array<i32>} : memref<2x128xi32, #tpu.memory_space<vmem>>, vector<16xi32>,
      tpu.vector_store %arg13[%swap3A_110, %swap3A_111], %add3A_109 {strides = array<i32>} : memref<2x128xi32, #tpu.memory_space<vmem>>, vector<16xi32>,
      %gather3A = tpu.vector_load_idx %arg14[%get3A_101] : memref<10000xf32, #tpu.memory_space<vmem>>[vector<16xi32>], vector<16xf32>,
      %gather3A_113 = tpu.vector_load_idx %arg15[%get3A_105] : memref<10000xf32, #tpu.memory_space<vmem>>[vector<16xi32>], vector<16xf32>,
      %add3A_114 = arith.addf %gather3A, %gather3A_113 : vector<16xf32>
      %ge3A = arith.constant 0.000000e+00 : f32
      %ge3A_115 = vector.broadcast %ge3A : f32 to vector<16xf32>
      %ge3A_116 = arith.cmpf oge, %add3A_114, %ge3A_115 : vector<16xf32>
      %mul3A_117 = arith.constant 2.000000e-01 : f32
      %mul3A_118 = vector.broadcast %mul3A_117 : f32 to vector<16xf32>
      %mul3A_119 = arith.mulf %mul3A_118, %add3A_114 : vector<16xf32>
      %select_n3A_120 = arith.select %ge3A_116, %add3A_114, %mul3A_119 : vector<16xi1>, vector<16xf32>
      %exp3A = math.exp %select_n3A_120 : vector<16xf32>
      %swap3A_121 = arith.constant 0 : i32
      %swap3A_122 = arith.index_cast %swap3A_121 : i32 to index
      %swap3A_123 = arith.constant 0 : index
      %swap3A_124 = tpu.vector_load %arg16[%swap3A_122, %swap3A_123] {strides = array<i32>} : memref<2x128xf32, #tpu.memory_space<vmem>>, vector<16xf32>,
      tpu.vector_store %arg16[%swap3A_122, %swap3A_123], %exp3A {strides = array<i32>} : memref<2x128xf32, #tpu.memory_space<vmem>>, vector<16xf32>,
      %swap3A_125 = arith.constant 0 : index
      %swap3A_126 = tpu.vector_load %arg17[%swap3A_125] {strides = array<i32>} : memref<128xf32, #tpu.memory_space<vmem>>, vector<16xf32>,
      tpu.vector_store %arg17[%swap3A_125], %exp3A {strides = array<i32>} : memref<128xf32, #tpu.memory_space<vmem>>, vector<16xf32>,
      %get3A_127 = arith.constant 0 : i32
      %get3A_128 = arith.index_cast %get3A_127 : i32 to index
      %get3A_129 = arith.constant 16 : index
      %get3A_130 = tpu.vector_load %arg11[%get3A_128, %get3A_129] {strides = array<i32>} : memref<2x128xi32, #tpu.memory_space<vmem>>, vector<16xi32>,
      %get3A_131 = arith.constant 0 : i32
      %get3A_132 = arith.index_cast %get3A_131 : i32 to index
      %get3A_133 = arith.constant 16 : index
      %get3A_134 = tpu.vector_load %arg12[%get3A_132, %get3A_133] {strides = array<i32>} : memref<2x128xi32, #tpu.memory_space<vmem>>, vector<16xi32>,
      %mul3A_135 = arith.constant 10000 : i32
      %mul3A_136 = arith.muli %add3A_2, %mul3A_135 : i32
      %add3A_137 = vector.broadcast %mul3A_136 : i32 to vector<16xi32>
      %add3A_138 = arith.addi %get3A_130, %add3A_137 : vector<16xi32>
      %swap3A_139 = arith.constant 0 : i32
      %swap3A_140 = arith.index_cast %swap3A_139 : i32 to index
      %swap3A_141 = arith.constant 16 : index
      %swap3A_142 = tpu.vector_load %arg13[%swap3A_140, %swap3A_141] {strides = array<i32>} : memref<2x128xi32, #tpu.memory_space<vmem>>, vector<16xi32>,
      tpu.vector_store %arg13[%swap3A_140, %swap3A_141], %add3A_138 {strides = array<i32>} : memref<2x128xi32, #tpu.memory_space<vmem>>, vector<16xi32>,
      %gather3A_143 = tpu.vector_load_idx %arg14[%get3A_130] : memref<10000xf32, #tpu.memory_space<vmem>>[vector<16xi32>], vector<16xf32>,
      %gather3A_144 = tpu.vector_load_idx %arg15[%get3A_134] : memref<10000xf32, #tpu.memory_space<vmem>>[vector<16xi32>], vector<16xf32>,
      %add3A_145 = arith.addf %gather3A_143, %gather3A_144 : vector<16xf32>
      %ge3A_146 = arith.constant 0.000000e+00 : f32
      %ge3A_147 = vector.broadcast %ge3A_146 : f32 to vector<16xf32>
      %ge3A_148 = arith.cmpf oge, %add3A_145, %ge3A_147 : vector<16xf32>
      %mul3A_149 = arith.constant 2.000000e-01 : f32
      %mul3A_150 = vector.broadcast %mul3A_149 : f32 to vector<16xf32>
      %mul3A_151 = arith.mulf %mul3A_150, %add3A_145 : vector<16xf32>
      %select_n3A_152 = arith.select %ge3A_148, %add3A_145, %mul3A_151 : vector<16xi1>, vector<16xf32>
      %exp3A_153 = math.exp %select_n3A_152 : vector<16xf32>
      %swap3A_154 = arith.constant 0 : i32
      %swap3A_155 = arith.index_cast %swap3A_154 : i32 to index
      %swap3A_156 = arith.constant 16 : index
      %swap3A_157 = tpu.vector_load %arg16[%swap3A_155, %swap3A_156] {strides = array<i32>} : memref<2x128xf32, #tpu.memory_space<vmem>>, vector<16xf32>,
      tpu.vector_store %arg16[%swap3A_155, %swap3A_156], %exp3A_153 {strides = array<i32>} : memref<2x128xf32, #tpu.memory_space<vmem>>, vector<16xf32>,
      %swap3A_158 = arith.constant 16 : index
      %swap3A_159 = tpu.vector_load %arg17[%swap3A_158] {strides = array<i32>} : memref<128xf32, #tpu.memory_space<vmem>>, vector<16xf32>,
      tpu.vector_store %arg17[%swap3A_158], %exp3A_153 {strides = array<i32>} : memref<128xf32, #tpu.memory_space<vmem>>, vector<16xf32>,
      %get3A_160 = arith.constant 0 : i32
      %get3A_161 = arith.index_cast %get3A_160 : i32 to index
      %get3A_162 = arith.constant 32 : index
      %get3A_163 = tpu.vector_load %arg11[%get3A_161, %get3A_162] {strides = array<i32>} : memref<2x128xi32, #tpu.memory_space<vmem>>, vector<16xi32>,
      %get3A_164 = arith.constant 0 : i32
      %get3A_165 = arith.index_cast %get3A_164 : i32 to index
      %get3A_166 = arith.constant 32 : index
      %get3A_167 = tpu.vector_load %arg12[%get3A_165, %get3A_166] {strides = array<i32>} : memref<2x128xi32, #tpu.memory_space<vmem>>, vector<16xi32>,
      %mul3A_168 = arith.constant 10000 : i32
      %mul3A_169 = arith.muli %add3A_2, %mul3A_168 : i32
      %add3A_170 = vector.broadcast %mul3A_169 : i32 to vector<16xi32>
      %add3A_171 = arith.addi %get3A_163, %add3A_170 : vector<16xi32>
      %swap3A_172 = arith.constant 0 : i32
      %swap3A_173 = arith.index_cast %swap3A_172 : i32 to index
      %swap3A_174 = arith.constant 32 : index
      %swap3A_175 = tpu.vector_load %arg13[%swap3A_173, %swap3A_174] {strides = array<i32>} : memref<2x128xi32, #tpu.memory_space<vmem>>, vector<16xi32>,
      tpu.vector_store %arg13[%swap3A_173, %swap3A_174], %add3A_171 {strides = array<i32>} : memref<2x128xi32, #tpu.memory_space<vmem>>, vector<16xi32>,
      %gather3A_176 = tpu.vector_load_idx %arg14[%get3A_163] : memref<10000xf32, #tpu.memory_space<vmem>>[vector<16xi32>], vector<16xf32>,
      %gather3A_177 = tpu.vector_load_idx %arg15[%get3A_167] : memref<10000xf32, #tpu.memory_space<vmem>>[vector<16xi32>], vector<16xf32>,
      %add3A_178 = arith.addf %gather3A_176, %gather3A_177 : vector<16xf32>
      %ge3A_179 = arith.constant 0.000000e+00 : f32
      %ge3A_180 = vector.broadcast %ge3A_179 : f32 to vector<16xf32>
      %ge3A_181 = arith.cmpf oge, %add3A_178, %ge3A_180 : vector<16xf32>
      %mul3A_182 = arith.constant 2.000000e-01 : f32
      %mul3A_183 = vector.broadcast %mul3A_182 : f32 to vector<16xf32>
      %mul3A_184 = arith.mulf %mul3A_183, %add3A_178 : vector<16xf32>
      %select_n3A_185 = arith.select %ge3A_181, %add3A_178, %mul3A_184 : vector<16xi1>, vector<16xf32>
      %exp3A_186 = math.exp %select_n3A_185 : vector<16xf32>
      %swap3A_187 = arith.constant 0 : i32
      %swap3A_188 = arith.index_cast %swap3A_187 : i32 to index
      %swap3A_189 = arith.constant 32 : index
      %swap3A_190 = tpu.vector_load %arg16[%swap3A_188, %swap3A_189] {strides = array<i32>} : memref<2x128xf32, #tpu.memory_space<vmem>>, vector<16xf32>,
      tpu.vector_store %arg16[%swap3A_188, %swap3A_189], %exp3A_186 {strides = array<i32>} : memref<2x128xf32, #tpu.memory_space<vmem>>, vector<16xf32>,
      %swap3A_191 = arith.constant 32 : index
      %swap3A_192 = tpu.vector_load %arg17[%swap3A_191] {strides = array<i32>} : memref<128xf32, #tpu.memory_space<vmem>>, vector<16xf32>,
      tpu.vector_store %arg17[%swap3A_191], %exp3A_186 {strides = array<i32>} : memref<128xf32, #tpu.memory_space<vmem>>, vector<16xf32>,
      %get3A_193 = arith.constant 0 : i32
      %get3A_194 = arith.index_cast %get3A_193 : i32 to index
      %get3A_195 = arith.constant 48 : index
      %get3A_196 = tpu.vector_load %arg11[%get3A_194, %get3A_195] {strides = array<i32>} : memref<2x128xi32, #tpu.memory_space<vmem>>, vector<16xi32>,
      %get3A_197 = arith.constant 0 : i32
      %get3A_198 = arith.index_cast %get3A_197 : i32 to index
      %get3A_199 = arith.constant 48 : index
      %get3A_200 = tpu.vector_load %arg12[%get3A_198, %get3A_199] {strides = array<i32>} : memref<2x128xi32, #tpu.memory_space<vmem>>, vector<16xi32>,
      %mul3A_201 = arith.constant 10000 : i32
      %mul3A_202 = arith.muli %add3A_2, %mul3A_201 : i32
      %add3A_203 = vector.broadcast %mul3A_202 : i32 to vector<16xi32>
      %add3A_204 = arith.addi %get3A_196, %add3A_203 : vector<16xi32>
      %swap3A_205 = arith.constant 0 : i32
      %swap3A_206 = arith.index_cast %swap3A_205 : i32 to index
      %swap3A_207 = arith.constant 48 : index
      %swap3A_208 = tpu.vector_load %arg13[%swap3A_206, %swap3A_207] {strides = array<i32>} : memref<2x128xi32, #tpu.memory_space<vmem>>, vector<16xi32>,
      tpu.vector_store %arg13[%swap3A_206, %swap3A_207], %add3A_204 {strides = array<i32>} : memref<2x128xi32, #tpu.memory_space<vmem>>, vector<16xi32>,
      %gather3A_209 = tpu.vector_load_idx %arg14[%get3A_196] : memref<10000xf32, #tpu.memory_space<vmem>>[vector<16xi32>], vector<16xf32>,
      %gather3A_210 = tpu.vector_load_idx %arg15[%get3A_200] : memref<10000xf32, #tpu.memory_space<vmem>>[vector<16xi32>], vector<16xf32>,
      %add3A_211 = arith.addf %gather3A_209, %gather3A_210 : vector<16xf32>
      %ge3A_212 = arith.constant 0.000000e+00 : f32
      %ge3A_213 = vector.broadcast %ge3A_212 : f32 to vector<16xf32>
      %ge3A_214 = arith.cmpf oge, %add3A_211, %ge3A_213 : vector<16xf32>
      %mul3A_215 = arith.constant 2.000000e-01 : f32
      %mul3A_216 = vector.broadcast %mul3A_215 : f32 to vector<16xf32>
      %mul3A_217 = arith.mulf %mul3A_216, %add3A_211 : vector<16xf32>
      %select_n3A_218 = arith.select %ge3A_214, %add3A_211, %mul3A_217 : vector<16xi1>, vector<16xf32>
      %exp3A_219 = math.exp %select_n3A_218 : vector<16xf32>
      %swap3A_220 = arith.constant 0 : i32
      %swap3A_221 = arith.index_cast %swap3A_220 : i32 to index
      %swap3A_222 = arith.constant 48 : index
      %swap3A_223 = tpu.vector_load %arg16[%swap3A_221, %swap3A_222] {strides = array<i32>} : memref<2x128xf32, #tpu.memory_space<vmem>>, vector<16xf32>,
      tpu.vector_store %arg16[%swap3A_221, %swap3A_222], %exp3A_219 {strides = array<i32>} : memref<2x128xf32, #tpu.memory_space<vmem>>, vector<16xf32>,
      %swap3A_224 = arith.constant 48 : index
      %swap3A_225 = tpu.vector_load %arg17[%swap3A_224] {strides = array<i32>} : memref<128xf32, #tpu.memory_space<vmem>>, vector<16xf32>,
      tpu.vector_store %arg17[%swap3A_224], %exp3A_219 {strides = array<i32>} : memref<128xf32, #tpu.memory_space<vmem>>, vector<16xf32>,
      %get3A_226 = arith.constant 0 : i32
      %get3A_227 = arith.index_cast %get3A_226 : i32 to index
      %get3A_228 = arith.constant 64 : index
      %get3A_229 = tpu.vector_load %arg11[%get3A_227, %get3A_228] {strides = array<i32>} : memref<2x128xi32, #tpu.memory_space<vmem>>, vector<16xi32>,
      %get3A_230 = arith.constant 0 : i32
      %get3A_231 = arith.index_cast %get3A_230 : i32 to index
      %get3A_232 = arith.constant 64 : index
      %get3A_233 = tpu.vector_load %arg12[%get3A_231, %get3A_232] {strides = array<i32>} : memref<2x128xi32, #tpu.memory_space<vmem>>, vector<16xi32>,
      %mul3A_234 = arith.constant 10000 : i32
      %mul3A_235 = arith.muli %add3A_2, %mul3A_234 : i32
      %add3A_236 = vector.broadcast %mul3A_235 : i32 to vector<16xi32>
      %add3A_237 = arith.addi %get3A_229, %add3A_236 : vector<16xi32>
      %swap3A_238 = arith.constant 0 : i32
      %swap3A_239 = arith.index_cast %swap3A_238 : i32 to index
      %swap3A_240 = arith.constant 64 : index
      %swap3A_241 = tpu.vector_load %arg13[%swap3A_239, %swap3A_240] {strides = array<i32>} : memref<2x128xi32, #tpu.memory_space<vmem>>, vector<16xi32>,
      tpu.vector_store %arg13[%swap3A_239, %swap3A_240], %add3A_237 {strides = array<i32>} : memref<2x128xi32, #tpu.memory_space<vmem>>, vector<16xi32>,
      %gather3A_242 = tpu.vector_load_idx %arg14[%get3A_229] : memref<10000xf32, #tpu.memory_space<vmem>>[vector<16xi32>], vector<16xf32>,
      %gather3A_243 = tpu.vector_load_idx %arg15[%get3A_233] : memref<10000xf32, #tpu.memory_space<vmem>>[vector<16xi32>], vector<16xf32>,
      %add3A_244 = arith.addf %gather3A_242, %gather3A_243 : vector<16xf32>
      %ge3A_245 = arith.constant 0.000000e+00 : f32
      %ge3A_246 = vector.broadcast %ge3A_245 : f32 to vector<16xf32>
      %ge3A_247 = arith.cmpf oge, %add3A_244, %ge3A_246 : vector<16xf32>
      %mul3A_248 = arith.constant 2.000000e-01 : f32
      %mul3A_249 = vector.broadcast %mul3A_248 : f32 to vector<16xf32>
      %mul3A_250 = arith.mulf %mul3A_249, %add3A_244 : vector<16xf32>
      %select_n3A_251 = arith.select %ge3A_247, %add3A_244, %mul3A_250 : vector<16xi1>, vector<16xf32>
      %exp3A_252 = math.exp %select_n3A_251 : vector<16xf32>
      %swap3A_253 = arith.constant 0 : i32
      %swap3A_254 = arith.index_cast %swap3A_253 : i32 to index
      %swap3A_255 = arith.constant 64 : index
      %swap3A_256 = tpu.vector_load %arg16[%swap3A_254, %swap3A_255] {strides = array<i32>} : memref<2x128xf32, #tpu.memory_space<vmem>>, vector<16xf32>,
      tpu.vector_store %arg16[%swap3A_254, %swap3A_255], %exp3A_252 {strides = array<i32>} : memref<2x128xf32, #tpu.memory_space<vmem>>, vector<16xf32>,
      %swap3A_257 = arith.constant 64 : index
      %swap3A_258 = tpu.vector_load %arg17[%swap3A_257] {strides = array<i32>} : memref<128xf32, #tpu.memory_space<vmem>>, vector<16xf32>,
      tpu.vector_store %arg17[%swap3A_257], %exp3A_252 {strides = array<i32>} : memref<128xf32, #tpu.memory_space<vmem>>, vector<16xf32>,
      %get3A_259 = arith.constant 0 : i32
      %get3A_260 = arith.index_cast %get3A_259 : i32 to index
      %get3A_261 = arith.constant 80 : index
      %get3A_262 = tpu.vector_load %arg11[%get3A_260, %get3A_261] {strides = array<i32>} : memref<2x128xi32, #tpu.memory_space<vmem>>, vector<16xi32>,
      %get3A_263 = arith.constant 0 : i32
      %get3A_264 = arith.index_cast %get3A_263 : i32 to index
      %get3A_265 = arith.constant 80 : index
      %get3A_266 = tpu.vector_load %arg12[%get3A_264, %get3A_265] {strides = array<i32>} : memref<2x128xi32, #tpu.memory_space<vmem>>, vector<16xi32>,
      %mul3A_267 = arith.constant 10000 : i32
      %mul3A_268 = arith.muli %add3A_2, %mul3A_267 : i32
      %add3A_269 = vector.broadcast %mul3A_268 : i32 to vector<16xi32>
      %add3A_270 = arith.addi %get3A_262, %add3A_269 : vector<16xi32>
      %swap3A_271 = arith.constant 0 : i32
      %swap3A_272 = arith.index_cast %swap3A_271 : i32 to index
      %swap3A_273 = arith.constant 80 : index
      %swap3A_274 = tpu.vector_load %arg13[%swap3A_272, %swap3A_273] {strides = array<i32>} : memref<2x128xi32, #tpu.memory_space<vmem>>, vector<16xi32>,
      tpu.vector_store %arg13[%swap3A_272, %swap3A_273], %add3A_270 {strides = array<i32>} : memref<2x128xi32, #tpu.memory_space<vmem>>, vector<16xi32>,
      %gather3A_275 = tpu.vector_load_idx %arg14[%get3A_262] : memref<10000xf32, #tpu.memory_space<vmem>>[vector<16xi32>], vector<16xf32>,
      %gather3A_276 = tpu.vector_load_idx %arg15[%get3A_266] : memref<10000xf32, #tpu.memory_space<vmem>>[vector<16xi32>], vector<16xf32>,
      %add3A_277 = arith.addf %gather3A_275, %gather3A_276 : vector<16xf32>
      %ge3A_278 = arith.constant 0.000000e+00 : f32
      %ge3A_279 = vector.broadcast %ge3A_278 : f32 to vector<16xf32>
      %ge3A_280 = arith.cmpf oge, %add3A_277, %ge3A_279 : vector<16xf32>
      %mul3A_281 = arith.constant 2.000000e-01 : f32
      %mul3A_282 = vector.broadcast %mul3A_281 : f32 to vector<16xf32>
      %mul3A_283 = arith.mulf %mul3A_282, %add3A_277 : vector<16xf32>
      %select_n3A_284 = arith.select %ge3A_280, %add3A_277, %mul3A_283 : vector<16xi1>, vector<16xf32>
      %exp3A_285 = math.exp %select_n3A_284 : vector<16xf32>
      %swap3A_286 = arith.constant 0 : i32
      %swap3A_287 = arith.index_cast %swap3A_286 : i32 to index
      %swap3A_288 = arith.constant 80 : index
      %swap3A_289 = tpu.vector_load %arg16[%swap3A_287, %swap3A_288] {strides = array<i32>} : memref<2x128xf32, #tpu.memory_space<vmem>>, vector<16xf32>,
      tpu.vector_store %arg16[%swap3A_287, %swap3A_288], %exp3A_285 {strides = array<i32>} : memref<2x128xf32, #tpu.memory_space<vmem>>, vector<16xf32>,
      %swap3A_290 = arith.constant 80 : index
      %swap3A_291 = tpu.vector_load %arg17[%swap3A_290] {strides = array<i32>} : memref<128xf32, #tpu.memory_space<vmem>>, vector<16xf32>,
      tpu.vector_store %arg17[%swap3A_290], %exp3A_285 {strides = array<i32>} : memref<128xf32, #tpu.memory_space<vmem>>, vector<16xf32>,
      %get3A_292 = arith.constant 0 : i32
      %get3A_293 = arith.index_cast %get3A_292 : i32 to index
      %get3A_294 = arith.constant 96 : index
      %get3A_295 = tpu.vector_load %arg11[%get3A_293, %get3A_294] {strides = array<i32>} : memref<2x128xi32, #tpu.memory_space<vmem>>, vector<16xi32>,
      %get3A_296 = arith.constant 0 : i32
      %get3A_297 = arith.index_cast %get3A_296 : i32 to index
      %get3A_298 = arith.constant 96 : index
      %get3A_299 = tpu.vector_load %arg12[%get3A_297, %get3A_298] {strides = array<i32>} : memref<2x128xi32, #tpu.memory_space<vmem>>, vector<16xi32>,
      %mul3A_300 = arith.constant 10000 : i32
      %mul3A_301 = arith.muli %add3A_2, %mul3A_300 : i32
      %add3A_302 = vector.broadcast %mul3A_301 : i32 to vector<16xi32>
      %add3A_303 = arith.addi %get3A_295, %add3A_302 : vector<16xi32>
      %swap3A_304 = arith.constant 0 : i32
      %swap3A_305 = arith.index_cast %swap3A_304 : i32 to index
      %swap3A_306 = arith.constant 96 : index
      %swap3A_307 = tpu.vector_load %arg13[%swap3A_305, %swap3A_306] {strides = array<i32>} : memref<2x128xi32, #tpu.memory_space<vmem>>, vector<16xi32>,
      tpu.vector_store %arg13[%swap3A_305, %swap3A_306], %add3A_303 {strides = array<i32>} : memref<2x128xi32, #tpu.memory_space<vmem>>, vector<16xi32>,
      %gather3A_308 = tpu.vector_load_idx %arg14[%get3A_295] : memref<10000xf32, #tpu.memory_space<vmem>>[vector<16xi32>], vector<16xf32>,
      %gather3A_309 = tpu.vector_load_idx %arg15[%get3A_299] : memref<10000xf32, #tpu.memory_space<vmem>>[vector<16xi32>], vector<16xf32>,
      %add3A_310 = arith.addf %gather3A_308, %gather3A_309 : vector<16xf32>
      %ge3A_311 = arith.constant 0.000000e+00 : f32
      %ge3A_312 = vector.broadcast %ge3A_311 : f32 to vector<16xf32>
      %ge3A_313 = arith.cmpf oge, %add3A_310, %ge3A_312 : vector<16xf32>
      %mul3A_314 = arith.constant 2.000000e-01 : f32
      %mul3A_315 = vector.broadcast %mul3A_314 : f32 to vector<16xf32>
      %mul3A_316 = arith.mulf %mul3A_315, %add3A_310 : vector<16xf32>
      %select_n3A_317 = arith.select %ge3A_313, %add3A_310, %mul3A_316 : vector<16xi1>, vector<16xf32>
      %exp3A_318 = math.exp %select_n3A_317 : vector<16xf32>
      %swap3A_319 = arith.constant 0 : i32
      %swap3A_320 = arith.index_cast %swap3A_319 : i32 to index
      %swap3A_321 = arith.constant 96 : index
      %swap3A_322 = tpu.vector_load %arg16[%swap3A_320, %swap3A_321] {strides = array<i32>} : memref<2x128xf32, #tpu.memory_space<vmem>>, vector<16xf32>,
      tpu.vector_store %arg16[%swap3A_320, %swap3A_321], %exp3A_318 {strides = array<i32>} : memref<2x128xf32, #tpu.memory_space<vmem>>, vector<16xf32>,
      %swap3A_323 = arith.constant 96 : index
      %swap3A_324 = tpu.vector_load %arg17[%swap3A_323] {strides = array<i32>} : memref<128xf32, #tpu.memory_space<vmem>>, vector<16xf32>,
      tpu.vector_store %arg17[%swap3A_323], %exp3A_318 {strides = array<i32>} : memref<128xf32, #tpu.memory_space<vmem>>, vector<16xf32>,
      %get3A_325 = arith.constant 0 : i32
      %get3A_326 = arith.index_cast %get3A_325 : i32 to index
      %get3A_327 = arith.constant 112 : index
      %get3A_328 = tpu.vector_load %arg11[%get3A_326, %get3A_327] {strides = array<i32>} : memref<2x128xi32, #tpu.memory_space<vmem>>, vector<16xi32>,
      %get3A_329 = arith.constant 0 : i32
      %get3A_330 = arith.index_cast %get3A_329 : i32 to index
      %get3A_331 = arith.constant 112 : index
      %get3A_332 = tpu.vector_load %arg12[%get3A_330, %get3A_331] {strides = array<i32>} : memref<2x128xi32, #tpu.memory_space<vmem>>, vector<16xi32>,
      %mul3A_333 = arith.constant 10000 : i32
      %mul3A_334 = arith.muli %add3A_2, %mul3A_333 : i32
      %add3A_335 = vector.broadcast %mul3A_334 : i32 to vector<16xi32>
      %add3A_336 = arith.addi %get3A_328, %add3A_335 : vector<16xi32>
      %swap3A_337 = arith.constant 0 : i32
      %swap3A_338 = arith.index_cast %swap3A_337 : i32 to index
      %swap3A_339 = arith.constant 112 : index
      %swap3A_340 = tpu.vector_load %arg13[%swap3A_338, %swap3A_339] {strides = array<i32>} : memref<2x128xi32, #tpu.memory_space<vmem>>, vector<16xi32>,
      tpu.vector_store %arg13[%swap3A_338, %swap3A_339], %add3A_336 {strides = array<i32>} : memref<2x128xi32, #tpu.memory_space<vmem>>, vector<16xi32>,
      %gather3A_341 = tpu.vector_load_idx %arg14[%get3A_328] : memref<10000xf32, #tpu.memory_space<vmem>>[vector<16xi32>], vector<16xf32>,
      %gather3A_342 = tpu.vector_load_idx %arg15[%get3A_332] : memref<10000xf32, #tpu.memory_space<vmem>>[vector<16xi32>], vector<16xf32>,
      %add3A_343 = arith.addf %gather3A_341, %gather3A_342 : vector<16xf32>
      %ge3A_344 = arith.constant 0.000000e+00 : f32
      %ge3A_345 = vector.broadcast %ge3A_344 : f32 to vector<16xf32>
      %ge3A_346 = arith.cmpf oge, %add3A_343, %ge3A_345 : vector<16xf32>
      %mul3A_347 = arith.constant 2.000000e-01 : f32
      %mul3A_348 = vector.broadcast %mul3A_347 : f32 to vector<16xf32>
      %mul3A_349 = arith.mulf %mul3A_348, %add3A_343 : vector<16xf32>
      %select_n3A_350 = arith.select %ge3A_346, %add3A_343, %mul3A_349 : vector<16xi1>, vector<16xf32>
      %exp3A_351 = math.exp %select_n3A_350 : vector<16xf32>
      %swap3A_352 = arith.constant 0 : i32
      %swap3A_353 = arith.index_cast %swap3A_352 : i32 to index
      %swap3A_354 = arith.constant 112 : index
      %swap3A_355 = tpu.vector_load %arg16[%swap3A_353, %swap3A_354] {strides = array<i32>} : memref<2x128xf32, #tpu.memory_space<vmem>>, vector<16xf32>,
      tpu.vector_store %arg16[%swap3A_353, %swap3A_354], %exp3A_351 {strides = array<i32>} : memref<2x128xf32, #tpu.memory_space<vmem>>, vector<16xf32>,
      %swap3A_356 = arith.constant 112 : index
      %swap3A_357 = tpu.vector_load %arg17[%swap3A_356] {strides = array<i32>} : memref<128xf32, #tpu.memory_space<vmem>>, vector<16xf32>,
      tpu.vector_store %arg17[%swap3A_356], %exp3A_351 {strides = array<i32>} : memref<128xf32, #tpu.memory_space<vmem>>, vector<16xf32>,
      %dma_start3A = arith.constant 0 : i32
      %dma_start3A_358 = arith.constant 0 : i32
      %dma_start3A_359 = tpu.memref_slice %arg13[%dma_start3A, %dma_start3A_358] : memref<2x128xi32, #tpu.memory_space<vmem>> -> memref<1x128xi32, #tpu.memory_space<vmem>>
      %dma_start3A_360 = tpu.memref_squeeze %dma_start3A_359 : memref<1x128xi32, #tpu.memory_space<vmem>> -> memref<128xi32, #tpu.memory_space<vmem>>
      %dma_start3A_361 = arith.constant 0 : i32
      %dma_start3A_362 = arith.constant 0 : i32
      %dma_start3A_363 = tpu.memref_slice %arg2[%dma_start3A_361, %dma_start3A_362] : memref<40000x128xf32, #tpu.memory_space<hbm>> -> memref<40000x128xf32, #tpu.memory_space<hbm>>
      tpu.enqueue_indirect_dma source(%dma_start3A_363 : memref<40000x128xf32, #tpu.memory_space<hbm>>) target(%arg18 : memref<128x128xf32, #tpu.memory_space<vmem>>) offsets(%dma_start3A_360 : memref<128xi32, #tpu.memory_space<vmem>>) semaphore(%arg21 : memref<!tpu.dma_semaphore, #tpu.memory_space<semaphore_mem>>)
      %dma_wait3A = arith.constant 0 : i32
      %dma_wait3A_364 = arith.constant 0 : i32
      %dma_wait3A_365 = tpu.memref_slice %arg13[%dma_wait3A, %dma_wait3A_364] : memref<2x128xi32, #tpu.memory_space<vmem>> -> memref<1x128xi32, #tpu.memory_space<vmem>>
      %dma_wait3A_366 = tpu.memref_squeeze %dma_wait3A_365 : memref<1x128xi32, #tpu.memory_space<vmem>> -> memref<128xi32, #tpu.memory_space<vmem>>
      %dma_wait3A_367 = arith.constant 0 : i32
      %dma_wait3A_368 = arith.constant 0 : i32
      %dma_wait3A_369 = tpu.memref_slice %arg2[%dma_wait3A_367, %dma_wait3A_368] : memref<40000x128xf32, #tpu.memory_space<hbm>> -> memref<40000x128xf32, #tpu.memory_space<hbm>>
      tpu.wait_indirect_dma semaphore(%arg21 : memref<!tpu.dma_semaphore, #tpu.memory_space<semaphore_mem>>) src(%dma_wait3A_369 : memref<40000x128xf32, #tpu.memory_space<hbm>>) dst(%arg18 : memref<128x128xf32, #tpu.memory_space<vmem>>)
      %parallel_loop3A = arith.constant 0 : i32
      %parallel_loop3A_370 = arith.constant 128 : i32
      %parallel_loop3A_371 = arith.constant 1 : i32
      scf.for %parallel_loop3A_664 = %parallel_loop3A to %parallel_loop3A_370 step %parallel_loop3A_371  : i32 {
        %parallel_loop3A_665 = vector.broadcast %parallel_loop3A_664 : i32 to vector<16xi32>
        %parallel_loop3A_666 = tpu.vector_load_idx %arg17[%parallel_loop3A_665] : memref<128xf32, #tpu.memory_space<vmem>>[vector<16xi32>], vector<16xf32>,
        %parallel_loop3A_667 = arith.index_cast %parallel_loop3A_664 : i32 to index
        %parallel_loop3A_668 = arith.constant 0 : index
        %parallel_loop3A_669 = tpu.vector_load %arg18[%parallel_loop3A_667, %parallel_loop3A_668] {strides = array<i32>} : memref<128x128xf32, #tpu.memory_space<vmem>>, vector<16xf32>,
        %parallel_loop3A_670 = arith.mulf %parallel_loop3A_669, %parallel_loop3A_666 : vector<16xf32>
        %parallel_loop3A_671 = arith.index_cast %parallel_loop3A_664 : i32 to index
        %parallel_loop3A_672 = arith.constant 0 : index
        %parallel_loop3A_673 = tpu.vector_load %arg18[%parallel_loop3A_671, %parallel_loop3A_672] {strides = array<i32>} : memref<128x128xf32, #tpu.memory_space<vmem>>, vector<16xf32>,
        tpu.vector_store %arg18[%parallel_loop3A_671, %parallel_loop3A_672], %parallel_loop3A_670 {strides = array<i32>} : memref<128x128xf32, #tpu.memory_space<vmem>>, vector<16xf32>,
        %parallel_loop3A_674 = arith.index_cast %parallel_loop3A_664 : i32 to index
        %parallel_loop3A_675 = arith.constant 16 : index
        %parallel_loop3A_676 = tpu.vector_load %arg18[%parallel_loop3A_674, %parallel_loop3A_675] {strides = array<i32>} : memref<128x128xf32, #tpu.memory_space<vmem>>, vector<16xf32>,
        %parallel_loop3A_677 = arith.mulf %parallel_loop3A_676, %parallel_loop3A_666 : vector<16xf32>
        %parallel_loop3A_678 = arith.index_cast %parallel_loop3A_664 : i32 to index
        %parallel_loop3A_679 = arith.constant 16 : index
        %parallel_loop3A_680 = tpu.vector_load %arg18[%parallel_loop3A_678, %parallel_loop3A_679] {strides = array<i32>} : memref<128x128xf32, #tpu.memory_space<vmem>>, vector<16xf32>,
        tpu.vector_store %arg18[%parallel_loop3A_678, %parallel_loop3A_679], %parallel_loop3A_677 {strides = array<i32>} : memref<128x128xf32, #tpu.memory_space<vmem>>, vector<16xf32>,
        %parallel_loop3A_681 = arith.index_cast %parallel_loop3A_664 : i32 to index
        %parallel_loop3A_682 = arith.constant 32 : index
        %parallel_loop3A_683 = tpu.vector_load %arg18[%parallel_loop3A_681, %parallel_loop3A_682] {strides = array<i32>} : memref<128x128xf32, #tpu.memory_space<vmem>>, vector<16xf32>,
        %parallel_loop3A_684 = arith.mulf %parallel_loop3A_683, %parallel_loop3A_666 : vector<16xf32>
        %parallel_loop3A_685 = arith.index_cast %parallel_loop3A_664 : i32 to index
        %parallel_loop3A_686 = arith.constant 32 : index
        %parallel_loop3A_687 = tpu.vector_load %arg18[%parallel_loop3A_685, %parallel_loop3A_686] {strides = array<i32>} : memref<128x128xf32, #tpu.memory_space<vmem>>, vector<16xf32>,
        tpu.vector_store %arg18[%parallel_loop3A_685, %parallel_loop3A_686], %parallel_loop3A_684 {strides = array<i32>} : memref<128x128xf32, #tpu.memory_space<vmem>>, vector<16xf32>,
        %parallel_loop3A_688 = arith.index_cast %parallel_loop3A_664 : i32 to index
        %parallel_loop3A_689 = arith.constant 48 : index
        %parallel_loop3A_690 = tpu.vector_load %arg18[%parallel_loop3A_688, %parallel_loop3A_689] {strides = array<i32>} : memref<128x128xf32, #tpu.memory_space<vmem>>, vector<16xf32>,
        %parallel_loop3A_691 = arith.mulf %parallel_loop3A_690, %parallel_loop3A_666 : vector<16xf32>
        %parallel_loop3A_692 = arith.index_cast %parallel_loop3A_664 : i32 to index
        %parallel_loop3A_693 = arith.constant 48 : index
        %parallel_loop3A_694 = tpu.vector_load %arg18[%parallel_loop3A_692, %parallel_loop3A_693] {strides = array<i32>} : memref<128x128xf32, #tpu.memory_space<vmem>>, vector<16xf32>,
        tpu.vector_store %arg18[%parallel_loop3A_692, %parallel_loop3A_693], %parallel_loop3A_691 {strides = array<i32>} : memref<128x128xf32, #tpu.memory_space<vmem>>, vector<16xf32>,
        %parallel_loop3A_695 = arith.index_cast %parallel_loop3A_664 : i32 to index
        %parallel_loop3A_696 = arith.constant 64 : index
        %parallel_loop3A_697 = tpu.vector_load %arg18[%parallel_loop3A_695, %parallel_loop3A_696] {strides = array<i32>} : memref<128x128xf32, #tpu.memory_space<vmem>>, vector<16xf32>,
        %parallel_loop3A_698 = arith.mulf %parallel_loop3A_697, %parallel_loop3A_666 : vector<16xf32>
        %parallel_loop3A_699 = arith.index_cast %parallel_loop3A_664 : i32 to index
        %parallel_loop3A_700 = arith.constant 64 : index
        %parallel_loop3A_701 = tpu.vector_load %arg18[%parallel_loop3A_699, %parallel_loop3A_700] {strides = array<i32>} : memref<128x128xf32, #tpu.memory_space<vmem>>, vector<16xf32>,
        tpu.vector_store %arg18[%parallel_loop3A_699, %parallel_loop3A_700], %parallel_loop3A_698 {strides = array<i32>} : memref<128x128xf32, #tpu.memory_space<vmem>>, vector<16xf32>,
        %parallel_loop3A_702 = arith.index_cast %parallel_loop3A_664 : i32 to index
        %parallel_loop3A_703 = arith.constant 80 : index
        %parallel_loop3A_704 = tpu.vector_load %arg18[%parallel_loop3A_702, %parallel_loop3A_703] {strides = array<i32>} : memref<128x128xf32, #tpu.memory_space<vmem>>, vector<16xf32>,
        %parallel_loop3A_705 = arith.mulf %parallel_loop3A_704, %parallel_loop3A_666 : vector<16xf32>
        %parallel_loop3A_706 = arith.index_cast %parallel_loop3A_664 : i32 to index
        %parallel_loop3A_707 = arith.constant 80 : index
        %parallel_loop3A_708 = tpu.vector_load %arg18[%parallel_loop3A_706, %parallel_loop3A_707] {strides = array<i32>} : memref<128x128xf32, #tpu.memory_space<vmem>>, vector<16xf32>,
        tpu.vector_store %arg18[%parallel_loop3A_706, %parallel_loop3A_707], %parallel_loop3A_705 {strides = array<i32>} : memref<128x128xf32, #tpu.memory_space<vmem>>, vector<16xf32>,
        %parallel_loop3A_709 = arith.index_cast %parallel_loop3A_664 : i32 to index
        %parallel_loop3A_710 = arith.constant 96 : index
        %parallel_loop3A_711 = tpu.vector_load %arg18[%parallel_loop3A_709, %parallel_loop3A_710] {strides = array<i32>} : memref<128x128xf32, #tpu.memory_space<vmem>>, vector<16xf32>,
        %parallel_loop3A_712 = arith.mulf %parallel_loop3A_711, %parallel_loop3A_666 : vector<16xf32>
        %parallel_loop3A_713 = arith.index_cast %parallel_loop3A_664 : i32 to index
        %parallel_loop3A_714 = arith.constant 96 : index
        %parallel_loop3A_715 = tpu.vector_load %arg18[%parallel_loop3A_713, %parallel_loop3A_714] {strides = array<i32>} : memref<128x128xf32, #tpu.memory_space<vmem>>, vector<16xf32>,
        tpu.vector_store %arg18[%parallel_loop3A_713, %parallel_loop3A_714], %parallel_loop3A_712 {strides = array<i32>} : memref<128x128xf32, #tpu.memory_space<vmem>>, vector<16xf32>,
        %parallel_loop3A_716 = arith.index_cast %parallel_loop3A_664 : i32 to index
        %parallel_loop3A_717 = arith.constant 112 : index
        %parallel_loop3A_718 = tpu.vector_load %arg18[%parallel_loop3A_716, %parallel_loop3A_717] {strides = array<i32>} : memref<128x128xf32, #tpu.memory_space<vmem>>, vector<16xf32>,
        %parallel_loop3A_719 = arith.mulf %parallel_loop3A_718, %parallel_loop3A_666 : vector<16xf32>
        %parallel_loop3A_720 = arith.index_cast %parallel_loop3A_664 : i32 to index
        %parallel_loop3A_721 = arith.constant 112 : index
        %parallel_loop3A_722 = tpu.vector_load %arg18[%parallel_loop3A_720, %parallel_loop3A_721] {strides = array<i32>} : memref<128x128xf32, #tpu.memory_space<vmem>>, vector<16xf32>,
        tpu.vector_store %arg18[%parallel_loop3A_720, %parallel_loop3A_721], %parallel_loop3A_719 {strides = array<i32>} : memref<128x128xf32, #tpu.memory_space<vmem>>, vector<16xf32>,
      } {sc.loop_unroll_factor = 4 : i64, sc.parallel_access}
      %run_scoped3A = arith.constant 0 : i32
      "tpu.region"() ({
        %run_scoped3A_664 = tpu.sem_alloc : memref<!tpu.dma_semaphore, #tpu.memory_space<semaphore_mem>>
        %dma_start3A_665 = arith.constant 0 : i32
        %dma_start3A_666 = tpu.memref_slice %arg12[%run_scoped3A, %dma_start3A_665] : memref<2x128xi32, #tpu.memory_space<vmem>> -> memref<1x128xi32, #tpu.memory_space<vmem>>
        %dma_start3A_667 = tpu.memref_squeeze %dma_start3A_666 : memref<1x128xi32, #tpu.memory_space<vmem>> -> memref<128xi32, #tpu.memory_space<vmem>>
        %dma_start3A_668 = arith.constant 0 : i32
        %dma_start3A_669 = arith.constant 0 : i32
        %dma_start3A_670 = tpu.memref_slice %arg19[%dma_start3A_668, %dma_start3A_669] : memref<10000x128xf32, #tpu.memory_space<vmem_shared>> -> memref<10000x128xf32, #tpu.memory_space<vmem_shared>>
        tpu.enqueue_indirect_dma source(%arg18 : memref<128x128xf32, #tpu.memory_space<vmem>>) target(%dma_start3A_670 : memref<10000x128xf32, #tpu.memory_space<vmem_shared>>) offsets(%dma_start3A_667 : memref<128xi32, #tpu.memory_space<vmem>>) semaphore(%run_scoped3A_664 : memref<!tpu.dma_semaphore, #tpu.memory_space<semaphore_mem>>) {add = true}
        %dma_wait3A_671 = arith.constant 0 : i32
        %dma_wait3A_672 = tpu.memref_slice %arg12[%run_scoped3A, %dma_wait3A_671] : memref<2x128xi32, #tpu.memory_space<vmem>> -> memref<1x128xi32, #tpu.memory_space<vmem>>
        %dma_wait3A_673 = tpu.memref_squeeze %dma_wait3A_672 : memref<1x128xi32, #tpu.memory_space<vmem>> -> memref<128xi32, #tpu.memory_space<vmem>>
        %dma_wait3A_674 = arith.constant 0 : i32
        %dma_wait3A_675 = arith.constant 0 : i32
        %dma_wait3A_676 = tpu.memref_slice %arg19[%dma_wait3A_674, %dma_wait3A_675] : memref<10000x128xf32, #tpu.memory_space<vmem_shared>> -> memref<10000x128xf32, #tpu.memory_space<vmem_shared>>
        tpu.wait_indirect_dma semaphore(%run_scoped3A_664 : memref<!tpu.dma_semaphore, #tpu.memory_space<semaphore_mem>>) src(%arg18 : memref<128x128xf32, #tpu.memory_space<vmem>>) dst(%dma_wait3A_676 : memref<10000x128xf32, #tpu.memory_space<vmem_shared>>)
        tpu.yield
      }) : () -> ()
      %eq3A_372 = arith.constant 0 : i32
      %eq3A_373 = arith.cmpi eq, %arg0, %eq3A_372 : i32
      %convert_element_type3A_374 = arith.extui %eq3A_373 : i1 to i32
      %cond3A_375 = arith.constant 0 : i32
      %cond3A_376 = arith.cmpi ne, %convert_element_type3A_374, %cond3A_375 : i32
      scf.if %cond3A_376 {
        %run_scoped3A_664 = arith.constant 0 : i32
        %run_scoped3A_665 = arith.constant 0 : i32
        "tpu.region"() ({
          %run_scoped3A_666 = tpu.sem_alloc : memref<!tpu.dma_semaphore, #tpu.memory_space<semaphore_mem>>
          %dma_start3A_667 = arith.constant 0 : i32
          %dma_start3A_668 = tpu.memref_slice %arg16[%run_scoped3A_664, %dma_start3A_667] : memref<2x128xf32, #tpu.memory_space<vmem>> -> memref<1x128xf32, #tpu.memory_space<vmem>>
          %dma_start3A_669 = tpu.memref_squeeze %dma_start3A_668 : memref<1x128xf32, #tpu.memory_space<vmem>> -> memref<128xf32, #tpu.memory_space<vmem>>
          %dma_start3A_670 = arith.constant 0 : i32
          %dma_start3A_671 = tpu.memref_slice %arg12[%run_scoped3A_665, %dma_start3A_670] : memref<2x128xi32, #tpu.memory_space<vmem>> -> memref<1x128xi32, #tpu.memory_space<vmem>>
          %dma_start3A_672 = tpu.memref_squeeze %dma_start3A_671 : memref<1x128xi32, #tpu.memory_space<vmem>> -> memref<128xi32, #tpu.memory_space<vmem>>
          %dma_start3A_673 = arith.constant 0 : i32
          %dma_start3A_674 = tpu.memref_slice %arg20[%dma_start3A_673] : memref<10000xf32, #tpu.memory_space<vmem_shared>> -> memref<10000xf32, #tpu.memory_space<vmem_shared>>
          tpu.enqueue_indirect_dma source(%dma_start3A_669 : memref<128xf32, #tpu.memory_space<vmem>>) target(%dma_start3A_674 : memref<10000xf32, #tpu.memory_space<vmem_shared>>) offsets(%dma_start3A_672 : memref<128xi32, #tpu.memory_space<vmem>>) semaphore(%run_scoped3A_666 : memref<!tpu.dma_semaphore, #tpu.memory_space<semaphore_mem>>) {add = true}
          %dma_wait3A_675 = arith.constant 0 : i32
          %dma_wait3A_676 = tpu.memref_slice %arg16[%run_scoped3A_664, %dma_wait3A_675] : memref<2x128xf32, #tpu.memory_space<vmem>> -> memref<1x128xf32, #tpu.memory_space<vmem>>
          %dma_wait3A_677 = tpu.memref_squeeze %dma_wait3A_676 : memref<1x128xf32, #tpu.memory_space<vmem>> -> memref<128xf32, #tpu.memory_space<vmem>>
          %dma_wait3A_678 = arith.constant 0 : i32
          %dma_wait3A_679 = tpu.memref_slice %arg12[%run_scoped3A_665, %dma_wait3A_678] : memref<2x128xi32, #tpu.memory_space<vmem>> -> memref<1x128xi32, #tpu.memory_space<vmem>>
          %dma_wait3A_680 = tpu.memref_squeeze %dma_wait3A_679 : memref<1x128xi32, #tpu.memory_space<vmem>> -> memref<128xi32, #tpu.memory_space<vmem>>
          %dma_wait3A_681 = arith.constant 0 : i32
          %dma_wait3A_682 = tpu.memref_slice %arg20[%dma_wait3A_681] : memref<10000xf32, #tpu.memory_space<vmem_shared>> -> memref<10000xf32, #tpu.memory_space<vmem_shared>>
          tpu.wait_indirect_dma semaphore(%run_scoped3A_666 : memref<!tpu.dma_semaphore, #tpu.memory_space<semaphore_mem>>) src(%dma_wait3A_677 : memref<128xf32, #tpu.memory_space<vmem>>) dst(%dma_wait3A_682 : memref<10000xf32, #tpu.memory_space<vmem_shared>>)
          tpu.yield
        }) : () -> ()
      } else {
      }
      %get3A_377 = arith.constant 1 : i32
      %get3A_378 = arith.index_cast %get3A_377 : i32 to index
      %get3A_379 = arith.constant 0 : index
      %get3A_380 = tpu.vector_load %arg11[%get3A_378, %get3A_379] {strides = array<i32>} : memref<2x128xi32, #tpu.memory_space<vmem>>, vector<16xi32>,
      %get3A_381 = arith.constant 1 : i32
      %get3A_382 = arith.index_cast %get3A_381 : i32 to index
      %get3A_383 = arith.constant 0 : index
      %get3A_384 = tpu.vector_load %arg12[%get3A_382, %get3A_383] {strides = array<i32>} : memref<2x128xi32, #tpu.memory_space<vmem>>, vector<16xi32>,
      %mul3A_385 = arith.constant 10000 : i32
      %mul3A_386 = arith.muli %add3A_2, %mul3A_385 : i32
      %add3A_387 = vector.broadcast %mul3A_386 : i32 to vector<16xi32>
      %add3A_388 = arith.addi %get3A_380, %add3A_387 : vector<16xi32>
      %swap3A_389 = arith.constant 1 : i32
      %swap3A_390 = arith.index_cast %swap3A_389 : i32 to index
      %swap3A_391 = arith.constant 0 : index
      %swap3A_392 = tpu.vector_load %arg13[%swap3A_390, %swap3A_391] {strides = array<i32>} : memref<2x128xi32, #tpu.memory_space<vmem>>, vector<16xi32>,
      tpu.vector_store %arg13[%swap3A_390, %swap3A_391], %add3A_388 {strides = array<i32>} : memref<2x128xi32, #tpu.memory_space<vmem>>, vector<16xi32>,
      %gather3A_393 = tpu.vector_load_idx %arg14[%get3A_380] : memref<10000xf32, #tpu.memory_space<vmem>>[vector<16xi32>], vector<16xf32>,
      %gather3A_394 = tpu.vector_load_idx %arg15[%get3A_384] : memref<10000xf32, #tpu.memory_space<vmem>>[vector<16xi32>], vector<16xf32>,
      %add3A_395 = arith.addf %gather3A_393, %gather3A_394 : vector<16xf32>
      %ge3A_396 = arith.constant 0.000000e+00 : f32
      %ge3A_397 = vector.broadcast %ge3A_396 : f32 to vector<16xf32>
      %ge3A_398 = arith.cmpf oge, %add3A_395, %ge3A_397 : vector<16xf32>
      %mul3A_399 = arith.constant 2.000000e-01 : f32
      %mul3A_400 = vector.broadcast %mul3A_399 : f32 to vector<16xf32>
      %mul3A_401 = arith.mulf %mul3A_400, %add3A_395 : vector<16xf32>
      %select_n3A_402 = arith.select %ge3A_398, %add3A_395, %mul3A_401 : vector<16xi1>, vector<16xf32>
      %exp3A_403 = math.exp %select_n3A_402 : vector<16xf32>
      %swap3A_404 = arith.constant 1 : i32
      %swap3A_405 = arith.index_cast %swap3A_404 : i32 to index
      %swap3A_406 = arith.constant 0 : index
      %swap3A_407 = tpu.vector_load %arg16[%swap3A_405, %swap3A_406] {strides = array<i32>} : memref<2x128xf32, #tpu.memory_space<vmem>>, vector<16xf32>,
      tpu.vector_store %arg16[%swap3A_405, %swap3A_406], %exp3A_403 {strides = array<i32>} : memref<2x128xf32, #tpu.memory_space<vmem>>, vector<16xf32>,
      %swap3A_408 = arith.constant 0 : index
      %swap3A_409 = tpu.vector_load %arg17[%swap3A_408] {strides = array<i32>} : memref<128xf32, #tpu.memory_space<vmem>>, vector<16xf32>,
      tpu.vector_store %arg17[%swap3A_408], %exp3A_403 {strides = array<i32>} : memref<128xf32, #tpu.memory_space<vmem>>, vector<16xf32>,
      %get3A_410 = arith.constant 1 : i32
      %get3A_411 = arith.index_cast %get3A_410 : i32 to index
      %get3A_412 = arith.constant 16 : index
      %get3A_413 = tpu.vector_load %arg11[%get3A_411, %get3A_412] {strides = array<i32>} : memref<2x128xi32, #tpu.memory_space<vmem>>, vector<16xi32>,
      %get3A_414 = arith.constant 1 : i32
      %get3A_415 = arith.index_cast %get3A_414 : i32 to index
      %get3A_416 = arith.constant 16 : index
      %get3A_417 = tpu.vector_load %arg12[%get3A_415, %get3A_416] {strides = array<i32>} : memref<2x128xi32, #tpu.memory_space<vmem>>, vector<16xi32>,
      %mul3A_418 = arith.constant 10000 : i32
      %mul3A_419 = arith.muli %add3A_2, %mul3A_418 : i32
      %add3A_420 = vector.broadcast %mul3A_419 : i32 to vector<16xi32>
      %add3A_421 = arith.addi %get3A_413, %add3A_420 : vector<16xi32>
      %swap3A_422 = arith.constant 1 : i32
      %swap3A_423 = arith.index_cast %swap3A_422 : i32 to index
      %swap3A_424 = arith.constant 16 : index
      %swap3A_425 = tpu.vector_load %arg13[%swap3A_423, %swap3A_424] {strides = array<i32>} : memref<2x128xi32, #tpu.memory_space<vmem>>, vector<16xi32>,
      tpu.vector_store %arg13[%swap3A_423, %swap3A_424], %add3A_421 {strides = array<i32>} : memref<2x128xi32, #tpu.memory_space<vmem>>, vector<16xi32>,
      %gather3A_426 = tpu.vector_load_idx %arg14[%get3A_413] : memref<10000xf32, #tpu.memory_space<vmem>>[vector<16xi32>], vector<16xf32>,
      %gather3A_427 = tpu.vector_load_idx %arg15[%get3A_417] : memref<10000xf32, #tpu.memory_space<vmem>>[vector<16xi32>], vector<16xf32>,
      %add3A_428 = arith.addf %gather3A_426, %gather3A_427 : vector<16xf32>
      %ge3A_429 = arith.constant 0.000000e+00 : f32
      %ge3A_430 = vector.broadcast %ge3A_429 : f32 to vector<16xf32>
      %ge3A_431 = arith.cmpf oge, %add3A_428, %ge3A_430 : vector<16xf32>
      %mul3A_432 = arith.constant 2.000000e-01 : f32
      %mul3A_433 = vector.broadcast %mul3A_432 : f32 to vector<16xf32>
      %mul3A_434 = arith.mulf %mul3A_433, %add3A_428 : vector<16xf32>
      %select_n3A_435 = arith.select %ge3A_431, %add3A_428, %mul3A_434 : vector<16xi1>, vector<16xf32>
      %exp3A_436 = math.exp %select_n3A_435 : vector<16xf32>
      %swap3A_437 = arith.constant 1 : i32
      %swap3A_438 = arith.index_cast %swap3A_437 : i32 to index
      %swap3A_439 = arith.constant 16 : index
      %swap3A_440 = tpu.vector_load %arg16[%swap3A_438, %swap3A_439] {strides = array<i32>} : memref<2x128xf32, #tpu.memory_space<vmem>>, vector<16xf32>,
      tpu.vector_store %arg16[%swap3A_438, %swap3A_439], %exp3A_436 {strides = array<i32>} : memref<2x128xf32, #tpu.memory_space<vmem>>, vector<16xf32>,
      %swap3A_441 = arith.constant 16 : index
      %swap3A_442 = tpu.vector_load %arg17[%swap3A_441] {strides = array<i32>} : memref<128xf32, #tpu.memory_space<vmem>>, vector<16xf32>,
      tpu.vector_store %arg17[%swap3A_441], %exp3A_436 {strides = array<i32>} : memref<128xf32, #tpu.memory_space<vmem>>, vector<16xf32>,
      %get3A_443 = arith.constant 1 : i32
      %get3A_444 = arith.index_cast %get3A_443 : i32 to index
      %get3A_445 = arith.constant 32 : index
      %get3A_446 = tpu.vector_load %arg11[%get3A_444, %get3A_445] {strides = array<i32>} : memref<2x128xi32, #tpu.memory_space<vmem>>, vector<16xi32>,
      %get3A_447 = arith.constant 1 : i32
      %get3A_448 = arith.index_cast %get3A_447 : i32 to index
      %get3A_449 = arith.constant 32 : index
      %get3A_450 = tpu.vector_load %arg12[%get3A_448, %get3A_449] {strides = array<i32>} : memref<2x128xi32, #tpu.memory_space<vmem>>, vector<16xi32>,
      %mul3A_451 = arith.constant 10000 : i32
      %mul3A_452 = arith.muli %add3A_2, %mul3A_451 : i32
      %add3A_453 = vector.broadcast %mul3A_452 : i32 to vector<16xi32>
      %add3A_454 = arith.addi %get3A_446, %add3A_453 : vector<16xi32>
      %swap3A_455 = arith.constant 1 : i32
      %swap3A_456 = arith.index_cast %swap3A_455 : i32 to index
      %swap3A_457 = arith.constant 32 : index
      %swap3A_458 = tpu.vector_load %arg13[%swap3A_456, %swap3A_457] {strides = array<i32>} : memref<2x128xi32, #tpu.memory_space<vmem>>, vector<16xi32>,
      tpu.vector_store %arg13[%swap3A_456, %swap3A_457], %add3A_454 {strides = array<i32>} : memref<2x128xi32, #tpu.memory_space<vmem>>, vector<16xi32>,
      %gather3A_459 = tpu.vector_load_idx %arg14[%get3A_446] : memref<10000xf32, #tpu.memory_space<vmem>>[vector<16xi32>], vector<16xf32>,
      %gather3A_460 = tpu.vector_load_idx %arg15[%get3A_450] : memref<10000xf32, #tpu.memory_space<vmem>>[vector<16xi32>], vector<16xf32>,
      %add3A_461 = arith.addf %gather3A_459, %gather3A_460 : vector<16xf32>
      %ge3A_462 = arith.constant 0.000000e+00 : f32
      %ge3A_463 = vector.broadcast %ge3A_462 : f32 to vector<16xf32>
      %ge3A_464 = arith.cmpf oge, %add3A_461, %ge3A_463 : vector<16xf32>
      %mul3A_465 = arith.constant 2.000000e-01 : f32
      %mul3A_466 = vector.broadcast %mul3A_465 : f32 to vector<16xf32>
      %mul3A_467 = arith.mulf %mul3A_466, %add3A_461 : vector<16xf32>
      %select_n3A_468 = arith.select %ge3A_464, %add3A_461, %mul3A_467 : vector<16xi1>, vector<16xf32>
      %exp3A_469 = math.exp %select_n3A_468 : vector<16xf32>
      %swap3A_470 = arith.constant 1 : i32
      %swap3A_471 = arith.index_cast %swap3A_470 : i32 to index
      %swap3A_472 = arith.constant 32 : index
      %swap3A_473 = tpu.vector_load %arg16[%swap3A_471, %swap3A_472] {strides = array<i32>} : memref<2x128xf32, #tpu.memory_space<vmem>>, vector<16xf32>,
      tpu.vector_store %arg16[%swap3A_471, %swap3A_472], %exp3A_469 {strides = array<i32>} : memref<2x128xf32, #tpu.memory_space<vmem>>, vector<16xf32>,
      %swap3A_474 = arith.constant 32 : index
      %swap3A_475 = tpu.vector_load %arg17[%swap3A_474] {strides = array<i32>} : memref<128xf32, #tpu.memory_space<vmem>>, vector<16xf32>,
      tpu.vector_store %arg17[%swap3A_474], %exp3A_469 {strides = array<i32>} : memref<128xf32, #tpu.memory_space<vmem>>, vector<16xf32>,
      %get3A_476 = arith.constant 1 : i32
      %get3A_477 = arith.index_cast %get3A_476 : i32 to index
      %get3A_478 = arith.constant 48 : index
      %get3A_479 = tpu.vector_load %arg11[%get3A_477, %get3A_478] {strides = array<i32>} : memref<2x128xi32, #tpu.memory_space<vmem>>, vector<16xi32>,
      %get3A_480 = arith.constant 1 : i32
      %get3A_481 = arith.index_cast %get3A_480 : i32 to index
      %get3A_482 = arith.constant 48 : index
      %get3A_483 = tpu.vector_load %arg12[%get3A_481, %get3A_482] {strides = array<i32>} : memref<2x128xi32, #tpu.memory_space<vmem>>, vector<16xi32>,
      %mul3A_484 = arith.constant 10000 : i32
      %mul3A_485 = arith.muli %add3A_2, %mul3A_484 : i32
      %add3A_486 = vector.broadcast %mul3A_485 : i32 to vector<16xi32>
      %add3A_487 = arith.addi %get3A_479, %add3A_486 : vector<16xi32>
      %swap3A_488 = arith.constant 1 : i32
      %swap3A_489 = arith.index_cast %swap3A_488 : i32 to index
      %swap3A_490 = arith.constant 48 : index
      %swap3A_491 = tpu.vector_load %arg13[%swap3A_489, %swap3A_490] {strides = array<i32>} : memref<2x128xi32, #tpu.memory_space<vmem>>, vector<16xi32>,
      tpu.vector_store %arg13[%swap3A_489, %swap3A_490], %add3A_487 {strides = array<i32>} : memref<2x128xi32, #tpu.memory_space<vmem>>, vector<16xi32>,
      %gather3A_492 = tpu.vector_load_idx %arg14[%get3A_479] : memref<10000xf32, #tpu.memory_space<vmem>>[vector<16xi32>], vector<16xf32>,
      %gather3A_493 = tpu.vector_load_idx %arg15[%get3A_483] : memref<10000xf32, #tpu.memory_space<vmem>>[vector<16xi32>], vector<16xf32>,
      %add3A_494 = arith.addf %gather3A_492, %gather3A_493 : vector<16xf32>
      %ge3A_495 = arith.constant 0.000000e+00 : f32
      %ge3A_496 = vector.broadcast %ge3A_495 : f32 to vector<16xf32>
      %ge3A_497 = arith.cmpf oge, %add3A_494, %ge3A_496 : vector<16xf32>
      %mul3A_498 = arith.constant 2.000000e-01 : f32
      %mul3A_499 = vector.broadcast %mul3A_498 : f32 to vector<16xf32>
      %mul3A_500 = arith.mulf %mul3A_499, %add3A_494 : vector<16xf32>
      %select_n3A_501 = arith.select %ge3A_497, %add3A_494, %mul3A_500 : vector<16xi1>, vector<16xf32>
      %exp3A_502 = math.exp %select_n3A_501 : vector<16xf32>
      %swap3A_503 = arith.constant 1 : i32
      %swap3A_504 = arith.index_cast %swap3A_503 : i32 to index
      %swap3A_505 = arith.constant 48 : index
      %swap3A_506 = tpu.vector_load %arg16[%swap3A_504, %swap3A_505] {strides = array<i32>} : memref<2x128xf32, #tpu.memory_space<vmem>>, vector<16xf32>,
      tpu.vector_store %arg16[%swap3A_504, %swap3A_505], %exp3A_502 {strides = array<i32>} : memref<2x128xf32, #tpu.memory_space<vmem>>, vector<16xf32>,
      %swap3A_507 = arith.constant 48 : index
      %swap3A_508 = tpu.vector_load %arg17[%swap3A_507] {strides = array<i32>} : memref<128xf32, #tpu.memory_space<vmem>>, vector<16xf32>,
      tpu.vector_store %arg17[%swap3A_507], %exp3A_502 {strides = array<i32>} : memref<128xf32, #tpu.memory_space<vmem>>, vector<16xf32>,
      %get3A_509 = arith.constant 1 : i32
      %get3A_510 = arith.index_cast %get3A_509 : i32 to index
      %get3A_511 = arith.constant 64 : index
      %get3A_512 = tpu.vector_load %arg11[%get3A_510, %get3A_511] {strides = array<i32>} : memref<2x128xi32, #tpu.memory_space<vmem>>, vector<16xi32>,
      %get3A_513 = arith.constant 1 : i32
      %get3A_514 = arith.index_cast %get3A_513 : i32 to index
      %get3A_515 = arith.constant 64 : index
      %get3A_516 = tpu.vector_load %arg12[%get3A_514, %get3A_515] {strides = array<i32>} : memref<2x128xi32, #tpu.memory_space<vmem>>, vector<16xi32>,
      %mul3A_517 = arith.constant 10000 : i32
      %mul3A_518 = arith.muli %add3A_2, %mul3A_517 : i32
      %add3A_519 = vector.broadcast %mul3A_518 : i32 to vector<16xi32>
      %add3A_520 = arith.addi %get3A_512, %add3A_519 : vector<16xi32>
      %swap3A_521 = arith.constant 1 : i32
      %swap3A_522 = arith.index_cast %swap3A_521 : i32 to index
      %swap3A_523 = arith.constant 64 : index
      %swap3A_524 = tpu.vector_load %arg13[%swap3A_522, %swap3A_523] {strides = array<i32>} : memref<2x128xi32, #tpu.memory_space<vmem>>, vector<16xi32>,
      tpu.vector_store %arg13[%swap3A_522, %swap3A_523], %add3A_520 {strides = array<i32>} : memref<2x128xi32, #tpu.memory_space<vmem>>, vector<16xi32>,
      %gather3A_525 = tpu.vector_load_idx %arg14[%get3A_512] : memref<10000xf32, #tpu.memory_space<vmem>>[vector<16xi32>], vector<16xf32>,
      %gather3A_526 = tpu.vector_load_idx %arg15[%get3A_516] : memref<10000xf32, #tpu.memory_space<vmem>>[vector<16xi32>], vector<16xf32>,
      %add3A_527 = arith.addf %gather3A_525, %gather3A_526 : vector<16xf32>
      %ge3A_528 = arith.constant 0.000000e+00 : f32
      %ge3A_529 = vector.broadcast %ge3A_528 : f32 to vector<16xf32>
      %ge3A_530 = arith.cmpf oge, %add3A_527, %ge3A_529 : vector<16xf32>
      %mul3A_531 = arith.constant 2.000000e-01 : f32
      %mul3A_532 = vector.broadcast %mul3A_531 : f32 to vector<16xf32>
      %mul3A_533 = arith.mulf %mul3A_532, %add3A_527 : vector<16xf32>
      %select_n3A_534 = arith.select %ge3A_530, %add3A_527, %mul3A_533 : vector<16xi1>, vector<16xf32>
      %exp3A_535 = math.exp %select_n3A_534 : vector<16xf32>
      %swap3A_536 = arith.constant 1 : i32
      %swap3A_537 = arith.index_cast %swap3A_536 : i32 to index
      %swap3A_538 = arith.constant 64 : index
      %swap3A_539 = tpu.vector_load %arg16[%swap3A_537, %swap3A_538] {strides = array<i32>} : memref<2x128xf32, #tpu.memory_space<vmem>>, vector<16xf32>,
      tpu.vector_store %arg16[%swap3A_537, %swap3A_538], %exp3A_535 {strides = array<i32>} : memref<2x128xf32, #tpu.memory_space<vmem>>, vector<16xf32>,
      %swap3A_540 = arith.constant 64 : index
      %swap3A_541 = tpu.vector_load %arg17[%swap3A_540] {strides = array<i32>} : memref<128xf32, #tpu.memory_space<vmem>>, vector<16xf32>,
      tpu.vector_store %arg17[%swap3A_540], %exp3A_535 {strides = array<i32>} : memref<128xf32, #tpu.memory_space<vmem>>, vector<16xf32>,
      %get3A_542 = arith.constant 1 : i32
      %get3A_543 = arith.index_cast %get3A_542 : i32 to index
      %get3A_544 = arith.constant 80 : index
      %get3A_545 = tpu.vector_load %arg11[%get3A_543, %get3A_544] {strides = array<i32>} : memref<2x128xi32, #tpu.memory_space<vmem>>, vector<16xi32>,
      %get3A_546 = arith.constant 1 : i32
      %get3A_547 = arith.index_cast %get3A_546 : i32 to index
      %get3A_548 = arith.constant 80 : index
      %get3A_549 = tpu.vector_load %arg12[%get3A_547, %get3A_548] {strides = array<i32>} : memref<2x128xi32, #tpu.memory_space<vmem>>, vector<16xi32>,
      %mul3A_550 = arith.constant 10000 : i32
      %mul3A_551 = arith.muli %add3A_2, %mul3A_550 : i32
      %add3A_552 = vector.broadcast %mul3A_551 : i32 to vector<16xi32>
      %add3A_553 = arith.addi %get3A_545, %add3A_552 : vector<16xi32>
      %swap3A_554 = arith.constant 1 : i32
      %swap3A_555 = arith.index_cast %swap3A_554 : i32 to index
      %swap3A_556 = arith.constant 80 : index
      %swap3A_557 = tpu.vector_load %arg13[%swap3A_555, %swap3A_556] {strides = array<i32>} : memref<2x128xi32, #tpu.memory_space<vmem>>, vector<16xi32>,
      tpu.vector_store %arg13[%swap3A_555, %swap3A_556], %add3A_553 {strides = array<i32>} : memref<2x128xi32, #tpu.memory_space<vmem>>, vector<16xi32>,
      %gather3A_558 = tpu.vector_load_idx %arg14[%get3A_545] : memref<10000xf32, #tpu.memory_space<vmem>>[vector<16xi32>], vector<16xf32>,
      %gather3A_559 = tpu.vector_load_idx %arg15[%get3A_549] : memref<10000xf32, #tpu.memory_space<vmem>>[vector<16xi32>], vector<16xf32>,
      %add3A_560 = arith.addf %gather3A_558, %gather3A_559 : vector<16xf32>
      %ge3A_561 = arith.constant 0.000000e+00 : f32
      %ge3A_562 = vector.broadcast %ge3A_561 : f32 to vector<16xf32>
      %ge3A_563 = arith.cmpf oge, %add3A_560, %ge3A_562 : vector<16xf32>
      %mul3A_564 = arith.constant 2.000000e-01 : f32
      %mul3A_565 = vector.broadcast %mul3A_564 : f32 to vector<16xf32>
      %mul3A_566 = arith.mulf %mul3A_565, %add3A_560 : vector<16xf32>
      %select_n3A_567 = arith.select %ge3A_563, %add3A_560, %mul3A_566 : vector<16xi1>, vector<16xf32>
      %exp3A_568 = math.exp %select_n3A_567 : vector<16xf32>
      %swap3A_569 = arith.constant 1 : i32
      %swap3A_570 = arith.index_cast %swap3A_569 : i32 to index
      %swap3A_571 = arith.constant 80 : index
      %swap3A_572 = tpu.vector_load %arg16[%swap3A_570, %swap3A_571] {strides = array<i32>} : memref<2x128xf32, #tpu.memory_space<vmem>>, vector<16xf32>,
      tpu.vector_store %arg16[%swap3A_570, %swap3A_571], %exp3A_568 {strides = array<i32>} : memref<2x128xf32, #tpu.memory_space<vmem>>, vector<16xf32>,
      %swap3A_573 = arith.constant 80 : index
      %swap3A_574 = tpu.vector_load %arg17[%swap3A_573] {strides = array<i32>} : memref<128xf32, #tpu.memory_space<vmem>>, vector<16xf32>,
      tpu.vector_store %arg17[%swap3A_573], %exp3A_568 {strides = array<i32>} : memref<128xf32, #tpu.memory_space<vmem>>, vector<16xf32>,
      %get3A_575 = arith.constant 1 : i32
      %get3A_576 = arith.index_cast %get3A_575 : i32 to index
      %get3A_577 = arith.constant 96 : index
      %get3A_578 = tpu.vector_load %arg11[%get3A_576, %get3A_577] {strides = array<i32>} : memref<2x128xi32, #tpu.memory_space<vmem>>, vector<16xi32>,
      %get3A_579 = arith.constant 1 : i32
      %get3A_580 = arith.index_cast %get3A_579 : i32 to index
      %get3A_581 = arith.constant 96 : index
      %get3A_582 = tpu.vector_load %arg12[%get3A_580, %get3A_581] {strides = array<i32>} : memref<2x128xi32, #tpu.memory_space<vmem>>, vector<16xi32>,
      %mul3A_583 = arith.constant 10000 : i32
      %mul3A_584 = arith.muli %add3A_2, %mul3A_583 : i32
      %add3A_585 = vector.broadcast %mul3A_584 : i32 to vector<16xi32>
      %add3A_586 = arith.addi %get3A_578, %add3A_585 : vector<16xi32>
      %swap3A_587 = arith.constant 1 : i32
      %swap3A_588 = arith.index_cast %swap3A_587 : i32 to index
      %swap3A_589 = arith.constant 96 : index
      %swap3A_590 = tpu.vector_load %arg13[%swap3A_588, %swap3A_589] {strides = array<i32>} : memref<2x128xi32, #tpu.memory_space<vmem>>, vector<16xi32>,
      tpu.vector_store %arg13[%swap3A_588, %swap3A_589], %add3A_586 {strides = array<i32>} : memref<2x128xi32, #tpu.memory_space<vmem>>, vector<16xi32>,
      %gather3A_591 = tpu.vector_load_idx %arg14[%get3A_578] : memref<10000xf32, #tpu.memory_space<vmem>>[vector<16xi32>], vector<16xf32>,
      %gather3A_592 = tpu.vector_load_idx %arg15[%get3A_582] : memref<10000xf32, #tpu.memory_space<vmem>>[vector<16xi32>], vector<16xf32>,
      %add3A_593 = arith.addf %gather3A_591, %gather3A_592 : vector<16xf32>
      %ge3A_594 = arith.constant 0.000000e+00 : f32
      %ge3A_595 = vector.broadcast %ge3A_594 : f32 to vector<16xf32>
      %ge3A_596 = arith.cmpf oge, %add3A_593, %ge3A_595 : vector<16xf32>
      %mul3A_597 = arith.constant 2.000000e-01 : f32
      %mul3A_598 = vector.broadcast %mul3A_597 : f32 to vector<16xf32>
      %mul3A_599 = arith.mulf %mul3A_598, %add3A_593 : vector<16xf32>
      %select_n3A_600 = arith.select %ge3A_596, %add3A_593, %mul3A_599 : vector<16xi1>, vector<16xf32>
      %exp3A_601 = math.exp %select_n3A_600 : vector<16xf32>
      %swap3A_602 = arith.constant 1 : i32
      %swap3A_603 = arith.index_cast %swap3A_602 : i32 to index
      %swap3A_604 = arith.constant 96 : index
      %swap3A_605 = tpu.vector_load %arg16[%swap3A_603, %swap3A_604] {strides = array<i32>} : memref<2x128xf32, #tpu.memory_space<vmem>>, vector<16xf32>,
      tpu.vector_store %arg16[%swap3A_603, %swap3A_604], %exp3A_601 {strides = array<i32>} : memref<2x128xf32, #tpu.memory_space<vmem>>, vector<16xf32>,
      %swap3A_606 = arith.constant 96 : index
      %swap3A_607 = tpu.vector_load %arg17[%swap3A_606] {strides = array<i32>} : memref<128xf32, #tpu.memory_space<vmem>>, vector<16xf32>,
      tpu.vector_store %arg17[%swap3A_606], %exp3A_601 {strides = array<i32>} : memref<128xf32, #tpu.memory_space<vmem>>, vector<16xf32>,
      %get3A_608 = arith.constant 1 : i32
      %get3A_609 = arith.index_cast %get3A_608 : i32 to index
      %get3A_610 = arith.constant 112 : index
      %get3A_611 = tpu.vector_load %arg11[%get3A_609, %get3A_610] {strides = array<i32>} : memref<2x128xi32, #tpu.memory_space<vmem>>, vector<16xi32>,
      %get3A_612 = arith.constant 1 : i32
      %get3A_613 = arith.index_cast %get3A_612 : i32 to index
      %get3A_614 = arith.constant 112 : index
      %get3A_615 = tpu.vector_load %arg12[%get3A_613, %get3A_614] {strides = array<i32>} : memref<2x128xi32, #tpu.memory_space<vmem>>, vector<16xi32>,
      %mul3A_616 = arith.constant 10000 : i32
      %mul3A_617 = arith.muli %add3A_2, %mul3A_616 : i32
      %add3A_618 = vector.broadcast %mul3A_617 : i32 to vector<16xi32>
      %add3A_619 = arith.addi %get3A_611, %add3A_618 : vector<16xi32>
      %swap3A_620 = arith.constant 1 : i32
      %swap3A_621 = arith.index_cast %swap3A_620 : i32 to index
      %swap3A_622 = arith.constant 112 : index
      %swap3A_623 = tpu.vector_load %arg13[%swap3A_621, %swap3A_622] {strides = array<i32>} : memref<2x128xi32, #tpu.memory_space<vmem>>, vector<16xi32>,
      tpu.vector_store %arg13[%swap3A_621, %swap3A_622], %add3A_619 {strides = array<i32>} : memref<2x128xi32, #tpu.memory_space<vmem>>, vector<16xi32>,
      %gather3A_624 = tpu.vector_load_idx %arg14[%get3A_611] : memref<10000xf32, #tpu.memory_space<vmem>>[vector<16xi32>], vector<16xf32>,
      %gather3A_625 = tpu.vector_load_idx %arg15[%get3A_615] : memref<10000xf32, #tpu.memory_space<vmem>>[vector<16xi32>], vector<16xf32>,
      %add3A_626 = arith.addf %gather3A_624, %gather3A_625 : vector<16xf32>
      %ge3A_627 = arith.constant 0.000000e+00 : f32
      %ge3A_628 = vector.broadcast %ge3A_627 : f32 to vector<16xf32>
      %ge3A_629 = arith.cmpf oge, %add3A_626, %ge3A_628 : vector<16xf32>
      %mul3A_630 = arith.constant 2.000000e-01 : f32
      %mul3A_631 = vector.broadcast %mul3A_630 : f32 to vector<16xf32>
      %mul3A_632 = arith.mulf %mul3A_631, %add3A_626 : vector<16xf32>
      %select_n3A_633 = arith.select %ge3A_629, %add3A_626, %mul3A_632 : vector<16xi1>, vector<16xf32>
      %exp3A_634 = math.exp %select_n3A_633 : vector<16xf32>
      %swap3A_635 = arith.constant 1 : i32
      %swap3A_636 = arith.index_cast %swap3A_635 : i32 to index
      %swap3A_637 = arith.constant 112 : index
      %swap3A_638 = tpu.vector_load %arg16[%swap3A_636, %swap3A_637] {strides = array<i32>} : memref<2x128xf32, #tpu.memory_space<vmem>>, vector<16xf32>,
      tpu.vector_store %arg16[%swap3A_636, %swap3A_637], %exp3A_634 {strides = array<i32>} : memref<2x128xf32, #tpu.memory_space<vmem>>, vector<16xf32>,
      %swap3A_639 = arith.constant 112 : index
      %swap3A_640 = tpu.vector_load %arg17[%swap3A_639] {strides = array<i32>} : memref<128xf32, #tpu.memory_space<vmem>>, vector<16xf32>,
      tpu.vector_store %arg17[%swap3A_639], %exp3A_634 {strides = array<i32>} : memref<128xf32, #tpu.memory_space<vmem>>, vector<16xf32>,
      %dma_start3A_641 = arith.constant 1 : i32
      %dma_start3A_642 = arith.constant 0 : i32
      %dma_start3A_643 = tpu.memref_slice %arg13[%dma_start3A_641, %dma_start3A_642] : memref<2x128xi32, #tpu.memory_space<vmem>> -> memref<1x128xi32, #tpu.memory_space<vmem>>
      %dma_start3A_644 = tpu.memref_squeeze %dma_start3A_643 : memref<1x128xi32, #tpu.memory_space<vmem>> -> memref<128xi32, #tpu.memory_space<vmem>>
      %dma_start3A_645 = arith.constant 0 : i32
      %dma_start3A_646 = arith.constant 0 : i32
      %dma_start3A_647 = tpu.memref_slice %arg2[%dma_start3A_645, %dma_start3A_646] : memref<40000x128xf32, #tpu.memory_space<hbm>> -> memref<40000x128xf32, #tpu.memory_space<hbm>>
      tpu.enqueue_indirect_dma source(%dma_start3A_647 : memref<40000x128xf32, #tpu.memory_space<hbm>>) target(%arg18 : memref<128x128xf32, #tpu.memory_space<vmem>>) offsets(%dma_start3A_644 : memref<128xi32, #tpu.memory_space<vmem>>) semaphore(%arg21 : memref<!tpu.dma_semaphore, #tpu.memory_space<semaphore_mem>>)
      %dma_wait3A_648 = arith.constant 1 : i32
      %dma_wait3A_649 = arith.constant 0 : i32
      %dma_wait3A_650 = tpu.memref_slice %arg13[%dma_wait3A_648, %dma_wait3A_649] : memref<2x128xi32, #tpu.memory_space<vmem>> -> memref<1x128xi32, #tpu.memory_space<vmem>>
      %dma_wait3A_651 = tpu.memref_squeeze %dma_wait3A_650 : memref<1x128xi32, #tpu.memory_space<vmem>> -> memref<128xi32, #tpu.memory_space<vmem>>
      %dma_wait3A_652 = arith.constant 0 : i32
      %dma_wait3A_653 = arith.constant 0 : i32
      %dma_wait3A_654 = tpu.memref_slice %arg2[%dma_wait3A_652, %dma_wait3A_653] : memref<40000x128xf32, #tpu.memory_space<hbm>> -> memref<40000x128xf32, #tpu.memory_space<hbm>>
      tpu.wait_indirect_dma semaphore(%arg21 : memref<!tpu.dma_semaphore, #tpu.memory_space<semaphore_mem>>) src(%dma_wait3A_654 : memref<40000x128xf32, #tpu.memory_space<hbm>>) dst(%arg18 : memref<128x128xf32, #tpu.memory_space<vmem>>)
      %parallel_loop3A_655 = arith.constant 0 : i32
      %parallel_loop3A_656 = arith.constant 128 : i32
      %parallel_loop3A_657 = arith.constant 1 : i32
      scf.for %parallel_loop3A_664 = %parallel_loop3A_655 to %parallel_loop3A_656 step %parallel_loop3A_657  : i32 {
        %parallel_loop3A_665 = vector.broadcast %parallel_loop3A_664 : i32 to vector<16xi32>
        %parallel_loop3A_666 = tpu.vector_load_idx %arg17[%parallel_loop3A_665] : memref<128xf32, #tpu.memory_space<vmem>>[vector<16xi32>], vector<16xf32>,
        %parallel_loop3A_667 = arith.index_cast %parallel_loop3A_664 : i32 to index
        %parallel_loop3A_668 = arith.constant 0 : index
        %parallel_loop3A_669 = tpu.vector_load %arg18[%parallel_loop3A_667, %parallel_loop3A_668] {strides = array<i32>} : memref<128x128xf32, #tpu.memory_space<vmem>>, vector<16xf32>,
        %parallel_loop3A_670 = arith.mulf %parallel_loop3A_669, %parallel_loop3A_666 : vector<16xf32>
        %parallel_loop3A_671 = arith.index_cast %parallel_loop3A_664 : i32 to index
        %parallel_loop3A_672 = arith.constant 0 : index
        %parallel_loop3A_673 = tpu.vector_load %arg18[%parallel_loop3A_671, %parallel_loop3A_672] {strides = array<i32>} : memref<128x128xf32, #tpu.memory_space<vmem>>, vector<16xf32>,
        tpu.vector_store %arg18[%parallel_loop3A_671, %parallel_loop3A_672], %parallel_loop3A_670 {strides = array<i32>} : memref<128x128xf32, #tpu.memory_space<vmem>>, vector<16xf32>,
        %parallel_loop3A_674 = arith.index_cast %parallel_loop3A_664 : i32 to index
        %parallel_loop3A_675 = arith.constant 16 : index
        %parallel_loop3A_676 = tpu.vector_load %arg18[%parallel_loop3A_674, %parallel_loop3A_675] {strides = array<i32>} : memref<128x128xf32, #tpu.memory_space<vmem>>, vector<16xf32>,
        %parallel_loop3A_677 = arith.mulf %parallel_loop3A_676, %parallel_loop3A_666 : vector<16xf32>
        %parallel_loop3A_678 = arith.index_cast %parallel_loop3A_664 : i32 to index
        %parallel_loop3A_679 = arith.constant 16 : index
        %parallel_loop3A_680 = tpu.vector_load %arg18[%parallel_loop3A_678, %parallel_loop3A_679] {strides = array<i32>} : memref<128x128xf32, #tpu.memory_space<vmem>>, vector<16xf32>,
        tpu.vector_store %arg18[%parallel_loop3A_678, %parallel_loop3A_679], %parallel_loop3A_677 {strides = array<i32>} : memref<128x128xf32, #tpu.memory_space<vmem>>, vector<16xf32>,
        %parallel_loop3A_681 = arith.index_cast %parallel_loop3A_664 : i32 to index
        %parallel_loop3A_682 = arith.constant 32 : index
        %parallel_loop3A_683 = tpu.vector_load %arg18[%parallel_loop3A_681, %parallel_loop3A_682] {strides = array<i32>} : memref<128x128xf32, #tpu.memory_space<vmem>>, vector<16xf32>,
        %parallel_loop3A_684 = arith.mulf %parallel_loop3A_683, %parallel_loop3A_666 : vector<16xf32>
        %parallel_loop3A_685 = arith.index_cast %parallel_loop3A_664 : i32 to index
        %parallel_loop3A_686 = arith.constant 32 : index
        %parallel_loop3A_687 = tpu.vector_load %arg18[%parallel_loop3A_685, %parallel_loop3A_686] {strides = array<i32>} : memref<128x128xf32, #tpu.memory_space<vmem>>, vector<16xf32>,
        tpu.vector_store %arg18[%parallel_loop3A_685, %parallel_loop3A_686], %parallel_loop3A_684 {strides = array<i32>} : memref<128x128xf32, #tpu.memory_space<vmem>>, vector<16xf32>,
        %parallel_loop3A_688 = arith.index_cast %parallel_loop3A_664 : i32 to index
        %parallel_loop3A_689 = arith.constant 48 : index
        %parallel_loop3A_690 = tpu.vector_load %arg18[%parallel_loop3A_688, %parallel_loop3A_689] {strides = array<i32>} : memref<128x128xf32, #tpu.memory_space<vmem>>, vector<16xf32>,
        %parallel_loop3A_691 = arith.mulf %parallel_loop3A_690, %parallel_loop3A_666 : vector<16xf32>
        %parallel_loop3A_692 = arith.index_cast %parallel_loop3A_664 : i32 to index
        %parallel_loop3A_693 = arith.constant 48 : index
        %parallel_loop3A_694 = tpu.vector_load %arg18[%parallel_loop3A_692, %parallel_loop3A_693] {strides = array<i32>} : memref<128x128xf32, #tpu.memory_space<vmem>>, vector<16xf32>,
        tpu.vector_store %arg18[%parallel_loop3A_692, %parallel_loop3A_693], %parallel_loop3A_691 {strides = array<i32>} : memref<128x128xf32, #tpu.memory_space<vmem>>, vector<16xf32>,
        %parallel_loop3A_695 = arith.index_cast %parallel_loop3A_664 : i32 to index
        %parallel_loop3A_696 = arith.constant 64 : index
        %parallel_loop3A_697 = tpu.vector_load %arg18[%parallel_loop3A_695, %parallel_loop3A_696] {strides = array<i32>} : memref<128x128xf32, #tpu.memory_space<vmem>>, vector<16xf32>,
        %parallel_loop3A_698 = arith.mulf %parallel_loop3A_697, %parallel_loop3A_666 : vector<16xf32>
        %parallel_loop3A_699 = arith.index_cast %parallel_loop3A_664 : i32 to index
        %parallel_loop3A_700 = arith.constant 64 : index
        %parallel_loop3A_701 = tpu.vector_load %arg18[%parallel_loop3A_699, %parallel_loop3A_700] {strides = array<i32>} : memref<128x128xf32, #tpu.memory_space<vmem>>, vector<16xf32>,
        tpu.vector_store %arg18[%parallel_loop3A_699, %parallel_loop3A_700], %parallel_loop3A_698 {strides = array<i32>} : memref<128x128xf32, #tpu.memory_space<vmem>>, vector<16xf32>,
        %parallel_loop3A_702 = arith.index_cast %parallel_loop3A_664 : i32 to index
        %parallel_loop3A_703 = arith.constant 80 : index
        %parallel_loop3A_704 = tpu.vector_load %arg18[%parallel_loop3A_702, %parallel_loop3A_703] {strides = array<i32>} : memref<128x128xf32, #tpu.memory_space<vmem>>, vector<16xf32>,
        %parallel_loop3A_705 = arith.mulf %parallel_loop3A_704, %parallel_loop3A_666 : vector<16xf32>
        %parallel_loop3A_706 = arith.index_cast %parallel_loop3A_664 : i32 to index
        %parallel_loop3A_707 = arith.constant 80 : index
        %parallel_loop3A_708 = tpu.vector_load %arg18[%parallel_loop3A_706, %parallel_loop3A_707] {strides = array<i32>} : memref<128x128xf32, #tpu.memory_space<vmem>>, vector<16xf32>,
        tpu.vector_store %arg18[%parallel_loop3A_706, %parallel_loop3A_707], %parallel_loop3A_705 {strides = array<i32>} : memref<128x128xf32, #tpu.memory_space<vmem>>, vector<16xf32>,
        %parallel_loop3A_709 = arith.index_cast %parallel_loop3A_664 : i32 to index
        %parallel_loop3A_710 = arith.constant 96 : index
        %parallel_loop3A_711 = tpu.vector_load %arg18[%parallel_loop3A_709, %parallel_loop3A_710] {strides = array<i32>} : memref<128x128xf32, #tpu.memory_space<vmem>>, vector<16xf32>,
        %parallel_loop3A_712 = arith.mulf %parallel_loop3A_711, %parallel_loop3A_666 : vector<16xf32>
        %parallel_loop3A_713 = arith.index_cast %parallel_loop3A_664 : i32 to index
        %parallel_loop3A_714 = arith.constant 96 : index
        %parallel_loop3A_715 = tpu.vector_load %arg18[%parallel_loop3A_713, %parallel_loop3A_714] {strides = array<i32>} : memref<128x128xf32, #tpu.memory_space<vmem>>, vector<16xf32>,
        tpu.vector_store %arg18[%parallel_loop3A_713, %parallel_loop3A_714], %parallel_loop3A_712 {strides = array<i32>} : memref<128x128xf32, #tpu.memory_space<vmem>>, vector<16xf32>,
        %parallel_loop3A_716 = arith.index_cast %parallel_loop3A_664 : i32 to index
        %parallel_loop3A_717 = arith.constant 112 : index
        %parallel_loop3A_718 = tpu.vector_load %arg18[%parallel_loop3A_716, %parallel_loop3A_717] {strides = array<i32>} : memref<128x128xf32, #tpu.memory_space<vmem>>, vector<16xf32>,
        %parallel_loop3A_719 = arith.mulf %parallel_loop3A_718, %parallel_loop3A_666 : vector<16xf32>
        %parallel_loop3A_720 = arith.index_cast %parallel_loop3A_664 : i32 to index
        %parallel_loop3A_721 = arith.constant 112 : index
        %parallel_loop3A_722 = tpu.vector_load %arg18[%parallel_loop3A_720, %parallel_loop3A_721] {strides = array<i32>} : memref<128x128xf32, #tpu.memory_space<vmem>>, vector<16xf32>,
        tpu.vector_store %arg18[%parallel_loop3A_720, %parallel_loop3A_721], %parallel_loop3A_719 {strides = array<i32>} : memref<128x128xf32, #tpu.memory_space<vmem>>, vector<16xf32>,
      } {sc.loop_unroll_factor = 4 : i64, sc.parallel_access}
      %run_scoped3A_658 = arith.constant 1 : i32
      "tpu.region"() ({
        %run_scoped3A_664 = tpu.sem_alloc : memref<!tpu.dma_semaphore, #tpu.memory_space<semaphore_mem>>
        %dma_start3A_665 = arith.constant 0 : i32
        %dma_start3A_666 = tpu.memref_slice %arg12[%run_scoped3A_658, %dma_start3A_665] : memref<2x128xi32, #tpu.memory_space<vmem>> -> memref<1x128xi32, #tpu.memory_space<vmem>>
        %dma_start3A_667 = tpu.memref_squeeze %dma_start3A_666 : memref<1x128xi32, #tpu.memory_space<vmem>> -> memref<128xi32, #tpu.memory_space<vmem>>
        %dma_start3A_668 = arith.constant 0 : i32
        %dma_start3A_669 = arith.constant 0 : i32
        %dma_start3A_670 = tpu.memref_slice %arg19[%dma_start3A_668, %dma_start3A_669] : memref<10000x128xf32, #tpu.memory_space<vmem_shared>> -> memref<10000x128xf32, #tpu.memory_space<vmem_shared>>
        tpu.enqueue_indirect_dma source(%arg18 : memref<128x128xf32, #tpu.memory_space<vmem>>) target(%dma_start3A_670 : memref<10000x128xf32, #tpu.memory_space<vmem_shared>>) offsets(%dma_start3A_667 : memref<128xi32, #tpu.memory_space<vmem>>) semaphore(%run_scoped3A_664 : memref<!tpu.dma_semaphore, #tpu.memory_space<semaphore_mem>>) {add = true}
        %dma_wait3A_671 = arith.constant 0 : i32
        %dma_wait3A_672 = tpu.memref_slice %arg12[%run_scoped3A_658, %dma_wait3A_671] : memref<2x128xi32, #tpu.memory_space<vmem>> -> memref<1x128xi32, #tpu.memory_space<vmem>>
        %dma_wait3A_673 = tpu.memref_squeeze %dma_wait3A_672 : memref<1x128xi32, #tpu.memory_space<vmem>> -> memref<128xi32, #tpu.memory_space<vmem>>
        %dma_wait3A_674 = arith.constant 0 : i32
        %dma_wait3A_675 = arith.constant 0 : i32
        %dma_wait3A_676 = tpu.memref_slice %arg19[%dma_wait3A_674, %dma_wait3A_675] : memref<10000x128xf32, #tpu.memory_space<vmem_shared>> -> memref<10000x128xf32, #tpu.memory_space<vmem_shared>>
        tpu.wait_indirect_dma semaphore(%run_scoped3A_664 : memref<!tpu.dma_semaphore, #tpu.memory_space<semaphore_mem>>) src(%arg18 : memref<128x128xf32, #tpu.memory_space<vmem>>) dst(%dma_wait3A_676 : memref<10000x128xf32, #tpu.memory_space<vmem_shared>>)
        tpu.yield
      }) : () -> ()
      %eq3A_659 = arith.constant 0 : i32
      %eq3A_660 = arith.cmpi eq, %arg0, %eq3A_659 : i32
      %convert_element_type3A_661 = arith.extui %eq3A_660 : i1 to i32
      %cond3A_662 = arith.constant 0 : i32
      %cond3A_663 = arith.cmpi ne, %convert_element_type3A_661, %cond3A_662 : i32
      scf.if %cond3A_663 {
        %run_scoped3A_664 = arith.constant 1 : i32
        %run_scoped3A_665 = arith.constant 1 : i32
        "tpu.region"() ({
          %run_scoped3A_666 = tpu.sem_alloc : memref<!tpu.dma_semaphore, #tpu.memory_space<semaphore_mem>>
          %dma_start3A_667 = arith.constant 0 : i32
          %dma_start3A_668 = tpu.memref_slice %arg16[%run_scoped3A_664, %dma_start3A_667] : memref<2x128xf32, #tpu.memory_space<vmem>> -> memref<1x128xf32, #tpu.memory_space<vmem>>
          %dma_start3A_669 = tpu.memref_squeeze %dma_start3A_668 : memref<1x128xf32, #tpu.memory_space<vmem>> -> memref<128xf32, #tpu.memory_space<vmem>>
          %dma_start3A_670 = arith.constant 0 : i32
          %dma_start3A_671 = tpu.memref_slice %arg12[%run_scoped3A_665, %dma_start3A_670] : memref<2x128xi32, #tpu.memory_space<vmem>> -> memref<1x128xi32, #tpu.memory_space<vmem>>
          %dma_start3A_672 = tpu.memref_squeeze %dma_start3A_671 : memref<1x128xi32, #tpu.memory_space<vmem>> -> memref<128xi32, #tpu.memory_space<vmem>>
          %dma_start3A_673 = arith.constant 0 : i32
          %dma_start3A_674 = tpu.memref_slice %arg20[%dma_start3A_673] : memref<10000xf32, #tpu.memory_space<vmem_shared>> -> memref<10000xf32, #tpu.memory_space<vmem_shared>>
          tpu.enqueue_indirect_dma source(%dma_start3A_669 : memref<128xf32, #tpu.memory_space<vmem>>) target(%dma_start3A_674 : memref<10000xf32, #tpu.memory_space<vmem_shared>>) offsets(%dma_start3A_672 : memref<128xi32, #tpu.memory_space<vmem>>) semaphore(%run_scoped3A_666 : memref<!tpu.dma_semaphore, #tpu.memory_space<semaphore_mem>>) {add = true}
          %dma_wait3A_675 = arith.constant 0 : i32
          %dma_wait3A_676 = tpu.memref_slice %arg16[%run_scoped3A_664, %dma_wait3A_675] : memref<2x128xf32, #tpu.memory_space<vmem>> -> memref<1x128xf32, #tpu.memory_space<vmem>>
          %dma_wait3A_677 = tpu.memref_squeeze %dma_wait3A_676 : memref<1x128xf32, #tpu.memory_space<vmem>> -> memref<128xf32, #tpu.memory_space<vmem>>
          %dma_wait3A_678 = arith.constant 0 : i32
          %dma_wait3A_679 = tpu.memref_slice %arg12[%run_scoped3A_665, %dma_wait3A_678] : memref<2x128xi32, #tpu.memory_space<vmem>> -> memref<1x128xi32, #tpu.memory_space<vmem>>
          %dma_wait3A_680 = tpu.memref_squeeze %dma_wait3A_679 : memref<1x128xi32, #tpu.memory_space<vmem>> -> memref<128xi32, #tpu.memory_space<vmem>>
          %dma_wait3A_681 = arith.constant 0 : i32
          %dma_wait3A_682 = tpu.memref_slice %arg20[%dma_wait3A_681] : memref<10000xf32, #tpu.memory_space<vmem_shared>> -> memref<10000xf32, #tpu.memory_space<vmem_shared>>
          tpu.wait_indirect_dma semaphore(%run_scoped3A_666 : memref<!tpu.dma_semaphore, #tpu.memory_space<semaphore_mem>>) src(%dma_wait3A_677 : memref<128xf32, #tpu.memory_space<vmem>>) dst(%dma_wait3A_682 : memref<10000xf32, #tpu.memory_space<vmem_shared>>)
          tpu.yield
        }) : () -> ()
      } else {
      }
    }
    %barrier3A_33 = arith.constant 0 : index
    tpu.barrier barrier_id(%barrier3A_33)
    %lt3A_34 = arith.constant 15 : i32
    %lt3A_35 = arith.cmpi slt, %arg1, %lt3A_34 : i32
    %convert_element_type3A_36 = arith.extui %lt3A_35 : i1 to i32
    %cond3A_37 = arith.constant 0 : i32
    %cond3A_38 = arith.cmpi ne, %convert_element_type3A_36, %cond3A_37 : i32
    scf.if %cond3A_38 {
      "tpu.region"() ({
        %run_scoped3A = tpu.sem_alloc : memref<!tpu.dma_semaphore, #tpu.memory_space<semaphore_mem>>
        %dma_start3A = arith.constant 0 : i32
        %dma_start3A_95 = tpu.memref_slice %arg9[%multiple_of3A_9, %dma_start3A] : memref<40000x128xf32, #tpu.memory_space<hbm>> -> memref<624x128xf32, #tpu.memory_space<hbm>>
        %dma_start3A_96 = arith.constant 0 : i32
        %dma_start3A_97 = tpu.memref_slice %arg19[%multiple_of3A, %dma_start3A_96] : memref<10000x128xf32, #tpu.memory_space<vmem_shared>> -> memref<624x128xf32, #tpu.memory_space<vmem_shared>>
        tpu.enqueue_dma source(%dma_start3A_97 : memref<624x128xf32, #tpu.memory_space<vmem_shared>>) target(%dma_start3A_95 : memref<624x128xf32, #tpu.memory_space<hbm>>) target_semaphore(%run_scoped3A : memref<!tpu.dma_semaphore, #tpu.memory_space<semaphore_mem>>)
        %dma_wait3A = arith.constant 0 : i32
        %dma_wait3A_98 = tpu.memref_slice %arg9[%multiple_of3A_9, %dma_wait3A] : memref<40000x128xf32, #tpu.memory_space<hbm>> -> memref<624x128xf32, #tpu.memory_space<hbm>>
        %dma_wait3A_99 = arith.constant 0 : i32
        %dma_wait3A_100 = tpu.memref_slice %arg19[%multiple_of3A, %dma_wait3A_99] : memref<10000x128xf32, #tpu.memory_space<vmem_shared>> -> memref<624x128xf32, #tpu.memory_space<vmem_shared>>
        tpu.wait_dma2 semaphore(%run_scoped3A : memref<!tpu.dma_semaphore, #tpu.memory_space<semaphore_mem>>) src(%dma_wait3A_100 : memref<624x128xf32, #tpu.memory_space<vmem_shared>>) dst(%dma_wait3A_98 : memref<624x128xf32, #tpu.memory_space<hbm>>)
        tpu.yield
      }) : () -> ()
    } else {
    }
    %eq3A_39 = arith.constant 15 : i32
    %eq3A_40 = arith.cmpi eq, %arg1, %eq3A_39 : i32
    %convert_element_type3A_41 = arith.extui %eq3A_40 : i1 to i32
    %cond3A_42 = arith.constant 0 : i32
    %cond3A_43 = arith.cmpi ne, %convert_element_type3A_41, %cond3A_42 : i32
    scf.if %cond3A_43 {
      %mul3A_95 = arith.constant 10000 : i32
      %mul3A_96 = arith.muli %add3A_2, %mul3A_95 : i32
      %add3A_97 = arith.constant 9360 : i32
      %add3A_98 = arith.addi %mul3A_96, %add3A_97 : i32
      "tpu.region"() ({
        %run_scoped3A = tpu.sem_alloc : memref<!tpu.dma_semaphore, #tpu.memory_space<semaphore_mem>>
        %dma_start3A = arith.constant 0 : i32
        %dma_start3A_99 = tpu.memref_slice %arg9[%add3A_98, %dma_start3A] : memref<40000x128xf32, #tpu.memory_space<hbm>> -> memref<640x128xf32, #tpu.memory_space<hbm>>
        %dma_start3A_100 = arith.constant 9360 : i32
        %dma_start3A_101 = arith.constant 0 : i32
        %dma_start3A_102 = tpu.memref_slice %arg19[%dma_start3A_100, %dma_start3A_101] : memref<10000x128xf32, #tpu.memory_space<vmem_shared>> -> memref<640x128xf32, #tpu.memory_space<vmem_shared>>
        tpu.enqueue_dma source(%dma_start3A_102 : memref<640x128xf32, #tpu.memory_space<vmem_shared>>) target(%dma_start3A_99 : memref<640x128xf32, #tpu.memory_space<hbm>>) target_semaphore(%run_scoped3A : memref<!tpu.dma_semaphore, #tpu.memory_space<semaphore_mem>>)
        %dma_wait3A = arith.constant 0 : i32
        %dma_wait3A_103 = tpu.memref_slice %arg9[%add3A_98, %dma_wait3A] : memref<40000x128xf32, #tpu.memory_space<hbm>> -> memref<640x128xf32, #tpu.memory_space<hbm>>
        %dma_wait3A_104 = arith.constant 9360 : i32
        %dma_wait3A_105 = arith.constant 0 : i32
        %dma_wait3A_106 = tpu.memref_slice %arg19[%dma_wait3A_104, %dma_wait3A_105] : memref<10000x128xf32, #tpu.memory_space<vmem_shared>> -> memref<640x128xf32, #tpu.memory_space<vmem_shared>>
        tpu.wait_dma2 semaphore(%run_scoped3A : memref<!tpu.dma_semaphore, #tpu.memory_space<semaphore_mem>>) src(%dma_wait3A_106 : memref<640x128xf32, #tpu.memory_space<vmem_shared>>) dst(%dma_wait3A_103 : memref<640x128xf32, #tpu.memory_space<hbm>>)
        tpu.yield
      }) : () -> ()
    } else {
    }
    %eq3A_44 = arith.constant 0 : i32
    %eq3A_45 = arith.cmpi eq, %arg0, %eq3A_44 : i32
    %eq3A_46 = arith.constant 0 : i32
    %eq3A_47 = arith.cmpi eq, %arg1, %eq3A_46 : i32
    %and3A_48 = arith.andi %eq3A_45, %eq3A_47 : i1
    %convert_element_type3A_49 = arith.extui %and3A_48 : i1 to i32
    %cond3A_50 = arith.constant 0 : i32
    %cond3A_51 = arith.cmpi ne, %convert_element_type3A_49, %cond3A_50 : i32
    scf.if %cond3A_51 {
      "tpu.region"() ({
        %run_scoped3A = tpu.sem_alloc : memref<!tpu.dma_semaphore, #tpu.memory_space<semaphore_mem>>
        tpu.enqueue_dma source(%arg20 : memref<10000xf32, #tpu.memory_space<vmem_shared>>) target(%arg10 : memref<10000xf32, #tpu.memory_space<hbm>>) target_semaphore(%run_scoped3A : memref<!tpu.dma_semaphore, #tpu.memory_space<semaphore_mem>>)
        tpu.wait_dma2 semaphore(%run_scoped3A : memref<!tpu.dma_semaphore, #tpu.memory_space<semaphore_mem>>) src(%arg20 : memref<10000xf32, #tpu.memory_space<vmem_shared>>) dst(%arg10 : memref<10000xf32, #tpu.memory_space<hbm>>)
        tpu.yield
      }) : () -> ()
    } else {
    }
    %add3A_52 = arith.constant 2 : i32
    %add3A_53 = arith.addi %arg0, %add3A_52 : i32
    %mul3A_54 = arith.constant 624 : i32
    %mul3A_55 = arith.muli %arg1, %mul3A_54 : i32
    %multiple_of3A_56 = tpu.assume_multiple %mul3A_55, 8 : i32
    %mul3A_57 = arith.constant 10000 : i32
    %mul3A_58 = arith.muli %add3A_53, %mul3A_57 : i32
    %mul3A_59 = arith.constant 624 : i32
    %mul3A_60 = arith.muli %arg1, %mul3A_59 : i32
    %add3A_61 = arith.addi %mul3A_58, %mul3A_60 : i32
    %multiple_of3A_62 = tpu.assume_multiple %add3A_61, 8 : i32
    %lt3A_63 = arith.constant 15 : i32
    %lt3A_64 = arith.cmpi slt, %arg1, %lt3A_63 : i32
    %convert_element_type3A_65 = arith.extui %lt3A_64 : i1 to i32
    %cond3A_66 = arith.constant 0 : i32
    %cond3A_67 = arith.cmpi ne, %convert_element_type3A_65, %cond3A_66 : i32
    scf.if %cond3A_67 {
      "tpu.region"() ({
        %run_scoped3A = tpu.sem_alloc : memref<!tpu.dma_semaphore, #tpu.memory_space<semaphore_mem>>
        %dma_start3A = arith.constant 0 : i32
        %dma_start3A_95 = tpu.memref_slice %arg19[%multiple_of3A_56, %dma_start3A] : memref<10000x128xf32, #tpu.memory_space<vmem_shared>> -> memref<624x128xf32, #tpu.memory_space<vmem_shared>>
        %dma_start3A_96 = arith.constant 0 : i32
        %dma_start3A_97 = tpu.memref_slice %arg3[%multiple_of3A_62, %dma_start3A_96] : memref<40000x128xf32, #tpu.memory_space<hbm>> -> memref<624x128xf32, #tpu.memory_space<hbm>>
        tpu.enqueue_dma source(%dma_start3A_97 : memref<624x128xf32, #tpu.memory_space<hbm>>) target(%dma_start3A_95 : memref<624x128xf32, #tpu.memory_space<vmem_shared>>) target_semaphore(%run_scoped3A : memref<!tpu.dma_semaphore, #tpu.memory_space<semaphore_mem>>)
        %dma_wait3A = arith.constant 0 : i32
        %dma_wait3A_98 = tpu.memref_slice %arg19[%multiple_of3A_56, %dma_wait3A] : memref<10000x128xf32, #tpu.memory_space<vmem_shared>> -> memref<624x128xf32, #tpu.memory_space<vmem_shared>>
        %dma_wait3A_99 = arith.constant 0 : i32
        %dma_wait3A_100 = tpu.memref_slice %arg3[%multiple_of3A_62, %dma_wait3A_99] : memref<40000x128xf32, #tpu.memory_space<hbm>> -> memref<624x128xf32, #tpu.memory_space<hbm>>
        tpu.wait_dma2 semaphore(%run_scoped3A : memref<!tpu.dma_semaphore, #tpu.memory_space<semaphore_mem>>) src(%dma_wait3A_100 : memref<624x128xf32, #tpu.memory_space<hbm>>) dst(%dma_wait3A_98 : memref<624x128xf32, #tpu.memory_space<vmem_shared>>)
        tpu.yield
      }) : () -> ()
    } else {
    }
    %eq3A_68 = arith.constant 15 : i32
    %eq3A_69 = arith.cmpi eq, %arg1, %eq3A_68 : i32
    %convert_element_type3A_70 = arith.extui %eq3A_69 : i1 to i32
    %cond3A_71 = arith.constant 0 : i32
    %cond3A_72 = arith.cmpi ne, %convert_element_type3A_70, %cond3A_71 : i32
    scf.if %cond3A_72 {
      %mul3A_95 = arith.constant 10000 : i32
      %mul3A_96 = arith.muli %add3A_53, %mul3A_95 : i32
      %add3A_97 = arith.constant 9360 : i32
      %add3A_98 = arith.addi %mul3A_96, %add3A_97 : i32
      "tpu.region"() ({
        %run_scoped3A = tpu.sem_alloc : memref<!tpu.dma_semaphore, #tpu.memory_space<semaphore_mem>>
        %dma_start3A = arith.constant 9360 : i32
        %dma_start3A_99 = arith.constant 0 : i32
        %dma_start3A_100 = tpu.memref_slice %arg19[%dma_start3A, %dma_start3A_99] : memref<10000x128xf32, #tpu.memory_space<vmem_shared>> -> memref<640x128xf32, #tpu.memory_space<vmem_shared>>
        %dma_start3A_101 = arith.constant 0 : i32
        %dma_start3A_102 = tpu.memref_slice %arg3[%add3A_98, %dma_start3A_101] : memref<40000x128xf32, #tpu.memory_space<hbm>> -> memref<640x128xf32, #tpu.memory_space<hbm>>
        tpu.enqueue_dma source(%dma_start3A_102 : memref<640x128xf32, #tpu.memory_space<hbm>>) target(%dma_start3A_100 : memref<640x128xf32, #tpu.memory_space<vmem_shared>>) target_semaphore(%run_scoped3A : memref<!tpu.dma_semaphore, #tpu.memory_space<semaphore_mem>>)
        %dma_wait3A = arith.constant 9360 : i32
        %dma_wait3A_103 = arith.constant 0 : i32
        %dma_wait3A_104 = tpu.memref_slice %arg19[%dma_wait3A, %dma_wait3A_103] : memref<10000x128xf32, #tpu.memory_space<vmem_shared>> -> memref<640x128xf32, #tpu.memory_space<vmem_shared>>
        %dma_wait3A_105 = arith.constant 0 : i32
        %dma_wait3A_106 = tpu.memref_slice %arg3[%add3A_98, %dma_wait3A_105] : memref<40000x128xf32, #tpu.memory_space<hbm>> -> memref<640x128xf32, #tpu.memory_space<hbm>>
        tpu.wait_dma2 semaphore(%run_scoped3A : memref<!tpu.dma_semaphore, #tpu.memory_space<semaphore_mem>>) src(%dma_wait3A_106 : memref<640x128xf32, #tpu.memory_space<hbm>>) dst(%dma_wait3A_104 : memref<640x128xf32, #tpu.memory_space<vmem_shared>>)
        tpu.yield
      }) : () -> ()
    } else {
    }
    %barrier3A_73 = arith.constant 0 : index
    tpu.barrier barrier_id(%barrier3A_73)
    %while3A_74 = arith.constant 0 : i32
    %while3A_75 = arith.constant 0 : i32
    %while3A_76 = arith.subi %select_n3A, %while3A_75 : i32
    %while3A_77 = arith.addi %while3A_75, %while3A_76 : i32
    %while3A_78 = arith.constant 1 : i32
    %while3A_79 = arith.divsi %while3A_76, %while3A_78 : i32
    %while3A_80 = arith.muli %while3A_79, %while3A_78 : i32
    %while3A_81 = arith.addi %while3A_75, %while3A_80 : i32
    %while3A_82 = arith.constant 1 : i32
    scf.for %while3A_95 = %while3A_75 to %while3A_81 step %while3A_82  : i32 {
      %mul3A_96 = arith.constant 16 : i32
      %mul3A_97 = arith.muli %while3A_95, %mul3A_96 : i32
      %add3A_98 = arith.addi %mul3A_97, %arg1 : i32
      "tpu.region"() ({
        %run_scoped3A_654 = tpu.sem_alloc : memref<!tpu.dma_semaphore, #tpu.memory_space<semaphore_mem>>
        %dma_start3A_655 = arith.constant 0 : i32
        %dma_start3A_656 = arith.constant 0 : i32
        %dma_start3A_657 = tpu.memref_slice %arg7[%add3A_98, %dma_start3A_655, %dma_start3A_656] : memref<1250x2x128xi32, #tpu.memory_space<hbm>> -> memref<1x2x128xi32, #tpu.memory_space<hbm>>
        %dma_start3A_658 = tpu.memref_squeeze %dma_start3A_657 : memref<1x2x128xi32, #tpu.memory_space<hbm>> -> memref<2x128xi32, #tpu.memory_space<hbm>>
        %dma_start3A_659 = arith.constant 0 : i32
        %dma_start3A_660 = arith.constant 0 : i32
        %dma_start3A_661 = tpu.memref_slice %arg7[%add3A_98, %dma_start3A_659, %dma_start3A_660] : memref<1250x2x128xi32, #tpu.memory_space<hbm>> -> memref<1x2x128xi32, #tpu.memory_space<hbm>>
        %dma_start3A_662 = tpu.memref_squeeze %dma_start3A_661 : memref<1x2x128xi32, #tpu.memory_space<hbm>> -> memref<2x128xi32, #tpu.memory_space<hbm>>
        tpu.enqueue_dma source(%dma_start3A_662 : memref<2x128xi32, #tpu.memory_space<hbm>>) target(%arg11 : memref<2x128xi32, #tpu.memory_space<vmem>>) target_semaphore(%run_scoped3A_654 : memref<!tpu.dma_semaphore, #tpu.memory_space<semaphore_mem>>)
        %dma_wait3A_663 = arith.constant 0 : i32
        %dma_wait3A_664 = arith.constant 0 : i32
        %dma_wait3A_665 = tpu.memref_slice %arg7[%add3A_98, %dma_wait3A_663, %dma_wait3A_664] : memref<1250x2x128xi32, #tpu.memory_space<hbm>> -> memref<1x2x128xi32, #tpu.memory_space<hbm>>
        %dma_wait3A_666 = tpu.memref_squeeze %dma_wait3A_665 : memref<1x2x128xi32, #tpu.memory_space<hbm>> -> memref<2x128xi32, #tpu.memory_space<hbm>>
        %dma_wait3A_667 = arith.constant 0 : i32
        %dma_wait3A_668 = arith.constant 0 : i32
        %dma_wait3A_669 = tpu.memref_slice %arg7[%add3A_98, %dma_wait3A_667, %dma_wait3A_668] : memref<1250x2x128xi32, #tpu.memory_space<hbm>> -> memref<1x2x128xi32, #tpu.memory_space<hbm>>
        %dma_wait3A_670 = tpu.memref_squeeze %dma_wait3A_669 : memref<1x2x128xi32, #tpu.memory_space<hbm>> -> memref<2x128xi32, #tpu.memory_space<hbm>>
        tpu.wait_dma2 semaphore(%run_scoped3A_654 : memref<!tpu.dma_semaphore, #tpu.memory_space<semaphore_mem>>) src(%dma_wait3A_670 : memref<2x128xi32, #tpu.memory_space<hbm>>) dst(%arg11 : memref<2x128xi32, #tpu.memory_space<vmem>>)
        tpu.yield
      }) : () -> ()
      "tpu.region"() ({
        %run_scoped3A_654 = tpu.sem_alloc : memref<!tpu.dma_semaphore, #tpu.memory_space<semaphore_mem>>
        %dma_start3A_655 = arith.constant 0 : i32
        %dma_start3A_656 = arith.constant 0 : i32
        %dma_start3A_657 = tpu.memref_slice %arg8[%add3A_98, %dma_start3A_655, %dma_start3A_656] : memref<1250x2x128xi32, #tpu.memory_space<hbm>> -> memref<1x2x128xi32, #tpu.memory_space<hbm>>
        %dma_start3A_658 = tpu.memref_squeeze %dma_start3A_657 : memref<1x2x128xi32, #tpu.memory_space<hbm>> -> memref<2x128xi32, #tpu.memory_space<hbm>>
        %dma_start3A_659 = arith.constant 0 : i32
        %dma_start3A_660 = arith.constant 0 : i32
        %dma_start3A_661 = tpu.memref_slice %arg8[%add3A_98, %dma_start3A_659, %dma_start3A_660] : memref<1250x2x128xi32, #tpu.memory_space<hbm>> -> memref<1x2x128xi32, #tpu.memory_space<hbm>>
        %dma_start3A_662 = tpu.memref_squeeze %dma_start3A_661 : memref<1x2x128xi32, #tpu.memory_space<hbm>> -> memref<2x128xi32, #tpu.memory_space<hbm>>
        tpu.enqueue_dma source(%dma_start3A_662 : memref<2x128xi32, #tpu.memory_space<hbm>>) target(%arg12 : memref<2x128xi32, #tpu.memory_space<vmem>>) target_semaphore(%run_scoped3A_654 : memref<!tpu.dma_semaphore, #tpu.memory_space<semaphore_mem>>)
        %dma_wait3A_663 = arith.constant 0 : i32
        %dma_wait3A_664 = arith.constant 0 : i32
        %dma_wait3A_665 = tpu.memref_slice %arg8[%add3A_98, %dma_wait3A_663, %dma_wait3A_664] : memref<1250x2x128xi32, #tpu.memory_space<hbm>> -> memref<1x2x128xi32, #tpu.memory_space<hbm>>
        %dma_wait3A_666 = tpu.memref_squeeze %dma_wait3A_665 : memref<1x2x128xi32, #tpu.memory_space<hbm>> -> memref<2x128xi32, #tpu.memory_space<hbm>>
        %dma_wait3A_667 = arith.constant 0 : i32
        %dma_wait3A_668 = arith.constant 0 : i32
        %dma_wait3A_669 = tpu.memref_slice %arg8[%add3A_98, %dma_wait3A_667, %dma_wait3A_668] : memref<1250x2x128xi32, #tpu.memory_space<hbm>> -> memref<1x2x128xi32, #tpu.memory_space<hbm>>
        %dma_wait3A_670 = tpu.memref_squeeze %dma_wait3A_669 : memref<1x2x128xi32, #tpu.memory_space<hbm>> -> memref<2x128xi32, #tpu.memory_space<hbm>>
        tpu.wait_dma2 semaphore(%run_scoped3A_654 : memref<!tpu.dma_semaphore, #tpu.memory_space<semaphore_mem>>) src(%dma_wait3A_670 : memref<2x128xi32, #tpu.memory_space<hbm>>) dst(%arg12 : memref<2x128xi32, #tpu.memory_space<vmem>>)
        tpu.yield
      }) : () -> ()
      %get3A = arith.constant 0 : i32
      %get3A_99 = arith.index_cast %get3A : i32 to index
      %get3A_100 = arith.constant 0 : index
      %get3A_101 = tpu.vector_load %arg11[%get3A_99, %get3A_100] {strides = array<i32>} : memref<2x128xi32, #tpu.memory_space<vmem>>, vector<16xi32>,
      %get3A_102 = arith.constant 0 : i32
      %get3A_103 = arith.index_cast %get3A_102 : i32 to index
      %get3A_104 = arith.constant 0 : index
      %get3A_105 = tpu.vector_load %arg12[%get3A_103, %get3A_104] {strides = array<i32>} : memref<2x128xi32, #tpu.memory_space<vmem>>, vector<16xi32>,
      %mul3A_106 = arith.constant 10000 : i32
      %mul3A_107 = arith.muli %add3A_53, %mul3A_106 : i32
      %add3A_108 = vector.broadcast %mul3A_107 : i32 to vector<16xi32>
      %add3A_109 = arith.addi %get3A_101, %add3A_108 : vector<16xi32>
      %swap3A = arith.constant 0 : i32
      %swap3A_110 = arith.index_cast %swap3A : i32 to index
      %swap3A_111 = arith.constant 0 : index
      %swap3A_112 = tpu.vector_load %arg13[%swap3A_110, %swap3A_111] {strides = array<i32>} : memref<2x128xi32, #tpu.memory_space<vmem>>, vector<16xi32>,
      tpu.vector_store %arg13[%swap3A_110, %swap3A_111], %add3A_109 {strides = array<i32>} : memref<2x128xi32, #tpu.memory_space<vmem>>, vector<16xi32>,
      %gather3A = tpu.vector_load_idx %arg14[%get3A_101] : memref<10000xf32, #tpu.memory_space<vmem>>[vector<16xi32>], vector<16xf32>,
      %gather3A_113 = tpu.vector_load_idx %arg15[%get3A_105] : memref<10000xf32, #tpu.memory_space<vmem>>[vector<16xi32>], vector<16xf32>,
      %add3A_114 = arith.addf %gather3A, %gather3A_113 : vector<16xf32>
      %ge3A = arith.constant 0.000000e+00 : f32
      %ge3A_115 = vector.broadcast %ge3A : f32 to vector<16xf32>
      %ge3A_116 = arith.cmpf oge, %add3A_114, %ge3A_115 : vector<16xf32>
      %mul3A_117 = arith.constant 2.000000e-01 : f32
      %mul3A_118 = vector.broadcast %mul3A_117 : f32 to vector<16xf32>
      %mul3A_119 = arith.mulf %mul3A_118, %add3A_114 : vector<16xf32>
      %select_n3A_120 = arith.select %ge3A_116, %add3A_114, %mul3A_119 : vector<16xi1>, vector<16xf32>
      %exp3A = math.exp %select_n3A_120 : vector<16xf32>
      %swap3A_121 = arith.constant 0 : i32
      %swap3A_122 = arith.index_cast %swap3A_121 : i32 to index
      %swap3A_123 = arith.constant 0 : index
      %swap3A_124 = tpu.vector_load %arg16[%swap3A_122, %swap3A_123] {strides = array<i32>} : memref<2x128xf32, #tpu.memory_space<vmem>>, vector<16xf32>,
      tpu.vector_store %arg16[%swap3A_122, %swap3A_123], %exp3A {strides = array<i32>} : memref<2x128xf32, #tpu.memory_space<vmem>>, vector<16xf32>,
      %swap3A_125 = arith.constant 0 : index
      %swap3A_126 = tpu.vector_load %arg17[%swap3A_125] {strides = array<i32>} : memref<128xf32, #tpu.memory_space<vmem>>, vector<16xf32>,
      tpu.vector_store %arg17[%swap3A_125], %exp3A {strides = array<i32>} : memref<128xf32, #tpu.memory_space<vmem>>, vector<16xf32>,
      %get3A_127 = arith.constant 0 : i32
      %get3A_128 = arith.index_cast %get3A_127 : i32 to index
      %get3A_129 = arith.constant 16 : index
      %get3A_130 = tpu.vector_load %arg11[%get3A_128, %get3A_129] {strides = array<i32>} : memref<2x128xi32, #tpu.memory_space<vmem>>, vector<16xi32>,
      %get3A_131 = arith.constant 0 : i32
      %get3A_132 = arith.index_cast %get3A_131 : i32 to index
      %get3A_133 = arith.constant 16 : index
      %get3A_134 = tpu.vector_load %arg12[%get3A_132, %get3A_133] {strides = array<i32>} : memref<2x128xi32, #tpu.memory_space<vmem>>, vector<16xi32>,
      %mul3A_135 = arith.constant 10000 : i32
      %mul3A_136 = arith.muli %add3A_53, %mul3A_135 : i32
      %add3A_137 = vector.broadcast %mul3A_136 : i32 to vector<16xi32>
      %add3A_138 = arith.addi %get3A_130, %add3A_137 : vector<16xi32>
      %swap3A_139 = arith.constant 0 : i32
      %swap3A_140 = arith.index_cast %swap3A_139 : i32 to index
      %swap3A_141 = arith.constant 16 : index
      %swap3A_142 = tpu.vector_load %arg13[%swap3A_140, %swap3A_141] {strides = array<i32>} : memref<2x128xi32, #tpu.memory_space<vmem>>, vector<16xi32>,
      tpu.vector_store %arg13[%swap3A_140, %swap3A_141], %add3A_138 {strides = array<i32>} : memref<2x128xi32, #tpu.memory_space<vmem>>, vector<16xi32>,
      %gather3A_143 = tpu.vector_load_idx %arg14[%get3A_130] : memref<10000xf32, #tpu.memory_space<vmem>>[vector<16xi32>], vector<16xf32>,
      %gather3A_144 = tpu.vector_load_idx %arg15[%get3A_134] : memref<10000xf32, #tpu.memory_space<vmem>>[vector<16xi32>], vector<16xf32>,
      %add3A_145 = arith.addf %gather3A_143, %gather3A_144 : vector<16xf32>
      %ge3A_146 = arith.constant 0.000000e+00 : f32
      %ge3A_147 = vector.broadcast %ge3A_146 : f32 to vector<16xf32>
      %ge3A_148 = arith.cmpf oge, %add3A_145, %ge3A_147 : vector<16xf32>
      %mul3A_149 = arith.constant 2.000000e-01 : f32
      %mul3A_150 = vector.broadcast %mul3A_149 : f32 to vector<16xf32>
      %mul3A_151 = arith.mulf %mul3A_150, %add3A_145 : vector<16xf32>
      %select_n3A_152 = arith.select %ge3A_148, %add3A_145, %mul3A_151 : vector<16xi1>, vector<16xf32>
      %exp3A_153 = math.exp %select_n3A_152 : vector<16xf32>
      %swap3A_154 = arith.constant 0 : i32
      %swap3A_155 = arith.index_cast %swap3A_154 : i32 to index
      %swap3A_156 = arith.constant 16 : index
      %swap3A_157 = tpu.vector_load %arg16[%swap3A_155, %swap3A_156] {strides = array<i32>} : memref<2x128xf32, #tpu.memory_space<vmem>>, vector<16xf32>,
      tpu.vector_store %arg16[%swap3A_155, %swap3A_156], %exp3A_153 {strides = array<i32>} : memref<2x128xf32, #tpu.memory_space<vmem>>, vector<16xf32>,
      %swap3A_158 = arith.constant 16 : index
      %swap3A_159 = tpu.vector_load %arg17[%swap3A_158] {strides = array<i32>} : memref<128xf32, #tpu.memory_space<vmem>>, vector<16xf32>,
      tpu.vector_store %arg17[%swap3A_158], %exp3A_153 {strides = array<i32>} : memref<128xf32, #tpu.memory_space<vmem>>, vector<16xf32>,
      %get3A_160 = arith.constant 0 : i32
      %get3A_161 = arith.index_cast %get3A_160 : i32 to index
      %get3A_162 = arith.constant 32 : index
      %get3A_163 = tpu.vector_load %arg11[%get3A_161, %get3A_162] {strides = array<i32>} : memref<2x128xi32, #tpu.memory_space<vmem>>, vector<16xi32>,
      %get3A_164 = arith.constant 0 : i32
      %get3A_165 = arith.index_cast %get3A_164 : i32 to index
      %get3A_166 = arith.constant 32 : index
      %get3A_167 = tpu.vector_load %arg12[%get3A_165, %get3A_166] {strides = array<i32>} : memref<2x128xi32, #tpu.memory_space<vmem>>, vector<16xi32>,
      %mul3A_168 = arith.constant 10000 : i32
      %mul3A_169 = arith.muli %add3A_53, %mul3A_168 : i32
      %add3A_170 = vector.broadcast %mul3A_169 : i32 to vector<16xi32>
      %add3A_171 = arith.addi %get3A_163, %add3A_170 : vector<16xi32>
      %swap3A_172 = arith.constant 0 : i32
      %swap3A_173 = arith.index_cast %swap3A_172 : i32 to index
      %swap3A_174 = arith.constant 32 : index
      %swap3A_175 = tpu.vector_load %arg13[%swap3A_173, %swap3A_174] {strides = array<i32>} : memref<2x128xi32, #tpu.memory_space<vmem>>, vector<16xi32>,
      tpu.vector_store %arg13[%swap3A_173, %swap3A_174], %add3A_171 {strides = array<i32>} : memref<2x128xi32, #tpu.memory_space<vmem>>, vector<16xi32>,
      %gather3A_176 = tpu.vector_load_idx %arg14[%get3A_163] : memref<10000xf32, #tpu.memory_space<vmem>>[vector<16xi32>], vector<16xf32>,
      %gather3A_177 = tpu.vector_load_idx %arg15[%get3A_167] : memref<10000xf32, #tpu.memory_space<vmem>>[vector<16xi32>], vector<16xf32>,
      %add3A_178 = arith.addf %gather3A_176, %gather3A_177 : vector<16xf32>
      %ge3A_179 = arith.constant 0.000000e+00 : f32
      %ge3A_180 = vector.broadcast %ge3A_179 : f32 to vector<16xf32>
      %ge3A_181 = arith.cmpf oge, %add3A_178, %ge3A_180 : vector<16xf32>
      %mul3A_182 = arith.constant 2.000000e-01 : f32
      %mul3A_183 = vector.broadcast %mul3A_182 : f32 to vector<16xf32>
      %mul3A_184 = arith.mulf %mul3A_183, %add3A_178 : vector<16xf32>
      %select_n3A_185 = arith.select %ge3A_181, %add3A_178, %mul3A_184 : vector<16xi1>, vector<16xf32>
      %exp3A_186 = math.exp %select_n3A_185 : vector<16xf32>
      %swap3A_187 = arith.constant 0 : i32
      %swap3A_188 = arith.index_cast %swap3A_187 : i32 to index
      %swap3A_189 = arith.constant 32 : index
      %swap3A_190 = tpu.vector_load %arg16[%swap3A_188, %swap3A_189] {strides = array<i32>} : memref<2x128xf32, #tpu.memory_space<vmem>>, vector<16xf32>,
      tpu.vector_store %arg16[%swap3A_188, %swap3A_189], %exp3A_186 {strides = array<i32>} : memref<2x128xf32, #tpu.memory_space<vmem>>, vector<16xf32>,
      %swap3A_191 = arith.constant 32 : index
      %swap3A_192 = tpu.vector_load %arg17[%swap3A_191] {strides = array<i32>} : memref<128xf32, #tpu.memory_space<vmem>>, vector<16xf32>,
      tpu.vector_store %arg17[%swap3A_191], %exp3A_186 {strides = array<i32>} : memref<128xf32, #tpu.memory_space<vmem>>, vector<16xf32>,
      %get3A_193 = arith.constant 0 : i32
      %get3A_194 = arith.index_cast %get3A_193 : i32 to index
      %get3A_195 = arith.constant 48 : index
      %get3A_196 = tpu.vector_load %arg11[%get3A_194, %get3A_195] {strides = array<i32>} : memref<2x128xi32, #tpu.memory_space<vmem>>, vector<16xi32>,
      %get3A_197 = arith.constant 0 : i32
      %get3A_198 = arith.index_cast %get3A_197 : i32 to index
      %get3A_199 = arith.constant 48 : index
      %get3A_200 = tpu.vector_load %arg12[%get3A_198, %get3A_199] {strides = array<i32>} : memref<2x128xi32, #tpu.memory_space<vmem>>, vector<16xi32>,
      %mul3A_201 = arith.constant 10000 : i32
      %mul3A_202 = arith.muli %add3A_53, %mul3A_201 : i32
      %add3A_203 = vector.broadcast %mul3A_202 : i32 to vector<16xi32>
      %add3A_204 = arith.addi %get3A_196, %add3A_203 : vector<16xi32>
      %swap3A_205 = arith.constant 0 : i32
      %swap3A_206 = arith.index_cast %swap3A_205 : i32 to index
      %swap3A_207 = arith.constant 48 : index
      %swap3A_208 = tpu.vector_load %arg13[%swap3A_206, %swap3A_207] {strides = array<i32>} : memref<2x128xi32, #tpu.memory_space<vmem>>, vector<16xi32>,
      tpu.vector_store %arg13[%swap3A_206, %swap3A_207], %add3A_204 {strides = array<i32>} : memref<2x128xi32, #tpu.memory_space<vmem>>, vector<16xi32>,
      %gather3A_209 = tpu.vector_load_idx %arg14[%get3A_196] : memref<10000xf32, #tpu.memory_space<vmem>>[vector<16xi32>], vector<16xf32>,
      %gather3A_210 = tpu.vector_load_idx %arg15[%get3A_200] : memref<10000xf32, #tpu.memory_space<vmem>>[vector<16xi32>], vector<16xf32>,
      %add3A_211 = arith.addf %gather3A_209, %gather3A_210 : vector<16xf32>
      %ge3A_212 = arith.constant 0.000000e+00 : f32
      %ge3A_213 = vector.broadcast %ge3A_212 : f32 to vector<16xf32>
      %ge3A_214 = arith.cmpf oge, %add3A_211, %ge3A_213 : vector<16xf32>
      %mul3A_215 = arith.constant 2.000000e-01 : f32
      %mul3A_216 = vector.broadcast %mul3A_215 : f32 to vector<16xf32>
      %mul3A_217 = arith.mulf %mul3A_216, %add3A_211 : vector<16xf32>
      %select_n3A_218 = arith.select %ge3A_214, %add3A_211, %mul3A_217 : vector<16xi1>, vector<16xf32>
      %exp3A_219 = math.exp %select_n3A_218 : vector<16xf32>
      %swap3A_220 = arith.constant 0 : i32
      %swap3A_221 = arith.index_cast %swap3A_220 : i32 to index
      %swap3A_222 = arith.constant 48 : index
      %swap3A_223 = tpu.vector_load %arg16[%swap3A_221, %swap3A_222] {strides = array<i32>} : memref<2x128xf32, #tpu.memory_space<vmem>>, vector<16xf32>,
      tpu.vector_store %arg16[%swap3A_221, %swap3A_222], %exp3A_219 {strides = array<i32>} : memref<2x128xf32, #tpu.memory_space<vmem>>, vector<16xf32>,
      %swap3A_224 = arith.constant 48 : index
      %swap3A_225 = tpu.vector_load %arg17[%swap3A_224] {strides = array<i32>} : memref<128xf32, #tpu.memory_space<vmem>>, vector<16xf32>,
      tpu.vector_store %arg17[%swap3A_224], %exp3A_219 {strides = array<i32>} : memref<128xf32, #tpu.memory_space<vmem>>, vector<16xf32>,
      %get3A_226 = arith.constant 0 : i32
      %get3A_227 = arith.index_cast %get3A_226 : i32 to index
      %get3A_228 = arith.constant 64 : index
      %get3A_229 = tpu.vector_load %arg11[%get3A_227, %get3A_228] {strides = array<i32>} : memref<2x128xi32, #tpu.memory_space<vmem>>, vector<16xi32>,
      %get3A_230 = arith.constant 0 : i32
      %get3A_231 = arith.index_cast %get3A_230 : i32 to index
      %get3A_232 = arith.constant 64 : index
      %get3A_233 = tpu.vector_load %arg12[%get3A_231, %get3A_232] {strides = array<i32>} : memref<2x128xi32, #tpu.memory_space<vmem>>, vector<16xi32>,
      %mul3A_234 = arith.constant 10000 : i32
      %mul3A_235 = arith.muli %add3A_53, %mul3A_234 : i32
      %add3A_236 = vector.broadcast %mul3A_235 : i32 to vector<16xi32>
      %add3A_237 = arith.addi %get3A_229, %add3A_236 : vector<16xi32>
      %swap3A_238 = arith.constant 0 : i32
      %swap3A_239 = arith.index_cast %swap3A_238 : i32 to index
      %swap3A_240 = arith.constant 64 : index
      %swap3A_241 = tpu.vector_load %arg13[%swap3A_239, %swap3A_240] {strides = array<i32>} : memref<2x128xi32, #tpu.memory_space<vmem>>, vector<16xi32>,
      tpu.vector_store %arg13[%swap3A_239, %swap3A_240], %add3A_237 {strides = array<i32>} : memref<2x128xi32, #tpu.memory_space<vmem>>, vector<16xi32>,
      %gather3A_242 = tpu.vector_load_idx %arg14[%get3A_229] : memref<10000xf32, #tpu.memory_space<vmem>>[vector<16xi32>], vector<16xf32>,
      %gather3A_243 = tpu.vector_load_idx %arg15[%get3A_233] : memref<10000xf32, #tpu.memory_space<vmem>>[vector<16xi32>], vector<16xf32>,
      %add3A_244 = arith.addf %gather3A_242, %gather3A_243 : vector<16xf32>
      %ge3A_245 = arith.constant 0.000000e+00 : f32
      %ge3A_246 = vector.broadcast %ge3A_245 : f32 to vector<16xf32>
      %ge3A_247 = arith.cmpf oge, %add3A_244, %ge3A_246 : vector<16xf32>
      %mul3A_248 = arith.constant 2.000000e-01 : f32
      %mul3A_249 = vector.broadcast %mul3A_248 : f32 to vector<16xf32>
      %mul3A_250 = arith.mulf %mul3A_249, %add3A_244 : vector<16xf32>
      %select_n3A_251 = arith.select %ge3A_247, %add3A_244, %mul3A_250 : vector<16xi1>, vector<16xf32>
      %exp3A_252 = math.exp %select_n3A_251 : vector<16xf32>
      %swap3A_253 = arith.constant 0 : i32
      %swap3A_254 = arith.index_cast %swap3A_253 : i32 to index
      %swap3A_255 = arith.constant 64 : index
      %swap3A_256 = tpu.vector_load %arg16[%swap3A_254, %swap3A_255] {strides = array<i32>} : memref<2x128xf32, #tpu.memory_space<vmem>>, vector<16xf32>,
      tpu.vector_store %arg16[%swap3A_254, %swap3A_255], %exp3A_252 {strides = array<i32>} : memref<2x128xf32, #tpu.memory_space<vmem>>, vector<16xf32>,
      %swap3A_257 = arith.constant 64 : index
      %swap3A_258 = tpu.vector_load %arg17[%swap3A_257] {strides = array<i32>} : memref<128xf32, #tpu.memory_space<vmem>>, vector<16xf32>,
      tpu.vector_store %arg17[%swap3A_257], %exp3A_252 {strides = array<i32>} : memref<128xf32, #tpu.memory_space<vmem>>, vector<16xf32>,
      %get3A_259 = arith.constant 0 : i32
      %get3A_260 = arith.index_cast %get3A_259 : i32 to index
      %get3A_261 = arith.constant 80 : index
      %get3A_262 = tpu.vector_load %arg11[%get3A_260, %get3A_261] {strides = array<i32>} : memref<2x128xi32, #tpu.memory_space<vmem>>, vector<16xi32>,
      %get3A_263 = arith.constant 0 : i32
      %get3A_264 = arith.index_cast %get3A_263 : i32 to index
      %get3A_265 = arith.constant 80 : index
      %get3A_266 = tpu.vector_load %arg12[%get3A_264, %get3A_265] {strides = array<i32>} : memref<2x128xi32, #tpu.memory_space<vmem>>, vector<16xi32>,
      %mul3A_267 = arith.constant 10000 : i32
      %mul3A_268 = arith.muli %add3A_53, %mul3A_267 : i32
      %add3A_269 = vector.broadcast %mul3A_268 : i32 to vector<16xi32>
      %add3A_270 = arith.addi %get3A_262, %add3A_269 : vector<16xi32>
      %swap3A_271 = arith.constant 0 : i32
      %swap3A_272 = arith.index_cast %swap3A_271 : i32 to index
      %swap3A_273 = arith.constant 80 : index
      %swap3A_274 = tpu.vector_load %arg13[%swap3A_272, %swap3A_273] {strides = array<i32>} : memref<2x128xi32, #tpu.memory_space<vmem>>, vector<16xi32>,
      tpu.vector_store %arg13[%swap3A_272, %swap3A_273], %add3A_270 {strides = array<i32>} : memref<2x128xi32, #tpu.memory_space<vmem>>, vector<16xi32>,
      %gather3A_275 = tpu.vector_load_idx %arg14[%get3A_262] : memref<10000xf32, #tpu.memory_space<vmem>>[vector<16xi32>], vector<16xf32>,
      %gather3A_276 = tpu.vector_load_idx %arg15[%get3A_266] : memref<10000xf32, #tpu.memory_space<vmem>>[vector<16xi32>], vector<16xf32>,
      %add3A_277 = arith.addf %gather3A_275, %gather3A_276 : vector<16xf32>
      %ge3A_278 = arith.constant 0.000000e+00 : f32
      %ge3A_279 = vector.broadcast %ge3A_278 : f32 to vector<16xf32>
      %ge3A_280 = arith.cmpf oge, %add3A_277, %ge3A_279 : vector<16xf32>
      %mul3A_281 = arith.constant 2.000000e-01 : f32
      %mul3A_282 = vector.broadcast %mul3A_281 : f32 to vector<16xf32>
      %mul3A_283 = arith.mulf %mul3A_282, %add3A_277 : vector<16xf32>
      %select_n3A_284 = arith.select %ge3A_280, %add3A_277, %mul3A_283 : vector<16xi1>, vector<16xf32>
      %exp3A_285 = math.exp %select_n3A_284 : vector<16xf32>
      %swap3A_286 = arith.constant 0 : i32
      %swap3A_287 = arith.index_cast %swap3A_286 : i32 to index
      %swap3A_288 = arith.constant 80 : index
      %swap3A_289 = tpu.vector_load %arg16[%swap3A_287, %swap3A_288] {strides = array<i32>} : memref<2x128xf32, #tpu.memory_space<vmem>>, vector<16xf32>,
      tpu.vector_store %arg16[%swap3A_287, %swap3A_288], %exp3A_285 {strides = array<i32>} : memref<2x128xf32, #tpu.memory_space<vmem>>, vector<16xf32>,
      %swap3A_290 = arith.constant 80 : index
      %swap3A_291 = tpu.vector_load %arg17[%swap3A_290] {strides = array<i32>} : memref<128xf32, #tpu.memory_space<vmem>>, vector<16xf32>,
      tpu.vector_store %arg17[%swap3A_290], %exp3A_285 {strides = array<i32>} : memref<128xf32, #tpu.memory_space<vmem>>, vector<16xf32>,
      %get3A_292 = arith.constant 0 : i32
      %get3A_293 = arith.index_cast %get3A_292 : i32 to index
      %get3A_294 = arith.constant 96 : index
      %get3A_295 = tpu.vector_load %arg11[%get3A_293, %get3A_294] {strides = array<i32>} : memref<2x128xi32, #tpu.memory_space<vmem>>, vector<16xi32>,
      %get3A_296 = arith.constant 0 : i32
      %get3A_297 = arith.index_cast %get3A_296 : i32 to index
      %get3A_298 = arith.constant 96 : index
      %get3A_299 = tpu.vector_load %arg12[%get3A_297, %get3A_298] {strides = array<i32>} : memref<2x128xi32, #tpu.memory_space<vmem>>, vector<16xi32>,
      %mul3A_300 = arith.constant 10000 : i32
      %mul3A_301 = arith.muli %add3A_53, %mul3A_300 : i32
      %add3A_302 = vector.broadcast %mul3A_301 : i32 to vector<16xi32>
      %add3A_303 = arith.addi %get3A_295, %add3A_302 : vector<16xi32>
      %swap3A_304 = arith.constant 0 : i32
      %swap3A_305 = arith.index_cast %swap3A_304 : i32 to index
      %swap3A_306 = arith.constant 96 : index
      %swap3A_307 = tpu.vector_load %arg13[%swap3A_305, %swap3A_306] {strides = array<i32>} : memref<2x128xi32, #tpu.memory_space<vmem>>, vector<16xi32>,
      tpu.vector_store %arg13[%swap3A_305, %swap3A_306], %add3A_303 {strides = array<i32>} : memref<2x128xi32, #tpu.memory_space<vmem>>, vector<16xi32>,
      %gather3A_308 = tpu.vector_load_idx %arg14[%get3A_295] : memref<10000xf32, #tpu.memory_space<vmem>>[vector<16xi32>], vector<16xf32>,
      %gather3A_309 = tpu.vector_load_idx %arg15[%get3A_299] : memref<10000xf32, #tpu.memory_space<vmem>>[vector<16xi32>], vector<16xf32>,
      %add3A_310 = arith.addf %gather3A_308, %gather3A_309 : vector<16xf32>
      %ge3A_311 = arith.constant 0.000000e+00 : f32
      %ge3A_312 = vector.broadcast %ge3A_311 : f32 to vector<16xf32>
      %ge3A_313 = arith.cmpf oge, %add3A_310, %ge3A_312 : vector<16xf32>
      %mul3A_314 = arith.constant 2.000000e-01 : f32
      %mul3A_315 = vector.broadcast %mul3A_314 : f32 to vector<16xf32>
      %mul3A_316 = arith.mulf %mul3A_315, %add3A_310 : vector<16xf32>
      %select_n3A_317 = arith.select %ge3A_313, %add3A_310, %mul3A_316 : vector<16xi1>, vector<16xf32>
      %exp3A_318 = math.exp %select_n3A_317 : vector<16xf32>
      %swap3A_319 = arith.constant 0 : i32
      %swap3A_320 = arith.index_cast %swap3A_319 : i32 to index
      %swap3A_321 = arith.constant 96 : index
      %swap3A_322 = tpu.vector_load %arg16[%swap3A_320, %swap3A_321] {strides = array<i32>} : memref<2x128xf32, #tpu.memory_space<vmem>>, vector<16xf32>,
      tpu.vector_store %arg16[%swap3A_320, %swap3A_321], %exp3A_318 {strides = array<i32>} : memref<2x128xf32, #tpu.memory_space<vmem>>, vector<16xf32>,
      %swap3A_323 = arith.constant 96 : index
      %swap3A_324 = tpu.vector_load %arg17[%swap3A_323] {strides = array<i32>} : memref<128xf32, #tpu.memory_space<vmem>>, vector<16xf32>,
      tpu.vector_store %arg17[%swap3A_323], %exp3A_318 {strides = array<i32>} : memref<128xf32, #tpu.memory_space<vmem>>, vector<16xf32>,
      %get3A_325 = arith.constant 0 : i32
      %get3A_326 = arith.index_cast %get3A_325 : i32 to index
      %get3A_327 = arith.constant 112 : index
      %get3A_328 = tpu.vector_load %arg11[%get3A_326, %get3A_327] {strides = array<i32>} : memref<2x128xi32, #tpu.memory_space<vmem>>, vector<16xi32>,
      %get3A_329 = arith.constant 0 : i32
      %get3A_330 = arith.index_cast %get3A_329 : i32 to index
      %get3A_331 = arith.constant 112 : index
      %get3A_332 = tpu.vector_load %arg12[%get3A_330, %get3A_331] {strides = array<i32>} : memref<2x128xi32, #tpu.memory_space<vmem>>, vector<16xi32>,
      %mul3A_333 = arith.constant 10000 : i32
      %mul3A_334 = arith.muli %add3A_53, %mul3A_333 : i32
      %add3A_335 = vector.broadcast %mul3A_334 : i32 to vector<16xi32>
      %add3A_336 = arith.addi %get3A_328, %add3A_335 : vector<16xi32>
      %swap3A_337 = arith.constant 0 : i32
      %swap3A_338 = arith.index_cast %swap3A_337 : i32 to index
      %swap3A_339 = arith.constant 112 : index
      %swap3A_340 = tpu.vector_load %arg13[%swap3A_338, %swap3A_339] {strides = array<i32>} : memref<2x128xi32, #tpu.memory_space<vmem>>, vector<16xi32>,
      tpu.vector_store %arg13[%swap3A_338, %swap3A_339], %add3A_336 {strides = array<i32>} : memref<2x128xi32, #tpu.memory_space<vmem>>, vector<16xi32>,
      %gather3A_341 = tpu.vector_load_idx %arg14[%get3A_328] : memref<10000xf32, #tpu.memory_space<vmem>>[vector<16xi32>], vector<16xf32>,
      %gather3A_342 = tpu.vector_load_idx %arg15[%get3A_332] : memref<10000xf32, #tpu.memory_space<vmem>>[vector<16xi32>], vector<16xf32>,
      %add3A_343 = arith.addf %gather3A_341, %gather3A_342 : vector<16xf32>
      %ge3A_344 = arith.constant 0.000000e+00 : f32
      %ge3A_345 = vector.broadcast %ge3A_344 : f32 to vector<16xf32>
      %ge3A_346 = arith.cmpf oge, %add3A_343, %ge3A_345 : vector<16xf32>
      %mul3A_347 = arith.constant 2.000000e-01 : f32
      %mul3A_348 = vector.broadcast %mul3A_347 : f32 to vector<16xf32>
      %mul3A_349 = arith.mulf %mul3A_348, %add3A_343 : vector<16xf32>
      %select_n3A_350 = arith.select %ge3A_346, %add3A_343, %mul3A_349 : vector<16xi1>, vector<16xf32>
      %exp3A_351 = math.exp %select_n3A_350 : vector<16xf32>
      %swap3A_352 = arith.constant 0 : i32
      %swap3A_353 = arith.index_cast %swap3A_352 : i32 to index
      %swap3A_354 = arith.constant 112 : index
      %swap3A_355 = tpu.vector_load %arg16[%swap3A_353, %swap3A_354] {strides = array<i32>} : memref<2x128xf32, #tpu.memory_space<vmem>>, vector<16xf32>,
      tpu.vector_store %arg16[%swap3A_353, %swap3A_354], %exp3A_351 {strides = array<i32>} : memref<2x128xf32, #tpu.memory_space<vmem>>, vector<16xf32>,
      %swap3A_356 = arith.constant 112 : index
      %swap3A_357 = tpu.vector_load %arg17[%swap3A_356] {strides = array<i32>} : memref<128xf32, #tpu.memory_space<vmem>>, vector<16xf32>,
      tpu.vector_store %arg17[%swap3A_356], %exp3A_351 {strides = array<i32>} : memref<128xf32, #tpu.memory_space<vmem>>, vector<16xf32>,
      %dma_start3A = arith.constant 0 : i32
      %dma_start3A_358 = arith.constant 0 : i32
      %dma_start3A_359 = tpu.memref_slice %arg13[%dma_start3A, %dma_start3A_358] : memref<2x128xi32, #tpu.memory_space<vmem>> -> memref<1x128xi32, #tpu.memory_space<vmem>>
      %dma_start3A_360 = tpu.memref_squeeze %dma_start3A_359 : memref<1x128xi32, #tpu.memory_space<vmem>> -> memref<128xi32, #tpu.memory_space<vmem>>
      %dma_start3A_361 = arith.constant 0 : i32
      %dma_start3A_362 = arith.constant 0 : i32
      %dma_start3A_363 = tpu.memref_slice %arg2[%dma_start3A_361, %dma_start3A_362] : memref<40000x128xf32, #tpu.memory_space<hbm>> -> memref<40000x128xf32, #tpu.memory_space<hbm>>
      tpu.enqueue_indirect_dma source(%dma_start3A_363 : memref<40000x128xf32, #tpu.memory_space<hbm>>) target(%arg18 : memref<128x128xf32, #tpu.memory_space<vmem>>) offsets(%dma_start3A_360 : memref<128xi32, #tpu.memory_space<vmem>>) semaphore(%arg21 : memref<!tpu.dma_semaphore, #tpu.memory_space<semaphore_mem>>)
      %dma_wait3A = arith.constant 0 : i32
      %dma_wait3A_364 = arith.constant 0 : i32
      %dma_wait3A_365 = tpu.memref_slice %arg13[%dma_wait3A, %dma_wait3A_364] : memref<2x128xi32, #tpu.memory_space<vmem>> -> memref<1x128xi32, #tpu.memory_space<vmem>>
      %dma_wait3A_366 = tpu.memref_squeeze %dma_wait3A_365 : memref<1x128xi32, #tpu.memory_space<vmem>> -> memref<128xi32, #tpu.memory_space<vmem>>
      %dma_wait3A_367 = arith.constant 0 : i32
      %dma_wait3A_368 = arith.constant 0 : i32
      %dma_wait3A_369 = tpu.memref_slice %arg2[%dma_wait3A_367, %dma_wait3A_368] : memref<40000x128xf32, #tpu.memory_space<hbm>> -> memref<40000x128xf32, #tpu.memory_space<hbm>>
      tpu.wait_indirect_dma semaphore(%arg21 : memref<!tpu.dma_semaphore, #tpu.memory_space<semaphore_mem>>) src(%dma_wait3A_369 : memref<40000x128xf32, #tpu.memory_space<hbm>>) dst(%arg18 : memref<128x128xf32, #tpu.memory_space<vmem>>)
      %parallel_loop3A = arith.constant 0 : i32
      %parallel_loop3A_370 = arith.constant 128 : i32
      %parallel_loop3A_371 = arith.constant 1 : i32
      scf.for %parallel_loop3A_654 = %parallel_loop3A to %parallel_loop3A_370 step %parallel_loop3A_371  : i32 {
        %parallel_loop3A_655 = vector.broadcast %parallel_loop3A_654 : i32 to vector<16xi32>
        %parallel_loop3A_656 = tpu.vector_load_idx %arg17[%parallel_loop3A_655] : memref<128xf32, #tpu.memory_space<vmem>>[vector<16xi32>], vector<16xf32>,
        %parallel_loop3A_657 = arith.index_cast %parallel_loop3A_654 : i32 to index
        %parallel_loop3A_658 = arith.constant 0 : index
        %parallel_loop3A_659 = tpu.vector_load %arg18[%parallel_loop3A_657, %parallel_loop3A_658] {strides = array<i32>} : memref<128x128xf32, #tpu.memory_space<vmem>>, vector<16xf32>,
        %parallel_loop3A_660 = arith.mulf %parallel_loop3A_659, %parallel_loop3A_656 : vector<16xf32>
        %parallel_loop3A_661 = arith.index_cast %parallel_loop3A_654 : i32 to index
        %parallel_loop3A_662 = arith.constant 0 : index
        %parallel_loop3A_663 = tpu.vector_load %arg18[%parallel_loop3A_661, %parallel_loop3A_662] {strides = array<i32>} : memref<128x128xf32, #tpu.memory_space<vmem>>, vector<16xf32>,
        tpu.vector_store %arg18[%parallel_loop3A_661, %parallel_loop3A_662], %parallel_loop3A_660 {strides = array<i32>} : memref<128x128xf32, #tpu.memory_space<vmem>>, vector<16xf32>,
        %parallel_loop3A_664 = arith.index_cast %parallel_loop3A_654 : i32 to index
        %parallel_loop3A_665 = arith.constant 16 : index
        %parallel_loop3A_666 = tpu.vector_load %arg18[%parallel_loop3A_664, %parallel_loop3A_665] {strides = array<i32>} : memref<128x128xf32, #tpu.memory_space<vmem>>, vector<16xf32>,
        %parallel_loop3A_667 = arith.mulf %parallel_loop3A_666, %parallel_loop3A_656 : vector<16xf32>
        %parallel_loop3A_668 = arith.index_cast %parallel_loop3A_654 : i32 to index
        %parallel_loop3A_669 = arith.constant 16 : index
        %parallel_loop3A_670 = tpu.vector_load %arg18[%parallel_loop3A_668, %parallel_loop3A_669] {strides = array<i32>} : memref<128x128xf32, #tpu.memory_space<vmem>>, vector<16xf32>,
        tpu.vector_store %arg18[%parallel_loop3A_668, %parallel_loop3A_669], %parallel_loop3A_667 {strides = array<i32>} : memref<128x128xf32, #tpu.memory_space<vmem>>, vector<16xf32>,
        %parallel_loop3A_671 = arith.index_cast %parallel_loop3A_654 : i32 to index
        %parallel_loop3A_672 = arith.constant 32 : index
        %parallel_loop3A_673 = tpu.vector_load %arg18[%parallel_loop3A_671, %parallel_loop3A_672] {strides = array<i32>} : memref<128x128xf32, #tpu.memory_space<vmem>>, vector<16xf32>,
        %parallel_loop3A_674 = arith.mulf %parallel_loop3A_673, %parallel_loop3A_656 : vector<16xf32>
        %parallel_loop3A_675 = arith.index_cast %parallel_loop3A_654 : i32 to index
        %parallel_loop3A_676 = arith.constant 32 : index
        %parallel_loop3A_677 = tpu.vector_load %arg18[%parallel_loop3A_675, %parallel_loop3A_676] {strides = array<i32>} : memref<128x128xf32, #tpu.memory_space<vmem>>, vector<16xf32>,
        tpu.vector_store %arg18[%parallel_loop3A_675, %parallel_loop3A_676], %parallel_loop3A_674 {strides = array<i32>} : memref<128x128xf32, #tpu.memory_space<vmem>>, vector<16xf32>,
        %parallel_loop3A_678 = arith.index_cast %parallel_loop3A_654 : i32 to index
        %parallel_loop3A_679 = arith.constant 48 : index
        %parallel_loop3A_680 = tpu.vector_load %arg18[%parallel_loop3A_678, %parallel_loop3A_679] {strides = array<i32>} : memref<128x128xf32, #tpu.memory_space<vmem>>, vector<16xf32>,
        %parallel_loop3A_681 = arith.mulf %parallel_loop3A_680, %parallel_loop3A_656 : vector<16xf32>
        %parallel_loop3A_682 = arith.index_cast %parallel_loop3A_654 : i32 to index
        %parallel_loop3A_683 = arith.constant 48 : index
        %parallel_loop3A_684 = tpu.vector_load %arg18[%parallel_loop3A_682, %parallel_loop3A_683] {strides = array<i32>} : memref<128x128xf32, #tpu.memory_space<vmem>>, vector<16xf32>,
        tpu.vector_store %arg18[%parallel_loop3A_682, %parallel_loop3A_683], %parallel_loop3A_681 {strides = array<i32>} : memref<128x128xf32, #tpu.memory_space<vmem>>, vector<16xf32>,
        %parallel_loop3A_685 = arith.index_cast %parallel_loop3A_654 : i32 to index
        %parallel_loop3A_686 = arith.constant 64 : index
        %parallel_loop3A_687 = tpu.vector_load %arg18[%parallel_loop3A_685, %parallel_loop3A_686] {strides = array<i32>} : memref<128x128xf32, #tpu.memory_space<vmem>>, vector<16xf32>,
        %parallel_loop3A_688 = arith.mulf %parallel_loop3A_687, %parallel_loop3A_656 : vector<16xf32>
        %parallel_loop3A_689 = arith.index_cast %parallel_loop3A_654 : i32 to index
        %parallel_loop3A_690 = arith.constant 64 : index
        %parallel_loop3A_691 = tpu.vector_load %arg18[%parallel_loop3A_689, %parallel_loop3A_690] {strides = array<i32>} : memref<128x128xf32, #tpu.memory_space<vmem>>, vector<16xf32>,
        tpu.vector_store %arg18[%parallel_loop3A_689, %parallel_loop3A_690], %parallel_loop3A_688 {strides = array<i32>} : memref<128x128xf32, #tpu.memory_space<vmem>>, vector<16xf32>,
        %parallel_loop3A_692 = arith.index_cast %parallel_loop3A_654 : i32 to index
        %parallel_loop3A_693 = arith.constant 80 : index
        %parallel_loop3A_694 = tpu.vector_load %arg18[%parallel_loop3A_692, %parallel_loop3A_693] {strides = array<i32>} : memref<128x128xf32, #tpu.memory_space<vmem>>, vector<16xf32>,
        %parallel_loop3A_695 = arith.mulf %parallel_loop3A_694, %parallel_loop3A_656 : vector<16xf32>
        %parallel_loop3A_696 = arith.index_cast %parallel_loop3A_654 : i32 to index
        %parallel_loop3A_697 = arith.constant 80 : index
        %parallel_loop3A_698 = tpu.vector_load %arg18[%parallel_loop3A_696, %parallel_loop3A_697] {strides = array<i32>} : memref<128x128xf32, #tpu.memory_space<vmem>>, vector<16xf32>,
        tpu.vector_store %arg18[%parallel_loop3A_696, %parallel_loop3A_697], %parallel_loop3A_695 {strides = array<i32>} : memref<128x128xf32, #tpu.memory_space<vmem>>, vector<16xf32>,
        %parallel_loop3A_699 = arith.index_cast %parallel_loop3A_654 : i32 to index
        %parallel_loop3A_700 = arith.constant 96 : index
        %parallel_loop3A_701 = tpu.vector_load %arg18[%parallel_loop3A_699, %parallel_loop3A_700] {strides = array<i32>} : memref<128x128xf32, #tpu.memory_space<vmem>>, vector<16xf32>,
        %parallel_loop3A_702 = arith.mulf %parallel_loop3A_701, %parallel_loop3A_656 : vector<16xf32>
        %parallel_loop3A_703 = arith.index_cast %parallel_loop3A_654 : i32 to index
        %parallel_loop3A_704 = arith.constant 96 : index
        %parallel_loop3A_705 = tpu.vector_load %arg18[%parallel_loop3A_703, %parallel_loop3A_704] {strides = array<i32>} : memref<128x128xf32, #tpu.memory_space<vmem>>, vector<16xf32>,
        tpu.vector_store %arg18[%parallel_loop3A_703, %parallel_loop3A_704], %parallel_loop3A_702 {strides = array<i32>} : memref<128x128xf32, #tpu.memory_space<vmem>>, vector<16xf32>,
        %parallel_loop3A_706 = arith.index_cast %parallel_loop3A_654 : i32 to index
        %parallel_loop3A_707 = arith.constant 112 : index
        %parallel_loop3A_708 = tpu.vector_load %arg18[%parallel_loop3A_706, %parallel_loop3A_707] {strides = array<i32>} : memref<128x128xf32, #tpu.memory_space<vmem>>, vector<16xf32>,
        %parallel_loop3A_709 = arith.mulf %parallel_loop3A_708, %parallel_loop3A_656 : vector<16xf32>
        %parallel_loop3A_710 = arith.index_cast %parallel_loop3A_654 : i32 to index
        %parallel_loop3A_711 = arith.constant 112 : index
        %parallel_loop3A_712 = tpu.vector_load %arg18[%parallel_loop3A_710, %parallel_loop3A_711] {strides = array<i32>} : memref<128x128xf32, #tpu.memory_space<vmem>>, vector<16xf32>,
        tpu.vector_store %arg18[%parallel_loop3A_710, %parallel_loop3A_711], %parallel_loop3A_709 {strides = array<i32>} : memref<128x128xf32, #tpu.memory_space<vmem>>, vector<16xf32>,
      } {sc.loop_unroll_factor = 4 : i64, sc.parallel_access}
      %run_scoped3A = arith.constant 0 : i32
      "tpu.region"() ({
        %run_scoped3A_654 = tpu.sem_alloc : memref<!tpu.dma_semaphore, #tpu.memory_space<semaphore_mem>>
        %dma_start3A_655 = arith.constant 0 : i32
        %dma_start3A_656 = tpu.memref_slice %arg12[%run_scoped3A, %dma_start3A_655] : memref<2x128xi32, #tpu.memory_space<vmem>> -> memref<1x128xi32, #tpu.memory_space<vmem>>
        %dma_start3A_657 = tpu.memref_squeeze %dma_start3A_656 : memref<1x128xi32, #tpu.memory_space<vmem>> -> memref<128xi32, #tpu.memory_space<vmem>>
        %dma_start3A_658 = arith.constant 0 : i32
        %dma_start3A_659 = arith.constant 0 : i32
        %dma_start3A_660 = tpu.memref_slice %arg19[%dma_start3A_658, %dma_start3A_659] : memref<10000x128xf32, #tpu.memory_space<vmem_shared>> -> memref<10000x128xf32, #tpu.memory_space<vmem_shared>>
        tpu.enqueue_indirect_dma source(%arg18 : memref<128x128xf32, #tpu.memory_space<vmem>>) target(%dma_start3A_660 : memref<10000x128xf32, #tpu.memory_space<vmem_shared>>) offsets(%dma_start3A_657 : memref<128xi32, #tpu.memory_space<vmem>>) semaphore(%run_scoped3A_654 : memref<!tpu.dma_semaphore, #tpu.memory_space<semaphore_mem>>) {add = true}
        %dma_wait3A_661 = arith.constant 0 : i32
        %dma_wait3A_662 = tpu.memref_slice %arg12[%run_scoped3A, %dma_wait3A_661] : memref<2x128xi32, #tpu.memory_space<vmem>> -> memref<1x128xi32, #tpu.memory_space<vmem>>
        %dma_wait3A_663 = tpu.memref_squeeze %dma_wait3A_662 : memref<1x128xi32, #tpu.memory_space<vmem>> -> memref<128xi32, #tpu.memory_space<vmem>>
        %dma_wait3A_664 = arith.constant 0 : i32
        %dma_wait3A_665 = arith.constant 0 : i32
        %dma_wait3A_666 = tpu.memref_slice %arg19[%dma_wait3A_664, %dma_wait3A_665] : memref<10000x128xf32, #tpu.memory_space<vmem_shared>> -> memref<10000x128xf32, #tpu.memory_space<vmem_shared>>
        tpu.wait_indirect_dma semaphore(%run_scoped3A_654 : memref<!tpu.dma_semaphore, #tpu.memory_space<semaphore_mem>>) src(%arg18 : memref<128x128xf32, #tpu.memory_space<vmem>>) dst(%dma_wait3A_666 : memref<10000x128xf32, #tpu.memory_space<vmem_shared>>)
        tpu.yield
      }) : () -> ()
      %get3A_372 = arith.constant 1 : i32
      %get3A_373 = arith.index_cast %get3A_372 : i32 to index
      %get3A_374 = arith.constant 0 : index
      %get3A_375 = tpu.vector_load %arg11[%get3A_373, %get3A_374] {strides = array<i32>} : memref<2x128xi32, #tpu.memory_space<vmem>>, vector<16xi32>,
      %get3A_376 = arith.constant 1 : i32
      %get3A_377 = arith.index_cast %get3A_376 : i32 to index
      %get3A_378 = arith.constant 0 : index
      %get3A_379 = tpu.vector_load %arg12[%get3A_377, %get3A_378] {strides = array<i32>} : memref<2x128xi32, #tpu.memory_space<vmem>>, vector<16xi32>,
      %mul3A_380 = arith.constant 10000 : i32
      %mul3A_381 = arith.muli %add3A_53, %mul3A_380 : i32
      %add3A_382 = vector.broadcast %mul3A_381 : i32 to vector<16xi32>
      %add3A_383 = arith.addi %get3A_375, %add3A_382 : vector<16xi32>
      %swap3A_384 = arith.constant 1 : i32
      %swap3A_385 = arith.index_cast %swap3A_384 : i32 to index
      %swap3A_386 = arith.constant 0 : index
      %swap3A_387 = tpu.vector_load %arg13[%swap3A_385, %swap3A_386] {strides = array<i32>} : memref<2x128xi32, #tpu.memory_space<vmem>>, vector<16xi32>,
      tpu.vector_store %arg13[%swap3A_385, %swap3A_386], %add3A_383 {strides = array<i32>} : memref<2x128xi32, #tpu.memory_space<vmem>>, vector<16xi32>,
      %gather3A_388 = tpu.vector_load_idx %arg14[%get3A_375] : memref<10000xf32, #tpu.memory_space<vmem>>[vector<16xi32>], vector<16xf32>,
      %gather3A_389 = tpu.vector_load_idx %arg15[%get3A_379] : memref<10000xf32, #tpu.memory_space<vmem>>[vector<16xi32>], vector<16xf32>,
      %add3A_390 = arith.addf %gather3A_388, %gather3A_389 : vector<16xf32>
      %ge3A_391 = arith.constant 0.000000e+00 : f32
      %ge3A_392 = vector.broadcast %ge3A_391 : f32 to vector<16xf32>
      %ge3A_393 = arith.cmpf oge, %add3A_390, %ge3A_392 : vector<16xf32>
      %mul3A_394 = arith.constant 2.000000e-01 : f32
      %mul3A_395 = vector.broadcast %mul3A_394 : f32 to vector<16xf32>
      %mul3A_396 = arith.mulf %mul3A_395, %add3A_390 : vector<16xf32>
      %select_n3A_397 = arith.select %ge3A_393, %add3A_390, %mul3A_396 : vector<16xi1>, vector<16xf32>
      %exp3A_398 = math.exp %select_n3A_397 : vector<16xf32>
      %swap3A_399 = arith.constant 1 : i32
      %swap3A_400 = arith.index_cast %swap3A_399 : i32 to index
      %swap3A_401 = arith.constant 0 : index
      %swap3A_402 = tpu.vector_load %arg16[%swap3A_400, %swap3A_401] {strides = array<i32>} : memref<2x128xf32, #tpu.memory_space<vmem>>, vector<16xf32>,
      tpu.vector_store %arg16[%swap3A_400, %swap3A_401], %exp3A_398 {strides = array<i32>} : memref<2x128xf32, #tpu.memory_space<vmem>>, vector<16xf32>,
      %swap3A_403 = arith.constant 0 : index
      %swap3A_404 = tpu.vector_load %arg17[%swap3A_403] {strides = array<i32>} : memref<128xf32, #tpu.memory_space<vmem>>, vector<16xf32>,
      tpu.vector_store %arg17[%swap3A_403], %exp3A_398 {strides = array<i32>} : memref<128xf32, #tpu.memory_space<vmem>>, vector<16xf32>,
      %get3A_405 = arith.constant 1 : i32
      %get3A_406 = arith.index_cast %get3A_405 : i32 to index
      %get3A_407 = arith.constant 16 : index
      %get3A_408 = tpu.vector_load %arg11[%get3A_406, %get3A_407] {strides = array<i32>} : memref<2x128xi32, #tpu.memory_space<vmem>>, vector<16xi32>,
      %get3A_409 = arith.constant 1 : i32
      %get3A_410 = arith.index_cast %get3A_409 : i32 to index
      %get3A_411 = arith.constant 16 : index
      %get3A_412 = tpu.vector_load %arg12[%get3A_410, %get3A_411] {strides = array<i32>} : memref<2x128xi32, #tpu.memory_space<vmem>>, vector<16xi32>,
      %mul3A_413 = arith.constant 10000 : i32
      %mul3A_414 = arith.muli %add3A_53, %mul3A_413 : i32
      %add3A_415 = vector.broadcast %mul3A_414 : i32 to vector<16xi32>
      %add3A_416 = arith.addi %get3A_408, %add3A_415 : vector<16xi32>
      %swap3A_417 = arith.constant 1 : i32
      %swap3A_418 = arith.index_cast %swap3A_417 : i32 to index
      %swap3A_419 = arith.constant 16 : index
      %swap3A_420 = tpu.vector_load %arg13[%swap3A_418, %swap3A_419] {strides = array<i32>} : memref<2x128xi32, #tpu.memory_space<vmem>>, vector<16xi32>,
      tpu.vector_store %arg13[%swap3A_418, %swap3A_419], %add3A_416 {strides = array<i32>} : memref<2x128xi32, #tpu.memory_space<vmem>>, vector<16xi32>,
      %gather3A_421 = tpu.vector_load_idx %arg14[%get3A_408] : memref<10000xf32, #tpu.memory_space<vmem>>[vector<16xi32>], vector<16xf32>,
      %gather3A_422 = tpu.vector_load_idx %arg15[%get3A_412] : memref<10000xf32, #tpu.memory_space<vmem>>[vector<16xi32>], vector<16xf32>,
      %add3A_423 = arith.addf %gather3A_421, %gather3A_422 : vector<16xf32>
      %ge3A_424 = arith.constant 0.000000e+00 : f32
      %ge3A_425 = vector.broadcast %ge3A_424 : f32 to vector<16xf32>
      %ge3A_426 = arith.cmpf oge, %add3A_423, %ge3A_425 : vector<16xf32>
      %mul3A_427 = arith.constant 2.000000e-01 : f32
      %mul3A_428 = vector.broadcast %mul3A_427 : f32 to vector<16xf32>
      %mul3A_429 = arith.mulf %mul3A_428, %add3A_423 : vector<16xf32>
      %select_n3A_430 = arith.select %ge3A_426, %add3A_423, %mul3A_429 : vector<16xi1>, vector<16xf32>
      %exp3A_431 = math.exp %select_n3A_430 : vector<16xf32>
      %swap3A_432 = arith.constant 1 : i32
      %swap3A_433 = arith.index_cast %swap3A_432 : i32 to index
      %swap3A_434 = arith.constant 16 : index
      %swap3A_435 = tpu.vector_load %arg16[%swap3A_433, %swap3A_434] {strides = array<i32>} : memref<2x128xf32, #tpu.memory_space<vmem>>, vector<16xf32>,
      tpu.vector_store %arg16[%swap3A_433, %swap3A_434], %exp3A_431 {strides = array<i32>} : memref<2x128xf32, #tpu.memory_space<vmem>>, vector<16xf32>,
      %swap3A_436 = arith.constant 16 : index
      %swap3A_437 = tpu.vector_load %arg17[%swap3A_436] {strides = array<i32>} : memref<128xf32, #tpu.memory_space<vmem>>, vector<16xf32>,
      tpu.vector_store %arg17[%swap3A_436], %exp3A_431 {strides = array<i32>} : memref<128xf32, #tpu.memory_space<vmem>>, vector<16xf32>,
      %get3A_438 = arith.constant 1 : i32
      %get3A_439 = arith.index_cast %get3A_438 : i32 to index
      %get3A_440 = arith.constant 32 : index
      %get3A_441 = tpu.vector_load %arg11[%get3A_439, %get3A_440] {strides = array<i32>} : memref<2x128xi32, #tpu.memory_space<vmem>>, vector<16xi32>,
      %get3A_442 = arith.constant 1 : i32
      %get3A_443 = arith.index_cast %get3A_442 : i32 to index
      %get3A_444 = arith.constant 32 : index
      %get3A_445 = tpu.vector_load %arg12[%get3A_443, %get3A_444] {strides = array<i32>} : memref<2x128xi32, #tpu.memory_space<vmem>>, vector<16xi32>,
      %mul3A_446 = arith.constant 10000 : i32
      %mul3A_447 = arith.muli %add3A_53, %mul3A_446 : i32
      %add3A_448 = vector.broadcast %mul3A_447 : i32 to vector<16xi32>
      %add3A_449 = arith.addi %get3A_441, %add3A_448 : vector<16xi32>
      %swap3A_450 = arith.constant 1 : i32
      %swap3A_451 = arith.index_cast %swap3A_450 : i32 to index
      %swap3A_452 = arith.constant 32 : index
      %swap3A_453 = tpu.vector_load %arg13[%swap3A_451, %swap3A_452] {strides = array<i32>} : memref<2x128xi32, #tpu.memory_space<vmem>>, vector<16xi32>,
      tpu.vector_store %arg13[%swap3A_451, %swap3A_452], %add3A_449 {strides = array<i32>} : memref<2x128xi32, #tpu.memory_space<vmem>>, vector<16xi32>,
      %gather3A_454 = tpu.vector_load_idx %arg14[%get3A_441] : memref<10000xf32, #tpu.memory_space<vmem>>[vector<16xi32>], vector<16xf32>,
      %gather3A_455 = tpu.vector_load_idx %arg15[%get3A_445] : memref<10000xf32, #tpu.memory_space<vmem>>[vector<16xi32>], vector<16xf32>,
      %add3A_456 = arith.addf %gather3A_454, %gather3A_455 : vector<16xf32>
      %ge3A_457 = arith.constant 0.000000e+00 : f32
      %ge3A_458 = vector.broadcast %ge3A_457 : f32 to vector<16xf32>
      %ge3A_459 = arith.cmpf oge, %add3A_456, %ge3A_458 : vector<16xf32>
      %mul3A_460 = arith.constant 2.000000e-01 : f32
      %mul3A_461 = vector.broadcast %mul3A_460 : f32 to vector<16xf32>
      %mul3A_462 = arith.mulf %mul3A_461, %add3A_456 : vector<16xf32>
      %select_n3A_463 = arith.select %ge3A_459, %add3A_456, %mul3A_462 : vector<16xi1>, vector<16xf32>
      %exp3A_464 = math.exp %select_n3A_463 : vector<16xf32>
      %swap3A_465 = arith.constant 1 : i32
      %swap3A_466 = arith.index_cast %swap3A_465 : i32 to index
      %swap3A_467 = arith.constant 32 : index
      %swap3A_468 = tpu.vector_load %arg16[%swap3A_466, %swap3A_467] {strides = array<i32>} : memref<2x128xf32, #tpu.memory_space<vmem>>, vector<16xf32>,
      tpu.vector_store %arg16[%swap3A_466, %swap3A_467], %exp3A_464 {strides = array<i32>} : memref<2x128xf32, #tpu.memory_space<vmem>>, vector<16xf32>,
      %swap3A_469 = arith.constant 32 : index
      %swap3A_470 = tpu.vector_load %arg17[%swap3A_469] {strides = array<i32>} : memref<128xf32, #tpu.memory_space<vmem>>, vector<16xf32>,
      tpu.vector_store %arg17[%swap3A_469], %exp3A_464 {strides = array<i32>} : memref<128xf32, #tpu.memory_space<vmem>>, vector<16xf32>,
      %get3A_471 = arith.constant 1 : i32
      %get3A_472 = arith.index_cast %get3A_471 : i32 to index
      %get3A_473 = arith.constant 48 : index
      %get3A_474 = tpu.vector_load %arg11[%get3A_472, %get3A_473] {strides = array<i32>} : memref<2x128xi32, #tpu.memory_space<vmem>>, vector<16xi32>,
      %get3A_475 = arith.constant 1 : i32
      %get3A_476 = arith.index_cast %get3A_475 : i32 to index
      %get3A_477 = arith.constant 48 : index
      %get3A_478 = tpu.vector_load %arg12[%get3A_476, %get3A_477] {strides = array<i32>} : memref<2x128xi32, #tpu.memory_space<vmem>>, vector<16xi32>,
      %mul3A_479 = arith.constant 10000 : i32
      %mul3A_480 = arith.muli %add3A_53, %mul3A_479 : i32
      %add3A_481 = vector.broadcast %mul3A_480 : i32 to vector<16xi32>
      %add3A_482 = arith.addi %get3A_474, %add3A_481 : vector<16xi32>
      %swap3A_483 = arith.constant 1 : i32
      %swap3A_484 = arith.index_cast %swap3A_483 : i32 to index
      %swap3A_485 = arith.constant 48 : index
      %swap3A_486 = tpu.vector_load %arg13[%swap3A_484, %swap3A_485] {strides = array<i32>} : memref<2x128xi32, #tpu.memory_space<vmem>>, vector<16xi32>,
      tpu.vector_store %arg13[%swap3A_484, %swap3A_485], %add3A_482 {strides = array<i32>} : memref<2x128xi32, #tpu.memory_space<vmem>>, vector<16xi32>,
      %gather3A_487 = tpu.vector_load_idx %arg14[%get3A_474] : memref<10000xf32, #tpu.memory_space<vmem>>[vector<16xi32>], vector<16xf32>,
      %gather3A_488 = tpu.vector_load_idx %arg15[%get3A_478] : memref<10000xf32, #tpu.memory_space<vmem>>[vector<16xi32>], vector<16xf32>,
      %add3A_489 = arith.addf %gather3A_487, %gather3A_488 : vector<16xf32>
      %ge3A_490 = arith.constant 0.000000e+00 : f32
      %ge3A_491 = vector.broadcast %ge3A_490 : f32 to vector<16xf32>
      %ge3A_492 = arith.cmpf oge, %add3A_489, %ge3A_491 : vector<16xf32>
      %mul3A_493 = arith.constant 2.000000e-01 : f32
      %mul3A_494 = vector.broadcast %mul3A_493 : f32 to vector<16xf32>
      %mul3A_495 = arith.mulf %mul3A_494, %add3A_489 : vector<16xf32>
      %select_n3A_496 = arith.select %ge3A_492, %add3A_489, %mul3A_495 : vector<16xi1>, vector<16xf32>
      %exp3A_497 = math.exp %select_n3A_496 : vector<16xf32>
      %swap3A_498 = arith.constant 1 : i32
      %swap3A_499 = arith.index_cast %swap3A_498 : i32 to index
      %swap3A_500 = arith.constant 48 : index
      %swap3A_501 = tpu.vector_load %arg16[%swap3A_499, %swap3A_500] {strides = array<i32>} : memref<2x128xf32, #tpu.memory_space<vmem>>, vector<16xf32>,
      tpu.vector_store %arg16[%swap3A_499, %swap3A_500], %exp3A_497 {strides = array<i32>} : memref<2x128xf32, #tpu.memory_space<vmem>>, vector<16xf32>,
      %swap3A_502 = arith.constant 48 : index
      %swap3A_503 = tpu.vector_load %arg17[%swap3A_502] {strides = array<i32>} : memref<128xf32, #tpu.memory_space<vmem>>, vector<16xf32>,
      tpu.vector_store %arg17[%swap3A_502], %exp3A_497 {strides = array<i32>} : memref<128xf32, #tpu.memory_space<vmem>>, vector<16xf32>,
      %get3A_504 = arith.constant 1 : i32
      %get3A_505 = arith.index_cast %get3A_504 : i32 to index
      %get3A_506 = arith.constant 64 : index
      %get3A_507 = tpu.vector_load %arg11[%get3A_505, %get3A_506] {strides = array<i32>} : memref<2x128xi32, #tpu.memory_space<vmem>>, vector<16xi32>,
      %get3A_508 = arith.constant 1 : i32
      %get3A_509 = arith.index_cast %get3A_508 : i32 to index
      %get3A_510 = arith.constant 64 : index
      %get3A_511 = tpu.vector_load %arg12[%get3A_509, %get3A_510] {strides = array<i32>} : memref<2x128xi32, #tpu.memory_space<vmem>>, vector<16xi32>,
      %mul3A_512 = arith.constant 10000 : i32
      %mul3A_513 = arith.muli %add3A_53, %mul3A_512 : i32
      %add3A_514 = vector.broadcast %mul3A_513 : i32 to vector<16xi32>
      %add3A_515 = arith.addi %get3A_507, %add3A_514 : vector<16xi32>
      %swap3A_516 = arith.constant 1 : i32
      %swap3A_517 = arith.index_cast %swap3A_516 : i32 to index
      %swap3A_518 = arith.constant 64 : index
      %swap3A_519 = tpu.vector_load %arg13[%swap3A_517, %swap3A_518] {strides = array<i32>} : memref<2x128xi32, #tpu.memory_space<vmem>>, vector<16xi32>,
      tpu.vector_store %arg13[%swap3A_517, %swap3A_518], %add3A_515 {strides = array<i32>} : memref<2x128xi32, #tpu.memory_space<vmem>>, vector<16xi32>,
      %gather3A_520 = tpu.vector_load_idx %arg14[%get3A_507] : memref<10000xf32, #tpu.memory_space<vmem>>[vector<16xi32>], vector<16xf32>,
      %gather3A_521 = tpu.vector_load_idx %arg15[%get3A_511] : memref<10000xf32, #tpu.memory_space<vmem>>[vector<16xi32>], vector<16xf32>,
      %add3A_522 = arith.addf %gather3A_520, %gather3A_521 : vector<16xf32>
      %ge3A_523 = arith.constant 0.000000e+00 : f32
      %ge3A_524 = vector.broadcast %ge3A_523 : f32 to vector<16xf32>
      %ge3A_525 = arith.cmpf oge, %add3A_522, %ge3A_524 : vector<16xf32>
      %mul3A_526 = arith.constant 2.000000e-01 : f32
      %mul3A_527 = vector.broadcast %mul3A_526 : f32 to vector<16xf32>
      %mul3A_528 = arith.mulf %mul3A_527, %add3A_522 : vector<16xf32>
      %select_n3A_529 = arith.select %ge3A_525, %add3A_522, %mul3A_528 : vector<16xi1>, vector<16xf32>
      %exp3A_530 = math.exp %select_n3A_529 : vector<16xf32>
      %swap3A_531 = arith.constant 1 : i32
      %swap3A_532 = arith.index_cast %swap3A_531 : i32 to index
      %swap3A_533 = arith.constant 64 : index
      %swap3A_534 = tpu.vector_load %arg16[%swap3A_532, %swap3A_533] {strides = array<i32>} : memref<2x128xf32, #tpu.memory_space<vmem>>, vector<16xf32>,
      tpu.vector_store %arg16[%swap3A_532, %swap3A_533], %exp3A_530 {strides = array<i32>} : memref<2x128xf32, #tpu.memory_space<vmem>>, vector<16xf32>,
      %swap3A_535 = arith.constant 64 : index
      %swap3A_536 = tpu.vector_load %arg17[%swap3A_535] {strides = array<i32>} : memref<128xf32, #tpu.memory_space<vmem>>, vector<16xf32>,
      tpu.vector_store %arg17[%swap3A_535], %exp3A_530 {strides = array<i32>} : memref<128xf32, #tpu.memory_space<vmem>>, vector<16xf32>,
      %get3A_537 = arith.constant 1 : i32
      %get3A_538 = arith.index_cast %get3A_537 : i32 to index
      %get3A_539 = arith.constant 80 : index
      %get3A_540 = tpu.vector_load %arg11[%get3A_538, %get3A_539] {strides = array<i32>} : memref<2x128xi32, #tpu.memory_space<vmem>>, vector<16xi32>,
      %get3A_541 = arith.constant 1 : i32
      %get3A_542 = arith.index_cast %get3A_541 : i32 to index
      %get3A_543 = arith.constant 80 : index
      %get3A_544 = tpu.vector_load %arg12[%get3A_542, %get3A_543] {strides = array<i32>} : memref<2x128xi32, #tpu.memory_space<vmem>>, vector<16xi32>,
      %mul3A_545 = arith.constant 10000 : i32
      %mul3A_546 = arith.muli %add3A_53, %mul3A_545 : i32
      %add3A_547 = vector.broadcast %mul3A_546 : i32 to vector<16xi32>
      %add3A_548 = arith.addi %get3A_540, %add3A_547 : vector<16xi32>
      %swap3A_549 = arith.constant 1 : i32
      %swap3A_550 = arith.index_cast %swap3A_549 : i32 to index
      %swap3A_551 = arith.constant 80 : index
      %swap3A_552 = tpu.vector_load %arg13[%swap3A_550, %swap3A_551] {strides = array<i32>} : memref<2x128xi32, #tpu.memory_space<vmem>>, vector<16xi32>,
      tpu.vector_store %arg13[%swap3A_550, %swap3A_551], %add3A_548 {strides = array<i32>} : memref<2x128xi32, #tpu.memory_space<vmem>>, vector<16xi32>,
      %gather3A_553 = tpu.vector_load_idx %arg14[%get3A_540] : memref<10000xf32, #tpu.memory_space<vmem>>[vector<16xi32>], vector<16xf32>,
      %gather3A_554 = tpu.vector_load_idx %arg15[%get3A_544] : memref<10000xf32, #tpu.memory_space<vmem>>[vector<16xi32>], vector<16xf32>,
      %add3A_555 = arith.addf %gather3A_553, %gather3A_554 : vector<16xf32>
      %ge3A_556 = arith.constant 0.000000e+00 : f32
      %ge3A_557 = vector.broadcast %ge3A_556 : f32 to vector<16xf32>
      %ge3A_558 = arith.cmpf oge, %add3A_555, %ge3A_557 : vector<16xf32>
      %mul3A_559 = arith.constant 2.000000e-01 : f32
      %mul3A_560 = vector.broadcast %mul3A_559 : f32 to vector<16xf32>
      %mul3A_561 = arith.mulf %mul3A_560, %add3A_555 : vector<16xf32>
      %select_n3A_562 = arith.select %ge3A_558, %add3A_555, %mul3A_561 : vector<16xi1>, vector<16xf32>
      %exp3A_563 = math.exp %select_n3A_562 : vector<16xf32>
      %swap3A_564 = arith.constant 1 : i32
      %swap3A_565 = arith.index_cast %swap3A_564 : i32 to index
      %swap3A_566 = arith.constant 80 : index
      %swap3A_567 = tpu.vector_load %arg16[%swap3A_565, %swap3A_566] {strides = array<i32>} : memref<2x128xf32, #tpu.memory_space<vmem>>, vector<16xf32>,
      tpu.vector_store %arg16[%swap3A_565, %swap3A_566], %exp3A_563 {strides = array<i32>} : memref<2x128xf32, #tpu.memory_space<vmem>>, vector<16xf32>,
      %swap3A_568 = arith.constant 80 : index
      %swap3A_569 = tpu.vector_load %arg17[%swap3A_568] {strides = array<i32>} : memref<128xf32, #tpu.memory_space<vmem>>, vector<16xf32>,
      tpu.vector_store %arg17[%swap3A_568], %exp3A_563 {strides = array<i32>} : memref<128xf32, #tpu.memory_space<vmem>>, vector<16xf32>,
      %get3A_570 = arith.constant 1 : i32
      %get3A_571 = arith.index_cast %get3A_570 : i32 to index
      %get3A_572 = arith.constant 96 : index
      %get3A_573 = tpu.vector_load %arg11[%get3A_571, %get3A_572] {strides = array<i32>} : memref<2x128xi32, #tpu.memory_space<vmem>>, vector<16xi32>,
      %get3A_574 = arith.constant 1 : i32
      %get3A_575 = arith.index_cast %get3A_574 : i32 to index
      %get3A_576 = arith.constant 96 : index
      %get3A_577 = tpu.vector_load %arg12[%get3A_575, %get3A_576] {strides = array<i32>} : memref<2x128xi32, #tpu.memory_space<vmem>>, vector<16xi32>,
      %mul3A_578 = arith.constant 10000 : i32
      %mul3A_579 = arith.muli %add3A_53, %mul3A_578 : i32
      %add3A_580 = vector.broadcast %mul3A_579 : i32 to vector<16xi32>
      %add3A_581 = arith.addi %get3A_573, %add3A_580 : vector<16xi32>
      %swap3A_582 = arith.constant 1 : i32
      %swap3A_583 = arith.index_cast %swap3A_582 : i32 to index
      %swap3A_584 = arith.constant 96 : index
      %swap3A_585 = tpu.vector_load %arg13[%swap3A_583, %swap3A_584] {strides = array<i32>} : memref<2x128xi32, #tpu.memory_space<vmem>>, vector<16xi32>,
      tpu.vector_store %arg13[%swap3A_583, %swap3A_584], %add3A_581 {strides = array<i32>} : memref<2x128xi32, #tpu.memory_space<vmem>>, vector<16xi32>,
      %gather3A_586 = tpu.vector_load_idx %arg14[%get3A_573] : memref<10000xf32, #tpu.memory_space<vmem>>[vector<16xi32>], vector<16xf32>,
      %gather3A_587 = tpu.vector_load_idx %arg15[%get3A_577] : memref<10000xf32, #tpu.memory_space<vmem>>[vector<16xi32>], vector<16xf32>,
      %add3A_588 = arith.addf %gather3A_586, %gather3A_587 : vector<16xf32>
      %ge3A_589 = arith.constant 0.000000e+00 : f32
      %ge3A_590 = vector.broadcast %ge3A_589 : f32 to vector<16xf32>
      %ge3A_591 = arith.cmpf oge, %add3A_588, %ge3A_590 : vector<16xf32>
      %mul3A_592 = arith.constant 2.000000e-01 : f32
      %mul3A_593 = vector.broadcast %mul3A_592 : f32 to vector<16xf32>
      %mul3A_594 = arith.mulf %mul3A_593, %add3A_588 : vector<16xf32>
      %select_n3A_595 = arith.select %ge3A_591, %add3A_588, %mul3A_594 : vector<16xi1>, vector<16xf32>
      %exp3A_596 = math.exp %select_n3A_595 : vector<16xf32>
      %swap3A_597 = arith.constant 1 : i32
      %swap3A_598 = arith.index_cast %swap3A_597 : i32 to index
      %swap3A_599 = arith.constant 96 : index
      %swap3A_600 = tpu.vector_load %arg16[%swap3A_598, %swap3A_599] {strides = array<i32>} : memref<2x128xf32, #tpu.memory_space<vmem>>, vector<16xf32>,
      tpu.vector_store %arg16[%swap3A_598, %swap3A_599], %exp3A_596 {strides = array<i32>} : memref<2x128xf32, #tpu.memory_space<vmem>>, vector<16xf32>,
      %swap3A_601 = arith.constant 96 : index
      %swap3A_602 = tpu.vector_load %arg17[%swap3A_601] {strides = array<i32>} : memref<128xf32, #tpu.memory_space<vmem>>, vector<16xf32>,
      tpu.vector_store %arg17[%swap3A_601], %exp3A_596 {strides = array<i32>} : memref<128xf32, #tpu.memory_space<vmem>>, vector<16xf32>,
      %get3A_603 = arith.constant 1 : i32
      %get3A_604 = arith.index_cast %get3A_603 : i32 to index
      %get3A_605 = arith.constant 112 : index
      %get3A_606 = tpu.vector_load %arg11[%get3A_604, %get3A_605] {strides = array<i32>} : memref<2x128xi32, #tpu.memory_space<vmem>>, vector<16xi32>,
      %get3A_607 = arith.constant 1 : i32
      %get3A_608 = arith.index_cast %get3A_607 : i32 to index
      %get3A_609 = arith.constant 112 : index
      %get3A_610 = tpu.vector_load %arg12[%get3A_608, %get3A_609] {strides = array<i32>} : memref<2x128xi32, #tpu.memory_space<vmem>>, vector<16xi32>,
      %mul3A_611 = arith.constant 10000 : i32
      %mul3A_612 = arith.muli %add3A_53, %mul3A_611 : i32
      %add3A_613 = vector.broadcast %mul3A_612 : i32 to vector<16xi32>
      %add3A_614 = arith.addi %get3A_606, %add3A_613 : vector<16xi32>
      %swap3A_615 = arith.constant 1 : i32
      %swap3A_616 = arith.index_cast %swap3A_615 : i32 to index
      %swap3A_617 = arith.constant 112 : index
      %swap3A_618 = tpu.vector_load %arg13[%swap3A_616, %swap3A_617] {strides = array<i32>} : memref<2x128xi32, #tpu.memory_space<vmem>>, vector<16xi32>,
      tpu.vector_store %arg13[%swap3A_616, %swap3A_617], %add3A_614 {strides = array<i32>} : memref<2x128xi32, #tpu.memory_space<vmem>>, vector<16xi32>,
      %gather3A_619 = tpu.vector_load_idx %arg14[%get3A_606] : memref<10000xf32, #tpu.memory_space<vmem>>[vector<16xi32>], vector<16xf32>,
      %gather3A_620 = tpu.vector_load_idx %arg15[%get3A_610] : memref<10000xf32, #tpu.memory_space<vmem>>[vector<16xi32>], vector<16xf32>,
      %add3A_621 = arith.addf %gather3A_619, %gather3A_620 : vector<16xf32>
      %ge3A_622 = arith.constant 0.000000e+00 : f32
      %ge3A_623 = vector.broadcast %ge3A_622 : f32 to vector<16xf32>
      %ge3A_624 = arith.cmpf oge, %add3A_621, %ge3A_623 : vector<16xf32>
      %mul3A_625 = arith.constant 2.000000e-01 : f32
      %mul3A_626 = vector.broadcast %mul3A_625 : f32 to vector<16xf32>
      %mul3A_627 = arith.mulf %mul3A_626, %add3A_621 : vector<16xf32>
      %select_n3A_628 = arith.select %ge3A_624, %add3A_621, %mul3A_627 : vector<16xi1>, vector<16xf32>
      %exp3A_629 = math.exp %select_n3A_628 : vector<16xf32>
      %swap3A_630 = arith.constant 1 : i32
      %swap3A_631 = arith.index_cast %swap3A_630 : i32 to index
      %swap3A_632 = arith.constant 112 : index
      %swap3A_633 = tpu.vector_load %arg16[%swap3A_631, %swap3A_632] {strides = array<i32>} : memref<2x128xf32, #tpu.memory_space<vmem>>, vector<16xf32>,
      tpu.vector_store %arg16[%swap3A_631, %swap3A_632], %exp3A_629 {strides = array<i32>} : memref<2x128xf32, #tpu.memory_space<vmem>>, vector<16xf32>,
      %swap3A_634 = arith.constant 112 : index
      %swap3A_635 = tpu.vector_load %arg17[%swap3A_634] {strides = array<i32>} : memref<128xf32, #tpu.memory_space<vmem>>, vector<16xf32>,
      tpu.vector_store %arg17[%swap3A_634], %exp3A_629 {strides = array<i32>} : memref<128xf32, #tpu.memory_space<vmem>>, vector<16xf32>,
      %dma_start3A_636 = arith.constant 1 : i32
      %dma_start3A_637 = arith.constant 0 : i32
      %dma_start3A_638 = tpu.memref_slice %arg13[%dma_start3A_636, %dma_start3A_637] : memref<2x128xi32, #tpu.memory_space<vmem>> -> memref<1x128xi32, #tpu.memory_space<vmem>>
      %dma_start3A_639 = tpu.memref_squeeze %dma_start3A_638 : memref<1x128xi32, #tpu.memory_space<vmem>> -> memref<128xi32, #tpu.memory_space<vmem>>
      %dma_start3A_640 = arith.constant 0 : i32
      %dma_start3A_641 = arith.constant 0 : i32
      %dma_start3A_642 = tpu.memref_slice %arg2[%dma_start3A_640, %dma_start3A_641] : memref<40000x128xf32, #tpu.memory_space<hbm>> -> memref<40000x128xf32, #tpu.memory_space<hbm>>
      tpu.enqueue_indirect_dma source(%dma_start3A_642 : memref<40000x128xf32, #tpu.memory_space<hbm>>) target(%arg18 : memref<128x128xf32, #tpu.memory_space<vmem>>) offsets(%dma_start3A_639 : memref<128xi32, #tpu.memory_space<vmem>>) semaphore(%arg21 : memref<!tpu.dma_semaphore, #tpu.memory_space<semaphore_mem>>)
      %dma_wait3A_643 = arith.constant 1 : i32
      %dma_wait3A_644 = arith.constant 0 : i32
      %dma_wait3A_645 = tpu.memref_slice %arg13[%dma_wait3A_643, %dma_wait3A_644] : memref<2x128xi32, #tpu.memory_space<vmem>> -> memref<1x128xi32, #tpu.memory_space<vmem>>
      %dma_wait3A_646 = tpu.memref_squeeze %dma_wait3A_645 : memref<1x128xi32, #tpu.memory_space<vmem>> -> memref<128xi32, #tpu.memory_space<vmem>>
      %dma_wait3A_647 = arith.constant 0 : i32
      %dma_wait3A_648 = arith.constant 0 : i32
      %dma_wait3A_649 = tpu.memref_slice %arg2[%dma_wait3A_647, %dma_wait3A_648] : memref<40000x128xf32, #tpu.memory_space<hbm>> -> memref<40000x128xf32, #tpu.memory_space<hbm>>
      tpu.wait_indirect_dma semaphore(%arg21 : memref<!tpu.dma_semaphore, #tpu.memory_space<semaphore_mem>>) src(%dma_wait3A_649 : memref<40000x128xf32, #tpu.memory_space<hbm>>) dst(%arg18 : memref<128x128xf32, #tpu.memory_space<vmem>>)
      %parallel_loop3A_650 = arith.constant 0 : i32
      %parallel_loop3A_651 = arith.constant 128 : i32
      %parallel_loop3A_652 = arith.constant 1 : i32
      scf.for %parallel_loop3A_654 = %parallel_loop3A_650 to %parallel_loop3A_651 step %parallel_loop3A_652  : i32 {
        %parallel_loop3A_655 = vector.broadcast %parallel_loop3A_654 : i32 to vector<16xi32>
        %parallel_loop3A_656 = tpu.vector_load_idx %arg17[%parallel_loop3A_655] : memref<128xf32, #tpu.memory_space<vmem>>[vector<16xi32>], vector<16xf32>,
        %parallel_loop3A_657 = arith.index_cast %parallel_loop3A_654 : i32 to index
        %parallel_loop3A_658 = arith.constant 0 : index
        %parallel_loop3A_659 = tpu.vector_load %arg18[%parallel_loop3A_657, %parallel_loop3A_658] {strides = array<i32>} : memref<128x128xf32, #tpu.memory_space<vmem>>, vector<16xf32>,
        %parallel_loop3A_660 = arith.mulf %parallel_loop3A_659, %parallel_loop3A_656 : vector<16xf32>
        %parallel_loop3A_661 = arith.index_cast %parallel_loop3A_654 : i32 to index
        %parallel_loop3A_662 = arith.constant 0 : index
        %parallel_loop3A_663 = tpu.vector_load %arg18[%parallel_loop3A_661, %parallel_loop3A_662] {strides = array<i32>} : memref<128x128xf32, #tpu.memory_space<vmem>>, vector<16xf32>,
        tpu.vector_store %arg18[%parallel_loop3A_661, %parallel_loop3A_662], %parallel_loop3A_660 {strides = array<i32>} : memref<128x128xf32, #tpu.memory_space<vmem>>, vector<16xf32>,
        %parallel_loop3A_664 = arith.index_cast %parallel_loop3A_654 : i32 to index
        %parallel_loop3A_665 = arith.constant 16 : index
        %parallel_loop3A_666 = tpu.vector_load %arg18[%parallel_loop3A_664, %parallel_loop3A_665] {strides = array<i32>} : memref<128x128xf32, #tpu.memory_space<vmem>>, vector<16xf32>,
        %parallel_loop3A_667 = arith.mulf %parallel_loop3A_666, %parallel_loop3A_656 : vector<16xf32>
        %parallel_loop3A_668 = arith.index_cast %parallel_loop3A_654 : i32 to index
        %parallel_loop3A_669 = arith.constant 16 : index
        %parallel_loop3A_670 = tpu.vector_load %arg18[%parallel_loop3A_668, %parallel_loop3A_669] {strides = array<i32>} : memref<128x128xf32, #tpu.memory_space<vmem>>, vector<16xf32>,
        tpu.vector_store %arg18[%parallel_loop3A_668, %parallel_loop3A_669], %parallel_loop3A_667 {strides = array<i32>} : memref<128x128xf32, #tpu.memory_space<vmem>>, vector<16xf32>,
        %parallel_loop3A_671 = arith.index_cast %parallel_loop3A_654 : i32 to index
        %parallel_loop3A_672 = arith.constant 32 : index
        %parallel_loop3A_673 = tpu.vector_load %arg18[%parallel_loop3A_671, %parallel_loop3A_672] {strides = array<i32>} : memref<128x128xf32, #tpu.memory_space<vmem>>, vector<16xf32>,
        %parallel_loop3A_674 = arith.mulf %parallel_loop3A_673, %parallel_loop3A_656 : vector<16xf32>
        %parallel_loop3A_675 = arith.index_cast %parallel_loop3A_654 : i32 to index
        %parallel_loop3A_676 = arith.constant 32 : index
        %parallel_loop3A_677 = tpu.vector_load %arg18[%parallel_loop3A_675, %parallel_loop3A_676] {strides = array<i32>} : memref<128x128xf32, #tpu.memory_space<vmem>>, vector<16xf32>,
        tpu.vector_store %arg18[%parallel_loop3A_675, %parallel_loop3A_676], %parallel_loop3A_674 {strides = array<i32>} : memref<128x128xf32, #tpu.memory_space<vmem>>, vector<16xf32>,
        %parallel_loop3A_678 = arith.index_cast %parallel_loop3A_654 : i32 to index
        %parallel_loop3A_679 = arith.constant 48 : index
        %parallel_loop3A_680 = tpu.vector_load %arg18[%parallel_loop3A_678, %parallel_loop3A_679] {strides = array<i32>} : memref<128x128xf32, #tpu.memory_space<vmem>>, vector<16xf32>,
        %parallel_loop3A_681 = arith.mulf %parallel_loop3A_680, %parallel_loop3A_656 : vector<16xf32>
        %parallel_loop3A_682 = arith.index_cast %parallel_loop3A_654 : i32 to index
        %parallel_loop3A_683 = arith.constant 48 : index
        %parallel_loop3A_684 = tpu.vector_load %arg18[%parallel_loop3A_682, %parallel_loop3A_683] {strides = array<i32>} : memref<128x128xf32, #tpu.memory_space<vmem>>, vector<16xf32>,
        tpu.vector_store %arg18[%parallel_loop3A_682, %parallel_loop3A_683], %parallel_loop3A_681 {strides = array<i32>} : memref<128x128xf32, #tpu.memory_space<vmem>>, vector<16xf32>,
        %parallel_loop3A_685 = arith.index_cast %parallel_loop3A_654 : i32 to index
        %parallel_loop3A_686 = arith.constant 64 : index
        %parallel_loop3A_687 = tpu.vector_load %arg18[%parallel_loop3A_685, %parallel_loop3A_686] {strides = array<i32>} : memref<128x128xf32, #tpu.memory_space<vmem>>, vector<16xf32>,
        %parallel_loop3A_688 = arith.mulf %parallel_loop3A_687, %parallel_loop3A_656 : vector<16xf32>
        %parallel_loop3A_689 = arith.index_cast %parallel_loop3A_654 : i32 to index
        %parallel_loop3A_690 = arith.constant 64 : index
        %parallel_loop3A_691 = tpu.vector_load %arg18[%parallel_loop3A_689, %parallel_loop3A_690] {strides = array<i32>} : memref<128x128xf32, #tpu.memory_space<vmem>>, vector<16xf32>,
        tpu.vector_store %arg18[%parallel_loop3A_689, %parallel_loop3A_690], %parallel_loop3A_688 {strides = array<i32>} : memref<128x128xf32, #tpu.memory_space<vmem>>, vector<16xf32>,
        %parallel_loop3A_692 = arith.index_cast %parallel_loop3A_654 : i32 to index
        %parallel_loop3A_693 = arith.constant 80 : index
        %parallel_loop3A_694 = tpu.vector_load %arg18[%parallel_loop3A_692, %parallel_loop3A_693] {strides = array<i32>} : memref<128x128xf32, #tpu.memory_space<vmem>>, vector<16xf32>,
        %parallel_loop3A_695 = arith.mulf %parallel_loop3A_694, %parallel_loop3A_656 : vector<16xf32>
        %parallel_loop3A_696 = arith.index_cast %parallel_loop3A_654 : i32 to index
        %parallel_loop3A_697 = arith.constant 80 : index
        %parallel_loop3A_698 = tpu.vector_load %arg18[%parallel_loop3A_696, %parallel_loop3A_697] {strides = array<i32>} : memref<128x128xf32, #tpu.memory_space<vmem>>, vector<16xf32>,
        tpu.vector_store %arg18[%parallel_loop3A_696, %parallel_loop3A_697], %parallel_loop3A_695 {strides = array<i32>} : memref<128x128xf32, #tpu.memory_space<vmem>>, vector<16xf32>,
        %parallel_loop3A_699 = arith.index_cast %parallel_loop3A_654 : i32 to index
        %parallel_loop3A_700 = arith.constant 96 : index
        %parallel_loop3A_701 = tpu.vector_load %arg18[%parallel_loop3A_699, %parallel_loop3A_700] {strides = array<i32>} : memref<128x128xf32, #tpu.memory_space<vmem>>, vector<16xf32>,
        %parallel_loop3A_702 = arith.mulf %parallel_loop3A_701, %parallel_loop3A_656 : vector<16xf32>
        %parallel_loop3A_703 = arith.index_cast %parallel_loop3A_654 : i32 to index
        %parallel_loop3A_704 = arith.constant 96 : index
        %parallel_loop3A_705 = tpu.vector_load %arg18[%parallel_loop3A_703, %parallel_loop3A_704] {strides = array<i32>} : memref<128x128xf32, #tpu.memory_space<vmem>>, vector<16xf32>,
        tpu.vector_store %arg18[%parallel_loop3A_703, %parallel_loop3A_704], %parallel_loop3A_702 {strides = array<i32>} : memref<128x128xf32, #tpu.memory_space<vmem>>, vector<16xf32>,
        %parallel_loop3A_706 = arith.index_cast %parallel_loop3A_654 : i32 to index
        %parallel_loop3A_707 = arith.constant 112 : index
        %parallel_loop3A_708 = tpu.vector_load %arg18[%parallel_loop3A_706, %parallel_loop3A_707] {strides = array<i32>} : memref<128x128xf32, #tpu.memory_space<vmem>>, vector<16xf32>,
        %parallel_loop3A_709 = arith.mulf %parallel_loop3A_708, %parallel_loop3A_656 : vector<16xf32>
        %parallel_loop3A_710 = arith.index_cast %parallel_loop3A_654 : i32 to index
        %parallel_loop3A_711 = arith.constant 112 : index
        %parallel_loop3A_712 = tpu.vector_load %arg18[%parallel_loop3A_710, %parallel_loop3A_711] {strides = array<i32>} : memref<128x128xf32, #tpu.memory_space<vmem>>, vector<16xf32>,
        tpu.vector_store %arg18[%parallel_loop3A_710, %parallel_loop3A_711], %parallel_loop3A_709 {strides = array<i32>} : memref<128x128xf32, #tpu.memory_space<vmem>>, vector<16xf32>,
      } {sc.loop_unroll_factor = 4 : i64, sc.parallel_access}
      %run_scoped3A_653 = arith.constant 1 : i32
      "tpu.region"() ({
        %run_scoped3A_654 = tpu.sem_alloc : memref<!tpu.dma_semaphore, #tpu.memory_space<semaphore_mem>>
        %dma_start3A_655 = arith.constant 0 : i32
        %dma_start3A_656 = tpu.memref_slice %arg12[%run_scoped3A_653, %dma_start3A_655] : memref<2x128xi32, #tpu.memory_space<vmem>> -> memref<1x128xi32, #tpu.memory_space<vmem>>
        %dma_start3A_657 = tpu.memref_squeeze %dma_start3A_656 : memref<1x128xi32, #tpu.memory_space<vmem>> -> memref<128xi32, #tpu.memory_space<vmem>>
        %dma_start3A_658 = arith.constant 0 : i32
        %dma_start3A_659 = arith.constant 0 : i32
        %dma_start3A_660 = tpu.memref_slice %arg19[%dma_start3A_658, %dma_start3A_659] : memref<10000x128xf32, #tpu.memory_space<vmem_shared>> -> memref<10000x128xf32, #tpu.memory_space<vmem_shared>>
        tpu.enqueue_indirect_dma source(%arg18 : memref<128x128xf32, #tpu.memory_space<vmem>>) target(%dma_start3A_660 : memref<10000x128xf32, #tpu.memory_space<vmem_shared>>) offsets(%dma_start3A_657 : memref<128xi32, #tpu.memory_space<vmem>>) semaphore(%run_scoped3A_654 : memref<!tpu.dma_semaphore, #tpu.memory_space<semaphore_mem>>) {add = true}
        %dma_wait3A_661 = arith.constant 0 : i32
        %dma_wait3A_662 = tpu.memref_slice %arg12[%run_scoped3A_653, %dma_wait3A_661] : memref<2x128xi32, #tpu.memory_space<vmem>> -> memref<1x128xi32, #tpu.memory_space<vmem>>
        %dma_wait3A_663 = tpu.memref_squeeze %dma_wait3A_662 : memref<1x128xi32, #tpu.memory_space<vmem>> -> memref<128xi32, #tpu.memory_space<vmem>>
        %dma_wait3A_664 = arith.constant 0 : i32
        %dma_wait3A_665 = arith.constant 0 : i32
        %dma_wait3A_666 = tpu.memref_slice %arg19[%dma_wait3A_664, %dma_wait3A_665] : memref<10000x128xf32, #tpu.memory_space<vmem_shared>> -> memref<10000x128xf32, #tpu.memory_space<vmem_shared>>
        tpu.wait_indirect_dma semaphore(%run_scoped3A_654 : memref<!tpu.dma_semaphore, #tpu.memory_space<semaphore_mem>>) src(%arg18 : memref<128x128xf32, #tpu.memory_space<vmem>>) dst(%dma_wait3A_666 : memref<10000x128xf32, #tpu.memory_space<vmem_shared>>)
        tpu.yield
      }) : () -> ()
    }
    %while3A_83 = arith.constant 1 : i32
    scf.for %while3A_95 = %while3A_81 to %while3A_77 step %while3A_83  : i32 {
      %mul3A_96 = arith.constant 16 : i32
      %mul3A_97 = arith.muli %while3A_95, %mul3A_96 : i32
      %add3A_98 = arith.addi %mul3A_97, %arg1 : i32
      "tpu.region"() ({
        %run_scoped3A_654 = tpu.sem_alloc : memref<!tpu.dma_semaphore, #tpu.memory_space<semaphore_mem>>
        %dma_start3A_655 = arith.constant 0 : i32
        %dma_start3A_656 = arith.constant 0 : i32
        %dma_start3A_657 = tpu.memref_slice %arg7[%add3A_98, %dma_start3A_655, %dma_start3A_656] : memref<1250x2x128xi32, #tpu.memory_space<hbm>> -> memref<1x2x128xi32, #tpu.memory_space<hbm>>
        %dma_start3A_658 = tpu.memref_squeeze %dma_start3A_657 : memref<1x2x128xi32, #tpu.memory_space<hbm>> -> memref<2x128xi32, #tpu.memory_space<hbm>>
        %dma_start3A_659 = arith.constant 0 : i32
        %dma_start3A_660 = arith.constant 0 : i32
        %dma_start3A_661 = tpu.memref_slice %arg7[%add3A_98, %dma_start3A_659, %dma_start3A_660] : memref<1250x2x128xi32, #tpu.memory_space<hbm>> -> memref<1x2x128xi32, #tpu.memory_space<hbm>>
        %dma_start3A_662 = tpu.memref_squeeze %dma_start3A_661 : memref<1x2x128xi32, #tpu.memory_space<hbm>> -> memref<2x128xi32, #tpu.memory_space<hbm>>
        tpu.enqueue_dma source(%dma_start3A_662 : memref<2x128xi32, #tpu.memory_space<hbm>>) target(%arg11 : memref<2x128xi32, #tpu.memory_space<vmem>>) target_semaphore(%run_scoped3A_654 : memref<!tpu.dma_semaphore, #tpu.memory_space<semaphore_mem>>)
        %dma_wait3A_663 = arith.constant 0 : i32
        %dma_wait3A_664 = arith.constant 0 : i32
        %dma_wait3A_665 = tpu.memref_slice %arg7[%add3A_98, %dma_wait3A_663, %dma_wait3A_664] : memref<1250x2x128xi32, #tpu.memory_space<hbm>> -> memref<1x2x128xi32, #tpu.memory_space<hbm>>
        %dma_wait3A_666 = tpu.memref_squeeze %dma_wait3A_665 : memref<1x2x128xi32, #tpu.memory_space<hbm>> -> memref<2x128xi32, #tpu.memory_space<hbm>>
        %dma_wait3A_667 = arith.constant 0 : i32
        %dma_wait3A_668 = arith.constant 0 : i32
        %dma_wait3A_669 = tpu.memref_slice %arg7[%add3A_98, %dma_wait3A_667, %dma_wait3A_668] : memref<1250x2x128xi32, #tpu.memory_space<hbm>> -> memref<1x2x128xi32, #tpu.memory_space<hbm>>
        %dma_wait3A_670 = tpu.memref_squeeze %dma_wait3A_669 : memref<1x2x128xi32, #tpu.memory_space<hbm>> -> memref<2x128xi32, #tpu.memory_space<hbm>>
        tpu.wait_dma2 semaphore(%run_scoped3A_654 : memref<!tpu.dma_semaphore, #tpu.memory_space<semaphore_mem>>) src(%dma_wait3A_670 : memref<2x128xi32, #tpu.memory_space<hbm>>) dst(%arg11 : memref<2x128xi32, #tpu.memory_space<vmem>>)
        tpu.yield
      }) : () -> ()
      "tpu.region"() ({
        %run_scoped3A_654 = tpu.sem_alloc : memref<!tpu.dma_semaphore, #tpu.memory_space<semaphore_mem>>
        %dma_start3A_655 = arith.constant 0 : i32
        %dma_start3A_656 = arith.constant 0 : i32
        %dma_start3A_657 = tpu.memref_slice %arg8[%add3A_98, %dma_start3A_655, %dma_start3A_656] : memref<1250x2x128xi32, #tpu.memory_space<hbm>> -> memref<1x2x128xi32, #tpu.memory_space<hbm>>
        %dma_start3A_658 = tpu.memref_squeeze %dma_start3A_657 : memref<1x2x128xi32, #tpu.memory_space<hbm>> -> memref<2x128xi32, #tpu.memory_space<hbm>>
        %dma_start3A_659 = arith.constant 0 : i32
        %dma_start3A_660 = arith.constant 0 : i32
        %dma_start3A_661 = tpu.memref_slice %arg8[%add3A_98, %dma_start3A_659, %dma_start3A_660] : memref<1250x2x128xi32, #tpu.memory_space<hbm>> -> memref<1x2x128xi32, #tpu.memory_space<hbm>>
        %dma_start3A_662 = tpu.memref_squeeze %dma_start3A_661 : memref<1x2x128xi32, #tpu.memory_space<hbm>> -> memref<2x128xi32, #tpu.memory_space<hbm>>
        tpu.enqueue_dma source(%dma_start3A_662 : memref<2x128xi32, #tpu.memory_space<hbm>>) target(%arg12 : memref<2x128xi32, #tpu.memory_space<vmem>>) target_semaphore(%run_scoped3A_654 : memref<!tpu.dma_semaphore, #tpu.memory_space<semaphore_mem>>)
        %dma_wait3A_663 = arith.constant 0 : i32
        %dma_wait3A_664 = arith.constant 0 : i32
        %dma_wait3A_665 = tpu.memref_slice %arg8[%add3A_98, %dma_wait3A_663, %dma_wait3A_664] : memref<1250x2x128xi32, #tpu.memory_space<hbm>> -> memref<1x2x128xi32, #tpu.memory_space<hbm>>
        %dma_wait3A_666 = tpu.memref_squeeze %dma_wait3A_665 : memref<1x2x128xi32, #tpu.memory_space<hbm>> -> memref<2x128xi32, #tpu.memory_space<hbm>>
        %dma_wait3A_667 = arith.constant 0 : i32
        %dma_wait3A_668 = arith.constant 0 : i32
        %dma_wait3A_669 = tpu.memref_slice %arg8[%add3A_98, %dma_wait3A_667, %dma_wait3A_668] : memref<1250x2x128xi32, #tpu.memory_space<hbm>> -> memref<1x2x128xi32, #tpu.memory_space<hbm>>
        %dma_wait3A_670 = tpu.memref_squeeze %dma_wait3A_669 : memref<1x2x128xi32, #tpu.memory_space<hbm>> -> memref<2x128xi32, #tpu.memory_space<hbm>>
        tpu.wait_dma2 semaphore(%run_scoped3A_654 : memref<!tpu.dma_semaphore, #tpu.memory_space<semaphore_mem>>) src(%dma_wait3A_670 : memref<2x128xi32, #tpu.memory_space<hbm>>) dst(%arg12 : memref<2x128xi32, #tpu.memory_space<vmem>>)
        tpu.yield
      }) : () -> ()
      %get3A = arith.constant 0 : i32
      %get3A_99 = arith.index_cast %get3A : i32 to index
      %get3A_100 = arith.constant 0 : index
      %get3A_101 = tpu.vector_load %arg11[%get3A_99, %get3A_100] {strides = array<i32>} : memref<2x128xi32, #tpu.memory_space<vmem>>, vector<16xi32>,
      %get3A_102 = arith.constant 0 : i32
      %get3A_103 = arith.index_cast %get3A_102 : i32 to index
      %get3A_104 = arith.constant 0 : index
      %get3A_105 = tpu.vector_load %arg12[%get3A_103, %get3A_104] {strides = array<i32>} : memref<2x128xi32, #tpu.memory_space<vmem>>, vector<16xi32>,
      %mul3A_106 = arith.constant 10000 : i32
      %mul3A_107 = arith.muli %add3A_53, %mul3A_106 : i32
      %add3A_108 = vector.broadcast %mul3A_107 : i32 to vector<16xi32>
      %add3A_109 = arith.addi %get3A_101, %add3A_108 : vector<16xi32>
      %swap3A = arith.constant 0 : i32
      %swap3A_110 = arith.index_cast %swap3A : i32 to index
      %swap3A_111 = arith.constant 0 : index
      %swap3A_112 = tpu.vector_load %arg13[%swap3A_110, %swap3A_111] {strides = array<i32>} : memref<2x128xi32, #tpu.memory_space<vmem>>, vector<16xi32>,
      tpu.vector_store %arg13[%swap3A_110, %swap3A_111], %add3A_109 {strides = array<i32>} : memref<2x128xi32, #tpu.memory_space<vmem>>, vector<16xi32>,
      %gather3A = tpu.vector_load_idx %arg14[%get3A_101] : memref<10000xf32, #tpu.memory_space<vmem>>[vector<16xi32>], vector<16xf32>,
      %gather3A_113 = tpu.vector_load_idx %arg15[%get3A_105] : memref<10000xf32, #tpu.memory_space<vmem>>[vector<16xi32>], vector<16xf32>,
      %add3A_114 = arith.addf %gather3A, %gather3A_113 : vector<16xf32>
      %ge3A = arith.constant 0.000000e+00 : f32
      %ge3A_115 = vector.broadcast %ge3A : f32 to vector<16xf32>
      %ge3A_116 = arith.cmpf oge, %add3A_114, %ge3A_115 : vector<16xf32>
      %mul3A_117 = arith.constant 2.000000e-01 : f32
      %mul3A_118 = vector.broadcast %mul3A_117 : f32 to vector<16xf32>
      %mul3A_119 = arith.mulf %mul3A_118, %add3A_114 : vector<16xf32>
      %select_n3A_120 = arith.select %ge3A_116, %add3A_114, %mul3A_119 : vector<16xi1>, vector<16xf32>
      %exp3A = math.exp %select_n3A_120 : vector<16xf32>
      %swap3A_121 = arith.constant 0 : i32
      %swap3A_122 = arith.index_cast %swap3A_121 : i32 to index
      %swap3A_123 = arith.constant 0 : index
      %swap3A_124 = tpu.vector_load %arg16[%swap3A_122, %swap3A_123] {strides = array<i32>} : memref<2x128xf32, #tpu.memory_space<vmem>>, vector<16xf32>,
      tpu.vector_store %arg16[%swap3A_122, %swap3A_123], %exp3A {strides = array<i32>} : memref<2x128xf32, #tpu.memory_space<vmem>>, vector<16xf32>,
      %swap3A_125 = arith.constant 0 : index
      %swap3A_126 = tpu.vector_load %arg17[%swap3A_125] {strides = array<i32>} : memref<128xf32, #tpu.memory_space<vmem>>, vector<16xf32>,
      tpu.vector_store %arg17[%swap3A_125], %exp3A {strides = array<i32>} : memref<128xf32, #tpu.memory_space<vmem>>, vector<16xf32>,
      %get3A_127 = arith.constant 0 : i32
      %get3A_128 = arith.index_cast %get3A_127 : i32 to index
      %get3A_129 = arith.constant 16 : index
      %get3A_130 = tpu.vector_load %arg11[%get3A_128, %get3A_129] {strides = array<i32>} : memref<2x128xi32, #tpu.memory_space<vmem>>, vector<16xi32>,
      %get3A_131 = arith.constant 0 : i32
      %get3A_132 = arith.index_cast %get3A_131 : i32 to index
      %get3A_133 = arith.constant 16 : index
      %get3A_134 = tpu.vector_load %arg12[%get3A_132, %get3A_133] {strides = array<i32>} : memref<2x128xi32, #tpu.memory_space<vmem>>, vector<16xi32>,
      %mul3A_135 = arith.constant 10000 : i32
      %mul3A_136 = arith.muli %add3A_53, %mul3A_135 : i32
      %add3A_137 = vector.broadcast %mul3A_136 : i32 to vector<16xi32>
      %add3A_138 = arith.addi %get3A_130, %add3A_137 : vector<16xi32>
      %swap3A_139 = arith.constant 0 : i32
      %swap3A_140 = arith.index_cast %swap3A_139 : i32 to index
      %swap3A_141 = arith.constant 16 : index
      %swap3A_142 = tpu.vector_load %arg13[%swap3A_140, %swap3A_141] {strides = array<i32>} : memref<2x128xi32, #tpu.memory_space<vmem>>, vector<16xi32>,
      tpu.vector_store %arg13[%swap3A_140, %swap3A_141], %add3A_138 {strides = array<i32>} : memref<2x128xi32, #tpu.memory_space<vmem>>, vector<16xi32>,
      %gather3A_143 = tpu.vector_load_idx %arg14[%get3A_130] : memref<10000xf32, #tpu.memory_space<vmem>>[vector<16xi32>], vector<16xf32>,
      %gather3A_144 = tpu.vector_load_idx %arg15[%get3A_134] : memref<10000xf32, #tpu.memory_space<vmem>>[vector<16xi32>], vector<16xf32>,
      %add3A_145 = arith.addf %gather3A_143, %gather3A_144 : vector<16xf32>
      %ge3A_146 = arith.constant 0.000000e+00 : f32
      %ge3A_147 = vector.broadcast %ge3A_146 : f32 to vector<16xf32>
      %ge3A_148 = arith.cmpf oge, %add3A_145, %ge3A_147 : vector<16xf32>
      %mul3A_149 = arith.constant 2.000000e-01 : f32
      %mul3A_150 = vector.broadcast %mul3A_149 : f32 to vector<16xf32>
      %mul3A_151 = arith.mulf %mul3A_150, %add3A_145 : vector<16xf32>
      %select_n3A_152 = arith.select %ge3A_148, %add3A_145, %mul3A_151 : vector<16xi1>, vector<16xf32>
      %exp3A_153 = math.exp %select_n3A_152 : vector<16xf32>
      %swap3A_154 = arith.constant 0 : i32
      %swap3A_155 = arith.index_cast %swap3A_154 : i32 to index
      %swap3A_156 = arith.constant 16 : index
      %swap3A_157 = tpu.vector_load %arg16[%swap3A_155, %swap3A_156] {strides = array<i32>} : memref<2x128xf32, #tpu.memory_space<vmem>>, vector<16xf32>,
      tpu.vector_store %arg16[%swap3A_155, %swap3A_156], %exp3A_153 {strides = array<i32>} : memref<2x128xf32, #tpu.memory_space<vmem>>, vector<16xf32>,
      %swap3A_158 = arith.constant 16 : index
      %swap3A_159 = tpu.vector_load %arg17[%swap3A_158] {strides = array<i32>} : memref<128xf32, #tpu.memory_space<vmem>>, vector<16xf32>,
      tpu.vector_store %arg17[%swap3A_158], %exp3A_153 {strides = array<i32>} : memref<128xf32, #tpu.memory_space<vmem>>, vector<16xf32>,
      %get3A_160 = arith.constant 0 : i32
      %get3A_161 = arith.index_cast %get3A_160 : i32 to index
      %get3A_162 = arith.constant 32 : index
      %get3A_163 = tpu.vector_load %arg11[%get3A_161, %get3A_162] {strides = array<i32>} : memref<2x128xi32, #tpu.memory_space<vmem>>, vector<16xi32>,
      %get3A_164 = arith.constant 0 : i32
      %get3A_165 = arith.index_cast %get3A_164 : i32 to index
      %get3A_166 = arith.constant 32 : index
      %get3A_167 = tpu.vector_load %arg12[%get3A_165, %get3A_166] {strides = array<i32>} : memref<2x128xi32, #tpu.memory_space<vmem>>, vector<16xi32>,
      %mul3A_168 = arith.constant 10000 : i32
      %mul3A_169 = arith.muli %add3A_53, %mul3A_168 : i32
      %add3A_170 = vector.broadcast %mul3A_169 : i32 to vector<16xi32>
      %add3A_171 = arith.addi %get3A_163, %add3A_170 : vector<16xi32>
      %swap3A_172 = arith.constant 0 : i32
      %swap3A_173 = arith.index_cast %swap3A_172 : i32 to index
      %swap3A_174 = arith.constant 32 : index
      %swap3A_175 = tpu.vector_load %arg13[%swap3A_173, %swap3A_174] {strides = array<i32>} : memref<2x128xi32, #tpu.memory_space<vmem>>, vector<16xi32>,
      tpu.vector_store %arg13[%swap3A_173, %swap3A_174], %add3A_171 {strides = array<i32>} : memref<2x128xi32, #tpu.memory_space<vmem>>, vector<16xi32>,
      %gather3A_176 = tpu.vector_load_idx %arg14[%get3A_163] : memref<10000xf32, #tpu.memory_space<vmem>>[vector<16xi32>], vector<16xf32>,
      %gather3A_177 = tpu.vector_load_idx %arg15[%get3A_167] : memref<10000xf32, #tpu.memory_space<vmem>>[vector<16xi32>], vector<16xf32>,
      %add3A_178 = arith.addf %gather3A_176, %gather3A_177 : vector<16xf32>
      %ge3A_179 = arith.constant 0.000000e+00 : f32
      %ge3A_180 = vector.broadcast %ge3A_179 : f32 to vector<16xf32>
      %ge3A_181 = arith.cmpf oge, %add3A_178, %ge3A_180 : vector<16xf32>
      %mul3A_182 = arith.constant 2.000000e-01 : f32
      %mul3A_183 = vector.broadcast %mul3A_182 : f32 to vector<16xf32>
      %mul3A_184 = arith.mulf %mul3A_183, %add3A_178 : vector<16xf32>
      %select_n3A_185 = arith.select %ge3A_181, %add3A_178, %mul3A_184 : vector<16xi1>, vector<16xf32>
      %exp3A_186 = math.exp %select_n3A_185 : vector<16xf32>
      %swap3A_187 = arith.constant 0 : i32
      %swap3A_188 = arith.index_cast %swap3A_187 : i32 to index
      %swap3A_189 = arith.constant 32 : index
      %swap3A_190 = tpu.vector_load %arg16[%swap3A_188, %swap3A_189] {strides = array<i32>} : memref<2x128xf32, #tpu.memory_space<vmem>>, vector<16xf32>,
      tpu.vector_store %arg16[%swap3A_188, %swap3A_189], %exp3A_186 {strides = array<i32>} : memref<2x128xf32, #tpu.memory_space<vmem>>, vector<16xf32>,
      %swap3A_191 = arith.constant 32 : index
      %swap3A_192 = tpu.vector_load %arg17[%swap3A_191] {strides = array<i32>} : memref<128xf32, #tpu.memory_space<vmem>>, vector<16xf32>,
      tpu.vector_store %arg17[%swap3A_191], %exp3A_186 {strides = array<i32>} : memref<128xf32, #tpu.memory_space<vmem>>, vector<16xf32>,
      %get3A_193 = arith.constant 0 : i32
      %get3A_194 = arith.index_cast %get3A_193 : i32 to index
      %get3A_195 = arith.constant 48 : index
      %get3A_196 = tpu.vector_load %arg11[%get3A_194, %get3A_195] {strides = array<i32>} : memref<2x128xi32, #tpu.memory_space<vmem>>, vector<16xi32>,
      %get3A_197 = arith.constant 0 : i32
      %get3A_198 = arith.index_cast %get3A_197 : i32 to index
      %get3A_199 = arith.constant 48 : index
      %get3A_200 = tpu.vector_load %arg12[%get3A_198, %get3A_199] {strides = array<i32>} : memref<2x128xi32, #tpu.memory_space<vmem>>, vector<16xi32>,
      %mul3A_201 = arith.constant 10000 : i32
      %mul3A_202 = arith.muli %add3A_53, %mul3A_201 : i32
      %add3A_203 = vector.broadcast %mul3A_202 : i32 to vector<16xi32>
      %add3A_204 = arith.addi %get3A_196, %add3A_203 : vector<16xi32>
      %swap3A_205 = arith.constant 0 : i32
      %swap3A_206 = arith.index_cast %swap3A_205 : i32 to index
      %swap3A_207 = arith.constant 48 : index
      %swap3A_208 = tpu.vector_load %arg13[%swap3A_206, %swap3A_207] {strides = array<i32>} : memref<2x128xi32, #tpu.memory_space<vmem>>, vector<16xi32>,
      tpu.vector_store %arg13[%swap3A_206, %swap3A_207], %add3A_204 {strides = array<i32>} : memref<2x128xi32, #tpu.memory_space<vmem>>, vector<16xi32>,
      %gather3A_209 = tpu.vector_load_idx %arg14[%get3A_196] : memref<10000xf32, #tpu.memory_space<vmem>>[vector<16xi32>], vector<16xf32>,
      %gather3A_210 = tpu.vector_load_idx %arg15[%get3A_200] : memref<10000xf32, #tpu.memory_space<vmem>>[vector<16xi32>], vector<16xf32>,
      %add3A_211 = arith.addf %gather3A_209, %gather3A_210 : vector<16xf32>
      %ge3A_212 = arith.constant 0.000000e+00 : f32
      %ge3A_213 = vector.broadcast %ge3A_212 : f32 to vector<16xf32>
      %ge3A_214 = arith.cmpf oge, %add3A_211, %ge3A_213 : vector<16xf32>
      %mul3A_215 = arith.constant 2.000000e-01 : f32
      %mul3A_216 = vector.broadcast %mul3A_215 : f32 to vector<16xf32>
      %mul3A_217 = arith.mulf %mul3A_216, %add3A_211 : vector<16xf32>
      %select_n3A_218 = arith.select %ge3A_214, %add3A_211, %mul3A_217 : vector<16xi1>, vector<16xf32>
      %exp3A_219 = math.exp %select_n3A_218 : vector<16xf32>
      %swap3A_220 = arith.constant 0 : i32
      %swap3A_221 = arith.index_cast %swap3A_220 : i32 to index
      %swap3A_222 = arith.constant 48 : index
      %swap3A_223 = tpu.vector_load %arg16[%swap3A_221, %swap3A_222] {strides = array<i32>} : memref<2x128xf32, #tpu.memory_space<vmem>>, vector<16xf32>,
      tpu.vector_store %arg16[%swap3A_221, %swap3A_222], %exp3A_219 {strides = array<i32>} : memref<2x128xf32, #tpu.memory_space<vmem>>, vector<16xf32>,
      %swap3A_224 = arith.constant 48 : index
      %swap3A_225 = tpu.vector_load %arg17[%swap3A_224] {strides = array<i32>} : memref<128xf32, #tpu.memory_space<vmem>>, vector<16xf32>,
      tpu.vector_store %arg17[%swap3A_224], %exp3A_219 {strides = array<i32>} : memref<128xf32, #tpu.memory_space<vmem>>, vector<16xf32>,
      %get3A_226 = arith.constant 0 : i32
      %get3A_227 = arith.index_cast %get3A_226 : i32 to index
      %get3A_228 = arith.constant 64 : index
      %get3A_229 = tpu.vector_load %arg11[%get3A_227, %get3A_228] {strides = array<i32>} : memref<2x128xi32, #tpu.memory_space<vmem>>, vector<16xi32>,
      %get3A_230 = arith.constant 0 : i32
      %get3A_231 = arith.index_cast %get3A_230 : i32 to index
      %get3A_232 = arith.constant 64 : index
      %get3A_233 = tpu.vector_load %arg12[%get3A_231, %get3A_232] {strides = array<i32>} : memref<2x128xi32, #tpu.memory_space<vmem>>, vector<16xi32>,
      %mul3A_234 = arith.constant 10000 : i32
      %mul3A_235 = arith.muli %add3A_53, %mul3A_234 : i32
      %add3A_236 = vector.broadcast %mul3A_235 : i32 to vector<16xi32>
      %add3A_237 = arith.addi %get3A_229, %add3A_236 : vector<16xi32>
      %swap3A_238 = arith.constant 0 : i32
      %swap3A_239 = arith.index_cast %swap3A_238 : i32 to index
      %swap3A_240 = arith.constant 64 : index
      %swap3A_241 = tpu.vector_load %arg13[%swap3A_239, %swap3A_240] {strides = array<i32>} : memref<2x128xi32, #tpu.memory_space<vmem>>, vector<16xi32>,
      tpu.vector_store %arg13[%swap3A_239, %swap3A_240], %add3A_237 {strides = array<i32>} : memref<2x128xi32, #tpu.memory_space<vmem>>, vector<16xi32>,
      %gather3A_242 = tpu.vector_load_idx %arg14[%get3A_229] : memref<10000xf32, #tpu.memory_space<vmem>>[vector<16xi32>], vector<16xf32>,
      %gather3A_243 = tpu.vector_load_idx %arg15[%get3A_233] : memref<10000xf32, #tpu.memory_space<vmem>>[vector<16xi32>], vector<16xf32>,
      %add3A_244 = arith.addf %gather3A_242, %gather3A_243 : vector<16xf32>
      %ge3A_245 = arith.constant 0.000000e+00 : f32
      %ge3A_246 = vector.broadcast %ge3A_245 : f32 to vector<16xf32>
      %ge3A_247 = arith.cmpf oge, %add3A_244, %ge3A_246 : vector<16xf32>
      %mul3A_248 = arith.constant 2.000000e-01 : f32
      %mul3A_249 = vector.broadcast %mul3A_248 : f32 to vector<16xf32>
      %mul3A_250 = arith.mulf %mul3A_249, %add3A_244 : vector<16xf32>
      %select_n3A_251 = arith.select %ge3A_247, %add3A_244, %mul3A_250 : vector<16xi1>, vector<16xf32>
      %exp3A_252 = math.exp %select_n3A_251 : vector<16xf32>
      %swap3A_253 = arith.constant 0 : i32
      %swap3A_254 = arith.index_cast %swap3A_253 : i32 to index
      %swap3A_255 = arith.constant 64 : index
      %swap3A_256 = tpu.vector_load %arg16[%swap3A_254, %swap3A_255] {strides = array<i32>} : memref<2x128xf32, #tpu.memory_space<vmem>>, vector<16xf32>,
      tpu.vector_store %arg16[%swap3A_254, %swap3A_255], %exp3A_252 {strides = array<i32>} : memref<2x128xf32, #tpu.memory_space<vmem>>, vector<16xf32>,
      %swap3A_257 = arith.constant 64 : index
      %swap3A_258 = tpu.vector_load %arg17[%swap3A_257] {strides = array<i32>} : memref<128xf32, #tpu.memory_space<vmem>>, vector<16xf32>,
      tpu.vector_store %arg17[%swap3A_257], %exp3A_252 {strides = array<i32>} : memref<128xf32, #tpu.memory_space<vmem>>, vector<16xf32>,
      %get3A_259 = arith.constant 0 : i32
      %get3A_260 = arith.index_cast %get3A_259 : i32 to index
      %get3A_261 = arith.constant 80 : index
      %get3A_262 = tpu.vector_load %arg11[%get3A_260, %get3A_261] {strides = array<i32>} : memref<2x128xi32, #tpu.memory_space<vmem>>, vector<16xi32>,
      %get3A_263 = arith.constant 0 : i32
      %get3A_264 = arith.index_cast %get3A_263 : i32 to index
      %get3A_265 = arith.constant 80 : index
      %get3A_266 = tpu.vector_load %arg12[%get3A_264, %get3A_265] {strides = array<i32>} : memref<2x128xi32, #tpu.memory_space<vmem>>, vector<16xi32>,
      %mul3A_267 = arith.constant 10000 : i32
      %mul3A_268 = arith.muli %add3A_53, %mul3A_267 : i32
      %add3A_269 = vector.broadcast %mul3A_268 : i32 to vector<16xi32>
      %add3A_270 = arith.addi %get3A_262, %add3A_269 : vector<16xi32>
      %swap3A_271 = arith.constant 0 : i32
      %swap3A_272 = arith.index_cast %swap3A_271 : i32 to index
      %swap3A_273 = arith.constant 80 : index
      %swap3A_274 = tpu.vector_load %arg13[%swap3A_272, %swap3A_273] {strides = array<i32>} : memref<2x128xi32, #tpu.memory_space<vmem>>, vector<16xi32>,
      tpu.vector_store %arg13[%swap3A_272, %swap3A_273], %add3A_270 {strides = array<i32>} : memref<2x128xi32, #tpu.memory_space<vmem>>, vector<16xi32>,
      %gather3A_275 = tpu.vector_load_idx %arg14[%get3A_262] : memref<10000xf32, #tpu.memory_space<vmem>>[vector<16xi32>], vector<16xf32>,
      %gather3A_276 = tpu.vector_load_idx %arg15[%get3A_266] : memref<10000xf32, #tpu.memory_space<vmem>>[vector<16xi32>], vector<16xf32>,
      %add3A_277 = arith.addf %gather3A_275, %gather3A_276 : vector<16xf32>
      %ge3A_278 = arith.constant 0.000000e+00 : f32
      %ge3A_279 = vector.broadcast %ge3A_278 : f32 to vector<16xf32>
      %ge3A_280 = arith.cmpf oge, %add3A_277, %ge3A_279 : vector<16xf32>
      %mul3A_281 = arith.constant 2.000000e-01 : f32
      %mul3A_282 = vector.broadcast %mul3A_281 : f32 to vector<16xf32>
      %mul3A_283 = arith.mulf %mul3A_282, %add3A_277 : vector<16xf32>
      %select_n3A_284 = arith.select %ge3A_280, %add3A_277, %mul3A_283 : vector<16xi1>, vector<16xf32>
      %exp3A_285 = math.exp %select_n3A_284 : vector<16xf32>
      %swap3A_286 = arith.constant 0 : i32
      %swap3A_287 = arith.index_cast %swap3A_286 : i32 to index
      %swap3A_288 = arith.constant 80 : index
      %swap3A_289 = tpu.vector_load %arg16[%swap3A_287, %swap3A_288] {strides = array<i32>} : memref<2x128xf32, #tpu.memory_space<vmem>>, vector<16xf32>,
      tpu.vector_store %arg16[%swap3A_287, %swap3A_288], %exp3A_285 {strides = array<i32>} : memref<2x128xf32, #tpu.memory_space<vmem>>, vector<16xf32>,
      %swap3A_290 = arith.constant 80 : index
      %swap3A_291 = tpu.vector_load %arg17[%swap3A_290] {strides = array<i32>} : memref<128xf32, #tpu.memory_space<vmem>>, vector<16xf32>,
      tpu.vector_store %arg17[%swap3A_290], %exp3A_285 {strides = array<i32>} : memref<128xf32, #tpu.memory_space<vmem>>, vector<16xf32>,
      %get3A_292 = arith.constant 0 : i32
      %get3A_293 = arith.index_cast %get3A_292 : i32 to index
      %get3A_294 = arith.constant 96 : index
      %get3A_295 = tpu.vector_load %arg11[%get3A_293, %get3A_294] {strides = array<i32>} : memref<2x128xi32, #tpu.memory_space<vmem>>, vector<16xi32>,
      %get3A_296 = arith.constant 0 : i32
      %get3A_297 = arith.index_cast %get3A_296 : i32 to index
      %get3A_298 = arith.constant 96 : index
      %get3A_299 = tpu.vector_load %arg12[%get3A_297, %get3A_298] {strides = array<i32>} : memref<2x128xi32, #tpu.memory_space<vmem>>, vector<16xi32>,
      %mul3A_300 = arith.constant 10000 : i32
      %mul3A_301 = arith.muli %add3A_53, %mul3A_300 : i32
      %add3A_302 = vector.broadcast %mul3A_301 : i32 to vector<16xi32>
      %add3A_303 = arith.addi %get3A_295, %add3A_302 : vector<16xi32>
      %swap3A_304 = arith.constant 0 : i32
      %swap3A_305 = arith.index_cast %swap3A_304 : i32 to index
      %swap3A_306 = arith.constant 96 : index
      %swap3A_307 = tpu.vector_load %arg13[%swap3A_305, %swap3A_306] {strides = array<i32>} : memref<2x128xi32, #tpu.memory_space<vmem>>, vector<16xi32>,
      tpu.vector_store %arg13[%swap3A_305, %swap3A_306], %add3A_303 {strides = array<i32>} : memref<2x128xi32, #tpu.memory_space<vmem>>, vector<16xi32>,
      %gather3A_308 = tpu.vector_load_idx %arg14[%get3A_295] : memref<10000xf32, #tpu.memory_space<vmem>>[vector<16xi32>], vector<16xf32>,
      %gather3A_309 = tpu.vector_load_idx %arg15[%get3A_299] : memref<10000xf32, #tpu.memory_space<vmem>>[vector<16xi32>], vector<16xf32>,
      %add3A_310 = arith.addf %gather3A_308, %gather3A_309 : vector<16xf32>
      %ge3A_311 = arith.constant 0.000000e+00 : f32
      %ge3A_312 = vector.broadcast %ge3A_311 : f32 to vector<16xf32>
      %ge3A_313 = arith.cmpf oge, %add3A_310, %ge3A_312 : vector<16xf32>
      %mul3A_314 = arith.constant 2.000000e-01 : f32
      %mul3A_315 = vector.broadcast %mul3A_314 : f32 to vector<16xf32>
      %mul3A_316 = arith.mulf %mul3A_315, %add3A_310 : vector<16xf32>
      %select_n3A_317 = arith.select %ge3A_313, %add3A_310, %mul3A_316 : vector<16xi1>, vector<16xf32>
      %exp3A_318 = math.exp %select_n3A_317 : vector<16xf32>
      %swap3A_319 = arith.constant 0 : i32
      %swap3A_320 = arith.index_cast %swap3A_319 : i32 to index
      %swap3A_321 = arith.constant 96 : index
      %swap3A_322 = tpu.vector_load %arg16[%swap3A_320, %swap3A_321] {strides = array<i32>} : memref<2x128xf32, #tpu.memory_space<vmem>>, vector<16xf32>,
      tpu.vector_store %arg16[%swap3A_320, %swap3A_321], %exp3A_318 {strides = array<i32>} : memref<2x128xf32, #tpu.memory_space<vmem>>, vector<16xf32>,
      %swap3A_323 = arith.constant 96 : index
      %swap3A_324 = tpu.vector_load %arg17[%swap3A_323] {strides = array<i32>} : memref<128xf32, #tpu.memory_space<vmem>>, vector<16xf32>,
      tpu.vector_store %arg17[%swap3A_323], %exp3A_318 {strides = array<i32>} : memref<128xf32, #tpu.memory_space<vmem>>, vector<16xf32>,
      %get3A_325 = arith.constant 0 : i32
      %get3A_326 = arith.index_cast %get3A_325 : i32 to index
      %get3A_327 = arith.constant 112 : index
      %get3A_328 = tpu.vector_load %arg11[%get3A_326, %get3A_327] {strides = array<i32>} : memref<2x128xi32, #tpu.memory_space<vmem>>, vector<16xi32>,
      %get3A_329 = arith.constant 0 : i32
      %get3A_330 = arith.index_cast %get3A_329 : i32 to index
      %get3A_331 = arith.constant 112 : index
      %get3A_332 = tpu.vector_load %arg12[%get3A_330, %get3A_331] {strides = array<i32>} : memref<2x128xi32, #tpu.memory_space<vmem>>, vector<16xi32>,
      %mul3A_333 = arith.constant 10000 : i32
      %mul3A_334 = arith.muli %add3A_53, %mul3A_333 : i32
      %add3A_335 = vector.broadcast %mul3A_334 : i32 to vector<16xi32>
      %add3A_336 = arith.addi %get3A_328, %add3A_335 : vector<16xi32>
      %swap3A_337 = arith.constant 0 : i32
      %swap3A_338 = arith.index_cast %swap3A_337 : i32 to index
      %swap3A_339 = arith.constant 112 : index
      %swap3A_340 = tpu.vector_load %arg13[%swap3A_338, %swap3A_339] {strides = array<i32>} : memref<2x128xi32, #tpu.memory_space<vmem>>, vector<16xi32>,
      tpu.vector_store %arg13[%swap3A_338, %swap3A_339], %add3A_336 {strides = array<i32>} : memref<2x128xi32, #tpu.memory_space<vmem>>, vector<16xi32>,
      %gather3A_341 = tpu.vector_load_idx %arg14[%get3A_328] : memref<10000xf32, #tpu.memory_space<vmem>>[vector<16xi32>], vector<16xf32>,
      %gather3A_342 = tpu.vector_load_idx %arg15[%get3A_332] : memref<10000xf32, #tpu.memory_space<vmem>>[vector<16xi32>], vector<16xf32>,
      %add3A_343 = arith.addf %gather3A_341, %gather3A_342 : vector<16xf32>
      %ge3A_344 = arith.constant 0.000000e+00 : f32
      %ge3A_345 = vector.broadcast %ge3A_344 : f32 to vector<16xf32>
      %ge3A_346 = arith.cmpf oge, %add3A_343, %ge3A_345 : vector<16xf32>
      %mul3A_347 = arith.constant 2.000000e-01 : f32
      %mul3A_348 = vector.broadcast %mul3A_347 : f32 to vector<16xf32>
      %mul3A_349 = arith.mulf %mul3A_348, %add3A_343 : vector<16xf32>
      %select_n3A_350 = arith.select %ge3A_346, %add3A_343, %mul3A_349 : vector<16xi1>, vector<16xf32>
      %exp3A_351 = math.exp %select_n3A_350 : vector<16xf32>
      %swap3A_352 = arith.constant 0 : i32
      %swap3A_353 = arith.index_cast %swap3A_352 : i32 to index
      %swap3A_354 = arith.constant 112 : index
      %swap3A_355 = tpu.vector_load %arg16[%swap3A_353, %swap3A_354] {strides = array<i32>} : memref<2x128xf32, #tpu.memory_space<vmem>>, vector<16xf32>,
      tpu.vector_store %arg16[%swap3A_353, %swap3A_354], %exp3A_351 {strides = array<i32>} : memref<2x128xf32, #tpu.memory_space<vmem>>, vector<16xf32>,
      %swap3A_356 = arith.constant 112 : index
      %swap3A_357 = tpu.vector_load %arg17[%swap3A_356] {strides = array<i32>} : memref<128xf32, #tpu.memory_space<vmem>>, vector<16xf32>,
      tpu.vector_store %arg17[%swap3A_356], %exp3A_351 {strides = array<i32>} : memref<128xf32, #tpu.memory_space<vmem>>, vector<16xf32>,
      %dma_start3A = arith.constant 0 : i32
      %dma_start3A_358 = arith.constant 0 : i32
      %dma_start3A_359 = tpu.memref_slice %arg13[%dma_start3A, %dma_start3A_358] : memref<2x128xi32, #tpu.memory_space<vmem>> -> memref<1x128xi32, #tpu.memory_space<vmem>>
      %dma_start3A_360 = tpu.memref_squeeze %dma_start3A_359 : memref<1x128xi32, #tpu.memory_space<vmem>> -> memref<128xi32, #tpu.memory_space<vmem>>
      %dma_start3A_361 = arith.constant 0 : i32
      %dma_start3A_362 = arith.constant 0 : i32
      %dma_start3A_363 = tpu.memref_slice %arg2[%dma_start3A_361, %dma_start3A_362] : memref<40000x128xf32, #tpu.memory_space<hbm>> -> memref<40000x128xf32, #tpu.memory_space<hbm>>
      tpu.enqueue_indirect_dma source(%dma_start3A_363 : memref<40000x128xf32, #tpu.memory_space<hbm>>) target(%arg18 : memref<128x128xf32, #tpu.memory_space<vmem>>) offsets(%dma_start3A_360 : memref<128xi32, #tpu.memory_space<vmem>>) semaphore(%arg21 : memref<!tpu.dma_semaphore, #tpu.memory_space<semaphore_mem>>)
      %dma_wait3A = arith.constant 0 : i32
      %dma_wait3A_364 = arith.constant 0 : i32
      %dma_wait3A_365 = tpu.memref_slice %arg13[%dma_wait3A, %dma_wait3A_364] : memref<2x128xi32, #tpu.memory_space<vmem>> -> memref<1x128xi32, #tpu.memory_space<vmem>>
      %dma_wait3A_366 = tpu.memref_squeeze %dma_wait3A_365 : memref<1x128xi32, #tpu.memory_space<vmem>> -> memref<128xi32, #tpu.memory_space<vmem>>
      %dma_wait3A_367 = arith.constant 0 : i32
      %dma_wait3A_368 = arith.constant 0 : i32
      %dma_wait3A_369 = tpu.memref_slice %arg2[%dma_wait3A_367, %dma_wait3A_368] : memref<40000x128xf32, #tpu.memory_space<hbm>> -> memref<40000x128xf32, #tpu.memory_space<hbm>>
      tpu.wait_indirect_dma semaphore(%arg21 : memref<!tpu.dma_semaphore, #tpu.memory_space<semaphore_mem>>) src(%dma_wait3A_369 : memref<40000x128xf32, #tpu.memory_space<hbm>>) dst(%arg18 : memref<128x128xf32, #tpu.memory_space<vmem>>)
      %parallel_loop3A = arith.constant 0 : i32
      %parallel_loop3A_370 = arith.constant 128 : i32
      %parallel_loop3A_371 = arith.constant 1 : i32
      scf.for %parallel_loop3A_654 = %parallel_loop3A to %parallel_loop3A_370 step %parallel_loop3A_371  : i32 {
        %parallel_loop3A_655 = vector.broadcast %parallel_loop3A_654 : i32 to vector<16xi32>
        %parallel_loop3A_656 = tpu.vector_load_idx %arg17[%parallel_loop3A_655] : memref<128xf32, #tpu.memory_space<vmem>>[vector<16xi32>], vector<16xf32>,
        %parallel_loop3A_657 = arith.index_cast %parallel_loop3A_654 : i32 to index
        %parallel_loop3A_658 = arith.constant 0 : index
        %parallel_loop3A_659 = tpu.vector_load %arg18[%parallel_loop3A_657, %parallel_loop3A_658] {strides = array<i32>} : memref<128x128xf32, #tpu.memory_space<vmem>>, vector<16xf32>,
        %parallel_loop3A_660 = arith.mulf %parallel_loop3A_659, %parallel_loop3A_656 : vector<16xf32>
        %parallel_loop3A_661 = arith.index_cast %parallel_loop3A_654 : i32 to index
        %parallel_loop3A_662 = arith.constant 0 : index
        %parallel_loop3A_663 = tpu.vector_load %arg18[%parallel_loop3A_661, %parallel_loop3A_662] {strides = array<i32>} : memref<128x128xf32, #tpu.memory_space<vmem>>, vector<16xf32>,
        tpu.vector_store %arg18[%parallel_loop3A_661, %parallel_loop3A_662], %parallel_loop3A_660 {strides = array<i32>} : memref<128x128xf32, #tpu.memory_space<vmem>>, vector<16xf32>,
        %parallel_loop3A_664 = arith.index_cast %parallel_loop3A_654 : i32 to index
        %parallel_loop3A_665 = arith.constant 16 : index
        %parallel_loop3A_666 = tpu.vector_load %arg18[%parallel_loop3A_664, %parallel_loop3A_665] {strides = array<i32>} : memref<128x128xf32, #tpu.memory_space<vmem>>, vector<16xf32>,
        %parallel_loop3A_667 = arith.mulf %parallel_loop3A_666, %parallel_loop3A_656 : vector<16xf32>
        %parallel_loop3A_668 = arith.index_cast %parallel_loop3A_654 : i32 to index
        %parallel_loop3A_669 = arith.constant 16 : index
        %parallel_loop3A_670 = tpu.vector_load %arg18[%parallel_loop3A_668, %parallel_loop3A_669] {strides = array<i32>} : memref<128x128xf32, #tpu.memory_space<vmem>>, vector<16xf32>,
        tpu.vector_store %arg18[%parallel_loop3A_668, %parallel_loop3A_669], %parallel_loop3A_667 {strides = array<i32>} : memref<128x128xf32, #tpu.memory_space<vmem>>, vector<16xf32>,
        %parallel_loop3A_671 = arith.index_cast %parallel_loop3A_654 : i32 to index
        %parallel_loop3A_672 = arith.constant 32 : index
        %parallel_loop3A_673 = tpu.vector_load %arg18[%parallel_loop3A_671, %parallel_loop3A_672] {strides = array<i32>} : memref<128x128xf32, #tpu.memory_space<vmem>>, vector<16xf32>,
        %parallel_loop3A_674 = arith.mulf %parallel_loop3A_673, %parallel_loop3A_656 : vector<16xf32>
        %parallel_loop3A_675 = arith.index_cast %parallel_loop3A_654 : i32 to index
        %parallel_loop3A_676 = arith.constant 32 : index
        %parallel_loop3A_677 = tpu.vector_load %arg18[%parallel_loop3A_675, %parallel_loop3A_676] {strides = array<i32>} : memref<128x128xf32, #tpu.memory_space<vmem>>, vector<16xf32>,
        tpu.vector_store %arg18[%parallel_loop3A_675, %parallel_loop3A_676], %parallel_loop3A_674 {strides = array<i32>} : memref<128x128xf32, #tpu.memory_space<vmem>>, vector<16xf32>,
        %parallel_loop3A_678 = arith.index_cast %parallel_loop3A_654 : i32 to index
        %parallel_loop3A_679 = arith.constant 48 : index
        %parallel_loop3A_680 = tpu.vector_load %arg18[%parallel_loop3A_678, %parallel_loop3A_679] {strides = array<i32>} : memref<128x128xf32, #tpu.memory_space<vmem>>, vector<16xf32>,
        %parallel_loop3A_681 = arith.mulf %parallel_loop3A_680, %parallel_loop3A_656 : vector<16xf32>
        %parallel_loop3A_682 = arith.index_cast %parallel_loop3A_654 : i32 to index
        %parallel_loop3A_683 = arith.constant 48 : index
        %parallel_loop3A_684 = tpu.vector_load %arg18[%parallel_loop3A_682, %parallel_loop3A_683] {strides = array<i32>} : memref<128x128xf32, #tpu.memory_space<vmem>>, vector<16xf32>,
        tpu.vector_store %arg18[%parallel_loop3A_682, %parallel_loop3A_683], %parallel_loop3A_681 {strides = array<i32>} : memref<128x128xf32, #tpu.memory_space<vmem>>, vector<16xf32>,
        %parallel_loop3A_685 = arith.index_cast %parallel_loop3A_654 : i32 to index
        %parallel_loop3A_686 = arith.constant 64 : index
        %parallel_loop3A_687 = tpu.vector_load %arg18[%parallel_loop3A_685, %parallel_loop3A_686] {strides = array<i32>} : memref<128x128xf32, #tpu.memory_space<vmem>>, vector<16xf32>,
        %parallel_loop3A_688 = arith.mulf %parallel_loop3A_687, %parallel_loop3A_656 : vector<16xf32>
        %parallel_loop3A_689 = arith.index_cast %parallel_loop3A_654 : i32 to index
        %parallel_loop3A_690 = arith.constant 64 : index
        %parallel_loop3A_691 = tpu.vector_load %arg18[%parallel_loop3A_689, %parallel_loop3A_690] {strides = array<i32>} : memref<128x128xf32, #tpu.memory_space<vmem>>, vector<16xf32>,
        tpu.vector_store %arg18[%parallel_loop3A_689, %parallel_loop3A_690], %parallel_loop3A_688 {strides = array<i32>} : memref<128x128xf32, #tpu.memory_space<vmem>>, vector<16xf32>,
        %parallel_loop3A_692 = arith.index_cast %parallel_loop3A_654 : i32 to index
        %parallel_loop3A_693 = arith.constant 80 : index
        %parallel_loop3A_694 = tpu.vector_load %arg18[%parallel_loop3A_692, %parallel_loop3A_693] {strides = array<i32>} : memref<128x128xf32, #tpu.memory_space<vmem>>, vector<16xf32>,
        %parallel_loop3A_695 = arith.mulf %parallel_loop3A_694, %parallel_loop3A_656 : vector<16xf32>
        %parallel_loop3A_696 = arith.index_cast %parallel_loop3A_654 : i32 to index
        %parallel_loop3A_697 = arith.constant 80 : index
        %parallel_loop3A_698 = tpu.vector_load %arg18[%parallel_loop3A_696, %parallel_loop3A_697] {strides = array<i32>} : memref<128x128xf32, #tpu.memory_space<vmem>>, vector<16xf32>,
        tpu.vector_store %arg18[%parallel_loop3A_696, %parallel_loop3A_697], %parallel_loop3A_695 {strides = array<i32>} : memref<128x128xf32, #tpu.memory_space<vmem>>, vector<16xf32>,
        %parallel_loop3A_699 = arith.index_cast %parallel_loop3A_654 : i32 to index
        %parallel_loop3A_700 = arith.constant 96 : index
        %parallel_loop3A_701 = tpu.vector_load %arg18[%parallel_loop3A_699, %parallel_loop3A_700] {strides = array<i32>} : memref<128x128xf32, #tpu.memory_space<vmem>>, vector<16xf32>,
        %parallel_loop3A_702 = arith.mulf %parallel_loop3A_701, %parallel_loop3A_656 : vector<16xf32>
        %parallel_loop3A_703 = arith.index_cast %parallel_loop3A_654 : i32 to index
        %parallel_loop3A_704 = arith.constant 96 : index
        %parallel_loop3A_705 = tpu.vector_load %arg18[%parallel_loop3A_703, %parallel_loop3A_704] {strides = array<i32>} : memref<128x128xf32, #tpu.memory_space<vmem>>, vector<16xf32>,
        tpu.vector_store %arg18[%parallel_loop3A_703, %parallel_loop3A_704], %parallel_loop3A_702 {strides = array<i32>} : memref<128x128xf32, #tpu.memory_space<vmem>>, vector<16xf32>,
        %parallel_loop3A_706 = arith.index_cast %parallel_loop3A_654 : i32 to index
        %parallel_loop3A_707 = arith.constant 112 : index
        %parallel_loop3A_708 = tpu.vector_load %arg18[%parallel_loop3A_706, %parallel_loop3A_707] {strides = array<i32>} : memref<128x128xf32, #tpu.memory_space<vmem>>, vector<16xf32>,
        %parallel_loop3A_709 = arith.mulf %parallel_loop3A_708, %parallel_loop3A_656 : vector<16xf32>
        %parallel_loop3A_710 = arith.index_cast %parallel_loop3A_654 : i32 to index
        %parallel_loop3A_711 = arith.constant 112 : index
        %parallel_loop3A_712 = tpu.vector_load %arg18[%parallel_loop3A_710, %parallel_loop3A_711] {strides = array<i32>} : memref<128x128xf32, #tpu.memory_space<vmem>>, vector<16xf32>,
        tpu.vector_store %arg18[%parallel_loop3A_710, %parallel_loop3A_711], %parallel_loop3A_709 {strides = array<i32>} : memref<128x128xf32, #tpu.memory_space<vmem>>, vector<16xf32>,
      } {sc.loop_unroll_factor = 4 : i64, sc.parallel_access}
      %run_scoped3A = arith.constant 0 : i32
      "tpu.region"() ({
        %run_scoped3A_654 = tpu.sem_alloc : memref<!tpu.dma_semaphore, #tpu.memory_space<semaphore_mem>>
        %dma_start3A_655 = arith.constant 0 : i32
        %dma_start3A_656 = tpu.memref_slice %arg12[%run_scoped3A, %dma_start3A_655] : memref<2x128xi32, #tpu.memory_space<vmem>> -> memref<1x128xi32, #tpu.memory_space<vmem>>
        %dma_start3A_657 = tpu.memref_squeeze %dma_start3A_656 : memref<1x128xi32, #tpu.memory_space<vmem>> -> memref<128xi32, #tpu.memory_space<vmem>>
        %dma_start3A_658 = arith.constant 0 : i32
        %dma_start3A_659 = arith.constant 0 : i32
        %dma_start3A_660 = tpu.memref_slice %arg19[%dma_start3A_658, %dma_start3A_659] : memref<10000x128xf32, #tpu.memory_space<vmem_shared>> -> memref<10000x128xf32, #tpu.memory_space<vmem_shared>>
        tpu.enqueue_indirect_dma source(%arg18 : memref<128x128xf32, #tpu.memory_space<vmem>>) target(%dma_start3A_660 : memref<10000x128xf32, #tpu.memory_space<vmem_shared>>) offsets(%dma_start3A_657 : memref<128xi32, #tpu.memory_space<vmem>>) semaphore(%run_scoped3A_654 : memref<!tpu.dma_semaphore, #tpu.memory_space<semaphore_mem>>) {add = true}
        %dma_wait3A_661 = arith.constant 0 : i32
        %dma_wait3A_662 = tpu.memref_slice %arg12[%run_scoped3A, %dma_wait3A_661] : memref<2x128xi32, #tpu.memory_space<vmem>> -> memref<1x128xi32, #tpu.memory_space<vmem>>
        %dma_wait3A_663 = tpu.memref_squeeze %dma_wait3A_662 : memref<1x128xi32, #tpu.memory_space<vmem>> -> memref<128xi32, #tpu.memory_space<vmem>>
        %dma_wait3A_664 = arith.constant 0 : i32
        %dma_wait3A_665 = arith.constant 0 : i32
        %dma_wait3A_666 = tpu.memref_slice %arg19[%dma_wait3A_664, %dma_wait3A_665] : memref<10000x128xf32, #tpu.memory_space<vmem_shared>> -> memref<10000x128xf32, #tpu.memory_space<vmem_shared>>
        tpu.wait_indirect_dma semaphore(%run_scoped3A_654 : memref<!tpu.dma_semaphore, #tpu.memory_space<semaphore_mem>>) src(%arg18 : memref<128x128xf32, #tpu.memory_space<vmem>>) dst(%dma_wait3A_666 : memref<10000x128xf32, #tpu.memory_space<vmem_shared>>)
        tpu.yield
      }) : () -> ()
      %get3A_372 = arith.constant 1 : i32
      %get3A_373 = arith.index_cast %get3A_372 : i32 to index
      %get3A_374 = arith.constant 0 : index
      %get3A_375 = tpu.vector_load %arg11[%get3A_373, %get3A_374] {strides = array<i32>} : memref<2x128xi32, #tpu.memory_space<vmem>>, vector<16xi32>,
      %get3A_376 = arith.constant 1 : i32
      %get3A_377 = arith.index_cast %get3A_376 : i32 to index
      %get3A_378 = arith.constant 0 : index
      %get3A_379 = tpu.vector_load %arg12[%get3A_377, %get3A_378] {strides = array<i32>} : memref<2x128xi32, #tpu.memory_space<vmem>>, vector<16xi32>,
      %mul3A_380 = arith.constant 10000 : i32
      %mul3A_381 = arith.muli %add3A_53, %mul3A_380 : i32
      %add3A_382 = vector.broadcast %mul3A_381 : i32 to vector<16xi32>
      %add3A_383 = arith.addi %get3A_375, %add3A_382 : vector<16xi32>
      %swap3A_384 = arith.constant 1 : i32
      %swap3A_385 = arith.index_cast %swap3A_384 : i32 to index
      %swap3A_386 = arith.constant 0 : index
      %swap3A_387 = tpu.vector_load %arg13[%swap3A_385, %swap3A_386] {strides = array<i32>} : memref<2x128xi32, #tpu.memory_space<vmem>>, vector<16xi32>,
      tpu.vector_store %arg13[%swap3A_385, %swap3A_386], %add3A_383 {strides = array<i32>} : memref<2x128xi32, #tpu.memory_space<vmem>>, vector<16xi32>,
      %gather3A_388 = tpu.vector_load_idx %arg14[%get3A_375] : memref<10000xf32, #tpu.memory_space<vmem>>[vector<16xi32>], vector<16xf32>,
      %gather3A_389 = tpu.vector_load_idx %arg15[%get3A_379] : memref<10000xf32, #tpu.memory_space<vmem>>[vector<16xi32>], vector<16xf32>,
      %add3A_390 = arith.addf %gather3A_388, %gather3A_389 : vector<16xf32>
      %ge3A_391 = arith.constant 0.000000e+00 : f32
      %ge3A_392 = vector.broadcast %ge3A_391 : f32 to vector<16xf32>
      %ge3A_393 = arith.cmpf oge, %add3A_390, %ge3A_392 : vector<16xf32>
      %mul3A_394 = arith.constant 2.000000e-01 : f32
      %mul3A_395 = vector.broadcast %mul3A_394 : f32 to vector<16xf32>
      %mul3A_396 = arith.mulf %mul3A_395, %add3A_390 : vector<16xf32>
      %select_n3A_397 = arith.select %ge3A_393, %add3A_390, %mul3A_396 : vector<16xi1>, vector<16xf32>
      %exp3A_398 = math.exp %select_n3A_397 : vector<16xf32>
      %swap3A_399 = arith.constant 1 : i32
      %swap3A_400 = arith.index_cast %swap3A_399 : i32 to index
      %swap3A_401 = arith.constant 0 : index
      %swap3A_402 = tpu.vector_load %arg16[%swap3A_400, %swap3A_401] {strides = array<i32>} : memref<2x128xf32, #tpu.memory_space<vmem>>, vector<16xf32>,
      tpu.vector_store %arg16[%swap3A_400, %swap3A_401], %exp3A_398 {strides = array<i32>} : memref<2x128xf32, #tpu.memory_space<vmem>>, vector<16xf32>,
      %swap3A_403 = arith.constant 0 : index
      %swap3A_404 = tpu.vector_load %arg17[%swap3A_403] {strides = array<i32>} : memref<128xf32, #tpu.memory_space<vmem>>, vector<16xf32>,
      tpu.vector_store %arg17[%swap3A_403], %exp3A_398 {strides = array<i32>} : memref<128xf32, #tpu.memory_space<vmem>>, vector<16xf32>,
      %get3A_405 = arith.constant 1 : i32
      %get3A_406 = arith.index_cast %get3A_405 : i32 to index
      %get3A_407 = arith.constant 16 : index
      %get3A_408 = tpu.vector_load %arg11[%get3A_406, %get3A_407] {strides = array<i32>} : memref<2x128xi32, #tpu.memory_space<vmem>>, vector<16xi32>,
      %get3A_409 = arith.constant 1 : i32
      %get3A_410 = arith.index_cast %get3A_409 : i32 to index
      %get3A_411 = arith.constant 16 : index
      %get3A_412 = tpu.vector_load %arg12[%get3A_410, %get3A_411] {strides = array<i32>} : memref<2x128xi32, #tpu.memory_space<vmem>>, vector<16xi32>,
      %mul3A_413 = arith.constant 10000 : i32
      %mul3A_414 = arith.muli %add3A_53, %mul3A_413 : i32
      %add3A_415 = vector.broadcast %mul3A_414 : i32 to vector<16xi32>
      %add3A_416 = arith.addi %get3A_408, %add3A_415 : vector<16xi32>
      %swap3A_417 = arith.constant 1 : i32
      %swap3A_418 = arith.index_cast %swap3A_417 : i32 to index
      %swap3A_419 = arith.constant 16 : index
      %swap3A_420 = tpu.vector_load %arg13[%swap3A_418, %swap3A_419] {strides = array<i32>} : memref<2x128xi32, #tpu.memory_space<vmem>>, vector<16xi32>,
      tpu.vector_store %arg13[%swap3A_418, %swap3A_419], %add3A_416 {strides = array<i32>} : memref<2x128xi32, #tpu.memory_space<vmem>>, vector<16xi32>,
      %gather3A_421 = tpu.vector_load_idx %arg14[%get3A_408] : memref<10000xf32, #tpu.memory_space<vmem>>[vector<16xi32>], vector<16xf32>,
      %gather3A_422 = tpu.vector_load_idx %arg15[%get3A_412] : memref<10000xf32, #tpu.memory_space<vmem>>[vector<16xi32>], vector<16xf32>,
      %add3A_423 = arith.addf %gather3A_421, %gather3A_422 : vector<16xf32>
      %ge3A_424 = arith.constant 0.000000e+00 : f32
      %ge3A_425 = vector.broadcast %ge3A_424 : f32 to vector<16xf32>
      %ge3A_426 = arith.cmpf oge, %add3A_423, %ge3A_425 : vector<16xf32>
      %mul3A_427 = arith.constant 2.000000e-01 : f32
      %mul3A_428 = vector.broadcast %mul3A_427 : f32 to vector<16xf32>
      %mul3A_429 = arith.mulf %mul3A_428, %add3A_423 : vector<16xf32>
      %select_n3A_430 = arith.select %ge3A_426, %add3A_423, %mul3A_429 : vector<16xi1>, vector<16xf32>
      %exp3A_431 = math.exp %select_n3A_430 : vector<16xf32>
      %swap3A_432 = arith.constant 1 : i32
      %swap3A_433 = arith.index_cast %swap3A_432 : i32 to index
      %swap3A_434 = arith.constant 16 : index
      %swap3A_435 = tpu.vector_load %arg16[%swap3A_433, %swap3A_434] {strides = array<i32>} : memref<2x128xf32, #tpu.memory_space<vmem>>, vector<16xf32>,
      tpu.vector_store %arg16[%swap3A_433, %swap3A_434], %exp3A_431 {strides = array<i32>} : memref<2x128xf32, #tpu.memory_space<vmem>>, vector<16xf32>,
      %swap3A_436 = arith.constant 16 : index
      %swap3A_437 = tpu.vector_load %arg17[%swap3A_436] {strides = array<i32>} : memref<128xf32, #tpu.memory_space<vmem>>, vector<16xf32>,
      tpu.vector_store %arg17[%swap3A_436], %exp3A_431 {strides = array<i32>} : memref<128xf32, #tpu.memory_space<vmem>>, vector<16xf32>,
      %get3A_438 = arith.constant 1 : i32
      %get3A_439 = arith.index_cast %get3A_438 : i32 to index
      %get3A_440 = arith.constant 32 : index
      %get3A_441 = tpu.vector_load %arg11[%get3A_439, %get3A_440] {strides = array<i32>} : memref<2x128xi32, #tpu.memory_space<vmem>>, vector<16xi32>,
      %get3A_442 = arith.constant 1 : i32
      %get3A_443 = arith.index_cast %get3A_442 : i32 to index
      %get3A_444 = arith.constant 32 : index
      %get3A_445 = tpu.vector_load %arg12[%get3A_443, %get3A_444] {strides = array<i32>} : memref<2x128xi32, #tpu.memory_space<vmem>>, vector<16xi32>,
      %mul3A_446 = arith.constant 10000 : i32
      %mul3A_447 = arith.muli %add3A_53, %mul3A_446 : i32
      %add3A_448 = vector.broadcast %mul3A_447 : i32 to vector<16xi32>
      %add3A_449 = arith.addi %get3A_441, %add3A_448 : vector<16xi32>
      %swap3A_450 = arith.constant 1 : i32
      %swap3A_451 = arith.index_cast %swap3A_450 : i32 to index
      %swap3A_452 = arith.constant 32 : index
      %swap3A_453 = tpu.vector_load %arg13[%swap3A_451, %swap3A_452] {strides = array<i32>} : memref<2x128xi32, #tpu.memory_space<vmem>>, vector<16xi32>,
      tpu.vector_store %arg13[%swap3A_451, %swap3A_452], %add3A_449 {strides = array<i32>} : memref<2x128xi32, #tpu.memory_space<vmem>>, vector<16xi32>,
      %gather3A_454 = tpu.vector_load_idx %arg14[%get3A_441] : memref<10000xf32, #tpu.memory_space<vmem>>[vector<16xi32>], vector<16xf32>,
      %gather3A_455 = tpu.vector_load_idx %arg15[%get3A_445] : memref<10000xf32, #tpu.memory_space<vmem>>[vector<16xi32>], vector<16xf32>,
      %add3A_456 = arith.addf %gather3A_454, %gather3A_455 : vector<16xf32>
      %ge3A_457 = arith.constant 0.000000e+00 : f32
      %ge3A_458 = vector.broadcast %ge3A_457 : f32 to vector<16xf32>
      %ge3A_459 = arith.cmpf oge, %add3A_456, %ge3A_458 : vector<16xf32>
      %mul3A_460 = arith.constant 2.000000e-01 : f32
      %mul3A_461 = vector.broadcast %mul3A_460 : f32 to vector<16xf32>
      %mul3A_462 = arith.mulf %mul3A_461, %add3A_456 : vector<16xf32>
      %select_n3A_463 = arith.select %ge3A_459, %add3A_456, %mul3A_462 : vector<16xi1>, vector<16xf32>
      %exp3A_464 = math.exp %select_n3A_463 : vector<16xf32>
      %swap3A_465 = arith.constant 1 : i32
      %swap3A_466 = arith.index_cast %swap3A_465 : i32 to index
      %swap3A_467 = arith.constant 32 : index
      %swap3A_468 = tpu.vector_load %arg16[%swap3A_466, %swap3A_467] {strides = array<i32>} : memref<2x128xf32, #tpu.memory_space<vmem>>, vector<16xf32>,
      tpu.vector_store %arg16[%swap3A_466, %swap3A_467], %exp3A_464 {strides = array<i32>} : memref<2x128xf32, #tpu.memory_space<vmem>>, vector<16xf32>,
      %swap3A_469 = arith.constant 32 : index
      %swap3A_470 = tpu.vector_load %arg17[%swap3A_469] {strides = array<i32>} : memref<128xf32, #tpu.memory_space<vmem>>, vector<16xf32>,
      tpu.vector_store %arg17[%swap3A_469], %exp3A_464 {strides = array<i32>} : memref<128xf32, #tpu.memory_space<vmem>>, vector<16xf32>,
      %get3A_471 = arith.constant 1 : i32
      %get3A_472 = arith.index_cast %get3A_471 : i32 to index
      %get3A_473 = arith.constant 48 : index
      %get3A_474 = tpu.vector_load %arg11[%get3A_472, %get3A_473] {strides = array<i32>} : memref<2x128xi32, #tpu.memory_space<vmem>>, vector<16xi32>,
      %get3A_475 = arith.constant 1 : i32
      %get3A_476 = arith.index_cast %get3A_475 : i32 to index
      %get3A_477 = arith.constant 48 : index
      %get3A_478 = tpu.vector_load %arg12[%get3A_476, %get3A_477] {strides = array<i32>} : memref<2x128xi32, #tpu.memory_space<vmem>>, vector<16xi32>,
      %mul3A_479 = arith.constant 10000 : i32
      %mul3A_480 = arith.muli %add3A_53, %mul3A_479 : i32
      %add3A_481 = vector.broadcast %mul3A_480 : i32 to vector<16xi32>
      %add3A_482 = arith.addi %get3A_474, %add3A_481 : vector<16xi32>
      %swap3A_483 = arith.constant 1 : i32
      %swap3A_484 = arith.index_cast %swap3A_483 : i32 to index
      %swap3A_485 = arith.constant 48 : index
      %swap3A_486 = tpu.vector_load %arg13[%swap3A_484, %swap3A_485] {strides = array<i32>} : memref<2x128xi32, #tpu.memory_space<vmem>>, vector<16xi32>,
      tpu.vector_store %arg13[%swap3A_484, %swap3A_485], %add3A_482 {strides = array<i32>} : memref<2x128xi32, #tpu.memory_space<vmem>>, vector<16xi32>,
      %gather3A_487 = tpu.vector_load_idx %arg14[%get3A_474] : memref<10000xf32, #tpu.memory_space<vmem>>[vector<16xi32>], vector<16xf32>,
      %gather3A_488 = tpu.vector_load_idx %arg15[%get3A_478] : memref<10000xf32, #tpu.memory_space<vmem>>[vector<16xi32>], vector<16xf32>,
      %add3A_489 = arith.addf %gather3A_487, %gather3A_488 : vector<16xf32>
      %ge3A_490 = arith.constant 0.000000e+00 : f32
      %ge3A_491 = vector.broadcast %ge3A_490 : f32 to vector<16xf32>
      %ge3A_492 = arith.cmpf oge, %add3A_489, %ge3A_491 : vector<16xf32>
      %mul3A_493 = arith.constant 2.000000e-01 : f32
      %mul3A_494 = vector.broadcast %mul3A_493 : f32 to vector<16xf32>
      %mul3A_495 = arith.mulf %mul3A_494, %add3A_489 : vector<16xf32>
      %select_n3A_496 = arith.select %ge3A_492, %add3A_489, %mul3A_495 : vector<16xi1>, vector<16xf32>
      %exp3A_497 = math.exp %select_n3A_496 : vector<16xf32>
      %swap3A_498 = arith.constant 1 : i32
      %swap3A_499 = arith.index_cast %swap3A_498 : i32 to index
      %swap3A_500 = arith.constant 48 : index
      %swap3A_501 = tpu.vector_load %arg16[%swap3A_499, %swap3A_500] {strides = array<i32>} : memref<2x128xf32, #tpu.memory_space<vmem>>, vector<16xf32>,
      tpu.vector_store %arg16[%swap3A_499, %swap3A_500], %exp3A_497 {strides = array<i32>} : memref<2x128xf32, #tpu.memory_space<vmem>>, vector<16xf32>,
      %swap3A_502 = arith.constant 48 : index
      %swap3A_503 = tpu.vector_load %arg17[%swap3A_502] {strides = array<i32>} : memref<128xf32, #tpu.memory_space<vmem>>, vector<16xf32>,
      tpu.vector_store %arg17[%swap3A_502], %exp3A_497 {strides = array<i32>} : memref<128xf32, #tpu.memory_space<vmem>>, vector<16xf32>,
      %get3A_504 = arith.constant 1 : i32
      %get3A_505 = arith.index_cast %get3A_504 : i32 to index
      %get3A_506 = arith.constant 64 : index
      %get3A_507 = tpu.vector_load %arg11[%get3A_505, %get3A_506] {strides = array<i32>} : memref<2x128xi32, #tpu.memory_space<vmem>>, vector<16xi32>,
      %get3A_508 = arith.constant 1 : i32
      %get3A_509 = arith.index_cast %get3A_508 : i32 to index
      %get3A_510 = arith.constant 64 : index
      %get3A_511 = tpu.vector_load %arg12[%get3A_509, %get3A_510] {strides = array<i32>} : memref<2x128xi32, #tpu.memory_space<vmem>>, vector<16xi32>,
      %mul3A_512 = arith.constant 10000 : i32
      %mul3A_513 = arith.muli %add3A_53, %mul3A_512 : i32
      %add3A_514 = vector.broadcast %mul3A_513 : i32 to vector<16xi32>
      %add3A_515 = arith.addi %get3A_507, %add3A_514 : vector<16xi32>
      %swap3A_516 = arith.constant 1 : i32
      %swap3A_517 = arith.index_cast %swap3A_516 : i32 to index
      %swap3A_518 = arith.constant 64 : index
      %swap3A_519 = tpu.vector_load %arg13[%swap3A_517, %swap3A_518] {strides = array<i32>} : memref<2x128xi32, #tpu.memory_space<vmem>>, vector<16xi32>,
      tpu.vector_store %arg13[%swap3A_517, %swap3A_518], %add3A_515 {strides = array<i32>} : memref<2x128xi32, #tpu.memory_space<vmem>>, vector<16xi32>,
      %gather3A_520 = tpu.vector_load_idx %arg14[%get3A_507] : memref<10000xf32, #tpu.memory_space<vmem>>[vector<16xi32>], vector<16xf32>,
      %gather3A_521 = tpu.vector_load_idx %arg15[%get3A_511] : memref<10000xf32, #tpu.memory_space<vmem>>[vector<16xi32>], vector<16xf32>,
      %add3A_522 = arith.addf %gather3A_520, %gather3A_521 : vector<16xf32>
      %ge3A_523 = arith.constant 0.000000e+00 : f32
      %ge3A_524 = vector.broadcast %ge3A_523 : f32 to vector<16xf32>
      %ge3A_525 = arith.cmpf oge, %add3A_522, %ge3A_524 : vector<16xf32>
      %mul3A_526 = arith.constant 2.000000e-01 : f32
      %mul3A_527 = vector.broadcast %mul3A_526 : f32 to vector<16xf32>
      %mul3A_528 = arith.mulf %mul3A_527, %add3A_522 : vector<16xf32>
      %select_n3A_529 = arith.select %ge3A_525, %add3A_522, %mul3A_528 : vector<16xi1>, vector<16xf32>
      %exp3A_530 = math.exp %select_n3A_529 : vector<16xf32>
      %swap3A_531 = arith.constant 1 : i32
      %swap3A_532 = arith.index_cast %swap3A_531 : i32 to index
      %swap3A_533 = arith.constant 64 : index
      %swap3A_534 = tpu.vector_load %arg16[%swap3A_532, %swap3A_533] {strides = array<i32>} : memref<2x128xf32, #tpu.memory_space<vmem>>, vector<16xf32>,
      tpu.vector_store %arg16[%swap3A_532, %swap3A_533], %exp3A_530 {strides = array<i32>} : memref<2x128xf32, #tpu.memory_space<vmem>>, vector<16xf32>,
      %swap3A_535 = arith.constant 64 : index
      %swap3A_536 = tpu.vector_load %arg17[%swap3A_535] {strides = array<i32>} : memref<128xf32, #tpu.memory_space<vmem>>, vector<16xf32>,
      tpu.vector_store %arg17[%swap3A_535], %exp3A_530 {strides = array<i32>} : memref<128xf32, #tpu.memory_space<vmem>>, vector<16xf32>,
      %get3A_537 = arith.constant 1 : i32
      %get3A_538 = arith.index_cast %get3A_537 : i32 to index
      %get3A_539 = arith.constant 80 : index
      %get3A_540 = tpu.vector_load %arg11[%get3A_538, %get3A_539] {strides = array<i32>} : memref<2x128xi32, #tpu.memory_space<vmem>>, vector<16xi32>,
      %get3A_541 = arith.constant 1 : i32
      %get3A_542 = arith.index_cast %get3A_541 : i32 to index
      %get3A_543 = arith.constant 80 : index
      %get3A_544 = tpu.vector_load %arg12[%get3A_542, %get3A_543] {strides = array<i32>} : memref<2x128xi32, #tpu.memory_space<vmem>>, vector<16xi32>,
      %mul3A_545 = arith.constant 10000 : i32
      %mul3A_546 = arith.muli %add3A_53, %mul3A_545 : i32
      %add3A_547 = vector.broadcast %mul3A_546 : i32 to vector<16xi32>
      %add3A_548 = arith.addi %get3A_540, %add3A_547 : vector<16xi32>
      %swap3A_549 = arith.constant 1 : i32
      %swap3A_550 = arith.index_cast %swap3A_549 : i32 to index
      %swap3A_551 = arith.constant 80 : index
      %swap3A_552 = tpu.vector_load %arg13[%swap3A_550, %swap3A_551] {strides = array<i32>} : memref<2x128xi32, #tpu.memory_space<vmem>>, vector<16xi32>,
      tpu.vector_store %arg13[%swap3A_550, %swap3A_551], %add3A_548 {strides = array<i32>} : memref<2x128xi32, #tpu.memory_space<vmem>>, vector<16xi32>,
      %gather3A_553 = tpu.vector_load_idx %arg14[%get3A_540] : memref<10000xf32, #tpu.memory_space<vmem>>[vector<16xi32>], vector<16xf32>,
      %gather3A_554 = tpu.vector_load_idx %arg15[%get3A_544] : memref<10000xf32, #tpu.memory_space<vmem>>[vector<16xi32>], vector<16xf32>,
      %add3A_555 = arith.addf %gather3A_553, %gather3A_554 : vector<16xf32>
      %ge3A_556 = arith.constant 0.000000e+00 : f32
      %ge3A_557 = vector.broadcast %ge3A_556 : f32 to vector<16xf32>
      %ge3A_558 = arith.cmpf oge, %add3A_555, %ge3A_557 : vector<16xf32>
      %mul3A_559 = arith.constant 2.000000e-01 : f32
      %mul3A_560 = vector.broadcast %mul3A_559 : f32 to vector<16xf32>
      %mul3A_561 = arith.mulf %mul3A_560, %add3A_555 : vector<16xf32>
      %select_n3A_562 = arith.select %ge3A_558, %add3A_555, %mul3A_561 : vector<16xi1>, vector<16xf32>
      %exp3A_563 = math.exp %select_n3A_562 : vector<16xf32>
      %swap3A_564 = arith.constant 1 : i32
      %swap3A_565 = arith.index_cast %swap3A_564 : i32 to index
      %swap3A_566 = arith.constant 80 : index
      %swap3A_567 = tpu.vector_load %arg16[%swap3A_565, %swap3A_566] {strides = array<i32>} : memref<2x128xf32, #tpu.memory_space<vmem>>, vector<16xf32>,
      tpu.vector_store %arg16[%swap3A_565, %swap3A_566], %exp3A_563 {strides = array<i32>} : memref<2x128xf32, #tpu.memory_space<vmem>>, vector<16xf32>,
      %swap3A_568 = arith.constant 80 : index
      %swap3A_569 = tpu.vector_load %arg17[%swap3A_568] {strides = array<i32>} : memref<128xf32, #tpu.memory_space<vmem>>, vector<16xf32>,
      tpu.vector_store %arg17[%swap3A_568], %exp3A_563 {strides = array<i32>} : memref<128xf32, #tpu.memory_space<vmem>>, vector<16xf32>,
      %get3A_570 = arith.constant 1 : i32
      %get3A_571 = arith.index_cast %get3A_570 : i32 to index
      %get3A_572 = arith.constant 96 : index
      %get3A_573 = tpu.vector_load %arg11[%get3A_571, %get3A_572] {strides = array<i32>} : memref<2x128xi32, #tpu.memory_space<vmem>>, vector<16xi32>,
      %get3A_574 = arith.constant 1 : i32
      %get3A_575 = arith.index_cast %get3A_574 : i32 to index
      %get3A_576 = arith.constant 96 : index
      %get3A_577 = tpu.vector_load %arg12[%get3A_575, %get3A_576] {strides = array<i32>} : memref<2x128xi32, #tpu.memory_space<vmem>>, vector<16xi32>,
      %mul3A_578 = arith.constant 10000 : i32
      %mul3A_579 = arith.muli %add3A_53, %mul3A_578 : i32
      %add3A_580 = vector.broadcast %mul3A_579 : i32 to vector<16xi32>
      %add3A_581 = arith.addi %get3A_573, %add3A_580 : vector<16xi32>
      %swap3A_582 = arith.constant 1 : i32
      %swap3A_583 = arith.index_cast %swap3A_582 : i32 to index
      %swap3A_584 = arith.constant 96 : index
      %swap3A_585 = tpu.vector_load %arg13[%swap3A_583, %swap3A_584] {strides = array<i32>} : memref<2x128xi32, #tpu.memory_space<vmem>>, vector<16xi32>,
      tpu.vector_store %arg13[%swap3A_583, %swap3A_584], %add3A_581 {strides = array<i32>} : memref<2x128xi32, #tpu.memory_space<vmem>>, vector<16xi32>,
      %gather3A_586 = tpu.vector_load_idx %arg14[%get3A_573] : memref<10000xf32, #tpu.memory_space<vmem>>[vector<16xi32>], vector<16xf32>,
      %gather3A_587 = tpu.vector_load_idx %arg15[%get3A_577] : memref<10000xf32, #tpu.memory_space<vmem>>[vector<16xi32>], vector<16xf32>,
      %add3A_588 = arith.addf %gather3A_586, %gather3A_587 : vector<16xf32>
      %ge3A_589 = arith.constant 0.000000e+00 : f32
      %ge3A_590 = vector.broadcast %ge3A_589 : f32 to vector<16xf32>
      %ge3A_591 = arith.cmpf oge, %add3A_588, %ge3A_590 : vector<16xf32>
      %mul3A_592 = arith.constant 2.000000e-01 : f32
      %mul3A_593 = vector.broadcast %mul3A_592 : f32 to vector<16xf32>
      %mul3A_594 = arith.mulf %mul3A_593, %add3A_588 : vector<16xf32>
      %select_n3A_595 = arith.select %ge3A_591, %add3A_588, %mul3A_594 : vector<16xi1>, vector<16xf32>
      %exp3A_596 = math.exp %select_n3A_595 : vector<16xf32>
      %swap3A_597 = arith.constant 1 : i32
      %swap3A_598 = arith.index_cast %swap3A_597 : i32 to index
      %swap3A_599 = arith.constant 96 : index
      %swap3A_600 = tpu.vector_load %arg16[%swap3A_598, %swap3A_599] {strides = array<i32>} : memref<2x128xf32, #tpu.memory_space<vmem>>, vector<16xf32>,
      tpu.vector_store %arg16[%swap3A_598, %swap3A_599], %exp3A_596 {strides = array<i32>} : memref<2x128xf32, #tpu.memory_space<vmem>>, vector<16xf32>,
      %swap3A_601 = arith.constant 96 : index
      %swap3A_602 = tpu.vector_load %arg17[%swap3A_601] {strides = array<i32>} : memref<128xf32, #tpu.memory_space<vmem>>, vector<16xf32>,
      tpu.vector_store %arg17[%swap3A_601], %exp3A_596 {strides = array<i32>} : memref<128xf32, #tpu.memory_space<vmem>>, vector<16xf32>,
      %get3A_603 = arith.constant 1 : i32
      %get3A_604 = arith.index_cast %get3A_603 : i32 to index
      %get3A_605 = arith.constant 112 : index
      %get3A_606 = tpu.vector_load %arg11[%get3A_604, %get3A_605] {strides = array<i32>} : memref<2x128xi32, #tpu.memory_space<vmem>>, vector<16xi32>,
      %get3A_607 = arith.constant 1 : i32
      %get3A_608 = arith.index_cast %get3A_607 : i32 to index
      %get3A_609 = arith.constant 112 : index
      %get3A_610 = tpu.vector_load %arg12[%get3A_608, %get3A_609] {strides = array<i32>} : memref<2x128xi32, #tpu.memory_space<vmem>>, vector<16xi32>,
      %mul3A_611 = arith.constant 10000 : i32
      %mul3A_612 = arith.muli %add3A_53, %mul3A_611 : i32
      %add3A_613 = vector.broadcast %mul3A_612 : i32 to vector<16xi32>
      %add3A_614 = arith.addi %get3A_606, %add3A_613 : vector<16xi32>
      %swap3A_615 = arith.constant 1 : i32
      %swap3A_616 = arith.index_cast %swap3A_615 : i32 to index
      %swap3A_617 = arith.constant 112 : index
      %swap3A_618 = tpu.vector_load %arg13[%swap3A_616, %swap3A_617] {strides = array<i32>} : memref<2x128xi32, #tpu.memory_space<vmem>>, vector<16xi32>,
      tpu.vector_store %arg13[%swap3A_616, %swap3A_617], %add3A_614 {strides = array<i32>} : memref<2x128xi32, #tpu.memory_space<vmem>>, vector<16xi32>,
      %gather3A_619 = tpu.vector_load_idx %arg14[%get3A_606] : memref<10000xf32, #tpu.memory_space<vmem>>[vector<16xi32>], vector<16xf32>,
      %gather3A_620 = tpu.vector_load_idx %arg15[%get3A_610] : memref<10000xf32, #tpu.memory_space<vmem>>[vector<16xi32>], vector<16xf32>,
      %add3A_621 = arith.addf %gather3A_619, %gather3A_620 : vector<16xf32>
      %ge3A_622 = arith.constant 0.000000e+00 : f32
      %ge3A_623 = vector.broadcast %ge3A_622 : f32 to vector<16xf32>
      %ge3A_624 = arith.cmpf oge, %add3A_621, %ge3A_623 : vector<16xf32>
      %mul3A_625 = arith.constant 2.000000e-01 : f32
      %mul3A_626 = vector.broadcast %mul3A_625 : f32 to vector<16xf32>
      %mul3A_627 = arith.mulf %mul3A_626, %add3A_621 : vector<16xf32>
      %select_n3A_628 = arith.select %ge3A_624, %add3A_621, %mul3A_627 : vector<16xi1>, vector<16xf32>
      %exp3A_629 = math.exp %select_n3A_628 : vector<16xf32>
      %swap3A_630 = arith.constant 1 : i32
      %swap3A_631 = arith.index_cast %swap3A_630 : i32 to index
      %swap3A_632 = arith.constant 112 : index
      %swap3A_633 = tpu.vector_load %arg16[%swap3A_631, %swap3A_632] {strides = array<i32>} : memref<2x128xf32, #tpu.memory_space<vmem>>, vector<16xf32>,
      tpu.vector_store %arg16[%swap3A_631, %swap3A_632], %exp3A_629 {strides = array<i32>} : memref<2x128xf32, #tpu.memory_space<vmem>>, vector<16xf32>,
      %swap3A_634 = arith.constant 112 : index
      %swap3A_635 = tpu.vector_load %arg17[%swap3A_634] {strides = array<i32>} : memref<128xf32, #tpu.memory_space<vmem>>, vector<16xf32>,
      tpu.vector_store %arg17[%swap3A_634], %exp3A_629 {strides = array<i32>} : memref<128xf32, #tpu.memory_space<vmem>>, vector<16xf32>,
      %dma_start3A_636 = arith.constant 1 : i32
      %dma_start3A_637 = arith.constant 0 : i32
      %dma_start3A_638 = tpu.memref_slice %arg13[%dma_start3A_636, %dma_start3A_637] : memref<2x128xi32, #tpu.memory_space<vmem>> -> memref<1x128xi32, #tpu.memory_space<vmem>>
      %dma_start3A_639 = tpu.memref_squeeze %dma_start3A_638 : memref<1x128xi32, #tpu.memory_space<vmem>> -> memref<128xi32, #tpu.memory_space<vmem>>
      %dma_start3A_640 = arith.constant 0 : i32
      %dma_start3A_641 = arith.constant 0 : i32
      %dma_start3A_642 = tpu.memref_slice %arg2[%dma_start3A_640, %dma_start3A_641] : memref<40000x128xf32, #tpu.memory_space<hbm>> -> memref<40000x128xf32, #tpu.memory_space<hbm>>
      tpu.enqueue_indirect_dma source(%dma_start3A_642 : memref<40000x128xf32, #tpu.memory_space<hbm>>) target(%arg18 : memref<128x128xf32, #tpu.memory_space<vmem>>) offsets(%dma_start3A_639 : memref<128xi32, #tpu.memory_space<vmem>>) semaphore(%arg21 : memref<!tpu.dma_semaphore, #tpu.memory_space<semaphore_mem>>)
      %dma_wait3A_643 = arith.constant 1 : i32
      %dma_wait3A_644 = arith.constant 0 : i32
      %dma_wait3A_645 = tpu.memref_slice %arg13[%dma_wait3A_643, %dma_wait3A_644] : memref<2x128xi32, #tpu.memory_space<vmem>> -> memref<1x128xi32, #tpu.memory_space<vmem>>
      %dma_wait3A_646 = tpu.memref_squeeze %dma_wait3A_645 : memref<1x128xi32, #tpu.memory_space<vmem>> -> memref<128xi32, #tpu.memory_space<vmem>>
      %dma_wait3A_647 = arith.constant 0 : i32
      %dma_wait3A_648 = arith.constant 0 : i32
      %dma_wait3A_649 = tpu.memref_slice %arg2[%dma_wait3A_647, %dma_wait3A_648] : memref<40000x128xf32, #tpu.memory_space<hbm>> -> memref<40000x128xf32, #tpu.memory_space<hbm>>
      tpu.wait_indirect_dma semaphore(%arg21 : memref<!tpu.dma_semaphore, #tpu.memory_space<semaphore_mem>>) src(%dma_wait3A_649 : memref<40000x128xf32, #tpu.memory_space<hbm>>) dst(%arg18 : memref<128x128xf32, #tpu.memory_space<vmem>>)
      %parallel_loop3A_650 = arith.constant 0 : i32
      %parallel_loop3A_651 = arith.constant 128 : i32
      %parallel_loop3A_652 = arith.constant 1 : i32
      scf.for %parallel_loop3A_654 = %parallel_loop3A_650 to %parallel_loop3A_651 step %parallel_loop3A_652  : i32 {
        %parallel_loop3A_655 = vector.broadcast %parallel_loop3A_654 : i32 to vector<16xi32>
        %parallel_loop3A_656 = tpu.vector_load_idx %arg17[%parallel_loop3A_655] : memref<128xf32, #tpu.memory_space<vmem>>[vector<16xi32>], vector<16xf32>,
        %parallel_loop3A_657 = arith.index_cast %parallel_loop3A_654 : i32 to index
        %parallel_loop3A_658 = arith.constant 0 : index
        %parallel_loop3A_659 = tpu.vector_load %arg18[%parallel_loop3A_657, %parallel_loop3A_658] {strides = array<i32>} : memref<128x128xf32, #tpu.memory_space<vmem>>, vector<16xf32>,
        %parallel_loop3A_660 = arith.mulf %parallel_loop3A_659, %parallel_loop3A_656 : vector<16xf32>
        %parallel_loop3A_661 = arith.index_cast %parallel_loop3A_654 : i32 to index
        %parallel_loop3A_662 = arith.constant 0 : index
        %parallel_loop3A_663 = tpu.vector_load %arg18[%parallel_loop3A_661, %parallel_loop3A_662] {strides = array<i32>} : memref<128x128xf32, #tpu.memory_space<vmem>>, vector<16xf32>,
        tpu.vector_store %arg18[%parallel_loop3A_661, %parallel_loop3A_662], %parallel_loop3A_660 {strides = array<i32>} : memref<128x128xf32, #tpu.memory_space<vmem>>, vector<16xf32>,
        %parallel_loop3A_664 = arith.index_cast %parallel_loop3A_654 : i32 to index
        %parallel_loop3A_665 = arith.constant 16 : index
        %parallel_loop3A_666 = tpu.vector_load %arg18[%parallel_loop3A_664, %parallel_loop3A_665] {strides = array<i32>} : memref<128x128xf32, #tpu.memory_space<vmem>>, vector<16xf32>,
        %parallel_loop3A_667 = arith.mulf %parallel_loop3A_666, %parallel_loop3A_656 : vector<16xf32>
        %parallel_loop3A_668 = arith.index_cast %parallel_loop3A_654 : i32 to index
        %parallel_loop3A_669 = arith.constant 16 : index
        %parallel_loop3A_670 = tpu.vector_load %arg18[%parallel_loop3A_668, %parallel_loop3A_669] {strides = array<i32>} : memref<128x128xf32, #tpu.memory_space<vmem>>, vector<16xf32>,
        tpu.vector_store %arg18[%parallel_loop3A_668, %parallel_loop3A_669], %parallel_loop3A_667 {strides = array<i32>} : memref<128x128xf32, #tpu.memory_space<vmem>>, vector<16xf32>,
        %parallel_loop3A_671 = arith.index_cast %parallel_loop3A_654 : i32 to index
        %parallel_loop3A_672 = arith.constant 32 : index
        %parallel_loop3A_673 = tpu.vector_load %arg18[%parallel_loop3A_671, %parallel_loop3A_672] {strides = array<i32>} : memref<128x128xf32, #tpu.memory_space<vmem>>, vector<16xf32>,
        %parallel_loop3A_674 = arith.mulf %parallel_loop3A_673, %parallel_loop3A_656 : vector<16xf32>
        %parallel_loop3A_675 = arith.index_cast %parallel_loop3A_654 : i32 to index
        %parallel_loop3A_676 = arith.constant 32 : index
        %parallel_loop3A_677 = tpu.vector_load %arg18[%parallel_loop3A_675, %parallel_loop3A_676] {strides = array<i32>} : memref<128x128xf32, #tpu.memory_space<vmem>>, vector<16xf32>,
        tpu.vector_store %arg18[%parallel_loop3A_675, %parallel_loop3A_676], %parallel_loop3A_674 {strides = array<i32>} : memref<128x128xf32, #tpu.memory_space<vmem>>, vector<16xf32>,
        %parallel_loop3A_678 = arith.index_cast %parallel_loop3A_654 : i32 to index
        %parallel_loop3A_679 = arith.constant 48 : index
        %parallel_loop3A_680 = tpu.vector_load %arg18[%parallel_loop3A_678, %parallel_loop3A_679] {strides = array<i32>} : memref<128x128xf32, #tpu.memory_space<vmem>>, vector<16xf32>,
        %parallel_loop3A_681 = arith.mulf %parallel_loop3A_680, %parallel_loop3A_656 : vector<16xf32>
        %parallel_loop3A_682 = arith.index_cast %parallel_loop3A_654 : i32 to index
        %parallel_loop3A_683 = arith.constant 48 : index
        %parallel_loop3A_684 = tpu.vector_load %arg18[%parallel_loop3A_682, %parallel_loop3A_683] {strides = array<i32>} : memref<128x128xf32, #tpu.memory_space<vmem>>, vector<16xf32>,
        tpu.vector_store %arg18[%parallel_loop3A_682, %parallel_loop3A_683], %parallel_loop3A_681 {strides = array<i32>} : memref<128x128xf32, #tpu.memory_space<vmem>>, vector<16xf32>,
        %parallel_loop3A_685 = arith.index_cast %parallel_loop3A_654 : i32 to index
        %parallel_loop3A_686 = arith.constant 64 : index
        %parallel_loop3A_687 = tpu.vector_load %arg18[%parallel_loop3A_685, %parallel_loop3A_686] {strides = array<i32>} : memref<128x128xf32, #tpu.memory_space<vmem>>, vector<16xf32>,
        %parallel_loop3A_688 = arith.mulf %parallel_loop3A_687, %parallel_loop3A_656 : vector<16xf32>
        %parallel_loop3A_689 = arith.index_cast %parallel_loop3A_654 : i32 to index
        %parallel_loop3A_690 = arith.constant 64 : index
        %parallel_loop3A_691 = tpu.vector_load %arg18[%parallel_loop3A_689, %parallel_loop3A_690] {strides = array<i32>} : memref<128x128xf32, #tpu.memory_space<vmem>>, vector<16xf32>,
        tpu.vector_store %arg18[%parallel_loop3A_689, %parallel_loop3A_690], %parallel_loop3A_688 {strides = array<i32>} : memref<128x128xf32, #tpu.memory_space<vmem>>, vector<16xf32>,
        %parallel_loop3A_692 = arith.index_cast %parallel_loop3A_654 : i32 to index
        %parallel_loop3A_693 = arith.constant 80 : index
        %parallel_loop3A_694 = tpu.vector_load %arg18[%parallel_loop3A_692, %parallel_loop3A_693] {strides = array<i32>} : memref<128x128xf32, #tpu.memory_space<vmem>>, vector<16xf32>,
        %parallel_loop3A_695 = arith.mulf %parallel_loop3A_694, %parallel_loop3A_656 : vector<16xf32>
        %parallel_loop3A_696 = arith.index_cast %parallel_loop3A_654 : i32 to index
        %parallel_loop3A_697 = arith.constant 80 : index
        %parallel_loop3A_698 = tpu.vector_load %arg18[%parallel_loop3A_696, %parallel_loop3A_697] {strides = array<i32>} : memref<128x128xf32, #tpu.memory_space<vmem>>, vector<16xf32>,
        tpu.vector_store %arg18[%parallel_loop3A_696, %parallel_loop3A_697], %parallel_loop3A_695 {strides = array<i32>} : memref<128x128xf32, #tpu.memory_space<vmem>>, vector<16xf32>,
        %parallel_loop3A_699 = arith.index_cast %parallel_loop3A_654 : i32 to index
        %parallel_loop3A_700 = arith.constant 96 : index
        %parallel_loop3A_701 = tpu.vector_load %arg18[%parallel_loop3A_699, %parallel_loop3A_700] {strides = array<i32>} : memref<128x128xf32, #tpu.memory_space<vmem>>, vector<16xf32>,
        %parallel_loop3A_702 = arith.mulf %parallel_loop3A_701, %parallel_loop3A_656 : vector<16xf32>
        %parallel_loop3A_703 = arith.index_cast %parallel_loop3A_654 : i32 to index
        %parallel_loop3A_704 = arith.constant 96 : index
        %parallel_loop3A_705 = tpu.vector_load %arg18[%parallel_loop3A_703, %parallel_loop3A_704] {strides = array<i32>} : memref<128x128xf32, #tpu.memory_space<vmem>>, vector<16xf32>,
        tpu.vector_store %arg18[%parallel_loop3A_703, %parallel_loop3A_704], %parallel_loop3A_702 {strides = array<i32>} : memref<128x128xf32, #tpu.memory_space<vmem>>, vector<16xf32>,
        %parallel_loop3A_706 = arith.index_cast %parallel_loop3A_654 : i32 to index
        %parallel_loop3A_707 = arith.constant 112 : index
        %parallel_loop3A_708 = tpu.vector_load %arg18[%parallel_loop3A_706, %parallel_loop3A_707] {strides = array<i32>} : memref<128x128xf32, #tpu.memory_space<vmem>>, vector<16xf32>,
        %parallel_loop3A_709 = arith.mulf %parallel_loop3A_708, %parallel_loop3A_656 : vector<16xf32>
        %parallel_loop3A_710 = arith.index_cast %parallel_loop3A_654 : i32 to index
        %parallel_loop3A_711 = arith.constant 112 : index
        %parallel_loop3A_712 = tpu.vector_load %arg18[%parallel_loop3A_710, %parallel_loop3A_711] {strides = array<i32>} : memref<128x128xf32, #tpu.memory_space<vmem>>, vector<16xf32>,
        tpu.vector_store %arg18[%parallel_loop3A_710, %parallel_loop3A_711], %parallel_loop3A_709 {strides = array<i32>} : memref<128x128xf32, #tpu.memory_space<vmem>>, vector<16xf32>,
      } {sc.loop_unroll_factor = 4 : i64, sc.parallel_access}
      %run_scoped3A_653 = arith.constant 1 : i32
      "tpu.region"() ({
        %run_scoped3A_654 = tpu.sem_alloc : memref<!tpu.dma_semaphore, #tpu.memory_space<semaphore_mem>>
        %dma_start3A_655 = arith.constant 0 : i32
        %dma_start3A_656 = tpu.memref_slice %arg12[%run_scoped3A_653, %dma_start3A_655] : memref<2x128xi32, #tpu.memory_space<vmem>> -> memref<1x128xi32, #tpu.memory_space<vmem>>
        %dma_start3A_657 = tpu.memref_squeeze %dma_start3A_656 : memref<1x128xi32, #tpu.memory_space<vmem>> -> memref<128xi32, #tpu.memory_space<vmem>>
        %dma_start3A_658 = arith.constant 0 : i32
        %dma_start3A_659 = arith.constant 0 : i32
        %dma_start3A_660 = tpu.memref_slice %arg19[%dma_start3A_658, %dma_start3A_659] : memref<10000x128xf32, #tpu.memory_space<vmem_shared>> -> memref<10000x128xf32, #tpu.memory_space<vmem_shared>>
        tpu.enqueue_indirect_dma source(%arg18 : memref<128x128xf32, #tpu.memory_space<vmem>>) target(%dma_start3A_660 : memref<10000x128xf32, #tpu.memory_space<vmem_shared>>) offsets(%dma_start3A_657 : memref<128xi32, #tpu.memory_space<vmem>>) semaphore(%run_scoped3A_654 : memref<!tpu.dma_semaphore, #tpu.memory_space<semaphore_mem>>) {add = true}
        %dma_wait3A_661 = arith.constant 0 : i32
        %dma_wait3A_662 = tpu.memref_slice %arg12[%run_scoped3A_653, %dma_wait3A_661] : memref<2x128xi32, #tpu.memory_space<vmem>> -> memref<1x128xi32, #tpu.memory_space<vmem>>
        %dma_wait3A_663 = tpu.memref_squeeze %dma_wait3A_662 : memref<1x128xi32, #tpu.memory_space<vmem>> -> memref<128xi32, #tpu.memory_space<vmem>>
        %dma_wait3A_664 = arith.constant 0 : i32
        %dma_wait3A_665 = arith.constant 0 : i32
        %dma_wait3A_666 = tpu.memref_slice %arg19[%dma_wait3A_664, %dma_wait3A_665] : memref<10000x128xf32, #tpu.memory_space<vmem_shared>> -> memref<10000x128xf32, #tpu.memory_space<vmem_shared>>
        tpu.wait_indirect_dma semaphore(%run_scoped3A_654 : memref<!tpu.dma_semaphore, #tpu.memory_space<semaphore_mem>>) src(%arg18 : memref<128x128xf32, #tpu.memory_space<vmem>>) dst(%dma_wait3A_666 : memref<10000x128xf32, #tpu.memory_space<vmem_shared>>)
        tpu.yield
      }) : () -> ()
    }
    %barrier3A_84 = arith.constant 0 : index
    tpu.barrier barrier_id(%barrier3A_84)
    %lt3A_85 = arith.constant 15 : i32
    %lt3A_86 = arith.cmpi slt, %arg1, %lt3A_85 : i32
    %convert_element_type3A_87 = arith.extui %lt3A_86 : i1 to i32
    %cond3A_88 = arith.constant 0 : i32
    %cond3A_89 = arith.cmpi ne, %convert_element_type3A_87, %cond3A_88 : i32
    scf.if %cond3A_89 {
      "tpu.region"() ({
        %run_scoped3A = tpu.sem_alloc : memref<!tpu.dma_semaphore, #tpu.memory_space<semaphore_mem>>
        %dma_start3A = arith.constant 0 : i32
        %dma_start3A_95 = tpu.memref_slice %arg9[%multiple_of3A_62, %dma_start3A] : memref<40000x128xf32, #tpu.memory_space<hbm>> -> memref<624x128xf32, #tpu.memory_space<hbm>>
        %dma_start3A_96 = arith.constant 0 : i32
        %dma_start3A_97 = tpu.memref_slice %arg19[%multiple_of3A_56, %dma_start3A_96] : memref<10000x128xf32, #tpu.memory_space<vmem_shared>> -> memref<624x128xf32, #tpu.memory_space<vmem_shared>>
        tpu.enqueue_dma source(%dma_start3A_97 : memref<624x128xf32, #tpu.memory_space<vmem_shared>>) target(%dma_start3A_95 : memref<624x128xf32, #tpu.memory_space<hbm>>) target_semaphore(%run_scoped3A : memref<!tpu.dma_semaphore, #tpu.memory_space<semaphore_mem>>)
        %dma_wait3A = arith.constant 0 : i32
        %dma_wait3A_98 = tpu.memref_slice %arg9[%multiple_of3A_62, %dma_wait3A] : memref<40000x128xf32, #tpu.memory_space<hbm>> -> memref<624x128xf32, #tpu.memory_space<hbm>>
        %dma_wait3A_99 = arith.constant 0 : i32
        %dma_wait3A_100 = tpu.memref_slice %arg19[%multiple_of3A_56, %dma_wait3A_99] : memref<10000x128xf32, #tpu.memory_space<vmem_shared>> -> memref<624x128xf32, #tpu.memory_space<vmem_shared>>
        tpu.wait_dma2 semaphore(%run_scoped3A : memref<!tpu.dma_semaphore, #tpu.memory_space<semaphore_mem>>) src(%dma_wait3A_100 : memref<624x128xf32, #tpu.memory_space<vmem_shared>>) dst(%dma_wait3A_98 : memref<624x128xf32, #tpu.memory_space<hbm>>)
        tpu.yield
      }) : () -> ()
    } else {
    }
    %eq3A_90 = arith.constant 15 : i32
    %eq3A_91 = arith.cmpi eq, %arg1, %eq3A_90 : i32
    %convert_element_type3A_92 = arith.extui %eq3A_91 : i1 to i32
    %cond3A_93 = arith.constant 0 : i32
    %cond3A_94 = arith.cmpi ne, %convert_element_type3A_92, %cond3A_93 : i32
    scf.if %cond3A_94 {
      %mul3A_95 = arith.constant 10000 : i32
      %mul3A_96 = arith.muli %add3A_53, %mul3A_95 : i32
      %add3A_97 = arith.constant 9360 : i32
      %add3A_98 = arith.addi %mul3A_96, %add3A_97 : i32
      "tpu.region"() ({
        %run_scoped3A = tpu.sem_alloc : memref<!tpu.dma_semaphore, #tpu.memory_space<semaphore_mem>>
        %dma_start3A = arith.constant 0 : i32
        %dma_start3A_99 = tpu.memref_slice %arg9[%add3A_98, %dma_start3A] : memref<40000x128xf32, #tpu.memory_space<hbm>> -> memref<640x128xf32, #tpu.memory_space<hbm>>
        %dma_start3A_100 = arith.constant 9360 : i32
        %dma_start3A_101 = arith.constant 0 : i32
        %dma_start3A_102 = tpu.memref_slice %arg19[%dma_start3A_100, %dma_start3A_101] : memref<10000x128xf32, #tpu.memory_space<vmem_shared>> -> memref<640x128xf32, #tpu.memory_space<vmem_shared>>
        tpu.enqueue_dma source(%dma_start3A_102 : memref<640x128xf32, #tpu.memory_space<vmem_shared>>) target(%dma_start3A_99 : memref<640x128xf32, #tpu.memory_space<hbm>>) target_semaphore(%run_scoped3A : memref<!tpu.dma_semaphore, #tpu.memory_space<semaphore_mem>>)
        %dma_wait3A = arith.constant 0 : i32
        %dma_wait3A_103 = tpu.memref_slice %arg9[%add3A_98, %dma_wait3A] : memref<40000x128xf32, #tpu.memory_space<hbm>> -> memref<640x128xf32, #tpu.memory_space<hbm>>
        %dma_wait3A_104 = arith.constant 9360 : i32
        %dma_wait3A_105 = arith.constant 0 : i32
        %dma_wait3A_106 = tpu.memref_slice %arg19[%dma_wait3A_104, %dma_wait3A_105] : memref<10000x128xf32, #tpu.memory_space<vmem_shared>> -> memref<640x128xf32, #tpu.memory_space<vmem_shared>>
        tpu.wait_dma2 semaphore(%run_scoped3A : memref<!tpu.dma_semaphore, #tpu.memory_space<semaphore_mem>>) src(%dma_wait3A_106 : memref<640x128xf32, #tpu.memory_space<vmem_shared>>) dst(%dma_wait3A_103 : memref<640x128xf32, #tpu.memory_space<hbm>>)
        tpu.yield
      }) : () -> ()
    } else {
    }
    return
  }
}

module attributes {stable_mosaic.version = 14 : i64} {
  func.func @_stage_a_body(%arg0: i32, %arg1: i32, %arg2: memref<1000x128xf32, #tpu.memory_space<vmem>>, %arg3: memref<128x512xf32, #tpu.memory_space<vmem>>, %arg4: memref<128x128xf32, #tpu.memory_space<vmem>>, %arg5: memref<512x1xf32, #tpu.memory_space<vmem>>, %arg6: memref<512x1xf32, #tpu.memory_space<vmem>>, %arg7: memref<1000x128xf32, #tpu.memory_space<vmem>>, %arg8: memref<1000x128xf32, #tpu.memory_space<vmem>>, %arg9: memref<1000x3xf32, #tpu.memory_space<vmem>>) attributes {dimension_semantics = [#tpu.dimension_semantics<arbitrary>, #tpu.dimension_semantics<arbitrary>], iteration_bounds = array<i64: 10, 4>, scalar_prefetch = 0 : i64, scratch_operands = 0 : i64, tpu.core_type = #tpu.core_type<tc>, window_params = [{transform_indices = @transform_0, window_bounds = array<i64: 1000, 128>}, {pipeline_mode = #tpu.pipeline_mode<synchronous>, transform_indices = @transform_1, window_bounds = array<i64: 128, 512>}, {transform_indices = @transform_2, window_bounds = array<i64: 128, 128>}, {pipeline_mode = #tpu.pipeline_mode<synchronous>, transform_indices = @transform_3, window_bounds = array<i64: 512, 1>}, {pipeline_mode = #tpu.pipeline_mode<synchronous>, transform_indices = @transform_4, window_bounds = array<i64: 512, 1>}, {transform_indices = @transform_5, window_bounds = array<i64: 1000, 128>}, {transform_indices = @transform_6, window_bounds = array<i64: 1000, 128>}, {transform_indices = @transform_7, window_bounds = array<i64: 1000, 3>}]} {
    %get3A = arith.constant 0 : index
    %get3A_0 = arith.constant 0 : index
    %get3A_1 = vector.load %arg2[%get3A, %get3A_0] : memref<1000x128xf32, #tpu.memory_space<vmem>>, vector<1000x128xf32>
    %get3A_2 = arith.constant 0 : index
    %get3A_3 = arith.constant 0 : index
    %get3A_4 = vector.load %arg3[%get3A_2, %get3A_3] : memref<128x512xf32, #tpu.memory_space<vmem>>, vector<128x512xf32>
    %dot_general3A = arith.constant dense<0.000000e+00> : vector<1000x512xf32>
    %dot_general3A_5 = tpu.matmul %get3A_1, %get3A_4, %dot_general3A {dimension_numbers = #tpu.dot_dimension_numbers<[1], [0], [0], [1], [0, 0, 1, 1], [], []>, transpose_lhs_hint = false} : vector<1000x128xf32>, vector<128x512xf32>, vector<1000x512xf32> -> vector<1000x512xf32>
    %get3A_6 = arith.constant 0 : index
    %get3A_7 = arith.constant 0 : index
    %get3A_8 = vector.load %arg5[%get3A_6, %get3A_7] : memref<512x1xf32, #tpu.memory_space<vmem>>, vector<512x1xf32>
    %dot_general3A_9 = arith.constant dense<0.000000e+00> : vector<1000x1xf32>
    %dot_general3A_10 = tpu.matmul %dot_general3A_5, %get3A_8, %dot_general3A_9 {dimension_numbers = #tpu.dot_dimension_numbers<[1], [0], [0], [1], [0, 0, 1, 1], [], []>, transpose_lhs_hint = false} : vector<1000x512xf32>, vector<512x1xf32>, vector<1000x1xf32> -> vector<1000x1xf32>
    %get3A_11 = arith.constant 0 : index
    %get3A_12 = arith.constant 0 : index
    %get3A_13 = vector.load %arg6[%get3A_11, %get3A_12] : memref<512x1xf32, #tpu.memory_space<vmem>>, vector<512x1xf32>
    %dot_general3A_14 = arith.constant dense<0.000000e+00> : vector<1000x1xf32>
    %dot_general3A_15 = tpu.matmul %dot_general3A_5, %get3A_13, %dot_general3A_14 {dimension_numbers = #tpu.dot_dimension_numbers<[1], [0], [0], [1], [0, 0, 1, 1], [], []>, transpose_lhs_hint = false} : vector<1000x512xf32>, vector<512x1xf32>, vector<1000x1xf32> -> vector<1000x1xf32>
    %add3A = arith.addf %dot_general3A_10, %dot_general3A_15 : vector<1000x1xf32>
    %ge3A = arith.constant 0.000000e+00 : f32
    %ge3A_16 = vector.broadcast %ge3A : f32 to vector<1000x1xf32>
    %ge3A_17 = arith.cmpf oge, %add3A, %ge3A_16 : vector<1000x1xf32>
    %mul3A = arith.constant 2.000000e-01 : f32
    %mul3A_18 = vector.broadcast %mul3A : f32 to vector<1000x1xf32>
    %mul3A_19 = arith.mulf %mul3A_18, %add3A : vector<1000x1xf32>
    %select_n3A = arith.select %ge3A_17, %add3A, %mul3A_19 : vector<1000x1xi1>, vector<1000x1xf32>
    %exp3A = math.exp %select_n3A : vector<1000x1xf32>
    %get3A_20 = arith.constant 0 : index
    %get3A_21 = arith.constant 0 : index
    %get3A_22 = vector.load %arg2[%get3A_20, %get3A_21] : memref<1000x128xf32, #tpu.memory_space<vmem>>, vector<1000x128xf32>
    %get3A_23 = arith.constant 0 : index
    %get3A_24 = arith.constant 0 : index
    %get3A_25 = vector.load %arg4[%get3A_23, %get3A_24] : memref<128x128xf32, #tpu.memory_space<vmem>>, vector<128x128xf32>
    %dot_general3A_26 = arith.constant dense<0.000000e+00> : vector<1000x128xf32>
    %dot_general3A_27 = tpu.matmul %get3A_22, %get3A_25, %dot_general3A_26 {dimension_numbers = #tpu.dot_dimension_numbers<[1], [0], [0], [1], [0, 0, 1, 1], [], []>, transpose_lhs_hint = false} : vector<1000x128xf32>, vector<128x128xf32>, vector<1000x128xf32> -> vector<1000x128xf32>
    %swap3A = arith.constant 0 : index
    %swap3A_28 = arith.constant 0 : index
    %swap3A_29 = vector.load %arg7[%swap3A, %swap3A_28] : memref<1000x128xf32, #tpu.memory_space<vmem>>, vector<1000x128xf32>
    tpu.vector_store %arg7[%swap3A, %swap3A_28], %dot_general3A_27 {strides = array<i32>} : memref<1000x128xf32, #tpu.memory_space<vmem>>, vector<1000x128xf32>,
    %mul3A_30 = vector.broadcast %exp3A : vector<1000x1xf32> to vector<1000x128xf32>
    %mul3A_31 = arith.mulf %mul3A_30, %dot_general3A_27 : vector<1000x128xf32>
    %swap3A_32 = arith.constant 0 : index
    %swap3A_33 = arith.constant 0 : index
    %swap3A_34 = vector.load %arg8[%swap3A_32, %swap3A_33] : memref<1000x128xf32, #tpu.memory_space<vmem>>, vector<1000x128xf32>
    tpu.vector_store %arg8[%swap3A_32, %swap3A_33], %mul3A_31 {strides = array<i32>} : memref<1000x128xf32, #tpu.memory_space<vmem>>, vector<1000x128xf32>,
    %concatenate3A = tpu.concatenate %dot_general3A_10, %dot_general3A_15, %exp3A in 1 : vector<1000x1xf32>, vector<1000x1xf32>, vector<1000x1xf32> -> vector<1000x3xf32>
    %swap3A_35 = arith.constant 0 : index
    %swap3A_36 = arith.constant 0 : index
    %swap3A_37 = vector.load %arg9[%swap3A_35, %swap3A_36] : memref<1000x3xf32, #tpu.memory_space<vmem>>, vector<1000x3xf32>
    tpu.vector_store %arg9[%swap3A_35, %swap3A_36], %concatenate3A {strides = array<i32>} : memref<1000x3xf32, #tpu.memory_space<vmem>>, vector<1000x3xf32>,
    return
  }
  func.func @transform_0(%arg0: i32, %arg1: i32) -> (i32, i32) {
    %c0_i32 = arith.constant 0 : i32
    %c0_i32_0 = arith.constant 0 : i32
    return %arg0, %c0_i32 : i32, i32
  }
  func.func @transform_1(%arg0: i32, %arg1: i32) -> (i32, i32) {
    %c0_i32 = arith.constant 0 : i32
    %c0_i32_0 = arith.constant 0 : i32
    %c0_i32_1 = arith.constant 0 : i32
    return %c0_i32, %c0_i32_0 : i32, i32
  }
  func.func @transform_2(%arg0: i32, %arg1: i32) -> (i32, i32) {
    %c0_i32 = arith.constant 0 : i32
    %c0_i32_0 = arith.constant 0 : i32
    return %c0_i32, %arg1 : i32, i32
  }
  func.func @transform_3(%arg0: i32, %arg1: i32) -> (i32, i32) {
    %c0_i32 = arith.constant 0 : i32
    %c0_i32_0 = arith.constant 0 : i32
    %c0_i32_1 = arith.constant 0 : i32
    return %c0_i32, %c0_i32_0 : i32, i32
  }
  func.func @transform_4(%arg0: i32, %arg1: i32) -> (i32, i32) {
    %c0_i32 = arith.constant 0 : i32
    %c0_i32_0 = arith.constant 0 : i32
    %c0_i32_1 = arith.constant 0 : i32
    return %c0_i32, %c0_i32_0 : i32, i32
  }
  func.func @transform_5(%arg0: i32, %arg1: i32) -> (i32, i32) {
    %mul3A = arith.constant 10 : i32
    %mul3A_0 = arith.muli %arg1, %mul3A : i32
    %add3A = arith.addi %mul3A_0, %arg0 : i32
    %c0_i32 = arith.constant 0 : i32
    %c0_i32_1 = arith.constant 0 : i32
    return %add3A, %c0_i32 : i32, i32
  }
  func.func @transform_6(%arg0: i32, %arg1: i32) -> (i32, i32) {
    %mul3A = arith.constant 10 : i32
    %mul3A_0 = arith.muli %arg1, %mul3A : i32
    %add3A = arith.addi %mul3A_0, %arg0 : i32
    %c0_i32 = arith.constant 0 : i32
    %c0_i32_1 = arith.constant 0 : i32
    return %add3A, %c0_i32 : i32, i32
  }
  func.func @transform_7(%arg0: i32, %arg1: i32) -> (i32, i32) {
    %c0_i32 = arith.constant 0 : i32
    %c0_i32_0 = arith.constant 0 : i32
    return %arg0, %c0_i32 : i32, i32
  }
}

module attributes {stable_mosaic.version = 14 : i64} {
  func.func @_stage_c_body(%arg0: i32, %arg1: memref<1000x128xf32, #tpu.memory_space<vmem>>, %arg2: memref<1000x128xf32, #tpu.memory_space<vmem>>, %arg3: memref<1000x128xf32, #tpu.memory_space<vmem>>, %arg4: memref<1000x128xf32, #tpu.memory_space<vmem>>, %arg5: memref<1000x1xf32, #tpu.memory_space<vmem>>, %arg6: memref<1000x128xf32, #tpu.memory_space<vmem>>, %arg7: memref<1x512xf32, #tpu.memory_space<vmem>>, %arg8: memref<512x512xf32, #tpu.memory_space<vmem>>, %arg9: memref<1x512xf32, #tpu.memory_space<vmem>>, %arg10: memref<512x64xf32, #tpu.memory_space<vmem>>, %arg11: memref<1x64xf32, #tpu.memory_space<vmem>>, %arg12: memref<64x512xf32, #tpu.memory_space<vmem>>, %arg13: memref<1x512xf32, #tpu.memory_space<vmem>>, %arg14: memref<512x512xf32, #tpu.memory_space<vmem>>, %arg15: memref<1x512xf32, #tpu.memory_space<vmem>>, %arg16: memref<512x128xf32, #tpu.memory_space<vmem>>, %arg17: memref<1x128xf32, #tpu.memory_space<vmem>>, %arg18: memref<1000x128xf32, #tpu.memory_space<vmem>>, %arg19: memref<1000x64xf32, #tpu.memory_space<vmem>>, %arg20: memref<1000x1xf32, #tpu.memory_space<vmem>>, %arg21: memref<1x1xf32, #tpu.memory_space<vmem>>) attributes {dimension_semantics = [#tpu.dimension_semantics<arbitrary>], iteration_bounds = array<i64: 10>, scalar_prefetch = 0 : i64, scratch_operands = 0 : i64, tpu.core_type = #tpu.core_type<tc>, window_params = [{transform_indices = @transform_0, window_bounds = array<i64: 1000, 128>}, {transform_indices = @transform_1, window_bounds = array<i64: 1000, 128>}, {transform_indices = @transform_2, window_bounds = array<i64: 1000, 128>}, {transform_indices = @transform_3, window_bounds = array<i64: 1000, 128>}, {transform_indices = @transform_4, window_bounds = array<i64: 1000, 1>}, {transform_indices = @transform_5, window_bounds = array<i64: 1000, 128>}, {pipeline_mode = #tpu.pipeline_mode<synchronous>, transform_indices = @transform_6, window_bounds = array<i64: 1, 512>}, {pipeline_mode = #tpu.pipeline_mode<synchronous>, transform_indices = @transform_7, window_bounds = array<i64: 512, 512>}, {pipeline_mode = #tpu.pipeline_mode<synchronous>, transform_indices = @transform_8, window_bounds = array<i64: 1, 512>}, {pipeline_mode = #tpu.pipeline_mode<synchronous>, transform_indices = @transform_9, window_bounds = array<i64: 512, 64>}, {pipeline_mode = #tpu.pipeline_mode<synchronous>, transform_indices = @transform_10, window_bounds = array<i64: 1, 64>}, {pipeline_mode = #tpu.pipeline_mode<synchronous>, transform_indices = @transform_11, window_bounds = array<i64: 64, 512>}, {pipeline_mode = #tpu.pipeline_mode<synchronous>, transform_indices = @transform_12, window_bounds = array<i64: 1, 512>}, {pipeline_mode = #tpu.pipeline_mode<synchronous>, transform_indices = @transform_13, window_bounds = array<i64: 512, 512>}, {pipeline_mode = #tpu.pipeline_mode<synchronous>, transform_indices = @transform_14, window_bounds = array<i64: 1, 512>}, {pipeline_mode = #tpu.pipeline_mode<synchronous>, transform_indices = @transform_15, window_bounds = array<i64: 512, 128>}, {pipeline_mode = #tpu.pipeline_mode<synchronous>, transform_indices = @transform_16, window_bounds = array<i64: 1, 128>}, {transform_indices = @transform_17, window_bounds = array<i64: 1000, 128>}, {transform_indices = @transform_18, window_bounds = array<i64: 1000, 64>}, {transform_indices = @transform_19, window_bounds = array<i64: 1000, 1>}, {pipeline_mode = #tpu.pipeline_mode<synchronous>, transform_indices = @transform_20, window_bounds = array<i64: 1, 1>}]} {
    %get3A = arith.constant 0 : index
    %get3A_0 = arith.constant 0 : index
    %get3A_1 = vector.load %arg5[%get3A, %get3A_0] : memref<1000x1xf32, #tpu.memory_space<vmem>>, vector<1000x1xf32>
    %add3A = arith.constant 1.000000e-16 : f32
    %add3A_2 = vector.broadcast %add3A : f32 to vector<1000x1xf32>
    %add3A_3 = arith.addf %get3A_1, %add3A_2 : vector<1000x1xf32>
    %div3A = arith.constant 1.000000e+00 : f32
    %div3A_4 = vector.broadcast %div3A : f32 to vector<1000x1xf32>
    %div3A_5 = arith.divf %div3A_4, %add3A_3 : vector<1000x1xf32>
    %get3A_6 = arith.constant 0 : index
    %get3A_7 = arith.constant 0 : index
    %get3A_8 = vector.load %arg1[%get3A_6, %get3A_7] : memref<1000x128xf32, #tpu.memory_space<vmem>>, vector<1000x128xf32>
    %get3A_9 = arith.constant 0 : index
    %get3A_10 = arith.constant 0 : index
    %get3A_11 = vector.load %arg2[%get3A_9, %get3A_10] : memref<1000x128xf32, #tpu.memory_space<vmem>>, vector<1000x128xf32>
    %get3A_12 = arith.constant 0 : index
    %get3A_13 = arith.constant 0 : index
    %get3A_14 = vector.load %arg3[%get3A_12, %get3A_13] : memref<1000x128xf32, #tpu.memory_space<vmem>>, vector<1000x128xf32>
    %get3A_15 = arith.constant 0 : index
    %get3A_16 = arith.constant 0 : index
    %get3A_17 = vector.load %arg4[%get3A_15, %get3A_16] : memref<1000x128xf32, #tpu.memory_space<vmem>>, vector<1000x128xf32>
    %get3A_18 = arith.constant 0 : index
    %get3A_19 = arith.constant 0 : index
    %get3A_20 = vector.load %arg7[%get3A_18, %get3A_19] : memref<1x512xf32, #tpu.memory_space<vmem>>, vector<1x512xf32>
    %broadcast_in_dim3A = arith.constant 0.000000e+00 : f32
    %broadcast_in_dim3A_21 = vector.broadcast %broadcast_in_dim3A : f32 to vector<1000x512xf32>
    %mul3A = vector.broadcast %div3A_5 : vector<1000x1xf32> to vector<1000x128xf32>
    %mul3A_22 = arith.mulf %get3A_8, %mul3A : vector<1000x128xf32>
    %slice3A = vector.extract_strided_slice %get3A_20 {offsets = [0, 0], sizes = [1, 128], strides = [1, 1]} : vector<1x512xf32> to vector<1x128xf32>
    %add3A_23 = vector.broadcast %slice3A : vector<1x128xf32> to vector<1000x128xf32>
    %add3A_24 = arith.addf %mul3A_22, %add3A_23 : vector<1000x128xf32>
    %max3A = arith.constant 0.000000e+00 : f32
    %max3A_25 = vector.broadcast %max3A : f32 to vector<1000x128xf32>
    %max3A_26 = arith.maximumf %add3A_24, %max3A_25 : vector<1000x128xf32>
    %get3A_27 = arith.constant 0 : index
    %get3A_28 = arith.constant 0 : index
    %get3A_29 = vector.load %arg8[%get3A_27, %get3A_28] : memref<512x512xf32, #tpu.memory_space<vmem>>, vector<128x512xf32>
    %dot_general3A = arith.constant dense<0.000000e+00> : vector<1000x512xf32>
    %dot_general3A_30 = tpu.matmul %max3A_26, %get3A_29, %dot_general3A {dimension_numbers = #tpu.dot_dimension_numbers<[1], [0], [0], [1], [0, 0, 1, 1], [], []>, transpose_lhs_hint = false} : vector<1000x128xf32>, vector<128x512xf32>, vector<1000x512xf32> -> vector<1000x512xf32>
    %add3A_31 = arith.addf %broadcast_in_dim3A_21, %dot_general3A_30 : vector<1000x512xf32>
    %mul3A_32 = vector.broadcast %div3A_5 : vector<1000x1xf32> to vector<1000x128xf32>
    %mul3A_33 = arith.mulf %get3A_11, %mul3A_32 : vector<1000x128xf32>
    %slice3A_34 = vector.extract_strided_slice %get3A_20 {offsets = [0, 128], sizes = [1, 128], strides = [1, 1]} : vector<1x512xf32> to vector<1x128xf32>
    %add3A_35 = vector.broadcast %slice3A_34 : vector<1x128xf32> to vector<1000x128xf32>
    %add3A_36 = arith.addf %mul3A_33, %add3A_35 : vector<1000x128xf32>
    %max3A_37 = arith.constant 0.000000e+00 : f32
    %max3A_38 = vector.broadcast %max3A_37 : f32 to vector<1000x128xf32>
    %max3A_39 = arith.maximumf %add3A_36, %max3A_38 : vector<1000x128xf32>
    %get3A_40 = arith.constant 128 : index
    %get3A_41 = arith.constant 0 : index
    %get3A_42 = vector.load %arg8[%get3A_40, %get3A_41] : memref<512x512xf32, #tpu.memory_space<vmem>>, vector<128x512xf32>
    %dot_general3A_43 = arith.constant dense<0.000000e+00> : vector<1000x512xf32>
    %dot_general3A_44 = tpu.matmul %max3A_39, %get3A_42, %dot_general3A_43 {dimension_numbers = #tpu.dot_dimension_numbers<[1], [0], [0], [1], [0, 0, 1, 1], [], []>, transpose_lhs_hint = false} : vector<1000x128xf32>, vector<128x512xf32>, vector<1000x512xf32> -> vector<1000x512xf32>
    %add3A_45 = arith.addf %add3A_31, %dot_general3A_44 : vector<1000x512xf32>
    %mul3A_46 = vector.broadcast %div3A_5 : vector<1000x1xf32> to vector<1000x128xf32>
    %mul3A_47 = arith.mulf %get3A_14, %mul3A_46 : vector<1000x128xf32>
    %slice3A_48 = vector.extract_strided_slice %get3A_20 {offsets = [0, 256], sizes = [1, 128], strides = [1, 1]} : vector<1x512xf32> to vector<1x128xf32>
    %add3A_49 = vector.broadcast %slice3A_48 : vector<1x128xf32> to vector<1000x128xf32>
    %add3A_50 = arith.addf %mul3A_47, %add3A_49 : vector<1000x128xf32>
    %max3A_51 = arith.constant 0.000000e+00 : f32
    %max3A_52 = vector.broadcast %max3A_51 : f32 to vector<1000x128xf32>
    %max3A_53 = arith.maximumf %add3A_50, %max3A_52 : vector<1000x128xf32>
    %get3A_54 = arith.constant 256 : index
    %get3A_55 = arith.constant 0 : index
    %get3A_56 = vector.load %arg8[%get3A_54, %get3A_55] : memref<512x512xf32, #tpu.memory_space<vmem>>, vector<128x512xf32>
    %dot_general3A_57 = arith.constant dense<0.000000e+00> : vector<1000x512xf32>
    %dot_general3A_58 = tpu.matmul %max3A_53, %get3A_56, %dot_general3A_57 {dimension_numbers = #tpu.dot_dimension_numbers<[1], [0], [0], [1], [0, 0, 1, 1], [], []>, transpose_lhs_hint = false} : vector<1000x128xf32>, vector<128x512xf32>, vector<1000x512xf32> -> vector<1000x512xf32>
    %add3A_59 = arith.addf %add3A_45, %dot_general3A_58 : vector<1000x512xf32>
    %mul3A_60 = vector.broadcast %div3A_5 : vector<1000x1xf32> to vector<1000x128xf32>
    %mul3A_61 = arith.mulf %get3A_17, %mul3A_60 : vector<1000x128xf32>
    %slice3A_62 = vector.extract_strided_slice %get3A_20 {offsets = [0, 384], sizes = [1, 128], strides = [1, 1]} : vector<1x512xf32> to vector<1x128xf32>
    %add3A_63 = vector.broadcast %slice3A_62 : vector<1x128xf32> to vector<1000x128xf32>
    %add3A_64 = arith.addf %mul3A_61, %add3A_63 : vector<1000x128xf32>
    %max3A_65 = arith.constant 0.000000e+00 : f32
    %max3A_66 = vector.broadcast %max3A_65 : f32 to vector<1000x128xf32>
    %max3A_67 = arith.maximumf %add3A_64, %max3A_66 : vector<1000x128xf32>
    %get3A_68 = arith.constant 384 : index
    %get3A_69 = arith.constant 0 : index
    %get3A_70 = vector.load %arg8[%get3A_68, %get3A_69] : memref<512x512xf32, #tpu.memory_space<vmem>>, vector<128x512xf32>
    %dot_general3A_71 = arith.constant dense<0.000000e+00> : vector<1000x512xf32>
    %dot_general3A_72 = tpu.matmul %max3A_67, %get3A_70, %dot_general3A_71 {dimension_numbers = #tpu.dot_dimension_numbers<[1], [0], [0], [1], [0, 0, 1, 1], [], []>, transpose_lhs_hint = false} : vector<1000x128xf32>, vector<128x512xf32>, vector<1000x512xf32> -> vector<1000x512xf32>
    %add3A_73 = arith.addf %add3A_59, %dot_general3A_72 : vector<1000x512xf32>
    %get3A_74 = arith.constant 0 : index
    %get3A_75 = arith.constant 0 : index
    %get3A_76 = vector.load %arg9[%get3A_74, %get3A_75] : memref<1x512xf32, #tpu.memory_space<vmem>>, vector<1x512xf32>
    %add3A_77 = vector.broadcast %get3A_76 : vector<1x512xf32> to vector<1000x512xf32>
    %add3A_78 = arith.addf %add3A_73, %add3A_77 : vector<1000x512xf32>
    %max3A_79 = arith.constant 0.000000e+00 : f32
    %max3A_80 = vector.broadcast %max3A_79 : f32 to vector<1000x512xf32>
    %max3A_81 = arith.maximumf %add3A_78, %max3A_80 : vector<1000x512xf32>
    %get3A_82 = arith.constant 0 : index
    %get3A_83 = arith.constant 0 : index
    %get3A_84 = vector.load %arg10[%get3A_82, %get3A_83] : memref<512x64xf32, #tpu.memory_space<vmem>>, vector<512x64xf32>
    %dot_general3A_85 = arith.constant dense<0.000000e+00> : vector<1000x64xf32>
    %dot_general3A_86 = tpu.matmul %max3A_81, %get3A_84, %dot_general3A_85 {dimension_numbers = #tpu.dot_dimension_numbers<[1], [0], [0], [1], [0, 0, 1, 1], [], []>, transpose_lhs_hint = false} : vector<1000x512xf32>, vector<512x64xf32>, vector<1000x64xf32> -> vector<1000x64xf32>
    %get3A_87 = arith.constant 0 : index
    %get3A_88 = arith.constant 0 : index
    %get3A_89 = vector.load %arg11[%get3A_87, %get3A_88] : memref<1x64xf32, #tpu.memory_space<vmem>>, vector<1x64xf32>
    %add3A_90 = vector.broadcast %get3A_89 : vector<1x64xf32> to vector<1000x64xf32>
    %add3A_91 = arith.addf %dot_general3A_86, %add3A_90 : vector<1000x64xf32>
    %get3A_92 = arith.constant 0 : index
    %get3A_93 = arith.constant 0 : index
    %get3A_94 = vector.load %arg12[%get3A_92, %get3A_93] : memref<64x512xf32, #tpu.memory_space<vmem>>, vector<64x512xf32>
    %dot_general3A_95 = arith.constant dense<0.000000e+00> : vector<1000x512xf32>
    %dot_general3A_96 = tpu.matmul %add3A_91, %get3A_94, %dot_general3A_95 {dimension_numbers = #tpu.dot_dimension_numbers<[1], [0], [0], [1], [0, 0, 1, 1], [], []>, transpose_lhs_hint = false} : vector<1000x64xf32>, vector<64x512xf32>, vector<1000x512xf32> -> vector<1000x512xf32>
    %get3A_97 = arith.constant 0 : index
    %get3A_98 = arith.constant 0 : index
    %get3A_99 = vector.load %arg13[%get3A_97, %get3A_98] : memref<1x512xf32, #tpu.memory_space<vmem>>, vector<1x512xf32>
    %add3A_100 = vector.broadcast %get3A_99 : vector<1x512xf32> to vector<1000x512xf32>
    %add3A_101 = arith.addf %dot_general3A_96, %add3A_100 : vector<1000x512xf32>
    %max3A_102 = arith.constant 0.000000e+00 : f32
    %max3A_103 = vector.broadcast %max3A_102 : f32 to vector<1000x512xf32>
    %max3A_104 = arith.maximumf %add3A_101, %max3A_103 : vector<1000x512xf32>
    %get3A_105 = arith.constant 0 : index
    %get3A_106 = arith.constant 0 : index
    %get3A_107 = vector.load %arg14[%get3A_105, %get3A_106] : memref<512x512xf32, #tpu.memory_space<vmem>>, vector<512x512xf32>
    %dot_general3A_108 = arith.constant dense<0.000000e+00> : vector<1000x512xf32>
    %dot_general3A_109 = tpu.matmul %max3A_104, %get3A_107, %dot_general3A_108 {dimension_numbers = #tpu.dot_dimension_numbers<[1], [0], [0], [1], [0, 0, 1, 1], [], []>, transpose_lhs_hint = false} : vector<1000x512xf32>, vector<512x512xf32>, vector<1000x512xf32> -> vector<1000x512xf32>
    %get3A_110 = arith.constant 0 : index
    %get3A_111 = arith.constant 0 : index
    %get3A_112 = vector.load %arg15[%get3A_110, %get3A_111] : memref<1x512xf32, #tpu.memory_space<vmem>>, vector<1x512xf32>
    %add3A_113 = vector.broadcast %get3A_112 : vector<1x512xf32> to vector<1000x512xf32>
    %add3A_114 = arith.addf %dot_general3A_109, %add3A_113 : vector<1000x512xf32>
    %max3A_115 = arith.constant 0.000000e+00 : f32
    %max3A_116 = vector.broadcast %max3A_115 : f32 to vector<1000x512xf32>
    %max3A_117 = arith.maximumf %add3A_114, %max3A_116 : vector<1000x512xf32>
    %get3A_118 = arith.constant 0 : index
    %get3A_119 = arith.constant 0 : index
    %get3A_120 = vector.load %arg16[%get3A_118, %get3A_119] : memref<512x128xf32, #tpu.memory_space<vmem>>, vector<512x128xf32>
    %dot_general3A_121 = arith.constant dense<0.000000e+00> : vector<1000x128xf32>
    %dot_general3A_122 = tpu.matmul %max3A_117, %get3A_120, %dot_general3A_121 {dimension_numbers = #tpu.dot_dimension_numbers<[1], [0], [0], [1], [0, 0, 1, 1], [], []>, transpose_lhs_hint = false} : vector<1000x512xf32>, vector<512x128xf32>, vector<1000x128xf32> -> vector<1000x128xf32>
    %get3A_123 = arith.constant 0 : index
    %get3A_124 = arith.constant 0 : index
    %get3A_125 = vector.load %arg17[%get3A_123, %get3A_124] : memref<1x128xf32, #tpu.memory_space<vmem>>, vector<1x128xf32>
    %add3A_126 = vector.broadcast %get3A_125 : vector<1x128xf32> to vector<1000x128xf32>
    %add3A_127 = arith.addf %dot_general3A_122, %add3A_126 : vector<1000x128xf32>
    %swap3A = arith.constant 0 : index
    %swap3A_128 = arith.constant 0 : index
    %swap3A_129 = vector.load %arg18[%swap3A, %swap3A_128] : memref<1000x128xf32, #tpu.memory_space<vmem>>, vector<1000x128xf32>
    tpu.vector_store %arg18[%swap3A, %swap3A_128], %add3A_127 {strides = array<i32>} : memref<1000x128xf32, #tpu.memory_space<vmem>>, vector<1000x128xf32>,
    %swap3A_130 = arith.constant 0 : index
    %swap3A_131 = arith.constant 0 : index
    %swap3A_132 = vector.load %arg19[%swap3A_130, %swap3A_131] : memref<1000x64xf32, #tpu.memory_space<vmem>>, vector<1000x64xf32>
    tpu.vector_store %arg19[%swap3A_130, %swap3A_131], %add3A_91 {strides = array<i32>} : memref<1000x64xf32, #tpu.memory_space<vmem>>, vector<1000x64xf32>,
    %mul3A_133 = arith.mulf %add3A_91, %add3A_91 : vector<1000x64xf32>
    %reduce_sum3A = arith.constant dense<0.000000e+00> : vector<1000xf32>
    %reduce_sum3A_134 = vector.multi_reduction <add>, %mul3A_133, %reduce_sum3A [1] : vector<1000x64xf32> to vector<1000xf32>
    %broadcast_in_dim3A_135 = vector.shape_cast %reduce_sum3A_134 : vector<1000xf32> to vector<1000x1xf32>
    %swap3A_136 = arith.constant 0 : index
    %swap3A_137 = arith.constant 0 : index
    %swap3A_138 = vector.load %arg20[%swap3A_136, %swap3A_137] : memref<1000x1xf32, #tpu.memory_space<vmem>>, vector<1000x1xf32>
    tpu.vector_store %arg20[%swap3A_136, %swap3A_137], %broadcast_in_dim3A_135 {strides = array<i32>} : memref<1000x1xf32, #tpu.memory_space<vmem>>, vector<1000x1xf32>,
    %eq3A = arith.constant 0 : i32
    %eq3A_139 = arith.cmpi eq, %arg0, %eq3A : i32
    %convert_element_type3A = arith.extui %eq3A_139 : i1 to i32
    %cond3A = arith.constant 0 : i32
    %cond3A_140 = arith.cmpi ne, %convert_element_type3A, %cond3A : i32
    scf.if %cond3A_140 {
      %broadcast_in_dim3A_157 = arith.constant 0.000000e+00 : f32
      %broadcast_in_dim3A_158 = vector.broadcast %broadcast_in_dim3A_157 : f32 to vector<1x1xf32>
      %swap3A_159 = arith.constant 0 : index
      %swap3A_160 = arith.constant 0 : index
      %swap3A_161 = vector.load %arg21[%swap3A_159, %swap3A_160] : memref<1x1xf32, #tpu.memory_space<vmem>>, vector<1x1xf32>
      tpu.vector_store %arg21[%swap3A_159, %swap3A_160], %broadcast_in_dim3A_158 {strides = array<i32>} : memref<1x1xf32, #tpu.memory_space<vmem>>, vector<1x1xf32>,
    } else {
    }
    %get3A_141 = arith.constant 0 : index
    %get3A_142 = arith.constant 0 : index
    %get3A_143 = vector.load %arg6[%get3A_141, %get3A_142] : memref<1000x128xf32, #tpu.memory_space<vmem>>, vector<1000x128xf32>
    %sub3A = arith.subf %add3A_127, %get3A_143 : vector<1000x128xf32>
    %get3A_144 = arith.constant 0 : index
    %get3A_145 = arith.constant 0 : index
    %get3A_146 = vector.load %arg21[%get3A_144, %get3A_145] : memref<1x1xf32, #tpu.memory_space<vmem>>, vector<1x1xf32>
    %mul3A_147 = arith.mulf %sub3A, %sub3A : vector<1000x128xf32>
    %reduce_sum3A_148 = vector.shape_cast %mul3A_147 : vector<1000x128xf32> to vector<1x1000x128xf32>
    %reduce_sum3A_149 = arith.constant dense<0.000000e+00> : vector<1xf32>
    %reduce_sum3A_150 = vector.multi_reduction <add>, %reduce_sum3A_148, %reduce_sum3A_149 [1, 2] : vector<1x1000x128xf32> to vector<1xf32>
    %reduce_sum3A_151 = vector.shape_cast %reduce_sum3A_150 : vector<1xf32> to vector<1x1x1xf32>
    %reduce_sum3A_152 = vector.extract %reduce_sum3A_151[0, 0, 0] : f32 from vector<1x1x1xf32>
    %reshape3A = vector.broadcast %reduce_sum3A_152 : f32 to vector<1x1xf32>
    %add3A_153 = arith.addf %get3A_146, %reshape3A : vector<1x1xf32>
    %swap3A_154 = arith.constant 0 : index
    %swap3A_155 = arith.constant 0 : index
    %swap3A_156 = vector.load %arg21[%swap3A_154, %swap3A_155] : memref<1x1xf32, #tpu.memory_space<vmem>>, vector<1x1xf32>
    tpu.vector_store %arg21[%swap3A_154, %swap3A_155], %add3A_153 {strides = array<i32>} : memref<1x1xf32, #tpu.memory_space<vmem>>, vector<1x1xf32>,
    return
  }
  func.func @transform_0(%arg0: i32) -> (i32, i32) {
    %add3A = arith.constant 0 : i32
    %add3A_0 = arith.addi %add3A, %arg0 : i32
    %c0_i32 = arith.constant 0 : i32
    %c0_i32_1 = arith.constant 0 : i32
    return %add3A_0, %c0_i32 : i32, i32
  }
  func.func @transform_1(%arg0: i32) -> (i32, i32) {
    %add3A = arith.constant 10 : i32
    %add3A_0 = arith.addi %add3A, %arg0 : i32
    %c0_i32 = arith.constant 0 : i32
    %c0_i32_1 = arith.constant 0 : i32
    return %add3A_0, %c0_i32 : i32, i32
  }
  func.func @transform_2(%arg0: i32) -> (i32, i32) {
    %add3A = arith.constant 20 : i32
    %add3A_0 = arith.addi %add3A, %arg0 : i32
    %c0_i32 = arith.constant 0 : i32
    %c0_i32_1 = arith.constant 0 : i32
    return %add3A_0, %c0_i32 : i32, i32
  }
  func.func @transform_3(%arg0: i32) -> (i32, i32) {
    %add3A = arith.constant 30 : i32
    %add3A_0 = arith.addi %add3A, %arg0 : i32
    %c0_i32 = arith.constant 0 : i32
    %c0_i32_1 = arith.constant 0 : i32
    return %add3A_0, %c0_i32 : i32, i32
  }
  func.func @transform_4(%arg0: i32) -> (i32, i32) {
    %c0_i32 = arith.constant 0 : i32
    %c0_i32_0 = arith.constant 0 : i32
    return %arg0, %c0_i32 : i32, i32
  }
  func.func @transform_5(%arg0: i32) -> (i32, i32) {
    %c0_i32 = arith.constant 0 : i32
    %c0_i32_0 = arith.constant 0 : i32
    return %arg0, %c0_i32 : i32, i32
  }
  func.func @transform_6(%arg0: i32) -> (i32, i32) {
    %c0_i32 = arith.constant 0 : i32
    %c0_i32_0 = arith.constant 0 : i32
    %c0_i32_1 = arith.constant 0 : i32
    return %c0_i32, %c0_i32_0 : i32, i32
  }
  func.func @transform_7(%arg0: i32) -> (i32, i32) {
    %c0_i32 = arith.constant 0 : i32
    %c0_i32_0 = arith.constant 0 : i32
    %c0_i32_1 = arith.constant 0 : i32
    return %c0_i32, %c0_i32_0 : i32, i32
  }
  func.func @transform_8(%arg0: i32) -> (i32, i32) {
    %c0_i32 = arith.constant 0 : i32
    %c0_i32_0 = arith.constant 0 : i32
    %c0_i32_1 = arith.constant 0 : i32
    return %c0_i32, %c0_i32_0 : i32, i32
  }
  func.func @transform_9(%arg0: i32) -> (i32, i32) {
    %c0_i32 = arith.constant 0 : i32
    %c0_i32_0 = arith.constant 0 : i32
    %c0_i32_1 = arith.constant 0 : i32
    return %c0_i32, %c0_i32_0 : i32, i32
  }
  func.func @transform_10(%arg0: i32) -> (i32, i32) {
    %c0_i32 = arith.constant 0 : i32
    %c0_i32_0 = arith.constant 0 : i32
    %c0_i32_1 = arith.constant 0 : i32
    return %c0_i32, %c0_i32_0 : i32, i32
  }
  func.func @transform_11(%arg0: i32) -> (i32, i32) {
    %c0_i32 = arith.constant 0 : i32
    %c0_i32_0 = arith.constant 0 : i32
    %c0_i32_1 = arith.constant 0 : i32
    return %c0_i32, %c0_i32_0 : i32, i32
  }
  func.func @transform_12(%arg0: i32) -> (i32, i32) {
    %c0_i32 = arith.constant 0 : i32
    %c0_i32_0 = arith.constant 0 : i32
    %c0_i32_1 = arith.constant 0 : i32
    return %c0_i32, %c0_i32_0 : i32, i32
  }
  func.func @transform_13(%arg0: i32) -> (i32, i32) {
    %c0_i32 = arith.constant 0 : i32
    %c0_i32_0 = arith.constant 0 : i32
    %c0_i32_1 = arith.constant 0 : i32
    return %c0_i32, %c0_i32_0 : i32, i32
  }
  func.func @transform_14(%arg0: i32) -> (i32, i32) {
    %c0_i32 = arith.constant 0 : i32
    %c0_i32_0 = arith.constant 0 : i32
    %c0_i32_1 = arith.constant 0 : i32
    return %c0_i32, %c0_i32_0 : i32, i32
  }
  func.func @transform_15(%arg0: i32) -> (i32, i32) {
    %c0_i32 = arith.constant 0 : i32
    %c0_i32_0 = arith.constant 0 : i32
    %c0_i32_1 = arith.constant 0 : i32
    return %c0_i32, %c0_i32_0 : i32, i32
  }
  func.func @transform_16(%arg0: i32) -> (i32, i32) {
    %c0_i32 = arith.constant 0 : i32
    %c0_i32_0 = arith.constant 0 : i32
    %c0_i32_1 = arith.constant 0 : i32
    return %c0_i32, %c0_i32_0 : i32, i32
  }
  func.func @transform_17(%arg0: i32) -> (i32, i32) {
    %c0_i32 = arith.constant 0 : i32
    %c0_i32_0 = arith.constant 0 : i32
    return %arg0, %c0_i32 : i32, i32
  }
  func.func @transform_18(%arg0: i32) -> (i32, i32) {
    %c0_i32 = arith.constant 0 : i32
    %c0_i32_0 = arith.constant 0 : i32
    return %arg0, %c0_i32 : i32, i32
  }
  func.func @transform_19(%arg0: i32) -> (i32, i32) {
    %c0_i32 = arith.constant 0 : i32
    %c0_i32_0 = arith.constant 0 : i32
    return %arg0, %c0_i32 : i32, i32
  }
  func.func @transform_20(%arg0: i32) -> (i32, i32) {
    %c0_i32 = arith.constant 0 : i32
    %c0_i32_0 = arith.constant 0 : i32
    %c0_i32_1 = arith.constant 0 : i32
    return %c0_i32, %c0_i32_0 : i32, i32
  }
}

</mosaic_0001>

<sc_bundles>
// kernel: kernel.5.cloned.1.call-start
scs
__scs_entry_jumppad:
0x0: {  	(pc) =	sbr.rel $0x88, $3  }
0x1: {  	(tag) =	ssettag $0x0;
	lr =	simm.s32 $0x1  }
0x2: {  	[smem:$0x3F91] =	sst lr;
	_ =	strace $0xD0000000  }
0x3: {  	_ = 	snop  }
0x4: {  	_ = 	snop  }
0x5: {  	_ = 	snop  }
0x6: {  	_ = 	snop  }
0x7: {  	_ = 	snop  }
__scs_overlays_trampoline_lowered:
0x8: {  	[smem:$0x3FA0] =	sst s0  }
0x9: {  	[smem:$0x3FA1] =	sst s1  }
0xa: {  	[smem:$0x3FA2] =	sst s2  }
0xb: {  	[smem:$0x3FA3] =	sst s3  }
0xc: {  	[smem:$0x3FA4] =	sst s4  }
0xd: {  	[smem:$0x3FA5] =	sst s5  }
0xe: {  	[smem:$0x3FA6] =	sst s6  }
0xf: {  	[smem:$0x3FA7] =	sst s7  }
0x10: {  	[smem:$0x3FA8] =	sst s8  }
0x11: {  	[smem:$0x3FA9] =	sst s9;
	s0 =	simm.s32 @!p0 $0x0  }
0x12: {  	s1 =	sld [smem:$0x3F8F];
	s0 =	simm.s32 @p0 $0x1  }
0x13: {  	[smem:$0x3FAA] =	sst s0;
	s0 =	simm.s32 @!p1 $0x0  }
0x14: {  	s2 =	sld [smem:$0x3F8E];
	s0 =	simm.s32 @p1 $0x1  }
0x15: {  	[smem:$0x3FAB] =	sst s0;
	s0 =	simm.s32 @!p2 $0x0  }
0x16: {  	s3 =	sld [smem:$0x3FDB];
	s0 =	simm.s32 @p2 $0x1  }
0x17: {  	s4 =	simm.s32 $0x1BF5;
	[smem:$0x3FAD] =	sst s0  }
0x18: {  	s0 =	sld [smem:$0x3F90];
	_ =	swait.ge [sflag:s4], $0x0  }
0x19: {  	s7 =	sld [smem:$0x3F91]  }
0x1a: {  	s8 =	sadd.s32 $0xFFFFE003, lr  }
0x1b: {  	s9 =	sadd.s32 $0xFFFFFEF7, lr;
	s5 =	simm.s32 $0xFFFFFFFF;
	p2 =	slt.u32 s8, $0xFFFFF086  }
0x1c: {  	p1 =	slt.u32 s9, $0xF7A;
	s5 =	simm.s32 @!p2 $0x0  }
0x1d: {  	s5 =	simm.s32 @p1 $0x1;
	p0 =	seq.s32 s7, s2  }
0x1e: {  	s7 =	smul.u32 @!p0 $0xF7A, s2;
	p2 =	seq.s32 @!p0 s5, $0x0  }
0x1f: {  	s9 =	smul.u32 $0xF7A, s1;
	s8 =	simm.s32 @!p0 $0x1BF5;
	p2 =	por !p2, p0  }
0x20: {  	[sflag:s8] =	ssyncset.s32 @!p0 $0xFFFFF086;
	s6 =	sadd.s32 @!p0 s3, s7;
	s7 =	simm.s32 @!p0 $0x108  }
0x21: {  	s3 =	sadd.s32 s3, s9;
	s6 =	sadd.s32 @!p0 $0x88, s6;
	s7 =	simm.s32 @p2 $0x1082  }
0x22: {  	[simem:s7], [sflag:s8] =	dma.local @!p0 [hbm:s6], $0xF7A  }
0x23: {  	s9 =	sor.u32 $0xD0000000, s2;
	s6 =	simm.s32 $0x108;
	_ =	swait.ge @!p0 [sflag:s8], $0x0  }
0x24: {  	s3 =	sadd.s32 $0x88, s3;
	s6 =	simm.s32 @!p1 $0x1082;
	[sflag:s4] =	ssyncset.s32 $0xFFFFF086  }
0x25: {  	[simem:s6], [sflag:s4] =	dma.local [hbm:s3], $0xF7A  }
0x26: {  	[smem:$0x3F91] =	sst s1;
	(tag) =	ssettag s2;
	_ =	strace s9  }
0x27: {  	s1 =	sld [smem:$0x3FA1]  }
0x28: {  	s2 =	sld [smem:$0x3FA2]  }
0x29: {  	s4 =	sld [smem:$0x3FA4]  }
0x2a: {  	p0 =	seq.s32 s5, $0x0;
	s5 =	sld [smem:$0x3FA5]  }
0x2b: {  	s6 =	sld [smem:$0x3FA6]  }
0x2c: {  	s7 =	sld [smem:$0x3FA7]  }
0x2d: {  	s3 =	simm.s32 $0x108;
	s8 =	sld [smem:$0x3FA8]  }
0x2e: {  	s3 =	simm.s32 @!p0 $0x1082;
	s9 =	sld [smem:$0x3FA9]  }
0x2f: {  	lr =	sadd.s32 s0, s3;
	s0 =	sld [smem:$0x3FA0]  }
0x30: {  	s3 =	sld [smem:$0x3FA3]  }
0x31: {  	[smem:$0x3FAC] =	sst s10  }
0x32: {  	s10 =	sld [smem:$0x3FAA];
	_ =	sdelay $0x3  }
0x33: {  	p0 =	seq.s32 s10, $0x1;
	s10 =	sld [smem:$0x3FAC];
	_ =	sdelay $0x3  }
0x34: {  	[smem:$0x3FAC] =	sst s10  }
0x35: {  	s10 =	sld [smem:$0x3FAB];
	_ =	sdelay $0x3  }
0x36: {  	p1 =	seq.s32 s10, $0x1;
	s10 =	sld [smem:$0x3FAC];
	_ =	sdelay $0x3  }
0x37: {  	[smem:$0x3FAC] =	sst s10  }
0x38: {  	s10 =	sld [smem:$0x3FAD]  }
0x39: {  	_ = 	snop;
	(pc) =	sbr.ind lr, $3  }
0x3a: {  	_ = 	snop  }
0x3b: {  	_ = 	snop  }
0x3c: {  	p2 =	seq.s32 s10, $0x1;
	s10 =	sld [smem:$0x3FAC]  }
0x3d: {  	_ =	shalt  }
0x3e: {  	_ =	shalt  }
0x3f: {  	_ =	shalt  }
0x40: {  	_ =	shalt  }
0x41: {  	_ =	shalt  }
0x42: {  	_ =	shalt  }
0x43: {  	_ =	shalt  }
0x44: {  	_ =	shalt  }
0x45: {  	_ =	shalt  }
0x46: {  	_ =	shalt  }
0x47: {  	_ =	shalt  }
0x48: {  	_ =	shalt  }
0x49: {  	_ =	shalt  }
0x4a: {  	_ =	shalt  }
0x4b: {  	_ =	shalt  }
0x4c: {  	_ =	shalt  }
0x4d: {  	_ =	shalt  }
0x4e: {  	_ =	shalt  }
0x4f: {  	_ =	shalt  }
0x50: {  	_ =	shalt  }
0x51: {  	_ =	shalt  }
0x52: {  	_ =	shalt  }
0x53: {  	_ =	shalt  }
0x54: {  	_ =	shalt  }
0x55: {  	_ =	shalt  }
0x56: {  	_ =	shalt  }
0x57: {  	_ =	shalt  }
0x58: {  	_ =	shalt  }
0x59: {  	_ =	shalt  }
0x5a: {  	_ =	shalt  }
0x5b: {  	_ =	shalt  }
0x5c: {  	_ =	shalt  }
0x5d: {  	_ =	shalt  }
0x5e: {  	_ =	shalt  }
0x5f: {  	_ =	shalt  }
0x60: {  	_ =	shalt  }
0x61: {  	_ =	shalt  }
0x62: {  	_ =	shalt  }
0x63: {  	_ =	shalt  }
0x64: {  	_ =	shalt  }
0x65: {  	_ =	shalt  }
0x66: {  	_ =	shalt  }
0x67: {  	_ =	shalt  }
0x68: {  	_ =	shalt  }
0x69: {  	_ =	shalt  }
0x6a: {  	_ =	shalt  }
0x6b: {  	_ =	shalt  }
0x6c: {  	_ =	shalt  }
0x6d: {  	_ =	shalt  }
0x6e: {  	_ =	shalt  }
0x6f: {  	_ =	shalt  }
0x70: {  	_ =	shalt  }
0x71: {  	_ =	shalt  }
0x72: {  	_ =	shalt  }
0x73: {  	_ =	shalt  }
0x74: {  	_ =	shalt  }
0x75: {  	_ =	shalt  }
0x76: {  	_ =	shalt  }
0x77: {  	_ =	shalt  }
0x78: {  	_ =	shalt  }
0x79: {  	_ =	shalt  }
0x7a: {  	_ =	shalt  }
0x7b: {  	_ =	shalt  }
0x7c: {  	_ =	shalt  }
0x7d: {  	_ =	shalt  }
0x7e: {  	_ =	shalt  }
0x7f: {  	_ =	shalt  }
0x80: {  	_ =	shalt  }
0x81: {  	_ =	shalt  }
0x82: {  	_ =	shalt  }
0x83: {  	_ =	shalt  }
0x84: {  	_ =	shalt  }
0x85: {  	_ =	shalt  }
0x86: {  	_ =	shalt  }
0x87: {  	_ =	shalt  }
.Lfunc_end0:
.L_simem_size_0:
called_computation_lowered:
.L_overlay_start_0:
0x88: {  	s2 =	sld [smem:$0x3FD9]  }
0x89: {  	s3 =	sld [smem:$0x3FFE];
	_ =	sdelay $0x1  }
0x8a: {  	s1 =	srdreg.scid  }
0x8b: {  	s0 =	sand.u32 $0x1, s1  }
0x8c: {  	s14 =	sshll.u32 s0, $0xA;
	s2 =	sadd.s32 s3, s2  }
0x8d: {  	s2 =	sadd.s32 s2, s14  }
0x8e: {  	[smem:$0x3FB8] =	sst s2  }
0x8f: {  	_ = 	snop  }
0x90: {  	s2 =	sld [smem:$0x3FD0];
	_ =	sdelay $0x2  }
0x91: {  	s15 =	simm.s32 $0xA;
	s4 =	simm.s32 $0x10  }
0x92: {  	[smem:s4], [sflag:s15] =	dma.local [hbm:s2], $0x1  }
0x93: {  	_ =	swait.eq [sflag:s15], $0x1  }
0x94: {  	s16 =	sld [smem:$0x10]  }
0x95: {  	s17 =	sld [smem:$0x12];
	[sflag:s15] =	ssyncset.done $0x0  }
0x96: {  	s5 =	sld [smem:$0x13];
	[sflag:s15] =	ssyncadd.s32 $0xFFFFFFFF  }
0x97: {  	s18 =	sld [smem:$0x14];
	(tm) =	ssettm $0x1  }
0x98: {  	s6 =	sld [smem:$0x3FFB];
	_ =	sdelay $0x3  }
0x99: {  	_ =	strace s6  }
0x9a: {  	s6 =	sld [smem:$0x3FFC];
	_ =	sdelay $0x3  }
0x9b: {  	_ =	strace s6  }
0x9c: {  	s6 =	sld [smem:$0x3FFD];
	_ =	sdelay $0x3  }
0x9d: {  	_ =	strace s6  }
0x9e: {  	_ =	strace $0x8FFFFFFF  }
0x9f: {  	s19 =	sld [smem:$0x3FDB];
	_ =	sdelay $0x1  }
0xa0: {  	s7 =	simm.s32 $_scs_section_size  }
0xa1: {  	s8 =	simm.s32 $_size__tile_overlayer_lowered;
	s9 =	simm.s32 $_tile_overlayer_lowered  }
0xa2: {  	s22 =	simm.s32 $0x1BFF;
	s21 =	sshll.u32 s9, $0x1;
	s6 =	sadd.s32 s7, s19  }
0xa3: {  	s10 =	simm.s32 $0x0;
	s20 =	sshll.u32 s8, $0x1;
	s8 =	sadd.s32 s21, s6  }
0xa4: {  	[timem:s10], [sflag:s22] =	dma.local [hbm:s8], s20  }
0xa5: {  	_ =	swait.ge [sflag:s22], s20  }
0xa6: {  	s7 =	ssub.s32 $0x0, s20;
	[sflag:s22] =	ssyncset.done $0x0  }
0xa7: {  	[sflag:s22] =	ssyncadd.s32 s7;
	_ =	sdelay $0x1  }
0xa8: {  	s23 =	simm.s32 $0x1B8B  }
0xa9: {  	_ =	swait.ge [sflag:s23], $0x1  }
0xaa: {  	[sflag:s23] =	ssyncset.done $0x0  }
0xab: {  	s25 =	simm.s32 $0x1B8E;
	s24 =	sld [smem:$0x3FFE];
	[sflag:s23] =	ssyncadd.s32 $0xFFFFFFFF  }
0xac: {  	s26 =	simm.s32 $execute0_lowered;
	[smem:$0x3FD2] =	sst s25  }
0xad: {  	s8 =	sshll.u32 s26, $0x1;
	_ =	strace $0x80000046;
	[dreg:$0x1] =	wrdreg $0xFFFFFFFF  }
0xae: {  	s28 =	simm.s32 $_size_execute0_lowered;
	s6 =	sadd.s32 s6, s8;
	[dreg:$0x0] =	wrdreg $0x0  }
0xaf: {  	s8 =	sshll.u32 s28, $0x1;
	[dreg:$0x2] =	wrdreg s6  }
0xb0: {  	[dreg:$0x3] =	wrdreg s8  }
0xb1: {  	[dreg:$0x4] =	wrdreg $0xC0  }
0xb2: {  	_ =	task [dreg:s10], $0x5FFFF  }
0xb3: {  	[dreg:$0x1] =	wrdreg $0xFFFFFFFF  }
0xb4: {  	[dreg:$0x0] =	wrdreg $0x60  }
0xb5: {  	[dreg:$0x2] =	wrdreg s24  }
0xb6: {  	[dreg:$0x3] =	wrdreg s16  }
0xb7: {  	[dreg:$0x4] =	wrdreg s17  }
0xb8: {  	[dreg:$0x5] =	wrdreg s5  }
0xb9: {  	[dreg:$0x6] =	wrdreg s18  }
0xba: {  	[dreg:$0x7] =	wrdreg $0x93800  }
0xbb: {  	[dreg:$0x8] =	wrdreg $0x1CC000  }
0xbc: {  	[dreg:$0x9] =	wrdreg $0x9  }
0xbd: {  	_ =	task.clear_ibuf [dreg:s10], $0xAFFFF;
	_ =	strace $0x90000046  }
0xbe: {  	s29 =	simm.s32 $0x9;
	_ =	strace $0x80000048  }
0xbf: {  	_ =	swait.ge [sflag:s29], $0x1  }
0xc0: {  	[sflag:s29] =	ssyncadd.s32 $0xFFFFFFFF  }
0xc1: {  	_ =	strace $0x90000048  }
0xc2: {  	_ =	sfence  }
0xc3: {  	s30 =	sld [smem:$0x0];
	_ =	sdelay $0x2  }
0xc4: {  	s31 =	sshll.u32 s1, $0xD;
	s1 =	sshrl.u32 s1, $0x2  }
0xc5: {  	s3 =	sand.u32 $0x4000, s31;
	s1 =	sadd.s32 s1, s30  }
0xc6: {  	s0 =	sor.u32 s3, s0;
	s1 =	sshll.u32 s1, $0x11  }
0xc7: {  	s0 =	sor.u32 s1, s0  }
0xc8: {  	s0 =	sadd.s32 $0x8F2B, s0  }
0xc9: {  	[sflag:s0] =	ssyncadd.remote.s32 $0x1  }
0xca: {  	_ =	sfence.sel $0xFFFF  }
0xcb: {  	[dreg:$0x0] =	wrdreg $0xFFFFFFFF;
	(pc) =	sbr.abs _section_cstart, $3  }
0xcc: {  	[dreg:$0x1] =	wrdreg $0xFFFFFFFF  }
0xcd: {  	_ =	task.clear_ibuf [dreg:s10], $0x2FFFF;
	_ =	strace $0x9FFFFFFF  }
0xce: {  	(tm) =	ssettm $0x7FFFFFFF  }
0xcf: {  	_ =	shalt  }
tec
execute0_lowered:
.L_overlay_start_1:
0x0: {  	(tag) =	ssettag $0x1  }
0x1: {  	s0 =	rddreg [dreg:$0x0]  }
0x2: {  	s3 =	rddreg [dreg:$0x3]  }
0x3: {  	s4 =	rddreg [dreg:$0x4]  }
0x4: {  	s5 =	rddreg [dreg:$0x5]  }
0x5: {  	s6 =	rddreg [dreg:$0x6]  }
0x6: {  	s1 =	simm.s32 $0x0;
	s23 =	srdreg.scid;
	s7 =	stileid.u32  }
0x7: {  	s28 =	simm.s32 $0x2A80;
	s29 =	simm.s32 $0x3;
	s30 =	simm.s32 $0x100  }
0x8: {  	s31 =	simm.s32 $0x80;
	[smem:$0x7FF] =	sst s1;
	s9 =	sadd.s32 $0x1800, s0  }
0x9: {  	s1 =	sand.u32 $0x1, s23;
	s2 =	smul.u32 $0x270, s7;
	s8 =	sadd.s32 $0x9DC00, s0  }
0xa: {  	s12 =	sadd.s32 $0x13A000, s0;
	s14 =	sadd.s32 $0x13AC00, s0;
	p1 =	slt.u32 s7, $0x2  }
0xb: {  	s15 =	smul.u32 $0x4E000, s7;
	s0 =	sadd.s32 $0x13A600, s0;
	p2 =	seq.s32 s7, $0xF  }
0xc: {  	_ =	strace $0x80000047;
	s10 =	ssub.s32 $0x2, s1;
	s11 =	smul.u32 $0x2710, s1  }
0xd: {  	[dreg:$0x8] =	wrdreg s12;
	s13 =	smul.u32 $0x138800, s1;
	s22 =	sor.u32 s7, s1  }
0xe: {  	[dreg:$0x11] =	wrdreg s0;
	s0 =	simm.s32 $0x200;
	s24 =	sshrl.u32 s10, $0x1  }
0xf: {  	p0 =	sne.s32 s22, $0x0;
	s23 =	sshrl.u32 s15, $0x2;
	s10 =	ssub.s32 s10, s24  }
0x10: {  	s25 =	sadd.s32 s2, s11;
	s13 =	sshrl.u32 s13, $0x3;
	s17 =	sadd.s32 $0x4E20, s11  }
0x11: {  	s24 =	sadd.s32 s23, s5;
	v0 =	vmov s11;
	s11 =	simm.s32 $0x180;
	s12 =	sshll.u32 s25, $0x4  }
0x12: {  	s16 =	sadd.s32 $0x24900, s13;
	[dreg:$0x12] =	wrdreg s24;
	s25 =	sadd.s32 $0x124800, s5  }
0x13: {  	s2 =	sadd.s32 s2, s17;
	s18 =	sadd.s32 s8, s12;
	[dreg:$0x13] =	wrdreg s25  }
0x14: {  	s24 =	sshll.u32 s7, $0x8;
	s26 =	sadd.s32 s8, s16;
	[dreg:$0x9] =	wrdreg s18  }
0x15: {  	s12 =	sadd.s32 s14, s12;
	s2 =	sshll.u32 s2, $0x4;
	[dreg:$0xa] =	wrdreg s26  }
0x16: {  	s19 =	sadd.s32 s14, s16;
	s25 =	simm.s32 $0x300;
	[dreg:$0xb] =	wrdreg s12  }
0x17: {  	s18 =	sadd.s32 $0x72B00, s13;
	[dreg:$0xc] =	wrdreg s19;
	s20 =	sadd.s32 s8, s2  }
0x18: {  	s2 =	sadd.s32 s14, s2;
	s19 =	simm.s32 $0x4F;
	s26 =	smax.u32 s10, $0x1  }
0x19: {  	s10 =	simm.s32 $0x280;
	s12 =	simm.s32 $0x0;
	[dreg:$0xd] =	wrdreg s20  }
0x1a: {  	s8 =	sadd.s32 s8, s18;
	[dreg:$0xf] =	wrdreg s2;
	s21 =	sadd.s32 s14, s18  }
0x1b: {  	s19 =	simm.s32 @!p1 $0x4E;
	p1 =	sne.s32 s1, $0x0;
	[dreg:$0x14] =	wrdreg s26  }
0x1c: {  	s26 =	simm.s32 $0x2;
	s1 =	simm.s32 $0x5380;
	[dreg:$0xe] =	wrdreg s8  }
0x1d: {  	v1 =	vmov s17;
	s2 =	simm.s32 $0x1;
	[dreg:$0x10] =	wrdreg s21;
	s8 =	simm.s32 $0x5300  }
.LBB2_1:
0x1e: {  	s13 =	simm.s32 $0x0;
	s7 =	rddreg [dreg:$0x8]  }
0x1f: {  	[tilespmem:s25], [sflag:$0x2] =	stream.linear.gather [hbm4b:s7+s13], $0x2780, $0x38;
	[tilespmem:$0x1CE78] =	vst v63  }
0x20: {  	_ =	swait.ge [sflag:s26], $0x2780  }
0x21: {  	[sflag:s26] =	ssyncset.done $0x0  }
0x22: {  	[sflag:s26] =	ssyncadd.s32 $0xFFFFD880  }
0x23: {  	s23 =	rddreg [dreg:$0x1]  }
0x24: {  	[tilespmem:s28], [sflag:$0x2] =	stream.linear.gather [hbm4b:s23+s13], $0x2780, $0x38;
	[tilespmem:$0x1CE78] =	vst v63  }
0x25: {  	_ =	swait.ge [sflag:s26], $0x2780  }
0x26: {  	s14 =	simm.s32 @p2 $0x1FC2;
	[sflag:s26] =	ssyncset.done $0x0;
	s7 =	rddreg [dreg:$0x13]  }
0x27: {  	[sflag:s26] =	ssyncadd.s32 $0xFFFFD880;
	s13 =	sshrl.u32 @p2 s7, $0x3;
	s7 =	rddreg [dreg:$0xa]  }
0x28: {  	[spmem:s13], [sflag:s14] =	dma.local @p2 [hbm:s7], $0x2800  }
0x29: {  	s14 =	simm.s32 @p2 $0x2  }
0x2a: {  	s7 =	stileid.u32;
	_ =	swait.ge @p2 [sflag:s14], $0x2800  }
0x2b: {  	s15 =	sshll.u32 @!p2 s7, $0x6;
	[sflag:s14] =	ssyncset.done @p2 $0x0  }
0x2c: {  	[sflag:s14] =	ssyncadd.s32 @p2 $0xFFFFD800;
	s14 =	sor.u32 @!p2 $0x1C02, s15;
	s15 =	rddreg [dreg:$0x12]  }
0x2d: {  	s16 =	rddreg [dreg:$0x9];
	s15 =	sshrl.u32 @!p2 s15, $0x3  }
0x2e: {  	[spmem:s15], [sflag:s14] =	dma.local @!p2 [hbm:s16], $0x2700  }
0x2f: {  	s16 =	simm.s32 @!p2 $0x2  }
0x30: {  	_ =	swait.ge @!p2 [sflag:s16], $0x2700  }
0x31: {  	[sflag:s16] =	ssyncset.done @!p2 $0x0  }
0x32: {  	s18 =	simm.s32 @!p0 $0x2;
	s17 =	sshll.u32 @!p0 s7, $0x6;
	[sflag:s16] =	ssyncadd.s32 @!p2 $0xFFFFD900  }
0x33: {  	s16 =	sor.u32 @!p0 $0x1C02, s17;
	s17 =	sshrl.u32 @!p0 s6, $0x3;
	s7 =	rddreg [dreg:$0x2]  }
0x34: {  	[spmem:s17], [sflag:s16] =	dma.local @!p0 [hbm:s7], $0x4F0  }
0x35: {  	_ =	swait.ge @!p0 [sflag:s18], $0x4F0  }
0x36: {  	[sflag:s18] =	ssyncset.done @!p0 $0x0  }
0x37: {  	[sflag:s18] =	ssyncadd.s32 @!p0 $0xFFFFFB10  }
0x38: {  	s18 =	simm.s32 $0x0;
	[bflag:$0x0] =	sbarrier.arrive $0xFFFF  }
.LBB2_2:
0x39: {  	s20 =	sshll.u32 s18, $0xC  }
0x3a: {  	s20 =	sor.u32 s24, s20  }
0x3b: {  	s21 =	sshrl.u32 s20, $0x3  }
0x3c: {  	s7 =	simm.s32 $0x0;
	s22 =	sadd.s32 s3, s21  }
0x3d: {  	[tilespmem:s7], [sflag:$0x3] =	stream.linear.gather [hbm4b:s22+s7], $0x100, $0x38;
	[tilespmem:$0x1CE78] =	vst v63  }
0x3e: {  	_ =	swait.ge [sflag:s29], $0x100  }
0x3f: {  	[sflag:s29] =	ssyncset.done $0x0  }
0x40: {  	s21 =	sadd.s32 s4, s21;
	[sflag:s29] =	ssyncadd.s32 $0xFFFFFF00  }
0x41: {  	[tilespmem:s30], [sflag:$0x3] =	stream.linear.gather [hbm4b:s21+s7], $0x100, $0x38;
	[tilespmem:$0x1CE78] =	vst v63  }
0x42: {  	_ =	swait.ge [sflag:s29], $0x100  }
0x43: {  	[sflag:s29] =	ssyncset.done $0x0  }
0x44: {  	[sflag:s29] =	ssyncadd.s32 $0xFFFFFF00  }
0x45: {  	v2 =	vld [tilespmem:$0x0]  }
0x46: {  	v3 =	vld [tilespmem:$0x100];
	_ =	sdelay $0x4  }
0x47: {  	v4 =	vadd.s32 v0, v2  }
0x48: {  	[tilespmem:$0x200] =	vst v4  }
0x49: {  	v2 =	vld.idx.msk [tilespmem:v2+s25+$0x0], $0xffff  }
0x4a: {  	v3 =	vld.idx.msk [tilespmem:v3+s28+$0x0], $0xffff;
	_ =	sdelay $0x4  }
0x4b: {  	v2 =	vadd.f32 v3, v2;
	_ =	sdelay $0x1  }
0x4c: {  	v3 =	vmul.f32 $2.000000030e-01, v2  }
0x4d: {  	vm0 =	vge.f32 v2, $0.0e+00  }
0x4e: {  	v2 =	vsel vm0, v2, v3  }
0x4f: {  	v2 =	vmul.f32 $1.442695020e+00, v2;
	_ =	sdelay $0x1  }
0x50: {  	(erf) = vpow2.f32 v2;
	_ =	sdelay $0x4  }
0x51: {  	v2 =	vld [tilespmem:$0x10]  }
0x52: {  	v3 =	vld [tilespmem:$0x110];
	_ =	sdelay $0x2  }
0x53: {  	v4 =	vpop (erf)  }
0x54: {  	[tilespmem:$0x5200] =	vst v4  }
0x55: {  	[tilespmem:$0x5300] =	vst v4;
	v4 =	vadd.s32 v0, v2  }
0x56: {  	[tilespmem:$0x210] =	vst v4  }
0x57: {  	v2 =	vld.idx.msk [tilespmem:v2+s25+$0x0], $0xffff  }
0x58: {  	v3 =	vld.idx.msk [tilespmem:v3+s28+$0x0], $0xffff;
	_ =	sdelay $0x4  }
0x59: {  	v2 =	vadd.f32 v3, v2;
	_ =	sdelay $0x1  }
0x5a: {  	v3 =	vmul.f32 $2.000000030e-01, v2  }
0x5b: {  	vm9 =	vge.f32 v2, $0.0e+00  }
0x5c: {  	v2 =	vsel vm9, v2, v3  }
0x5d: {  	v2 =	vmul.f32 $1.442695020e+00, v2;
	_ =	sdelay $0x1  }
0x5e: {  	(erf) = vpow2.f32 v2;
	_ =	sdelay $0x4  }
0x5f: {  	v2 =	vld [tilespmem:$0x20]  }
0x60: {  	v3 =	vld [tilespmem:$0x120];
	_ =	sdelay $0x2  }
0x61: {  	v4 =	vpop (erf)  }
0x62: {  	[tilespmem:$0x5210] =	vst v4  }
0x63: {  	[tilespmem:$0x5310] =	vst v4;
	v4 =	vadd.s32 v0, v2  }
0x64: {  	[tilespmem:$0x220] =	vst v4  }
0x65: {  	v2 =	vld.idx.msk [tilespmem:v2+s25+$0x0], $0xffff  }
0x66: {  	v3 =	vld.idx.msk [tilespmem:v3+s28+$0x0], $0xffff;
	_ =	sdelay $0x4  }
0x67: {  	v2 =	vadd.f32 v3, v2;
	_ =	sdelay $0x1  }
0x68: {  	v3 =	vmul.f32 $2.000000030e-01, v2  }
0x69: {  	vm10 =	vge.f32 v2, $0.0e+00  }
0x6a: {  	v2 =	vsel vm10, v2, v3  }
0x6b: {  	v2 =	vmul.f32 $1.442695020e+00, v2;
	_ =	sdelay $0x1  }
0x6c: {  	(erf) = vpow2.f32 v2;
	_ =	sdelay $0x4  }
0x6d: {  	v2 =	vld [tilespmem:$0x30]  }
0x6e: {  	v3 =	vld [tilespmem:$0x130];
	_ =	sdelay $0x2  }
0x6f: {  	v4 =	vpop (erf)  }
0x70: {  	[tilespmem:$0x5220] =	vst v4  }
0x71: {  	[tilespmem:$0x5320] =	vst v4;
	v4 =	vadd.s32 v0, v2  }
0x72: {  	[tilespmem:$0x230] =	vst v4  }
0x73: {  	v2 =	vld.idx.msk [tilespmem:v2+s25+$0x0], $0xffff  }
0x74: {  	v3 =	vld.idx.msk [tilespmem:v3+s28+$0x0], $0xffff;
	_ =	sdelay $0x4  }
0x75: {  	v2 =	vadd.f32 v3, v2;
	_ =	sdelay $0x1  }
0x76: {  	v3 =	vmul.f32 $2.000000030e-01, v2  }
0x77: {  	vm11 =	vge.f32 v2, $0.0e+00  }
0x78: {  	v2 =	vsel vm11, v2, v3  }
0x79: {  	v2 =	vmul.f32 $1.442695020e+00, v2;
	_ =	sdelay $0x1  }
0x7a: {  	(erf) = vpow2.f32 v2;
	_ =	sdelay $0x4  }
0x7b: {  	v2 =	vld [tilespmem:$0x40]  }
0x7c: {  	v3 =	vld [tilespmem:$0x140];
	_ =	sdelay $0x2  }
0x7d: {  	v4 =	vpop (erf)  }
0x7e: {  	[tilespmem:$0x5230] =	vst v4  }
0x7f: {  	[tilespmem:$0x5330] =	vst v4;
	v4 =	vadd.s32 v0, v2  }
0x80: {  	[tilespmem:$0x240] =	vst v4  }
0x81: {  	v2 =	vld.idx.msk [tilespmem:v2+s25+$0x0], $0xffff  }
0x82: {  	v3 =	vld.idx.msk [tilespmem:v3+s28+$0x0], $0xffff;
	_ =	sdelay $0x4  }
0x83: {  	v2 =	vadd.f32 v3, v2;
	_ =	sdelay $0x1  }
0x84: {  	v3 =	vmul.f32 $2.000000030e-01, v2  }
0x85: {  	vm12 =	vge.f32 v2, $0.0e+00  }
0x86: {  	v2 =	vsel vm12, v2, v3  }
0x87: {  	v2 =	vmul.f32 $1.442695020e+00, v2;
	_ =	sdelay $0x1  }
0x88: {  	(erf) = vpow2.f32 v2;
	_ =	sdelay $0x4  }
0x89: {  	v2 =	vld [tilespmem:$0x50]  }
0x8a: {  	v3 =	vld [tilespmem:$0x150];
	_ =	sdelay $0x2  }
0x8b: {  	v4 =	vpop (erf)  }
0x8c: {  	[tilespmem:$0x5240] =	vst v4  }
0x8d: {  	[tilespmem:$0x5340] =	vst v4;
	v4 =	vadd.s32 v0, v2  }
0x8e: {  	[tilespmem:$0x250] =	vst v4  }
0x8f: {  	v2 =	vld.idx.msk [tilespmem:v2+s25+$0x0], $0xffff  }
0x90: {  	v3 =	vld.idx.msk [tilespmem:v3+s28+$0x0], $0xffff;
	_ =	sdelay $0x4  }
0x91: {  	v2 =	vadd.f32 v3, v2;
	_ =	sdelay $0x1  }
0x92: {  	v3 =	vmul.f32 $2.000000030e-01, v2  }
0x93: {  	vm13 =	vge.f32 v2, $0.0e+00  }
0x94: {  	v2 =	vsel vm13, v2, v3  }
0x95: {  	v2 =	vmul.f32 $1.442695020e+00, v2;
	_ =	sdelay $0x1  }
0x96: {  	(erf) = vpow2.f32 v2;
	_ =	sdelay $0x4  }
0x97: {  	v2 =	vld [tilespmem:$0x60]  }
0x98: {  	v3 =	vld [tilespmem:$0x160];
	_ =	sdelay $0x2  }
0x99: {  	v4 =	vpop (erf)  }
0x9a: {  	[tilespmem:$0x5250] =	vst v4  }
0x9b: {  	[tilespmem:$0x5350] =	vst v4;
	v4 =	vadd.s32 v0, v2  }
0x9c: {  	[tilespmem:$0x260] =	vst v4  }
0x9d: {  	v2 =	vld.idx.msk [tilespmem:v2+s25+$0x0], $0xffff  }
0x9e: {  	v3 =	vld.idx.msk [tilespmem:v3+s28+$0x0], $0xffff;
	_ =	sdelay $0x4  }
0x9f: {  	v2 =	vadd.f32 v3, v2;
	_ =	sdelay $0x1  }
0xa0: {  	v3 =	vmul.f32 $2.000000030e-01, v2  }
0xa1: {  	vm14 =	vge.f32 v2, $0.0e+00  }
0xa2: {  	v2 =	vsel vm14, v2, v3  }
0xa3: {  	v2 =	vmul.f32 $1.442695020e+00, v2;
	_ =	sdelay $0x1  }
0xa4: {  	(erf) = vpow2.f32 v2;
	_ =	sdelay $0x4  }
0xa5: {  	v2 =	vld [tilespmem:$0x70]  }
0xa6: {  	v3 =	vld [tilespmem:$0x170];
	_ =	sdelay $0x2  }
0xa7: {  	v4 =	vpop (erf)  }
0xa8: {  	[tilespmem:$0x5260] =	vst v4  }
0xa9: {  	[tilespmem:$0x5360] =	vst v4;
	v4 =	vadd.s32 v0, v2  }
0xaa: {  	[tilespmem:$0x270] =	vst v4  }
0xab: {  	v2 =	vld.idx.msk [tilespmem:v2+s25+$0x0], $0xffff  }
0xac: {  	v3 =	vld.idx.msk [tilespmem:v3+s28+$0x0], $0xffff;
	_ =	sdelay $0x4  }
0xad: {  	v2 =	vadd.f32 v3, v2;
	_ =	sdelay $0x1  }
0xae: {  	v3 =	vmul.f32 $2.000000030e-01, v2  }
0xaf: {  	vm15 =	vge.f32 v2, $0.0e+00  }
0xb0: {  	v2 =	vsel vm15, v2, v3  }
0xb1: {  	v2 =	vmul.f32 $1.442695020e+00, v2;
	_ =	sdelay $0x1  }
0xb2: {  	(erf) = vpow2.f32 v2;
	_ =	sdelay $0x7  }
0xb3: {  	v2 =	vmov s7  }
0xb4: {  	v2 =	vand.u32 $0xFFFFFFFC, v2;
	v3 =	vpop (erf)  }
0xb5: {  	v2 =	vbroadcast v2, $0x0;
	[tilespmem:$0x5270] =	vst v3  }
0xb6: {  	s21 =	simm.s32 $0x2;
	[tilespmem:$0x5370] =	vst v3  }
0xb7: {  	[tilespmem:s1], [sflag:$0x1] =	stream.indirect.gather [hbm4b:s9+s31], $0x80, s0, s31, $0xb8;
	[tilespmem:$0x1CE78] =	vst v63  }
0xb8: {  	v4 =	vmov s21;
	_ =	swait.ge [sflag:s2], $0x4000  }
0xb9: {  	v4 =	vand.u32 $0xFFFFFFFE, v4;
	[sflag:s2] =	ssyncset.done $0x0  }
0xba: {  	v3 =	vbroadcast v4, $0x0;
	[sflag:s2] =	ssyncadd.s32 $0xFFFFC000  }
0xbb: {  	s20 =	simm.s32 $0x5480;
	v2 =	vld.idx.msk [tilespmem:v2+s8+$0x0], $0xffff  }
0xbc: {  	v5 =	vld [tilespmem:s20+$0x70]  }
0xbd: {  	s22 =	simm.s32 $0x1;
	v6 =	vld [tilespmem:s20+$0xFFFFFF00]  }
0xbe: {  	v4 =	vmov s22;
	v7 =	vld [tilespmem:s20+$0xFFFFFF10]  }
0xbf: {  	v4 =	vand.u32 $0xFFFFFFFD, v4;
	v8 =	vld [tilespmem:s20+$0xFFFFFF20]  }
0xc0: {  	v4 =	vbroadcast v4, $0x0;
	v3 =	vld.idx.msk [tilespmem:v3+s8+$0x0], $0xffff  }
0xc1: {  	v9 =	vld [tilespmem:s20+$0xFFFFFF30]  }
0xc2: {  	v10 =	vld [tilespmem:s20+$0xFFFFFF40]  }
0xc3: {  	v11 =	vld [tilespmem:s20+$0xFFFFFF50]  }
0xc4: {  	v12 =	vld [tilespmem:s20+$0xFFFFFF60];
	v6 =	vmul.f32 v6, v2  }
0xc5: {  	v14 =	vld [tilespmem:s20+$0x40];
	v5 =	vmul.f32 v5, v3  }
0xc6: {  	v4 =	vld.idx.msk [tilespmem:v4+s8+$0x0], $0xffff;
	[tilespmem:s20+$0xFFFFFF00] =	vst v6;
	v6 =	vmul.f32 v7, v2  }
0xc7: {  	v7 =	vld [tilespmem:s20+$0xFFFFFF70];
	[tilespmem:s20+$0x70] =	vst v5;
	v5 =	vmul.f32 v8, v2  }
0xc8: {  	v8 =	vld [tilespmem:s20+$0xFFFFFF80];
	[tilespmem:s20+$0xFFFFFF10] =	vst v6;
	v6 =	vmul.f32 v9, v2  }
0xc9: {  	v9 =	vld [tilespmem:s20+$0xFFFFFF90];
	[tilespmem:s20+$0xFFFFFF20] =	vst v5;
	v5 =	vmul.f32 v10, v2  }
0xca: {  	v10 =	vld [tilespmem:s20+$0xFFFFFFA0];
	[tilespmem:s20+$0xFFFFFF30] =	vst v6;
	v6 =	vmul.f32 v11, v2  }
0xcb: {  	v11 =	vld [tilespmem:s20+$0xFFFFFFB0];
	[tilespmem:s20+$0xFFFFFF40] =	vst v5;
	v5 =	vmul.f32 v12, v2  }
0xcc: {  	v12 =	vld [tilespmem:s20+$0xFFFFFFC0];
	v7 =	vmul.f32 v7, v2;
	[tilespmem:s20+$0xFFFFFF50] =	vst v6  }
0xcd: {  	v6 =	vmul.f32 v8, v4;
	v8 =	vld [tilespmem:s20+$0xFFFFFFD0];
	[tilespmem:s20+$0xFFFFFF60] =	vst v5  }
0xce: {  	s23 =	simm.s32 $0x3;
	v5 =	vld [tilespmem:s20+$0xFFFFFFE0];
	v9 =	vmul.f32 v9, v4;
	[tilespmem:s20+$0xFFFFFF70] =	vst v7  }
0xcf: {  	v13 =	vmov s23;
	v7 =	vld [tilespmem:s20+$0xFFFFFFF0];
	[tilespmem:s20+$0xFFFFFF80] =	vst v6;
	v6 =	vmul.f32 v10, v4  }
0xd0: {  	v10 =	vld [tilespmem:s20+$0x0];
	[tilespmem:s20+$0xFFFFFF90] =	vst v9;
	v9 =	vmul.f32 v11, v4  }
0xd1: {  	v11 =	vld [tilespmem:s20+$0x10];
	[tilespmem:s20+$0xFFFFFFA0] =	vst v6;
	v6 =	vmul.f32 v12, v4  }
0xd2: {  	[tilespmem:s20+$0xFFFFFFB0] =	vst v9;
	v8 =	vmul.f32 v8, v4;
	v9 =	vld [tilespmem:s20+$0x20]  }
0xd3: {  	v12 =	vld [tilespmem:s20+$0x30];
	[tilespmem:s20+$0xFFFFFFC0] =	vst v6;
	v5 =	vmul.f32 v5, v4  }
0xd4: {  	v2 =	vld.idx.msk [tilespmem:v13+s8+$0x0], $0xffff;
	v4 =	vmul.f32 v7, v4;
	[tilespmem:s20+$0xFFFFFFD0] =	vst v8  }
0xd5: {  	v6 =	vmul.f32 v10, v3;
	[tilespmem:s20+$0xFFFFFFE0] =	vst v5;
	v5 =	vld [tilespmem:s20+$0x50]  }
0xd6: {  	s7 =	simm.s32 $0x4;
	[tilespmem:s20+$0xFFFFFFF0] =	vst v4;
	v7 =	vmul.f32 v11, v3;
	v4 =	vld [tilespmem:s20+$0x60]  }
0xd7: {  	s22 =	simm.s32 $0x7;
	v8 =	vmov s7;
	[tilespmem:s20+$0x0] =	vst v6;
	v10 =	vmul.f32 v9, v3;
	v9 =	vld [tilespmem:s20+$0x80]  }
0xd8: {  	s23 =	simm.s32 $0x5;
	v13 =	vand.u32 $0xFFFFFFFC, v8;
	v8 =	vld [tilespmem:s20+$0x90];
	v6 =	vmov s22;
	v11 =	vmul.f32 v12, v3;
	[tilespmem:s20+$0x10] =	vst v7  }
0xd9: {  	s21 =	simm.s32 $0x5480;
	s22 =	simm.s32 $0x8;
	v12 =	vmul.f32 v14, v3;
	v7 =	vbroadcast v13, $0x0;
	v13 =	vmov s23;
	s23 =	simm.s32 $0x6;
	[tilespmem:s20+$0x20] =	vst v10;
	v10 =	vld [tilespmem:s20+$0xA0]  }
.LBB2_3:
0xda: {  	p3 =	slt.u32 s22, $0x7C;
	v13 =	vand.u32 $0xFFFFFFFD, v13;
	v14 =	vmov s23;
	[tilespmem:s20+$0x30] =	vst v11;
	v5 =	vmul.f32 v5, v3;
	v11 =	vld [tilespmem:s20+$0xB0]  }
0xdb: {  	v13 =	vbroadcast v13, $0x0;
	v14 =	vand.u32 $0xFFFFFFFE, v14;
	[tilespmem:s20+$0x40] =	vst v12;
	v3 =	vmul.f32 v4, v3;
	v4 =	vld [tilespmem:s20+$0xC0]  }
0xdc: {  	v12 =	vbroadcast v14, $0x0;
	[tilespmem:s20+$0x50] =	vst v5;
	v5 =	vmul.f32 v9, v2;
	v9 =	vld [tilespmem:s20+$0xD0]  }
0xdd: {  	[tilespmem:s20+$0x60] =	vst v3;
	v3 =	vmul.f32 v8, v2;
	v8 =	vld [tilespmem:s20+$0xE0]  }
0xde: {  	[tilespmem:s20+$0x80] =	vst v5;
	v5 =	vmul.f32 v10, v2;
	v10 =	vld [tilespmem:s20+$0xF0]  }
0xdf: {  	v6 =	vld.idx.msk [tilespmem:v6+s8+$0x0], $0xffff;
	[tilespmem:s20+$0x90] =	vst v3;
	v3 =	vmul.f32 v11, v2  }
0xe0: {  	v7 =	vld.idx.msk [tilespmem:v7+s8+$0x0], $0xffff;
	[tilespmem:s20+$0xA0] =	vst v5;
	v4 =	vmul.f32 v4, v2  }
0xe1: {  	v5 =	vld.idx.msk [tilespmem:v13+s8+$0x0], $0xffff;
	[tilespmem:s20+$0xB0] =	vst v3;
	v9 =	vmul.f32 v9, v2  }
0xe2: {  	s20 =	sadd.s32 $0x200, s20;
	v3 =	vld.idx.msk [tilespmem:v12+s8+$0x0], $0xffff;
	[tilespmem:s21+$0xC0] =	vst v4;
	v4 =	vmul.f32 v8, v2  }
0xe3: {  	v8 =	vld [tilespmem:s20+$0x70];
	[tilespmem:s21+$0xD0] =	vst v9;
	v10 =	vmul.f32 v10, v2  }
0xe4: {  	v9 =	vld [tilespmem:s20+$0xFFFFFF00];
	[tilespmem:s21+$0xE0] =	vst v4  }
0xe5: {  	v2 =	vmov v6;
	v4 =	vld [tilespmem:s20+$0xFFFFFF10];
	[tilespmem:s21+$0xF0] =	vst v10;
	s21 =	smov.u32 s20  }
0xe6: {  	v6 =	vld [tilespmem:s20+$0xFFFFFF20]  }
0xe7: {  	v10 =	vld [tilespmem:s20+$0xFFFFFF30]  }
0xe8: {  	v11 =	vld [tilespmem:s20+$0xFFFFFF40];
	v8 =	vmul.f32 v8, v3  }
0xe9: {  	v9 =	vmul.f32 v9, v7;
	v12 =	vld [tilespmem:s20+$0xFFFFFF50]  }
0xea: {  	v4 =	vmul.f32 v4, v7;
	v13 =	vld [tilespmem:s20+$0xFFFFFF60];
	[tilespmem:s20+$0x70] =	vst v8  }
0xeb: {  	[tilespmem:s20+$0xFFFFFF00] =	vst v9;
	v6 =	vmul.f32 v6, v7;
	v8 =	vld [tilespmem:s20+$0xFFFFFF70]  }
0xec: {  	[tilespmem:s20+$0xFFFFFF10] =	vst v4;
	v4 =	vmul.f32 v10, v7;
	v9 =	vld [tilespmem:s20+$0xFFFFFF80]  }
0xed: {  	[tilespmem:s20+$0xFFFFFF20] =	vst v6;
	v6 =	vmul.f32 v11, v7;
	v10 =	vld [tilespmem:s20+$0xFFFFFF90]  }
0xee: {  	[tilespmem:s20+$0xFFFFFF30] =	vst v4;
	v4 =	vmul.f32 v12, v7;
	v11 =	vld [tilespmem:s20+$0xFFFFFFA0]  }
0xef: {  	[tilespmem:s20+$0xFFFFFF40] =	vst v6;
	v6 =	vmul.f32 v13, v7;
	v12 =	vld [tilespmem:s20+$0xFFFFFFB0]  }
0xf0: {  	[tilespmem:s20+$0xFFFFFF50] =	vst v4;
	v4 =	vmul.f32 v8, v7;
	v7 =	vld [tilespmem:s20+$0xFFFFFFC0]  }
0xf1: {  	[tilespmem:s20+$0xFFFFFF60] =	vst v6;
	v6 =	vmul.f32 v9, v5;
	v8 =	vld [tilespmem:s20+$0xFFFFFFD0]  }
0xf2: {  	[tilespmem:s20+$0xFFFFFF70] =	vst v4;
	v4 =	vmul.f32 v10, v5;
	v9 =	vld [tilespmem:s20+$0xFFFFFFE0]  }
0xf3: {  	[tilespmem:s20+$0xFFFFFF80] =	vst v6;
	v6 =	vmul.f32 v11, v5;
	v10 =	vld [tilespmem:s20+$0xFFFFFFF0]  }
0xf4: {  	[tilespmem:s20+$0xFFFFFF90] =	vst v4;
	v4 =	vmul.f32 v12, v5;
	v11 =	vld [tilespmem:s20+$0x0]  }
0xf5: {  	[tilespmem:s20+$0xFFFFFFA0] =	vst v6;
	v6 =	vmul.f32 v7, v5;
	v7 =	vld [tilespmem:s20+$0x10]  }
0xf6: {  	[tilespmem:s20+$0xFFFFFFB0] =	vst v4;
	v4 =	vmul.f32 v8, v5;
	v8 =	vld [tilespmem:s20+$0x20]  }
0xf7: {  	[tilespmem:s20+$0xFFFFFFC0] =	vst v6;
	v6 =	vmul.f32 v9, v5;
	v12 =	vld [tilespmem:s20+$0x30]  }
0xf8: {  	[tilespmem:s20+$0xFFFFFFD0] =	vst v4;
	v4 =	vmul.f32 v10, v5;
	v10 =	vld [tilespmem:s20+$0x40]  }
.Ltmp0:
0xf9: {  	[tilespmem:s20+$0xFFFFFFE0] =	vst v6;
	v6 =	vmul.f32 v11, v3;
	v5 =	vld [tilespmem:s20+$0x50];
	(pc) =	sbr.rel @p3 .LBB2_3-.Ltmp0, $4  }
0xfa: {  	[tilespmem:s20+$0xFFFFFFF0] =	vst v4;
	v7 =	vmul.f32 v7, v3;
	v4 =	vld [tilespmem:s20+$0x60]  }
0xfb: {  	s23 =	sadd.s32 $0x3, s22;
	v11 =	vmov s22;
	[tilespmem:s20+$0x0] =	vst v6;
	v14 =	vmul.f32 v8, v3;
	v9 =	vld [tilespmem:s20+$0x80]  }
0xfc: {  	s7 =	sadd.s32 $0x1, s22;
	v13 =	vand.u32 $0xFFFFFFFC, v11;
	v6 =	vmov s23;
	[tilespmem:s20+$0x10] =	vst v7;
	v11 =	vmul.f32 v12, v3;
	v8 =	vld [tilespmem:s20+$0x90]  }
0xfd: {  	s23 =	sadd.s32 $0x2, s22;
	s22 =	sadd.s32 $0x4, s22;
	v7 =	vbroadcast v13, $0x0;
	v13 =	vmov s7;
	[tilespmem:s20+$0x20] =	vst v14;
	v12 =	vmul.f32 v10, v3;
	v10 =	vld [tilespmem:s20+$0xA0]  }
0xfe: {  	v14 =	vld [tilespmem:s20+$0xB0]  }
0xff: {  	v16 =	vld [tilespmem:s20+$0xC0]  }
0x100: {  	v15 =	vmov s23;
	v17 =	vld [tilespmem:s20+$0xD0]  }
0x101: {  	v18 =	vld [tilespmem:s20+$0xE0];
	[tilespmem:s20+$0x30] =	vst v11;
	v5 =	vmul.f32 v5, v3;
	v15 =	vand.u32 $0xFFFFFFFE, v15  }
0x102: {  	v13 =	vand.u32 $0xFFFFFFFD, v13;
	v6 =	vld.idx.msk [tilespmem:v6+s8+$0x0], $0xffff;
	[tilespmem:s20+$0x40] =	vst v12;
	v3 =	vmul.f32 v4, v3;
	v15 =	vbroadcast v15, $0x0  }
0x103: {  	s22 =	sadd.s32 $0x200, s20;
	v13 =	vbroadcast v13, $0x0;
	v4 =	vld.idx.msk [tilespmem:v7+s8+$0x0], $0xffff;
	v9 =	vmul.f32 v9, v2;
	[tilespmem:s20+$0x50] =	vst v5  }
0x104: {  	v11 =	vld [tilespmem:s22+$0xFFFFFF00];
	v5 =	vmul.f32 v8, v2;
	[tilespmem:s20+$0x60] =	vst v3  }
0x105: {  	[tilespmem:s20+$0x80] =	vst v9;
	v9 =	vld [tilespmem:s20+$0xF0];
	v3 =	vmul.f32 v10, v2  }
0x106: {  	v12 =	vld [tilespmem:s22+$0xFFFFFF10];
	[tilespmem:s20+$0x90] =	vst v5;
	v5 =	vmul.f32 v14, v2  }
0x107: {  	v10 =	vld [tilespmem:s22+$0x70];
	[tilespmem:s20+$0xA0] =	vst v3;
	v3 =	vmul.f32 v16, v2  }
0x108: {  	[tilespmem:s20+$0xB0] =	vst v5;
	v5 =	vmul.f32 v17, v2;
	v8 =	vld.idx.msk [tilespmem:v15+s8+$0x0], $0xffff  }
0x109: {  	v7 =	vld.idx.msk [tilespmem:v13+s8+$0x0], $0xffff;
	[tilespmem:s21+$0xC0] =	vst v3;
	v3 =	vmul.f32 v18, v2  }
0x10a: {  	v13 =	vld [tilespmem:s22+$0xFFFFFF20];
	[tilespmem:s21+$0xD0] =	vst v5;
	v2 =	vmul.f32 v9, v2  }
0x10b: {  	v5 =	vld [tilespmem:s22+$0xFFFFFF30];
	[tilespmem:s21+$0xE0] =	vst v3  }
0x10c: {  	v3 =	vld [tilespmem:s22+$0xFFFFFF40];
	[tilespmem:s21+$0xF0] =	vst v2;
	v2 =	vmul.f32 v11, v4  }
0x10d: {  	v9 =	vmul.f32 v10, v8;
	v10 =	vld [tilespmem:s22+$0xFFFFFF50]  }
0x10e: {  	v11 =	vmul.f32 v12, v4;
	v12 =	vld [tilespmem:s22+$0xFFFFFF60];
	[tilespmem:s22+$0xFFFFFF00] =	vst v2  }
0x10f: {  	v2 =	vmul.f32 v13, v4;
	[tilespmem:s22+$0x70] =	vst v9;
	v9 =	vld [tilespmem:s22+$0xFFFFFF70]  }
0x110: {  	[tilespmem:s22+$0xFFFFFF10] =	vst v11;
	v11 =	vld [tilespmem:s22+$0xFFFFFF80];
	v5 =	vmul.f32 v5, v4  }
0x111: {  	[tilespmem:s22+$0xFFFFFF20] =	vst v2;
	v2 =	vmul.f32 v3, v4;
	v3 =	vld [tilespmem:s22+$0xFFFFFF90]  }
0x112: {  	[tilespmem:s22+$0xFFFFFF30] =	vst v5;
	v5 =	vmul.f32 v10, v4;
	v10 =	vld [tilespmem:s22+$0xFFFFFFA0]  }
0x113: {  	[tilespmem:s22+$0xFFFFFF40] =	vst v2;
	v2 =	vmul.f32 v12, v4;
	v12 =	vld [tilespmem:s22+$0xFFFFFFB0]  }
0x114: {  	[tilespmem:s22+$0xFFFFFF50] =	vst v5;
	v4 =	vmul.f32 v9, v4;
	v5 =	vld [tilespmem:s22+$0xFFFFFFC0]  }
0x115: {  	[tilespmem:s22+$0xFFFFFF60] =	vst v2;
	v2 =	vmul.f32 v11, v7;
	v9 =	vld [tilespmem:s22+$0xFFFFFFD0]  }
0x116: {  	v3 =	vmul.f32 v3, v7;
	[tilespmem:s22+$0xFFFFFF70] =	vst v4;
	v4 =	vld [tilespmem:s22+$0xFFFFFFE0]  }
0x117: {  	[tilespmem:s22+$0xFFFFFF80] =	vst v2;
	v2 =	vmul.f32 v10, v7;
	v10 =	vld [tilespmem:s22+$0xFFFFFFF0]  }
0x118: {  	v11 =	vld [tilespmem:s22+$0x0];
	[tilespmem:s22+$0xFFFFFF90] =	vst v3;
	v3 =	vmul.f32 v12, v7  }
0x119: {  	[tilespmem:s22+$0xFFFFFFA0] =	vst v2;
	v2 =	vmul.f32 v5, v7;
	v5 =	vld [tilespmem:s22+$0x10]  }
0x11a: {  	[tilespmem:s22+$0xFFFFFFB0] =	vst v3;
	v3 =	vmul.f32 v9, v7;
	v9 =	vld [tilespmem:s22+$0x20]  }
0x11b: {  	[tilespmem:s22+$0xFFFFFFC0] =	vst v2;
	v2 =	vmul.f32 v4, v7;
	v4 =	vld [tilespmem:s22+$0x30]  }
0x11c: {  	[tilespmem:s22+$0xFFFFFFD0] =	vst v3;
	v3 =	vmul.f32 v10, v7;
	v7 =	vld [tilespmem:s22+$0x40]  }
0x11d: {  	v10 =	vld [tilespmem:s22+$0x50];
	[tilespmem:s22+$0xFFFFFFE0] =	vst v2;
	v2 =	vmul.f32 v11, v8  }
0x11e: {  	[tilespmem:s22+$0xFFFFFFF0] =	vst v3;
	v3 =	vmul.f32 v5, v8;
	v5 =	vld [tilespmem:s22+$0x60]  }
0x11f: {  	[tilespmem:s22+$0x0] =	vst v2;
	v2 =	vmul.f32 v9, v8;
	v9 =	vld [tilespmem:s22+$0x80]  }
0x120: {  	[tilespmem:s22+$0x10] =	vst v3;
	v3 =	vmul.f32 v4, v8;
	v4 =	vld [tilespmem:s22+$0x90]  }
0x121: {  	[tilespmem:s22+$0x20] =	vst v2;
	v2 =	vmul.f32 v7, v8;
	v7 =	vld [tilespmem:s22+$0xA0]  }
0x122: {  	[tilespmem:s22+$0x30] =	vst v3;
	v3 =	vmul.f32 v10, v8;
	v10 =	vld [tilespmem:s22+$0xB0]  }
0x123: {  	[tilespmem:s22+$0x40] =	vst v2;
	v2 =	vmul.f32 v5, v8;
	v5 =	vld [tilespmem:s22+$0xC0]  }
0x124: {  	v8 =	vld [tilespmem:s22+$0xD0];
	[tilespmem:s22+$0x50] =	vst v3;
	v3 =	vmul.f32 v9, v6  }
0x125: {  	[tilespmem:s22+$0x60] =	vst v2;
	v2 =	vmul.f32 v4, v6;
	v4 =	vld [tilespmem:s22+$0xE0]  }
0x126: {  	[tilespmem:s22+$0x80] =	vst v3;
	v3 =	vmul.f32 v7, v6;
	v7 =	vld [tilespmem:s22+$0xF0]  }
0x127: {  	[tilespmem:s22+$0x90] =	vst v2;
	v2 =	vmul.f32 v10, v6  }
0x128: {  	[tilespmem:s22+$0xA0] =	vst v3;
	v3 =	vmul.f32 v5, v6  }
0x129: {  	[tilespmem:s22+$0xB0] =	vst v2;
	v2 =	vmul.f32 v8, v6  }
0x12a: {  	[tilespmem:s22+$0xC0] =	vst v3;
	v3 =	vmul.f32 v4, v6  }
0x12b: {  	[tilespmem:s22+$0xD0] =	vst v2;
	v2 =	vmul.f32 v7, v6  }
0x12c: {  	[tilespmem:s22+$0xE0] =	vst v3  }
0x12d: {  	[tilespmem:s22+$0xF0] =	vst v2  }
0x12e: {  	[spmem:s5] =	stream.indirect.scatter.add.f32 [tilespmem:s1], [sflag:$0x3], $0x80, s30, s31, $0xb8;
	[tilespmem:$0x1CE78] =	vst v63  }
0x12f: {  	_ =	swait.ge [sflag:s29], $0x4000  }
0x130: {  	s7 =	simm.s32 @!p1 $0x80;
	[sflag:s29] =	ssyncset.done $0x0  }
0x131: {  	s20 =	simm.s32 @!p1 $0x100;
	s21 =	simm.s32 @!p1 $0x5200;
	[sflag:s29] =	ssyncadd.s32 $0xFFFFC000  }
0x132: {  	[spmem:s6] =	stream.indirect.scatter.add.f32 @!p1 [tilespmem:s21], [sflag:$0x3], $0x1, s20, s7, $0xb8;
	[tilespmem:$0x1CE78] =	vst v63  }
0x133: {  	s7 =	simm.s32 @!p1 $0x3  }
0x134: {  	_ =	swait.ge @!p1 [sflag:s7], $0x80  }
0x135: {  	[sflag:s7] =	ssyncset.done @!p1 $0x0  }
0x136: {  	[sflag:s7] =	ssyncadd.s32 @!p1 $0xFFFFFF80  }
0x137: {  	v2 =	vld [tilespmem:$0x80]  }
0x138: {  	v3 =	vld [tilespmem:$0x180];
	_ =	sdelay $0x4  }
0x139: {  	v4 =	vadd.s32 v0, v2  }
0x13a: {  	[tilespmem:$0x280] =	vst v4  }
0x13b: {  	v2 =	vld.idx.msk [tilespmem:v2+s25+$0x0], $0xffff  }
0x13c: {  	v3 =	vld.idx.msk [tilespmem:v3+s28+$0x0], $0xffff;
	_ =	sdelay $0x4  }
0x13d: {  	v2 =	vadd.f32 v3, v2;
	_ =	sdelay $0x1  }
0x13e: {  	v3 =	vmul.f32 $2.000000030e-01, v2  }
0x13f: {  	vm0 =	vge.f32 v2, $0.0e+00  }
0x140: {  	v2 =	vsel vm0, v2, v3  }
0x141: {  	v2 =	vmul.f32 $1.442695020e+00, v2;
	_ =	sdelay $0x1  }
0x142: {  	(erf) = vpow2.f32 v2;
	_ =	sdelay $0x4  }
0x143: {  	v2 =	vld [tilespmem:$0x90]  }
0x144: {  	v3 =	vld [tilespmem:$0x190];
	_ =	sdelay $0x2  }
0x145: {  	v4 =	vpop (erf)  }
0x146: {  	[tilespmem:$0x5280] =	vst v4  }
0x147: {  	[tilespmem:$0x5300] =	vst v4;
	v4 =	vadd.s32 v0, v2  }
0x148: {  	[tilespmem:$0x290] =	vst v4  }
0x149: {  	v2 =	vld.idx.msk [tilespmem:v2+s25+$0x0], $0xffff  }
0x14a: {  	v3 =	vld.idx.msk [tilespmem:v3+s28+$0x0], $0xffff;
	_ =	sdelay $0x4  }
0x14b: {  	v2 =	vadd.f32 v3, v2;
	_ =	sdelay $0x1  }
0x14c: {  	v3 =	vmul.f32 $2.000000030e-01, v2  }
0x14d: {  	vm9 =	vge.f32 v2, $0.0e+00  }
0x14e: {  	v2 =	vsel vm9, v2, v3  }
0x14f: {  	v2 =	vmul.f32 $1.442695020e+00, v2;
	_ =	sdelay $0x1  }
0x150: {  	(erf) = vpow2.f32 v2;
	_ =	sdelay $0x4  }
0x151: {  	v2 =	vld [tilespmem:$0xA0]  }
0x152: {  	v3 =	vld [tilespmem:$0x1A0];
	_ =	sdelay $0x2  }
0x153: {  	v4 =	vpop (erf)  }
0x154: {  	[tilespmem:$0x5290] =	vst v4  }
0x155: {  	[tilespmem:$0x5310] =	vst v4;
	v4 =	vadd.s32 v0, v2  }
0x156: {  	[tilespmem:$0x2A0] =	vst v4  }
0x157: {  	v2 =	vld.idx.msk [tilespmem:v2+s25+$0x0], $0xffff  }
0x158: {  	v3 =	vld.idx.msk [tilespmem:v3+s28+$0x0], $0xffff;
	_ =	sdelay $0x4  }
0x159: {  	v2 =	vadd.f32 v3, v2;
	_ =	sdelay $0x1  }
0x15a: {  	v3 =	vmul.f32 $2.000000030e-01, v2  }
0x15b: {  	vm10 =	vge.f32 v2, $0.0e+00  }
0x15c: {  	v2 =	vsel vm10, v2, v3  }
0x15d: {  	v2 =	vmul.f32 $1.442695020e+00, v2;
	_ =	sdelay $0x1  }
0x15e: {  	(erf) = vpow2.f32 v2;
	_ =	sdelay $0x4  }
0x15f: {  	v2 =	vld [tilespmem:$0xB0]  }
0x160: {  	v3 =	vld [tilespmem:$0x1B0];
	_ =	sdelay $0x2  }
0x161: {  	v4 =	vpop (erf)  }
0x162: {  	[tilespmem:$0x52A0] =	vst v4  }
0x163: {  	[tilespmem:$0x5320] =	vst v4;
	v4 =	vadd.s32 v0, v2  }
0x164: {  	[tilespmem:$0x2B0] =	vst v4  }
0x165: {  	v2 =	vld.idx.msk [tilespmem:v2+s25+$0x0], $0xffff  }
0x166: {  	v3 =	vld.idx.msk [tilespmem:v3+s28+$0x0], $0xffff;
	_ =	sdelay $0x4  }
0x167: {  	v2 =	vadd.f32 v3, v2;
	_ =	sdelay $0x1  }
0x168: {  	v3 =	vmul.f32 $2.000000030e-01, v2  }
0x169: {  	vm11 =	vge.f32 v2, $0.0e+00  }
0x16a: {  	v2 =	vsel vm11, v2, v3  }
0x16b: {  	v2 =	vmul.f32 $1.442695020e+00, v2;
	_ =	sdelay $0x1  }
0x16c: {  	(erf) = vpow2.f32 v2;
	_ =	sdelay $0x4  }
0x16d: {  	v2 =	vld [tilespmem:$0xC0]  }
0x16e: {  	v3 =	vld [tilespmem:$0x1C0];
	_ =	sdelay $0x2  }
0x16f: {  	v4 =	vpop (erf)  }
0x170: {  	[tilespmem:$0x52B0] =	vst v4  }
0x171: {  	[tilespmem:$0x5330] =	vst v4;
	v4 =	vadd.s32 v0, v2  }
0x172: {  	[tilespmem:$0x2C0] =	vst v4  }
0x173: {  	v2 =	vld.idx.msk [tilespmem:v2+s25+$0x0], $0xffff  }
0x174: {  	v3 =	vld.idx.msk [tilespmem:v3+s28+$0x0], $0xffff;
	_ =	sdelay $0x4  }
0x175: {  	v2 =	vadd.f32 v3, v2;
	_ =	sdelay $0x1  }
0x176: {  	v3 =	vmul.f32 $2.000000030e-01, v2  }
0x177: {  	vm12 =	vge.f32 v2, $0.0e+00  }
0x178: {  	v2 =	vsel vm12, v2, v3  }
0x179: {  	v2 =	vmul.f32 $1.442695020e+00, v2;
	_ =	sdelay $0x1  }
0x17a: {  	(erf) = vpow2.f32 v2;
	_ =	sdelay $0x4  }
0x17b: {  	v2 =	vld [tilespmem:$0xD0]  }
0x17c: {  	v3 =	vld [tilespmem:$0x1D0];
	_ =	sdelay $0x2  }
0x17d: {  	v4 =	vpop (erf)  }
0x17e: {  	[tilespmem:$0x52C0] =	vst v4  }
0x17f: {  	[tilespmem:$0x5340] =	vst v4;
	v4 =	vadd.s32 v0, v2  }
0x180: {  	[tilespmem:$0x2D0] =	vst v4  }
0x181: {  	v2 =	vld.idx.msk [tilespmem:v2+s25+$0x0], $0xffff  }
0x182: {  	v3 =	vld.idx.msk [tilespmem:v3+s28+$0x0], $0xffff;
	_ =	sdelay $0x4  }
0x183: {  	v2 =	vadd.f32 v3, v2;
	_ =	sdelay $0x1  }
0x184: {  	v3 =	vmul.f32 $2.000000030e-01, v2  }
0x185: {  	vm13 =	vge.f32 v2, $0.0e+00  }
0x186: {  	v2 =	vsel vm13, v2, v3  }
0x187: {  	v2 =	vmul.f32 $1.442695020e+00, v2;
	_ =	sdelay $0x1  }
0x188: {  	(erf) = vpow2.f32 v2;
	_ =	sdelay $0x4  }
0x189: {  	v2 =	vld [tilespmem:$0xE0]  }
0x18a: {  	v3 =	vld [tilespmem:$0x1E0];
	_ =	sdelay $0x2  }
0x18b: {  	v4 =	vpop (erf)  }
0x18c: {  	[tilespmem:$0x52D0] =	vst v4  }
0x18d: {  	[tilespmem:$0x5350] =	vst v4;
	v4 =	vadd.s32 v0, v2  }
0x18e: {  	[tilespmem:$0x2E0] =	vst v4  }
0x18f: {  	v2 =	vld.idx.msk [tilespmem:v2+s25+$0x0], $0xffff  }
0x190: {  	v3 =	vld.idx.msk [tilespmem:v3+s28+$0x0], $0xffff;
	_ =	sdelay $0x4  }
0x191: {  	v2 =	vadd.f32 v3, v2;
	_ =	sdelay $0x1  }
0x192: {  	v3 =	vmul.f32 $2.000000030e-01, v2  }
0x193: {  	vm14 =	vge.f32 v2, $0.0e+00  }
0x194: {  	v2 =	vsel vm14, v2, v3  }
0x195: {  	v2 =	vmul.f32 $1.442695020e+00, v2;
	_ =	sdelay $0x1  }
0x196: {  	(erf) = vpow2.f32 v2;
	_ =	sdelay $0x4  }
0x197: {  	v2 =	vld [tilespmem:$0xF0]  }
0x198: {  	v3 =	vld [tilespmem:$0x1F0];
	_ =	sdelay $0x2  }
0x199: {  	v4 =	vpop (erf)  }
0x19a: {  	[tilespmem:$0x52E0] =	vst v4  }
0x19b: {  	[tilespmem:$0x5360] =	vst v4;
	v4 =	vadd.s32 v0, v2  }
0x19c: {  	[tilespmem:$0x2F0] =	vst v4  }
0x19d: {  	v2 =	vld.idx.msk [tilespmem:v2+s25+$0x0], $0xffff  }
0x19e: {  	v3 =	vld.idx.msk [tilespmem:v3+s28+$0x0], $0xffff;
	_ =	sdelay $0x4  }
0x19f: {  	v2 =	vadd.f32 v3, v2;
	_ =	sdelay $0x1  }
0x1a0: {  	v3 =	vmul.f32 $2.000000030e-01, v2  }
0x1a1: {  	vm15 =	vge.f32 v2, $0.0e+00  }
0x1a2: {  	v2 =	vsel vm15, v2, v3  }
0x1a3: {  	v2 =	vmul.f32 $1.442695020e+00, v2;
	_ =	sdelay $0x1  }
0x1a4: {  	(erf) = vpow2.f32 v2;
	_ =	sdelay $0x6  }
0x1a5: {  	s20 =	simm.s32 $0x0  }
0x1a6: {  	v2 =	vmov s20  }
0x1a7: {  	v2 =	vand.u32 $0xFFFFFFFC, v2;
	v3 =	vpop (erf)  }
0x1a8: {  	v2 =	vbroadcast v2, $0x0;
	[tilespmem:$0x52F0] =	vst v3  }
0x1a9: {  	s21 =	simm.s32 $0x2;
	[tilespmem:$0x5370] =	vst v3  }
0x1aa: {  	[tilespmem:s1], [sflag:$0x1] =	stream.indirect.gather [hbm4b:s9+s31], $0x80, s10, s31, $0xb8;
	[tilespmem:$0x1CE78] =	vst v63  }
0x1ab: {  	v4 =	vmov s21;
	_ =	swait.ge [sflag:s2], $0x4000  }
0x1ac: {  	v4 =	vand.u32 $0xFFFFFFFE, v4;
	[sflag:s2] =	ssyncset.done $0x0  }
0x1ad: {  	v3 =	vbroadcast v4, $0x0;
	[sflag:s2] =	ssyncadd.s32 $0xFFFFC000  }
0x1ae: {  	s20 =	simm.s32 $0x5480;
	v2 =	vld.idx.msk [tilespmem:v2+s8+$0x0], $0xffff  }
0x1af: {  	v5 =	vld [tilespmem:s20+$0x70]  }
0x1b0: {  	s22 =	simm.s32 $0x1;
	v6 =	vld [tilespmem:s20+$0xFFFFFF00]  }
0x1b1: {  	v4 =	vmov s22;
	v7 =	vld [tilespmem:s20+$0xFFFFFF10]  }
0x1b2: {  	v4 =	vand.u32 $0xFFFFFFFD, v4;
	v8 =	vld [tilespmem:s20+$0xFFFFFF20]  }
0x1b3: {  	v4 =	vbroadcast v4, $0x0;
	v3 =	vld.idx.msk [tilespmem:v3+s8+$0x0], $0xffff  }
0x1b4: {  	v9 =	vld [tilespmem:s20+$0xFFFFFF30]  }
0x1b5: {  	v10 =	vld [tilespmem:s20+$0xFFFFFF40]  }
0x1b6: {  	v11 =	vld [tilespmem:s20+$0xFFFFFF50]  }
0x1b7: {  	v12 =	vld [tilespmem:s20+$0xFFFFFF60];
	v6 =	vmul.f32 v6, v2  }
0x1b8: {  	v14 =	vld [tilespmem:s20+$0x40];
	v5 =	vmul.f32 v5, v3  }
0x1b9: {  	v4 =	vld.idx.msk [tilespmem:v4+s8+$0x0], $0xffff;
	[tilespmem:s20+$0xFFFFFF00] =	vst v6;
	v6 =	vmul.f32 v7, v2  }
0x1ba: {  	v7 =	vld [tilespmem:s20+$0xFFFFFF70];
	[tilespmem:s20+$0x70] =	vst v5;
	v5 =	vmul.f32 v8, v2  }
0x1bb: {  	v8 =	vld [tilespmem:s20+$0xFFFFFF80];
	[tilespmem:s20+$0xFFFFFF10] =	vst v6;
	v6 =	vmul.f32 v9, v2  }
0x1bc: {  	v9 =	vld [tilespmem:s20+$0xFFFFFF90];
	[tilespmem:s20+$0xFFFFFF20] =	vst v5;
	v5 =	vmul.f32 v10, v2  }
0x1bd: {  	v10 =	vld [tilespmem:s20+$0xFFFFFFA0];
	[tilespmem:s20+$0xFFFFFF30] =	vst v6;
	v6 =	vmul.f32 v11, v2  }
0x1be: {  	v11 =	vld [tilespmem:s20+$0xFFFFFFB0];
	[tilespmem:s20+$0xFFFFFF40] =	vst v5;
	v5 =	vmul.f32 v12, v2  }
0x1bf: {  	v12 =	vld [tilespmem:s20+$0xFFFFFFC0];
	v7 =	vmul.f32 v7, v2;
	[tilespmem:s20+$0xFFFFFF50] =	vst v6  }
0x1c0: {  	v6 =	vmul.f32 v8, v4;
	v8 =	vld [tilespmem:s20+$0xFFFFFFD0];
	[tilespmem:s20+$0xFFFFFF60] =	vst v5  }
0x1c1: {  	s23 =	simm.s32 $0x3;
	v5 =	vld [tilespmem:s20+$0xFFFFFFE0];
	v9 =	vmul.f32 v9, v4;
	[tilespmem:s20+$0xFFFFFF70] =	vst v7  }
0x1c2: {  	v13 =	vmov s23;
	v7 =	vld [tilespmem:s20+$0xFFFFFFF0];
	[tilespmem:s20+$0xFFFFFF80] =	vst v6;
	v6 =	vmul.f32 v10, v4  }
0x1c3: {  	v10 =	vld [tilespmem:s20+$0x0];
	[tilespmem:s20+$0xFFFFFF90] =	vst v9;
	v9 =	vmul.f32 v11, v4  }
0x1c4: {  	v11 =	vld [tilespmem:s20+$0x10];
	[tilespmem:s20+$0xFFFFFFA0] =	vst v6;
	v6 =	vmul.f32 v12, v4  }
0x1c5: {  	[tilespmem:s20+$0xFFFFFFB0] =	vst v9;
	v8 =	vmul.f32 v8, v4;
	v9 =	vld [tilespmem:s20+$0x20]  }
0x1c6: {  	v12 =	vld [tilespmem:s20+$0x30];
	[tilespmem:s20+$0xFFFFFFC0] =	vst v6;
	v5 =	vmul.f32 v5, v4  }
0x1c7: {  	v2 =	vld.idx.msk [tilespmem:v13+s8+$0x0], $0xffff;
	v4 =	vmul.f32 v7, v4;
	[tilespmem:s20+$0xFFFFFFD0] =	vst v8  }
0x1c8: {  	v6 =	vmul.f32 v10, v3;
	[tilespmem:s20+$0xFFFFFFE0] =	vst v5;
	v5 =	vld [tilespmem:s20+$0x50]  }
0x1c9: {  	s21 =	simm.s32 $0x4;
	[tilespmem:s20+$0xFFFFFFF0] =	vst v4;
	v7 =	vmul.f32 v11, v3;
	v4 =	vld [tilespmem:s20+$0x60]  }
0x1ca: {  	s22 =	simm.s32 $0x7;
	v8 =	vmov s21;
	[tilespmem:s20+$0x0] =	vst v6;
	v10 =	vmul.f32 v9, v3;
	v9 =	vld [tilespmem:s20+$0x80]  }
0x1cb: {  	s23 =	simm.s32 $0x5;
	v13 =	vand.u32 $0xFFFFFFFC, v8;
	v8 =	vld [tilespmem:s20+$0x90];
	v6 =	vmov s22;
	v11 =	vmul.f32 v12, v3;
	[tilespmem:s20+$0x10] =	vst v7  }
0x1cc: {  	s21 =	simm.s32 $0x5480;
	s22 =	simm.s32 $0x8;
	v12 =	vmul.f32 v14, v3;
	v7 =	vbroadcast v13, $0x0;
	v13 =	vmov s23;
	s23 =	simm.s32 $0x6;
	[tilespmem:s20+$0x20] =	vst v10;
	v10 =	vld [tilespmem:s20+$0xA0]  }
.LBB2_5:
0x1cd: {  	p3 =	slt.u32 s22, $0x7C;
	v13 =	vand.u32 $0xFFFFFFFD, v13;
	v14 =	vmov s23;
	[tilespmem:s20+$0x30] =	vst v11;
	v5 =	vmul.f32 v5, v3;
	v11 =	vld [tilespmem:s20+$0xB0]  }
0x1ce: {  	v13 =	vbroadcast v13, $0x0;
	v14 =	vand.u32 $0xFFFFFFFE, v14;
	[tilespmem:s20+$0x40] =	vst v12;
	v3 =	vmul.f32 v4, v3;
	v4 =	vld [tilespmem:s20+$0xC0]  }
0x1cf: {  	v12 =	vbroadcast v14, $0x0;
	[tilespmem:s20+$0x50] =	vst v5;
	v5 =	vmul.f32 v9, v2;
	v9 =	vld [tilespmem:s20+$0xD0]  }
0x1d0: {  	[tilespmem:s20+$0x60] =	vst v3;
	v3 =	vmul.f32 v8, v2;
	v8 =	vld [tilespmem:s20+$0xE0]  }
0x1d1: {  	[tilespmem:s20+$0x80] =	vst v5;
	v5 =	vmul.f32 v10, v2;
	v10 =	vld [tilespmem:s20+$0xF0]  }
0x1d2: {  	v6 =	vld.idx.msk [tilespmem:v6+s8+$0x0], $0xffff;
	[tilespmem:s20+$0x90] =	vst v3;
	v3 =	vmul.f32 v11, v2  }
0x1d3: {  	v7 =	vld.idx.msk [tilespmem:v7+s8+$0x0], $0xffff;
	[tilespmem:s20+$0xA0] =	vst v5;
	v4 =	vmul.f32 v4, v2  }
0x1d4: {  	v5 =	vld.idx.msk [tilespmem:v13+s8+$0x0], $0xffff;
	[tilespmem:s20+$0xB0] =	vst v3;
	v9 =	vmul.f32 v9, v2  }
0x1d5: {  	s20 =	sadd.s32 $0x200, s20;
	v3 =	vld.idx.msk [tilespmem:v12+s8+$0x0], $0xffff;
	[tilespmem:s21+$0xC0] =	vst v4;
	v4 =	vmul.f32 v8, v2  }
0x1d6: {  	v8 =	vld [tilespmem:s20+$0x70];
	[tilespmem:s21+$0xD0] =	vst v9;
	v10 =	vmul.f32 v10, v2  }
0x1d7: {  	v9 =	vld [tilespmem:s20+$0xFFFFFF00];
	[tilespmem:s21+$0xE0] =	vst v4  }
0x1d8: {  	v2 =	vmov v6;
	v4 =	vld [tilespmem:s20+$0xFFFFFF10];
	[tilespmem:s21+$0xF0] =	vst v10;
	s21 =	smov.u32 s20  }
0x1d9: {  	v6 =	vld [tilespmem:s20+$0xFFFFFF20]  }
0x1da: {  	v10 =	vld [tilespmem:s20+$0xFFFFFF30]  }
0x1db: {  	v11 =	vld [tilespmem:s20+$0xFFFFFF40];
	v8 =	vmul.f32 v8, v3  }
0x1dc: {  	v9 =	vmul.f32 v9, v7;
	v12 =	vld [tilespmem:s20+$0xFFFFFF50]  }
0x1dd: {  	v4 =	vmul.f32 v4, v7;
	v13 =	vld [tilespmem:s20+$0xFFFFFF60];
	[tilespmem:s20+$0x70] =	vst v8  }
0x1de: {  	[tilespmem:s20+$0xFFFFFF00] =	vst v9;
	v6 =	vmul.f32 v6, v7;
	v8 =	vld [tilespmem:s20+$0xFFFFFF70]  }
0x1df: {  	[tilespmem:s20+$0xFFFFFF10] =	vst v4;
	v4 =	vmul.f32 v10, v7;
	v9 =	vld [tilespmem:s20+$0xFFFFFF80]  }
0x1e0: {  	[tilespmem:s20+$0xFFFFFF20] =	vst v6;
	v6 =	vmul.f32 v11, v7;
	v10 =	vld [tilespmem:s20+$0xFFFFFF90]  }
0x1e1: {  	[tilespmem:s20+$0xFFFFFF30] =	vst v4;
	v4 =	vmul.f32 v12, v7;
	v11 =	vld [tilespmem:s20+$0xFFFFFFA0]  }
0x1e2: {  	[tilespmem:s20+$0xFFFFFF40] =	vst v6;
	v6 =	vmul.f32 v13, v7;
	v12 =	vld [tilespmem:s20+$0xFFFFFFB0]  }
0x1e3: {  	[tilespmem:s20+$0xFFFFFF50] =	vst v4;
	v4 =	vmul.f32 v8, v7;
	v7 =	vld [tilespmem:s20+$0xFFFFFFC0]  }
0x1e4: {  	[tilespmem:s20+$0xFFFFFF60] =	vst v6;
	v6 =	vmul.f32 v9, v5;
	v8 =	vld [tilespmem:s20+$0xFFFFFFD0]  }
0x1e5: {  	[tilespmem:s20+$0xFFFFFF70] =	vst v4;
	v4 =	vmul.f32 v10, v5;
	v9 =	vld [tilespmem:s20+$0xFFFFFFE0]  }
0x1e6: {  	[tilespmem:s20+$0xFFFFFF80] =	vst v6;
	v6 =	vmul.f32 v11, v5;
	v10 =	vld [tilespmem:s20+$0xFFFFFFF0]  }
0x1e7: {  	[tilespmem:s20+$0xFFFFFF90] =	vst v4;
	v4 =	vmul.f32 v12, v5;
	v11 =	vld [tilespmem:s20+$0x0]  }
0x1e8: {  	[tilespmem:s20+$0xFFFFFFA0] =	vst v6;
	v6 =	vmul.f32 v7, v5;
	v7 =	vld [tilespmem:s20+$0x10]  }
0x1e9: {  	[tilespmem:s20+$0xFFFFFFB0] =	vst v4;
	v4 =	vmul.f32 v8, v5;
	v8 =	vld [tilespmem:s20+$0x20]  }
0x1ea: {  	[tilespmem:s20+$0xFFFFFFC0] =	vst v6;
	v6 =	vmul.f32 v9, v5;
	v12 =	vld [tilespmem:s20+$0x30]  }
0x1eb: {  	[tilespmem:s20+$0xFFFFFFD0] =	vst v4;
	v4 =	vmul.f32 v10, v5;
	v10 =	vld [tilespmem:s20+$0x40]  }
.Ltmp1:
0x1ec: {  	[tilespmem:s20+$0xFFFFFFE0] =	vst v6;
	v6 =	vmul.f32 v11, v3;
	v5 =	vld [tilespmem:s20+$0x50];
	(pc) =	sbr.rel @p3 .LBB2_5-.Ltmp1, $4  }
0x1ed: {  	[tilespmem:s20+$0xFFFFFFF0] =	vst v4;
	v7 =	vmul.f32 v7, v3;
	v4 =	vld [tilespmem:s20+$0x60]  }
0x1ee: {  	s7 =	sadd.s32 $0x3, s22;
	v11 =	vmov s22;
	[tilespmem:s20+$0x0] =	vst v6;
	v14 =	vmul.f32 v8, v3;
	v9 =	vld [tilespmem:s20+$0x80]  }
0x1ef: {  	s23 =	sadd.s32 $0x1, s22;
	v13 =	vand.u32 $0xFFFFFFFC, v11;
	v6 =	vmov s7;
	[tilespmem:s20+$0x10] =	vst v7;
	v11 =	vmul.f32 v12, v3;
	v8 =	vld [tilespmem:s20+$0x90]  }
0x1f0: {  	v7 =	vbroadcast v13, $0x0;
	v13 =	vmov s23;
	s23 =	sadd.s32 $0x2, s22;
	s22 =	sadd.s32 $0x4, s22;
	[tilespmem:s20+$0x20] =	vst v14;
	v12 =	vmul.f32 v10, v3;
	v10 =	vld [tilespmem:s20+$0xA0]  }
0x1f1: {  	v14 =	vld [tilespmem:s20+$0xB0]  }
0x1f2: {  	v16 =	vld [tilespmem:s20+$0xC0]  }
0x1f3: {  	v17 =	vld [tilespmem:s20+$0xD0]  }
0x1f4: {  	v18 =	vld [tilespmem:s20+$0xE0]  }
0x1f5: {  	v24 =	vld [tilespmem:s20+$0xF0];
	[tilespmem:s20+$0x30] =	vst v11;
	v5 =	vmul.f32 v5, v3  }
0x1f6: {  	v6 =	vld.idx.msk [tilespmem:v6+s8+$0x0], $0xffff;
	[tilespmem:s20+$0x40] =	vst v12;
	v3 =	vmul.f32 v4, v3  }
0x1f7: {  	s22 =	sadd.s32 $0x200, s20;
	v25 =	vld.idx.msk [tilespmem:v7+s8+$0x0], $0xffff;
	v9 =	vmul.f32 v9, v2;
	[tilespmem:s20+$0x50] =	vst v5  }
0x1f8: {  	v30 =	vld [tilespmem:s22+$0x70];
	v26 =	vmul.f32 v8, v2;
	[tilespmem:s20+$0x60] =	vst v3  }
0x1f9: {  	v31 =	vld [tilespmem:s22+$0xFFFFFF00];
	[tilespmem:s20+$0x80] =	vst v9;
	v3 =	vmul.f32 v10, v2  }
0x1fa: {  	v15 =	vmov s23;
	v33 =	vld [tilespmem:s22+$0xFFFFFF10];
	[tilespmem:s20+$0x90] =	vst v26;
	v29 =	vmul.f32 v14, v2  }
0x1fb: {  	v15 =	vand.u32 $0xFFFFFFFE, v15;
	v34 =	vld [tilespmem:s22+$0xFFFFFF20];
	[tilespmem:s20+$0xA0] =	vst v3;
	v3 =	vmul.f32 v16, v2  }
0x1fc: {  	v13 =	vand.u32 $0xFFFFFFFD, v13;
	v35 =	vld [tilespmem:s22+$0xFFFFFF30];
	v15 =	vbroadcast v15, $0x0;
	v32 =	vmul.f32 v17, v2;
	[tilespmem:s20+$0xB0] =	vst v29  }
0x1fd: {  	v13 =	vbroadcast v13, $0x0;
	v37 =	vld [tilespmem:s22+$0xFFFFFF50];
	[tilespmem:s21+$0xC0] =	vst v3;
	v3 =	vmul.f32 v18, v2  }
0x1fe: {  	v39 =	vld [tilespmem:s22+$0xFFFFFF60];
	[tilespmem:s21+$0xD0] =	vst v32;
	v2 =	vmul.f32 v24, v2  }
0x1ff: {  	v38 =	vmul.f32 v33, v25;
	[tilespmem:s21+$0xE0] =	vst v3;
	v3 =	vld [tilespmem:s22+$0xFFFFFF40]  }
0x200: {  	v40 =	vld [tilespmem:s22+$0xFFFFFF70];
	[tilespmem:s21+$0xF0] =	vst v2;
	v2 =	vmul.f32 v31, v25  }
0x201: {  	v41 =	vld [tilespmem:s22+$0xFFFFFF80];
	v5 =	vmul.f32 v35, v25;
	[tilespmem:s22+$0xFFFFFF10] =	vst v38  }
0x202: {  	v28 =	vld.idx.msk [tilespmem:v15+s8+$0x0], $0xffff;
	[tilespmem:s22+$0xFFFFFF00] =	vst v2;
	v2 =	vmul.f32 v34, v25  }
0x203: {  	v42 =	vmul.f32 v37, v25;
	v27 =	vld.idx.msk [tilespmem:v13+s8+$0x0], $0xffff;
	[tilespmem:s22+$0xFFFFFF30] =	vst v5  }
0x204: {  	[tilespmem:s22+$0xFFFFFF20] =	vst v2;
	v2 =	vmul.f32 v3, v25;
	v3 =	vld [tilespmem:s22+$0xFFFFFF90]  }
0x205: {  	v43 =	vld [tilespmem:s22+$0xFFFFFFA0];
	v4 =	vmul.f32 v40, v25;
	[tilespmem:s22+$0xFFFFFF50] =	vst v42  }
0x206: {  	v44 =	vld [tilespmem:s22+$0xFFFFFFB0];
	[tilespmem:s22+$0xFFFFFF40] =	vst v2;
	v2 =	vmul.f32 v39, v25  }
0x207: {  	v45 =	vld [tilespmem:s22+$0xFFFFFFC0];
	[tilespmem:s22+$0xFFFFFF70] =	vst v4;
	v36 =	vmul.f32 v30, v28  }
0x208: {  	v46 =	vld [tilespmem:s22+$0xFFFFFFD0];
	[tilespmem:s22+$0xFFFFFF60] =	vst v2;
	v2 =	vmul.f32 v41, v27  }
0x209: {  	v47 =	vld [tilespmem:s22+$0xFFFFFFE0];
	[tilespmem:s22+$0x70] =	vst v36;
	v3 =	vmul.f32 v3, v27  }
0x20a: {  	v48 =	vld [tilespmem:s22+$0xFFFFFFF0];
	[tilespmem:s22+$0xFFFFFF80] =	vst v2;
	v2 =	vmul.f32 v43, v27  }
0x20b: {  	v49 =	vld [tilespmem:s22+$0x0];
	[tilespmem:s22+$0xFFFFFF90] =	vst v3;
	v3 =	vmul.f32 v44, v27  }
0x20c: {  	v50 =	vld [tilespmem:s22+$0x10];
	[tilespmem:s22+$0xFFFFFFA0] =	vst v2;
	v2 =	vmul.f32 v45, v27  }
0x20d: {  	v51 =	vld [tilespmem:s22+$0x20];
	[tilespmem:s22+$0xFFFFFFB0] =	vst v3;
	v3 =	vmul.f32 v46, v27  }
0x20e: {  	v52 =	vld [tilespmem:s22+$0x30];
	[tilespmem:s22+$0xFFFFFFC0] =	vst v2;
	v2 =	vmul.f32 v47, v27  }
0x20f: {  	v53 =	vld [tilespmem:s22+$0x40];
	[tilespmem:s22+$0xFFFFFFD0] =	vst v3;
	v3 =	vmul.f32 v48, v27  }
0x210: {  	v54 =	vld [tilespmem:s22+$0x50];
	[tilespmem:s22+$0xFFFFFFE0] =	vst v2;
	v2 =	vmul.f32 v49, v28  }
0x211: {  	v55 =	vld [tilespmem:s22+$0x60];
	[tilespmem:s22+$0xFFFFFFF0] =	vst v3;
	v3 =	vmul.f32 v50, v28  }
0x212: {  	v56 =	vld [tilespmem:s22+$0x80];
	[tilespmem:s22+$0x0] =	vst v2;
	v2 =	vmul.f32 v51, v28  }
0x213: {  	v57 =	vld [tilespmem:s22+$0x90];
	[tilespmem:s22+$0x10] =	vst v3;
	v3 =	vmul.f32 v52, v28  }
0x214: {  	v58 =	vld [tilespmem:s22+$0xA0];
	[tilespmem:s22+$0x20] =	vst v2;
	v2 =	vmul.f32 v53, v28  }
0x215: {  	v59 =	vld [tilespmem:s22+$0xB0];
	[tilespmem:s22+$0x30] =	vst v3;
	v3 =	vmul.f32 v54, v28  }
0x216: {  	v60 =	vld [tilespmem:s22+$0xC0];
	[tilespmem:s22+$0x40] =	vst v2;
	v2 =	vmul.f32 v55, v28  }
0x217: {  	v61 =	vld [tilespmem:s22+$0xD0];
	[tilespmem:s22+$0x50] =	vst v3;
	v3 =	vmul.f32 v56, v6  }
0x218: {  	v62 =	vld [tilespmem:s22+$0xE0];
	[tilespmem:s22+$0x60] =	vst v2;
	v2 =	vmul.f32 v57, v6  }
0x219: {  	v63 =	vld [tilespmem:s22+$0xF0];
	[tilespmem:s22+$0x80] =	vst v3;
	v3 =	vmul.f32 v58, v6  }
0x21a: {  	[tilespmem:s22+$0x90] =	vst v2;
	v2 =	vmul.f32 v59, v6  }
0x21b: {  	[tilespmem:s22+$0xA0] =	vst v3;
	v3 =	vmul.f32 v60, v6  }
0x21c: {  	[tilespmem:s22+$0xB0] =	vst v2;
	v2 =	vmul.f32 v61, v6  }
0x21d: {  	[tilespmem:s22+$0xC0] =	vst v3;
	v3 =	vmul.f32 v62, v6  }
0x21e: {  	[tilespmem:s22+$0xD0] =	vst v2;
	v2 =	vmul.f32 v63, v6  }
0x21f: {  	[tilespmem:s22+$0xE0] =	vst v3  }
0x220: {  	[tilespmem:s22+$0xF0] =	vst v2  }
0x221: {  	[spmem:s5] =	stream.indirect.scatter.add.f32 [tilespmem:s1], [sflag:$0x3], $0x80, s11, s31, $0xb8;
	[tilespmem:$0x1CE78] =	vst v63  }
0x222: {  	s18 =	sadd.s32 $0x1, s18;
	_ =	swait.ge [sflag:s29], $0x4000  }
0x223: {  	s7 =	simm.s32 @!p1 $0x80;
	p3 =	sne.s32 s18, s19;
	[sflag:s29] =	ssyncset.done $0x0  }
0x224: {  	s20 =	simm.s32 @!p1 $0x180;
	s21 =	simm.s32 @!p1 $0x5280;
	[sflag:s29] =	ssyncadd.s32 $0xFFFFC000  }
0x225: {  	[spmem:s6] =	stream.indirect.scatter.add.f32 @!p1 [tilespmem:s21], [sflag:$0x2], $0x1, s20, s7, $0xb8;
	[tilespmem:$0x1CE78] =	vst v63  }
.Ltmp2:
0x226: {  	_ = 	snop;
	(pc) =	sbr.rel @p3 .LBB2_2-.Ltmp2, $4  }
0x227: {  	s7 =	simm.s32 @!p1 $0x2  }
0x228: {  	_ =	swait.ge @!p1 [sflag:s7], $0x80  }
0x229: {  	[sflag:s7] =	ssyncset.done @!p1 $0x0  }
0x22a: {  	[sflag:s7] =	ssyncadd.s32 @!p1 $0xFFFFFF80  }
0x22b: {  	[bflag:$0x0] =	sbarrier.arrive $0xFFFF  }
0x22c: {  	s7 =	simm.s32 @p2 $0x1FC2;
	s18 =	rddreg [dreg:$0xc]  }
0x22d: {  	[hbm:s18], [sflag:s7] =	dma.local @p2 [spmem:s13], $0x2800  }
0x22e: {  	s18 =	simm.s32 @p2 $0x2  }
0x22f: {  	_ =	swait.ge @p2 [sflag:s18], $0x2800  }
0x230: {  	[sflag:s18] =	ssyncset.done @p2 $0x0  }
0x231: {  	s20 =	rddreg [dreg:$0xb];
	[sflag:s18] =	ssyncadd.s32 @p2 $0xFFFFD800  }
0x232: {  	[hbm:s20], [sflag:s14] =	dma.local @!p2 [spmem:s15], $0x2700  }
0x233: {  	s20 =	simm.s32 @!p2 $0x2  }
0x234: {  	_ =	swait.ge @!p2 [sflag:s20], $0x2700  }
0x235: {  	[sflag:s20] =	ssyncset.done @!p2 $0x0  }
0x236: {  	s21 =	rddreg [dreg:$0x11];
	[sflag:s20] =	ssyncadd.s32 @!p2 $0xFFFFD900  }
0x237: {  	[hbm:s21], [sflag:s16] =	dma.local @!p0 [spmem:s17], $0x4F0  }
0x238: {  	s16 =	simm.s32 @!p0 $0x2  }
0x239: {  	_ =	swait.ge @!p0 [sflag:s16], $0x4F0  }
0x23a: {  	[sflag:s16] =	ssyncset.done @!p0 $0x0  }
0x23b: {  	[sflag:s16] =	ssyncadd.s32 @!p0 $0xFFFFFB10;
	s16 =	rddreg [dreg:$0xe]  }
0x23c: {  	[spmem:s13], [sflag:s7] =	dma.local @p2 [hbm:s16], $0x2800  }
0x23d: {  	_ =	swait.ge @p2 [sflag:s18], $0x2800  }
0x23e: {  	[sflag:s18] =	ssyncset.done @p2 $0x0  }
0x23f: {  	s7 =	rddreg [dreg:$0xd];
	[sflag:s18] =	ssyncadd.s32 @p2 $0xFFFFD800  }
0x240: {  	[spmem:s15], [sflag:s14] =	dma.local @!p2 [hbm:s7], $0x2700  }
0x241: {  	_ =	swait.ge @!p2 [sflag:s20], $0x2700  }
0x242: {  	[sflag:s20] =	ssyncset.done @!p2 $0x0  }
0x243: {  	[sflag:s20] =	ssyncadd.s32 @!p2 $0xFFFFD900  }
0x244: {  	s17 =	simm.s32 $0x0;
	s16 =	simm.s32 $0x0;
	[bflag:$0x0] =	sbarrier.arrive $0xFFFF  }
.LBB2_8:
0x245: {  	s7 =	sshll.u32 s17, $0xC  }
0x246: {  	s7 =	sor.u32 s24, s7  }
0x247: {  	s7 =	sshrl.u32 s7, $0x3  }
0x248: {  	s18 =	sadd.s32 s3, s7  }
0x249: {  	[tilespmem:s16], [sflag:$0x2] =	stream.linear.gather [hbm4b:s18+s16], $0x100, $0x38;
	[tilespmem:$0x1CE78] =	vst v63  }
0x24a: {  	_ =	swait.ge [sflag:s26], $0x100  }
0x24b: {  	[sflag:s26] =	ssyncset.done $0x0  }
0x24c: {  	s7 =	sadd.s32 s4, s7;
	[sflag:s26] =	ssyncadd.s32 $0xFFFFFF00  }
0x24d: {  	[tilespmem:s30], [sflag:$0x2] =	stream.linear.gather [hbm4b:s7+s16], $0x100, $0x38;
	[tilespmem:$0x1CE78] =	vst v63  }
0x24e: {  	_ =	swait.ge [sflag:s26], $0x100  }
0x24f: {  	[sflag:s26] =	ssyncset.done $0x0  }
0x250: {  	[sflag:s26] =	ssyncadd.s32 $0xFFFFFF00  }
0x251: {  	v2 =	vld [tilespmem:$0x0]  }
0x252: {  	v3 =	vld [tilespmem:$0x100];
	_ =	sdelay $0x4  }
0x253: {  	v4 =	vadd.s32 v1, v2  }
0x254: {  	[tilespmem:$0x200] =	vst v4  }
0x255: {  	v2 =	vld.idx.msk [tilespmem:v2+s25+$0x0], $0xffff  }
0x256: {  	v3 =	vld.idx.msk [tilespmem:v3+s28+$0x0], $0xffff;
	_ =	sdelay $0x4  }
0x257: {  	v2 =	vadd.f32 v3, v2;
	_ =	sdelay $0x1  }
0x258: {  	v3 =	vmul.f32 $2.000000030e-01, v2  }
0x259: {  	vm0 =	vge.f32 v2, $0.0e+00  }
0x25a: {  	v2 =	vsel vm0, v2, v3  }
0x25b: {  	v2 =	vmul.f32 $1.442695020e+00, v2;
	_ =	sdelay $0x1  }
0x25c: {  	(erf) = vpow2.f32 v2;
	_ =	sdelay $0x4  }
0x25d: {  	v2 =	vld [tilespmem:$0x10]  }
0x25e: {  	v3 =	vld [tilespmem:$0x110];
	_ =	sdelay $0x2  }
0x25f: {  	v4 =	vpop (erf)  }
0x260: {  	[tilespmem:$0x5200] =	vst v4  }
0x261: {  	[tilespmem:$0x5300] =	vst v4;
	v4 =	vadd.s32 v1, v2  }
0x262: {  	[tilespmem:$0x210] =	vst v4  }
0x263: {  	v2 =	vld.idx.msk [tilespmem:v2+s25+$0x0], $0xffff  }
0x264: {  	v3 =	vld.idx.msk [tilespmem:v3+s28+$0x0], $0xffff;
	_ =	sdelay $0x4  }
0x265: {  	v2 =	vadd.f32 v3, v2;
	_ =	sdelay $0x1  }
0x266: {  	v3 =	vmul.f32 $2.000000030e-01, v2  }
0x267: {  	vm9 =	vge.f32 v2, $0.0e+00  }
0x268: {  	v2 =	vsel vm9, v2, v3  }
0x269: {  	v2 =	vmul.f32 $1.442695020e+00, v2;
	_ =	sdelay $0x1  }
0x26a: {  	(erf) = vpow2.f32 v2;
	_ =	sdelay $0x4  }
0x26b: {  	v2 =	vld [tilespmem:$0x20]  }
0x26c: {  	v3 =	vld [tilespmem:$0x120];
	_ =	sdelay $0x2  }
0x26d: {  	v4 =	vpop (erf)  }
0x26e: {  	[tilespmem:$0x5210] =	vst v4  }
0x26f: {  	[tilespmem:$0x5310] =	vst v4;
	v4 =	vadd.s32 v1, v2  }
0x270: {  	[tilespmem:$0x220] =	vst v4  }
0x271: {  	v2 =	vld.idx.msk [tilespmem:v2+s25+$0x0], $0xffff  }
0x272: {  	v3 =	vld.idx.msk [tilespmem:v3+s28+$0x0], $0xffff;
	_ =	sdelay $0x4  }
0x273: {  	v2 =	vadd.f32 v3, v2;
	_ =	sdelay $0x1  }
0x274: {  	v3 =	vmul.f32 $2.000000030e-01, v2  }
0x275: {  	vm10 =	vge.f32 v2, $0.0e+00  }
0x276: {  	v2 =	vsel vm10, v2, v3  }
0x277: {  	v2 =	vmul.f32 $1.442695020e+00, v2;
	_ =	sdelay $0x1  }
0x278: {  	(erf) = vpow2.f32 v2;
	_ =	sdelay $0x4  }
0x279: {  	v2 =	vld [tilespmem:$0x30]  }
0x27a: {  	v3 =	vld [tilespmem:$0x130];
	_ =	sdelay $0x2  }
0x27b: {  	v4 =	vpop (erf)  }
0x27c: {  	[tilespmem:$0x5220] =	vst v4  }
0x27d: {  	[tilespmem:$0x5320] =	vst v4;
	v4 =	vadd.s32 v1, v2  }
0x27e: {  	[tilespmem:$0x230] =	vst v4  }
0x27f: {  	v2 =	vld.idx.msk [tilespmem:v2+s25+$0x0], $0xffff  }
0x280: {  	v3 =	vld.idx.msk [tilespmem:v3+s28+$0x0], $0xffff;
	_ =	sdelay $0x4  }
0x281: {  	v2 =	vadd.f32 v3, v2;
	_ =	sdelay $0x1  }
0x282: {  	v3 =	vmul.f32 $2.000000030e-01, v2  }
0x283: {  	vm11 =	vge.f32 v2, $0.0e+00  }
0x284: {  	v2 =	vsel vm11, v2, v3  }
0x285: {  	v2 =	vmul.f32 $1.442695020e+00, v2;
	_ =	sdelay $0x1  }
0x286: {  	(erf) = vpow2.f32 v2;
	_ =	sdelay $0x4  }
0x287: {  	v2 =	vld [tilespmem:$0x40]  }
0x288: {  	v3 =	vld [tilespmem:$0x140];
	_ =	sdelay $0x2  }
0x289: {  	v4 =	vpop (erf)  }
0x28a: {  	[tilespmem:$0x5230] =	vst v4  }
0x28b: {  	[tilespmem:$0x5330] =	vst v4;
	v4 =	vadd.s32 v1, v2  }
0x28c: {  	[tilespmem:$0x240] =	vst v4  }
0x28d: {  	v2 =	vld.idx.msk [tilespmem:v2+s25+$0x0], $0xffff  }
0x28e: {  	v3 =	vld.idx.msk [tilespmem:v3+s28+$0x0], $0xffff;
	_ =	sdelay $0x4  }
0x28f: {  	v2 =	vadd.f32 v3, v2;
	_ =	sdelay $0x1  }
0x290: {  	v3 =	vmul.f32 $2.000000030e-01, v2  }
0x291: {  	vm12 =	vge.f32 v2, $0.0e+00  }
0x292: {  	v2 =	vsel vm12, v2, v3  }
0x293: {  	v2 =	vmul.f32 $1.442695020e+00, v2;
	_ =	sdelay $0x1  }
0x294: {  	(erf) = vpow2.f32 v2;
	_ =	sdelay $0x4  }
0x295: {  	v2 =	vld [tilespmem:$0x50]  }
0x296: {  	v3 =	vld [tilespmem:$0x150];
	_ =	sdelay $0x2  }
0x297: {  	v4 =	vpop (erf)  }
0x298: {  	[tilespmem:$0x5240] =	vst v4  }
0x299: {  	[tilespmem:$0x5340] =	vst v4;
	v4 =	vadd.s32 v1, v2  }
0x29a: {  	[tilespmem:$0x250] =	vst v4  }
0x29b: {  	v2 =	vld.idx.msk [tilespmem:v2+s25+$0x0], $0xffff  }
0x29c: {  	v3 =	vld.idx.msk [tilespmem:v3+s28+$0x0], $0xffff;
	_ =	sdelay $0x4  }
0x29d: {  	v2 =	vadd.f32 v3, v2;
	_ =	sdelay $0x1  }
0x29e: {  	v3 =	vmul.f32 $2.000000030e-01, v2  }
0x29f: {  	vm13 =	vge.f32 v2, $0.0e+00  }
0x2a0: {  	v2 =	vsel vm13, v2, v3  }
0x2a1: {  	v2 =	vmul.f32 $1.442695020e+00, v2;
	_ =	sdelay $0x1  }
0x2a2: {  	(erf) = vpow2.f32 v2;
	_ =	sdelay $0x4  }
0x2a3: {  	v2 =	vld [tilespmem:$0x60]  }
0x2a4: {  	v3 =	vld [tilespmem:$0x160];
	_ =	sdelay $0x2  }
0x2a5: {  	v4 =	vpop (erf)  }
0x2a6: {  	[tilespmem:$0x5250] =	vst v4  }
0x2a7: {  	[tilespmem:$0x5350] =	vst v4;
	v4 =	vadd.s32 v1, v2  }
0x2a8: {  	[tilespmem:$0x260] =	vst v4  }
0x2a9: {  	v2 =	vld.idx.msk [tilespmem:v2+s25+$0x0], $0xffff  }
0x2aa: {  	v3 =	vld.idx.msk [tilespmem:v3+s28+$0x0], $0xffff;
	_ =	sdelay $0x4  }
0x2ab: {  	v2 =	vadd.f32 v3, v2;
	_ =	sdelay $0x1  }
0x2ac: {  	v3 =	vmul.f32 $2.000000030e-01, v2  }
0x2ad: {  	vm14 =	vge.f32 v2, $0.0e+00  }
0x2ae: {  	v2 =	vsel vm14, v2, v3  }
0x2af: {  	v2 =	vmul.f32 $1.442695020e+00, v2;
	_ =	sdelay $0x1  }
0x2b0: {  	(erf) = vpow2.f32 v2;
	_ =	sdelay $0x4  }
0x2b1: {  	v2 =	vld [tilespmem:$0x70]  }
0x2b2: {  	v3 =	vld [tilespmem:$0x170];
	_ =	sdelay $0x2  }
0x2b3: {  	v4 =	vpop (erf)  }
0x2b4: {  	[tilespmem:$0x5260] =	vst v4  }
0x2b5: {  	[tilespmem:$0x5360] =	vst v4;
	v4 =	vadd.s32 v1, v2  }
0x2b6: {  	[tilespmem:$0x270] =	vst v4  }
0x2b7: {  	v2 =	vld.idx.msk [tilespmem:v2+s25+$0x0], $0xffff  }
0x2b8: {  	v3 =	vld.idx.msk [tilespmem:v3+s28+$0x0], $0xffff;
	_ =	sdelay $0x4  }
0x2b9: {  	v2 =	vadd.f32 v3, v2;
	_ =	sdelay $0x1  }
0x2ba: {  	v3 =	vmul.f32 $2.000000030e-01, v2  }
0x2bb: {  	vm15 =	vge.f32 v2, $0.0e+00  }
0x2bc: {  	v2 =	vsel vm15, v2, v3  }
0x2bd: {  	v2 =	vmul.f32 $1.442695020e+00, v2;
	_ =	sdelay $0x1  }
0x2be: {  	(erf) = vpow2.f32 v2;
	_ =	sdelay $0x7  }
0x2bf: {  	v2 =	vmov s16  }
0x2c0: {  	v2 =	vand.u32 $0xFFFFFFFC, v2;
	v3 =	vpop (erf)  }
0x2c1: {  	v2 =	vbroadcast v2, $0x0;
	[tilespmem:$0x5270] =	vst v3  }
0x2c2: {  	s18 =	simm.s32 $0x2;
	[tilespmem:$0x5370] =	vst v3  }
0x2c3: {  	[tilespmem:s1], [sflag:$0x1] =	stream.indirect.gather [hbm4b:s9+s31], $0x80, s0, s31, $0xb8;
	[tilespmem:$0x1CE78] =	vst v63  }
0x2c4: {  	v4 =	vmov s18;
	_ =	swait.ge [sflag:s2], $0x4000  }
0x2c5: {  	v4 =	vand.u32 $0xFFFFFFFE, v4;
	[sflag:s2] =	ssyncset.done $0x0  }
0x2c6: {  	v3 =	vbroadcast v4, $0x0;
	[sflag:s2] =	ssyncadd.s32 $0xFFFFC000  }
0x2c7: {  	s18 =	simm.s32 $0x5480;
	v2 =	vld.idx.msk [tilespmem:v2+s8+$0x0], $0xffff  }
0x2c8: {  	v5 =	vld [tilespmem:s18+$0x70]  }
0x2c9: {  	s20 =	simm.s32 $0x1;
	v6 =	vld [tilespmem:s18+$0xFFFFFF00]  }
0x2ca: {  	v4 =	vmov s20;
	v7 =	vld [tilespmem:s18+$0xFFFFFF10]  }
0x2cb: {  	v4 =	vand.u32 $0xFFFFFFFD, v4;
	v8 =	vld [tilespmem:s18+$0xFFFFFF20]  }
0x2cc: {  	v4 =	vbroadcast v4, $0x0;
	v3 =	vld.idx.msk [tilespmem:v3+s8+$0x0], $0xffff  }
0x2cd: {  	v9 =	vld [tilespmem:s18+$0xFFFFFF30]  }
0x2ce: {  	v10 =	vld [tilespmem:s18+$0xFFFFFF40]  }
0x2cf: {  	v11 =	vld [tilespmem:s18+$0xFFFFFF50]  }
0x2d0: {  	v12 =	vld [tilespmem:s18+$0xFFFFFF60];
	v6 =	vmul.f32 v6, v2  }
0x2d1: {  	v14 =	vld [tilespmem:s18+$0x40];
	v5 =	vmul.f32 v5, v3  }
0x2d2: {  	v4 =	vld.idx.msk [tilespmem:v4+s8+$0x0], $0xffff;
	[tilespmem:s18+$0xFFFFFF00] =	vst v6;
	v6 =	vmul.f32 v7, v2  }
0x2d3: {  	v7 =	vld [tilespmem:s18+$0xFFFFFF70];
	[tilespmem:s18+$0x70] =	vst v5;
	v5 =	vmul.f32 v8, v2  }
0x2d4: {  	v8 =	vld [tilespmem:s18+$0xFFFFFF80];
	[tilespmem:s18+$0xFFFFFF10] =	vst v6;
	v6 =	vmul.f32 v9, v2  }
0x2d5: {  	v9 =	vld [tilespmem:s18+$0xFFFFFF90];
	[tilespmem:s18+$0xFFFFFF20] =	vst v5;
	v5 =	vmul.f32 v10, v2  }
0x2d6: {  	v10 =	vld [tilespmem:s18+$0xFFFFFFA0];
	[tilespmem:s18+$0xFFFFFF30] =	vst v6;
	v6 =	vmul.f32 v11, v2  }
0x2d7: {  	v11 =	vld [tilespmem:s18+$0xFFFFFFB0];
	[tilespmem:s18+$0xFFFFFF40] =	vst v5;
	v5 =	vmul.f32 v12, v2  }
0x2d8: {  	v12 =	vld [tilespmem:s18+$0xFFFFFFC0];
	v7 =	vmul.f32 v7, v2;
	[tilespmem:s18+$0xFFFFFF50] =	vst v6  }
0x2d9: {  	v6 =	vmul.f32 v8, v4;
	v8 =	vld [tilespmem:s18+$0xFFFFFFD0];
	[tilespmem:s18+$0xFFFFFF60] =	vst v5  }
0x2da: {  	s21 =	simm.s32 $0x3;
	v5 =	vld [tilespmem:s18+$0xFFFFFFE0];
	v9 =	vmul.f32 v9, v4;
	[tilespmem:s18+$0xFFFFFF70] =	vst v7  }
0x2db: {  	v13 =	vmov s21;
	v7 =	vld [tilespmem:s18+$0xFFFFFFF0];
	[tilespmem:s18+$0xFFFFFF80] =	vst v6;
	v6 =	vmul.f32 v10, v4  }
0x2dc: {  	v10 =	vld [tilespmem:s18+$0x0];
	[tilespmem:s18+$0xFFFFFF90] =	vst v9;
	v9 =	vmul.f32 v11, v4  }
0x2dd: {  	v11 =	vld [tilespmem:s18+$0x10];
	[tilespmem:s18+$0xFFFFFFA0] =	vst v6;
	v6 =	vmul.f32 v12, v4  }
0x2de: {  	[tilespmem:s18+$0xFFFFFFB0] =	vst v9;
	v8 =	vmul.f32 v8, v4;
	v9 =	vld [tilespmem:s18+$0x20]  }
0x2df: {  	v12 =	vld [tilespmem:s18+$0x30];
	[tilespmem:s18+$0xFFFFFFC0] =	vst v6;
	v5 =	vmul.f32 v5, v4  }
0x2e0: {  	v2 =	vld.idx.msk [tilespmem:v13+s8+$0x0], $0xffff;
	v4 =	vmul.f32 v7, v4;
	[tilespmem:s18+$0xFFFFFFD0] =	vst v8  }
0x2e1: {  	v6 =	vmul.f32 v10, v3;
	[tilespmem:s18+$0xFFFFFFE0] =	vst v5;
	v5 =	vld [tilespmem:s18+$0x50]  }
0x2e2: {  	s22 =	simm.s32 $0x4;
	[tilespmem:s18+$0xFFFFFFF0] =	vst v4;
	v7 =	vmul.f32 v11, v3;
	v4 =	vld [tilespmem:s18+$0x60]  }
0x2e3: {  	s23 =	simm.s32 $0x7;
	v8 =	vmov s22;
	[tilespmem:s18+$0x0] =	vst v6;
	v10 =	vmul.f32 v9, v3;
	v9 =	vld [tilespmem:s18+$0x80]  }
0x2e4: {  	s20 =	simm.s32 $0x5;
	v13 =	vand.u32 $0xFFFFFFFC, v8;
	v8 =	vld [tilespmem:s18+$0x90];
	v6 =	vmov s23;
	v11 =	vmul.f32 v12, v3;
	[tilespmem:s18+$0x10] =	vst v7  }
0x2e5: {  	s21 =	simm.s32 $0x8;
	s22 =	simm.s32 $0x6;
	v12 =	vmul.f32 v14, v3;
	v7 =	vbroadcast v13, $0x0;
	v13 =	vmov s20;
	s20 =	simm.s32 $0x5480;
	[tilespmem:s18+$0x20] =	vst v10;
	v10 =	vld [tilespmem:s18+$0xA0]  }
.LBB2_9:
0x2e6: {  	p3 =	slt.u32 s21, $0x7C;
	v13 =	vand.u32 $0xFFFFFFFD, v13;
	v14 =	vmov s22;
	[tilespmem:s18+$0x30] =	vst v11;
	v5 =	vmul.f32 v5, v3;
	v11 =	vld [tilespmem:s18+$0xB0]  }
0x2e7: {  	v13 =	vbroadcast v13, $0x0;
	v14 =	vand.u32 $0xFFFFFFFE, v14;
	[tilespmem:s18+$0x40] =	vst v12;
	v3 =	vmul.f32 v4, v3;
	v4 =	vld [tilespmem:s18+$0xC0]  }
0x2e8: {  	v12 =	vbroadcast v14, $0x0;
	[tilespmem:s18+$0x50] =	vst v5;
	v5 =	vmul.f32 v9, v2;
	v9 =	vld [tilespmem:s18+$0xD0]  }
0x2e9: {  	[tilespmem:s18+$0x60] =	vst v3;
	v3 =	vmul.f32 v8, v2;
	v8 =	vld [tilespmem:s18+$0xE0]  }
0x2ea: {  	[tilespmem:s18+$0x80] =	vst v5;
	v5 =	vmul.f32 v10, v2;
	v10 =	vld [tilespmem:s18+$0xF0]  }
0x2eb: {  	v6 =	vld.idx.msk [tilespmem:v6+s8+$0x0], $0xffff;
	[tilespmem:s18+$0x90] =	vst v3;
	v3 =	vmul.f32 v11, v2  }
0x2ec: {  	v7 =	vld.idx.msk [tilespmem:v7+s8+$0x0], $0xffff;
	[tilespmem:s18+$0xA0] =	vst v5;
	v4 =	vmul.f32 v4, v2  }
0x2ed: {  	v5 =	vld.idx.msk [tilespmem:v13+s8+$0x0], $0xffff;
	[tilespmem:s18+$0xB0] =	vst v3;
	v9 =	vmul.f32 v9, v2  }
0x2ee: {  	s18 =	sadd.s32 $0x200, s18;
	v3 =	vld.idx.msk [tilespmem:v12+s8+$0x0], $0xffff;
	[tilespmem:s20+$0xC0] =	vst v4;
	v4 =	vmul.f32 v8, v2  }
0x2ef: {  	v8 =	vld [tilespmem:s18+$0x70];
	[tilespmem:s20+$0xD0] =	vst v9;
	v10 =	vmul.f32 v10, v2  }
0x2f0: {  	v9 =	vld [tilespmem:s18+$0xFFFFFF00];
	[tilespmem:s20+$0xE0] =	vst v4  }
0x2f1: {  	v2 =	vmov v6;
	v4 =	vld [tilespmem:s18+$0xFFFFFF10];
	[tilespmem:s20+$0xF0] =	vst v10;
	s20 =	smov.u32 s18  }
0x2f2: {  	v6 =	vld [tilespmem:s18+$0xFFFFFF20]  }
0x2f3: {  	v10 =	vld [tilespmem:s18+$0xFFFFFF30]  }
0x2f4: {  	v11 =	vld [tilespmem:s18+$0xFFFFFF40];
	v8 =	vmul.f32 v8, v3  }
0x2f5: {  	v9 =	vmul.f32 v9, v7;
	v12 =	vld [tilespmem:s18+$0xFFFFFF50]  }
0x2f6: {  	v4 =	vmul.f32 v4, v7;
	v13 =	vld [tilespmem:s18+$0xFFFFFF60];
	[tilespmem:s18+$0x70] =	vst v8  }
0x2f7: {  	[tilespmem:s18+$0xFFFFFF00] =	vst v9;
	v6 =	vmul.f32 v6, v7;
	v8 =	vld [tilespmem:s18+$0xFFFFFF70]  }
0x2f8: {  	[tilespmem:s18+$0xFFFFFF10] =	vst v4;
	v4 =	vmul.f32 v10, v7;
	v9 =	vld [tilespmem:s18+$0xFFFFFF80]  }
0x2f9: {  	[tilespmem:s18+$0xFFFFFF20] =	vst v6;
	v6 =	vmul.f32 v11, v7;
	v10 =	vld [tilespmem:s18+$0xFFFFFF90]  }
0x2fa: {  	[tilespmem:s18+$0xFFFFFF30] =	vst v4;
	v4 =	vmul.f32 v12, v7;
	v11 =	vld [tilespmem:s18+$0xFFFFFFA0]  }
0x2fb: {  	[tilespmem:s18+$0xFFFFFF40] =	vst v6;
	v6 =	vmul.f32 v13, v7;
	v12 =	vld [tilespmem:s18+$0xFFFFFFB0]  }
0x2fc: {  	[tilespmem:s18+$0xFFFFFF50] =	vst v4;
	v4 =	vmul.f32 v8, v7;
	v7 =	vld [tilespmem:s18+$0xFFFFFFC0]  }
0x2fd: {  	[tilespmem:s18+$0xFFFFFF60] =	vst v6;
	v6 =	vmul.f32 v9, v5;
	v8 =	vld [tilespmem:s18+$0xFFFFFFD0]  }
0x2fe: {  	[tilespmem:s18+$0xFFFFFF70] =	vst v4;
	v4 =	vmul.f32 v10, v5;
	v9 =	vld [tilespmem:s18+$0xFFFFFFE0]  }
0x2ff: {  	[tilespmem:s18+$0xFFFFFF80] =	vst v6;
	v6 =	vmul.f32 v11, v5;
	v10 =	vld [tilespmem:s18+$0xFFFFFFF0]  }
0x300: {  	[tilespmem:s18+$0xFFFFFF90] =	vst v4;
	v4 =	vmul.f32 v12, v5;
	v11 =	vld [tilespmem:s18+$0x0]  }
0x301: {  	[tilespmem:s18+$0xFFFFFFA0] =	vst v6;
	v6 =	vmul.f32 v7, v5;
	v7 =	vld [tilespmem:s18+$0x10]  }
0x302: {  	[tilespmem:s18+$0xFFFFFFB0] =	vst v4;
	v4 =	vmul.f32 v8, v5;
	v8 =	vld [tilespmem:s18+$0x20]  }
0x303: {  	[tilespmem:s18+$0xFFFFFFC0] =	vst v6;
	v6 =	vmul.f32 v9, v5;
	v12 =	vld [tilespmem:s18+$0x30]  }
0x304: {  	[tilespmem:s18+$0xFFFFFFD0] =	vst v4;
	v4 =	vmul.f32 v10, v5;
	v10 =	vld [tilespmem:s18+$0x40]  }
.Ltmp3:
0x305: {  	[tilespmem:s18+$0xFFFFFFE0] =	vst v6;
	v6 =	vmul.f32 v11, v3;
	v5 =	vld [tilespmem:s18+$0x50];
	(pc) =	sbr.rel @p3 .LBB2_9-.Ltmp3, $4  }
0x306: {  	[tilespmem:s18+$0xFFFFFFF0] =	vst v4;
	v7 =	vmul.f32 v7, v3;
	v4 =	vld [tilespmem:s18+$0x60]  }
0x307: {  	s7 =	sadd.s32 $0x3, s21;
	v11 =	vmov s21;
	[tilespmem:s18+$0x0] =	vst v6;
	v14 =	vmul.f32 v8, v3;
	v9 =	vld [tilespmem:s18+$0x80]  }
0x308: {  	s22 =	sadd.s32 $0x1, s21;
	v13 =	vand.u32 $0xFFFFFFFC, v11;
	v6 =	vmov s7;
	[tilespmem:s18+$0x10] =	vst v7;
	v11 =	vmul.f32 v12, v3;
	v8 =	vld [tilespmem:s18+$0x90]  }
0x309: {  	v7 =	vbroadcast v13, $0x0;
	v13 =	vmov s22;
	s22 =	sadd.s32 $0x2, s21;
	s21 =	sadd.s32 $0x4, s21;
	[tilespmem:s18+$0x20] =	vst v14;
	v12 =	vmul.f32 v10, v3;
	v10 =	vld [tilespmem:s18+$0xA0]  }
0x30a: {  	v14 =	vld [tilespmem:s18+$0xB0]  }
0x30b: {  	v16 =	vld [tilespmem:s18+$0xC0]  }
0x30c: {  	v15 =	vmov s22;
	v17 =	vld [tilespmem:s18+$0xD0]  }
0x30d: {  	v18 =	vld [tilespmem:s18+$0xE0];
	[tilespmem:s18+$0x30] =	vst v11;
	v5 =	vmul.f32 v5, v3;
	v15 =	vand.u32 $0xFFFFFFFE, v15  }
0x30e: {  	v13 =	vand.u32 $0xFFFFFFFD, v13;
	v6 =	vld.idx.msk [tilespmem:v6+s8+$0x0], $0xffff;
	[tilespmem:s18+$0x40] =	vst v12;
	v3 =	vmul.f32 v4, v3;
	v15 =	vbroadcast v15, $0x0  }
0x30f: {  	s21 =	sadd.s32 $0x200, s18;
	v13 =	vbroadcast v13, $0x0;
	v4 =	vld.idx.msk [tilespmem:v7+s8+$0x0], $0xffff;
	v9 =	vmul.f32 v9, v2;
	[tilespmem:s18+$0x50] =	vst v5  }
0x310: {  	v11 =	vld [tilespmem:s21+$0xFFFFFF00];
	v5 =	vmul.f32 v8, v2;
	[tilespmem:s18+$0x60] =	vst v3  }
0x311: {  	[tilespmem:s18+$0x80] =	vst v9;
	v9 =	vld [tilespmem:s18+$0xF0];
	v3 =	vmul.f32 v10, v2  }
0x312: {  	v12 =	vld [tilespmem:s21+$0xFFFFFF10];
	[tilespmem:s18+$0x90] =	vst v5;
	v5 =	vmul.f32 v14, v2  }
0x313: {  	v10 =	vld [tilespmem:s21+$0x70];
	[tilespmem:s18+$0xA0] =	vst v3;
	v3 =	vmul.f32 v16, v2  }
0x314: {  	[tilespmem:s18+$0xB0] =	vst v5;
	v5 =	vmul.f32 v17, v2;
	v8 =	vld.idx.msk [tilespmem:v15+s8+$0x0], $0xffff  }
0x315: {  	v7 =	vld.idx.msk [tilespmem:v13+s8+$0x0], $0xffff;
	[tilespmem:s20+$0xC0] =	vst v3;
	v3 =	vmul.f32 v18, v2  }
0x316: {  	v13 =	vld [tilespmem:s21+$0xFFFFFF20];
	[tilespmem:s20+$0xD0] =	vst v5;
	v2 =	vmul.f32 v9, v2  }
0x317: {  	v5 =	vld [tilespmem:s21+$0xFFFFFF30];
	[tilespmem:s20+$0xE0] =	vst v3  }
0x318: {  	v3 =	vld [tilespmem:s21+$0xFFFFFF40];
	[tilespmem:s20+$0xF0] =	vst v2;
	v2 =	vmul.f32 v11, v4  }
0x319: {  	v9 =	vmul.f32 v10, v8;
	v10 =	vld [tilespmem:s21+$0xFFFFFF50]  }
0x31a: {  	v11 =	vmul.f32 v12, v4;
	v12 =	vld [tilespmem:s21+$0xFFFFFF60];
	[tilespmem:s21+$0xFFFFFF00] =	vst v2  }
0x31b: {  	v2 =	vmul.f32 v13, v4;
	[tilespmem:s21+$0x70] =	vst v9;
	v9 =	vld [tilespmem:s21+$0xFFFFFF70]  }
0x31c: {  	[tilespmem:s21+$0xFFFFFF10] =	vst v11;
	v11 =	vld [tilespmem:s21+$0xFFFFFF80];
	v5 =	vmul.f32 v5, v4  }
0x31d: {  	[tilespmem:s21+$0xFFFFFF20] =	vst v2;
	v2 =	vmul.f32 v3, v4;
	v3 =	vld [tilespmem:s21+$0xFFFFFF90]  }
0x31e: {  	[tilespmem:s21+$0xFFFFFF30] =	vst v5;
	v5 =	vmul.f32 v10, v4;
	v10 =	vld [tilespmem:s21+$0xFFFFFFA0]  }
0x31f: {  	[tilespmem:s21+$0xFFFFFF40] =	vst v2;
	v2 =	vmul.f32 v12, v4;
	v12 =	vld [tilespmem:s21+$0xFFFFFFB0]  }
0x320: {  	[tilespmem:s21+$0xFFFFFF50] =	vst v5;
	v4 =	vmul.f32 v9, v4;
	v5 =	vld [tilespmem:s21+$0xFFFFFFC0]  }
0x321: {  	[tilespmem:s21+$0xFFFFFF60] =	vst v2;
	v2 =	vmul.f32 v11, v7;
	v9 =	vld [tilespmem:s21+$0xFFFFFFD0]  }
0x322: {  	v3 =	vmul.f32 v3, v7;
	[tilespmem:s21+$0xFFFFFF70] =	vst v4;
	v4 =	vld [tilespmem:s21+$0xFFFFFFE0]  }
0x323: {  	[tilespmem:s21+$0xFFFFFF80] =	vst v2;
	v2 =	vmul.f32 v10, v7;
	v10 =	vld [tilespmem:s21+$0xFFFFFFF0]  }
0x324: {  	v11 =	vld [tilespmem:s21+$0x0];
	[tilespmem:s21+$0xFFFFFF90] =	vst v3;
	v3 =	vmul.f32 v12, v7  }
0x325: {  	[tilespmem:s21+$0xFFFFFFA0] =	vst v2;
	v2 =	vmul.f32 v5, v7;
	v5 =	vld [tilespmem:s21+$0x10]  }
0x326: {  	[tilespmem:s21+$0xFFFFFFB0] =	vst v3;
	v3 =	vmul.f32 v9, v7;
	v9 =	vld [tilespmem:s21+$0x20]  }
0x327: {  	[tilespmem:s21+$0xFFFFFFC0] =	vst v2;
	v2 =	vmul.f32 v4, v7;
	v4 =	vld [tilespmem:s21+$0x30]  }
0x328: {  	[tilespmem:s21+$0xFFFFFFD0] =	vst v3;
	v3 =	vmul.f32 v10, v7;
	v7 =	vld [tilespmem:s21+$0x40]  }
0x329: {  	v10 =	vld [tilespmem:s21+$0x50];
	[tilespmem:s21+$0xFFFFFFE0] =	vst v2;
	v2 =	vmul.f32 v11, v8  }
0x32a: {  	[tilespmem:s21+$0xFFFFFFF0] =	vst v3;
	v3 =	vmul.f32 v5, v8;
	v5 =	vld [tilespmem:s21+$0x60]  }
0x32b: {  	[tilespmem:s21+$0x0] =	vst v2;
	v2 =	vmul.f32 v9, v8;
	v9 =	vld [tilespmem:s21+$0x80]  }
0x32c: {  	[tilespmem:s21+$0x10] =	vst v3;
	v3 =	vmul.f32 v4, v8;
	v4 =	vld [tilespmem:s21+$0x90]  }
0x32d: {  	[tilespmem:s21+$0x20] =	vst v2;
	v2 =	vmul.f32 v7, v8;
	v7 =	vld [tilespmem:s21+$0xA0]  }
0x32e: {  	[tilespmem:s21+$0x30] =	vst v3;
	v3 =	vmul.f32 v10, v8;
	v10 =	vld [tilespmem:s21+$0xB0]  }
0x32f: {  	[tilespmem:s21+$0x40] =	vst v2;
	v2 =	vmul.f32 v5, v8;
	v5 =	vld [tilespmem:s21+$0xC0]  }
0x330: {  	v8 =	vld [tilespmem:s21+$0xD0];
	[tilespmem:s21+$0x50] =	vst v3;
	v3 =	vmul.f32 v9, v6  }
0x331: {  	[tilespmem:s21+$0x60] =	vst v2;
	v2 =	vmul.f32 v4, v6;
	v4 =	vld [tilespmem:s21+$0xE0]  }
0x332: {  	[tilespmem:s21+$0x80] =	vst v3;
	v3 =	vmul.f32 v7, v6;
	v7 =	vld [tilespmem:s21+$0xF0]  }
0x333: {  	[tilespmem:s21+$0x90] =	vst v2;
	v2 =	vmul.f32 v10, v6  }
0x334: {  	[tilespmem:s21+$0xA0] =	vst v3;
	v3 =	vmul.f32 v5, v6  }
0x335: {  	[tilespmem:s21+$0xB0] =	vst v2;
	v2 =	vmul.f32 v8, v6  }
0x336: {  	[tilespmem:s21+$0xC0] =	vst v3;
	v3 =	vmul.f32 v4, v6  }
0x337: {  	[tilespmem:s21+$0xD0] =	vst v2;
	v2 =	vmul.f32 v7, v6  }
0x338: {  	[tilespmem:s21+$0xE0] =	vst v3  }
0x339: {  	[tilespmem:s21+$0xF0] =	vst v2  }
0x33a: {  	[spmem:s5] =	stream.indirect.scatter.add.f32 [tilespmem:s1], [sflag:$0x2], $0x80, s30, s31, $0xb8;
	[tilespmem:$0x1CE78] =	vst v63  }
0x33b: {  	_ =	swait.ge [sflag:s26], $0x4000  }
0x33c: {  	[sflag:s26] =	ssyncset.done $0x0  }
0x33d: {  	[sflag:s26] =	ssyncadd.s32 $0xFFFFC000  }
0x33e: {  	v2 =	vld [tilespmem:$0x80]  }
0x33f: {  	v3 =	vld [tilespmem:$0x180];
	_ =	sdelay $0x4  }
0x340: {  	v4 =	vadd.s32 v1, v2  }
0x341: {  	[tilespmem:$0x280] =	vst v4  }
0x342: {  	v2 =	vld.idx.msk [tilespmem:v2+s25+$0x0], $0xffff  }
0x343: {  	v3 =	vld.idx.msk [tilespmem:v3+s28+$0x0], $0xffff;
	_ =	sdelay $0x4  }
0x344: {  	v2 =	vadd.f32 v3, v2;
	_ =	sdelay $0x1  }
0x345: {  	v3 =	vmul.f32 $2.000000030e-01, v2  }
0x346: {  	vm0 =	vge.f32 v2, $0.0e+00  }
0x347: {  	v2 =	vsel vm0, v2, v3  }
0x348: {  	v2 =	vmul.f32 $1.442695020e+00, v2;
	_ =	sdelay $0x1  }
0x349: {  	(erf) = vpow2.f32 v2;
	_ =	sdelay $0x4  }
0x34a: {  	v2 =	vld [tilespmem:$0x90]  }
0x34b: {  	v3 =	vld [tilespmem:$0x190];
	_ =	sdelay $0x2  }
0x34c: {  	v4 =	vpop (erf)  }
0x34d: {  	[tilespmem:$0x5280] =	vst v4  }
0x34e: {  	[tilespmem:$0x5300] =	vst v4;
	v4 =	vadd.s32 v1, v2  }
0x34f: {  	[tilespmem:$0x290] =	vst v4  }
0x350: {  	v2 =	vld.idx.msk [tilespmem:v2+s25+$0x0], $0xffff  }
0x351: {  	v3 =	vld.idx.msk [tilespmem:v3+s28+$0x0], $0xffff;
	_ =	sdelay $0x4  }
0x352: {  	v2 =	vadd.f32 v3, v2;
	_ =	sdelay $0x1  }
0x353: {  	v3 =	vmul.f32 $2.000000030e-01, v2  }
0x354: {  	vm9 =	vge.f32 v2, $0.0e+00  }
0x355: {  	v2 =	vsel vm9, v2, v3  }
0x356: {  	v2 =	vmul.f32 $1.442695020e+00, v2;
	_ =	sdelay $0x1  }
0x357: {  	(erf) = vpow2.f32 v2;
	_ =	sdelay $0x4  }
0x358: {  	v2 =	vld [tilespmem:$0xA0]  }
0x359: {  	v3 =	vld [tilespmem:$0x1A0];
	_ =	sdelay $0x2  }
0x35a: {  	v4 =	vpop (erf)  }
0x35b: {  	[tilespmem:$0x5290] =	vst v4  }
0x35c: {  	[tilespmem:$0x5310] =	vst v4;
	v4 =	vadd.s32 v1, v2  }
0x35d: {  	[tilespmem:$0x2A0] =	vst v4  }
0x35e: {  	v2 =	vld.idx.msk [tilespmem:v2+s25+$0x0], $0xffff  }
0x35f: {  	v3 =	vld.idx.msk [tilespmem:v3+s28+$0x0], $0xffff;
	_ =	sdelay $0x4  }
0x360: {  	v2 =	vadd.f32 v3, v2;
	_ =	sdelay $0x1  }
0x361: {  	v3 =	vmul.f32 $2.000000030e-01, v2  }
0x362: {  	vm10 =	vge.f32 v2, $0.0e+00  }
0x363: {  	v2 =	vsel vm10, v2, v3  }
0x364: {  	v2 =	vmul.f32 $1.442695020e+00, v2;
	_ =	sdelay $0x1  }
0x365: {  	(erf) = vpow2.f32 v2;
	_ =	sdelay $0x4  }
0x366: {  	v2 =	vld [tilespmem:$0xB0]  }
0x367: {  	v3 =	vld [tilespmem:$0x1B0];
	_ =	sdelay $0x2  }
0x368: {  	v4 =	vpop (erf)  }
0x369: {  	[tilespmem:$0x52A0] =	vst v4  }
0x36a: {  	[tilespmem:$0x5320] =	vst v4;
	v4 =	vadd.s32 v1, v2  }
0x36b: {  	[tilespmem:$0x2B0] =	vst v4  }
0x36c: {  	v2 =	vld.idx.msk [tilespmem:v2+s25+$0x0], $0xffff  }
0x36d: {  	v3 =	vld.idx.msk [tilespmem:v3+s28+$0x0], $0xffff;
	_ =	sdelay $0x4  }
0x36e: {  	v2 =	vadd.f32 v3, v2;
	_ =	sdelay $0x1  }
0x36f: {  	v3 =	vmul.f32 $2.000000030e-01, v2  }
0x370: {  	vm11 =	vge.f32 v2, $0.0e+00  }
0x371: {  	v2 =	vsel vm11, v2, v3  }
0x372: {  	v2 =	vmul.f32 $1.442695020e+00, v2;
	_ =	sdelay $0x1  }
0x373: {  	(erf) = vpow2.f32 v2;
	_ =	sdelay $0x4  }
0x374: {  	v2 =	vld [tilespmem:$0xC0]  }
0x375: {  	v3 =	vld [tilespmem:$0x1C0];
	_ =	sdelay $0x2  }
0x376: {  	v4 =	vpop (erf)  }
0x377: {  	[tilespmem:$0x52B0] =	vst v4  }
0x378: {  	[tilespmem:$0x5330] =	vst v4;
	v4 =	vadd.s32 v1, v2  }
0x379: {  	[tilespmem:$0x2C0] =	vst v4  }
0x37a: {  	v2 =	vld.idx.msk [tilespmem:v2+s25+$0x0], $0xffff  }
0x37b: {  	v3 =	vld.idx.msk [tilespmem:v3+s28+$0x0], $0xffff;
	_ =	sdelay $0x4  }
0x37c: {  	v2 =	vadd.f32 v3, v2;
	_ =	sdelay $0x1  }
0x37d: {  	v3 =	vmul.f32 $2.000000030e-01, v2  }
0x37e: {  	vm12 =	vge.f32 v2, $0.0e+00  }
0x37f: {  	v2 =	vsel vm12, v2, v3  }
0x380: {  	v2 =	vmul.f32 $1.442695020e+00, v2;
	_ =	sdelay $0x1  }
0x381: {  	(erf) = vpow2.f32 v2;
	_ =	sdelay $0x4  }
0x382: {  	v2 =	vld [tilespmem:$0xD0]  }
0x383: {  	v3 =	vld [tilespmem:$0x1D0];
	_ =	sdelay $0x2  }
0x384: {  	v4 =	vpop (erf)  }
0x385: {  	[tilespmem:$0x52C0] =	vst v4  }
0x386: {  	[tilespmem:$0x5340] =	vst v4;
	v4 =	vadd.s32 v1, v2  }
0x387: {  	[tilespmem:$0x2D0] =	vst v4  }
0x388: {  	v2 =	vld.idx.msk [tilespmem:v2+s25+$0x0], $0xffff  }
0x389: {  	v3 =	vld.idx.msk [tilespmem:v3+s28+$0x0], $0xffff;
	_ =	sdelay $0x4  }
0x38a: {  	v2 =	vadd.f32 v3, v2;
	_ =	sdelay $0x1  }
0x38b: {  	v3 =	vmul.f32 $2.000000030e-01, v2  }
0x38c: {  	vm13 =	vge.f32 v2, $0.0e+00  }
0x38d: {  	v2 =	vsel vm13, v2, v3  }
0x38e: {  	v2 =	vmul.f32 $1.442695020e+00, v2;
	_ =	sdelay $0x1  }
0x38f: {  	(erf) = vpow2.f32 v2;
	_ =	sdelay $0x4  }
0x390: {  	v2 =	vld [tilespmem:$0xE0]  }
0x391: {  	v3 =	vld [tilespmem:$0x1E0];
	_ =	sdelay $0x2  }
0x392: {  	v4 =	vpop (erf)  }
0x393: {  	[tilespmem:$0x52D0] =	vst v4  }
0x394: {  	[tilespmem:$0x5350] =	vst v4;
	v4 =	vadd.s32 v1, v2  }
0x395: {  	[tilespmem:$0x2E0] =	vst v4  }
0x396: {  	v2 =	vld.idx.msk [tilespmem:v2+s25+$0x0], $0xffff  }
0x397: {  	v3 =	vld.idx.msk [tilespmem:v3+s28+$0x0], $0xffff;
	_ =	sdelay $0x4  }
0x398: {  	v2 =	vadd.f32 v3, v2;
	_ =	sdelay $0x1  }
0x399: {  	v3 =	vmul.f32 $2.000000030e-01, v2  }
0x39a: {  	vm14 =	vge.f32 v2, $0.0e+00  }
0x39b: {  	v2 =	vsel vm14, v2, v3  }
0x39c: {  	v2 =	vmul.f32 $1.442695020e+00, v2;
	_ =	sdelay $0x1  }
0x39d: {  	(erf) = vpow2.f32 v2;
	_ =	sdelay $0x4  }
0x39e: {  	v2 =	vld [tilespmem:$0xF0]  }
0x39f: {  	v3 =	vld [tilespmem:$0x1F0];
	_ =	sdelay $0x2  }
0x3a0: {  	v4 =	vpop (erf)  }
0x3a1: {  	[tilespmem:$0x52E0] =	vst v4  }
0x3a2: {  	[tilespmem:$0x5360] =	vst v4;
	v4 =	vadd.s32 v1, v2  }
0x3a3: {  	[tilespmem:$0x2F0] =	vst v4  }
0x3a4: {  	v2 =	vld.idx.msk [tilespmem:v2+s25+$0x0], $0xffff  }
0x3a5: {  	v3 =	vld.idx.msk [tilespmem:v3+s28+$0x0], $0xffff;
	_ =	sdelay $0x4  }
0x3a6: {  	v2 =	vadd.f32 v3, v2;
	_ =	sdelay $0x1  }
0x3a7: {  	v3 =	vmul.f32 $2.000000030e-01, v2  }
0x3a8: {  	vm15 =	vge.f32 v2, $0.0e+00  }
0x3a9: {  	v2 =	vsel vm15, v2, v3  }
0x3aa: {  	v2 =	vmul.f32 $1.442695020e+00, v2;
	_ =	sdelay $0x1  }
0x3ab: {  	(erf) = vpow2.f32 v2;
	_ =	sdelay $0x6  }
0x3ac: {  	s7 =	simm.s32 $0x0  }
0x3ad: {  	v2 =	vmov s7  }
0x3ae: {  	v2 =	vand.u32 $0xFFFFFFFC, v2;
	v3 =	vpop (erf)  }
0x3af: {  	v2 =	vbroadcast v2, $0x0;
	[tilespmem:$0x52F0] =	vst v3  }
0x3b0: {  	s22 =	simm.s32 $0x2;
	[tilespmem:$0x5370] =	vst v3  }
0x3b1: {  	[tilespmem:s1], [sflag:$0x1] =	stream.indirect.gather [hbm4b:s9+s31], $0x80, s10, s31, $0xb8;
	[tilespmem:$0x1CE78] =	vst v63  }
0x3b2: {  	v4 =	vmov s22;
	_ =	swait.ge [sflag:s2], $0x4000  }
0x3b3: {  	v4 =	vand.u32 $0xFFFFFFFE, v4;
	[sflag:s2] =	ssyncset.done $0x0  }
0x3b4: {  	v3 =	vbroadcast v4, $0x0;
	[sflag:s2] =	ssyncadd.s32 $0xFFFFC000  }
0x3b5: {  	s18 =	simm.s32 $0x5480;
	v2 =	vld.idx.msk [tilespmem:v2+s8+$0x0], $0xffff  }
0x3b6: {  	v5 =	vld [tilespmem:s18+$0x70]  }
0x3b7: {  	s23 =	simm.s32 $0x1;
	v6 =	vld [tilespmem:s18+$0xFFFFFF00]  }
0x3b8: {  	v4 =	vmov s23;
	v7 =	vld [tilespmem:s18+$0xFFFFFF10]  }
0x3b9: {  	v4 =	vand.u32 $0xFFFFFFFD, v4;
	v8 =	vld [tilespmem:s18+$0xFFFFFF20]  }
0x3ba: {  	v4 =	vbroadcast v4, $0x0;
	v3 =	vld.idx.msk [tilespmem:v3+s8+$0x0], $0xffff  }
0x3bb: {  	v9 =	vld [tilespmem:s18+$0xFFFFFF30]  }
0x3bc: {  	v10 =	vld [tilespmem:s18+$0xFFFFFF40]  }
0x3bd: {  	v11 =	vld [tilespmem:s18+$0xFFFFFF50]  }
0x3be: {  	v12 =	vld [tilespmem:s18+$0xFFFFFF60];
	v6 =	vmul.f32 v6, v2  }
0x3bf: {  	v14 =	vld [tilespmem:s18+$0x40];
	v5 =	vmul.f32 v5, v3  }
0x3c0: {  	v4 =	vld.idx.msk [tilespmem:v4+s8+$0x0], $0xffff;
	[tilespmem:s18+$0xFFFFFF00] =	vst v6;
	v6 =	vmul.f32 v7, v2  }
0x3c1: {  	v7 =	vld [tilespmem:s18+$0xFFFFFF70];
	[tilespmem:s18+$0x70] =	vst v5;
	v5 =	vmul.f32 v8, v2  }
0x3c2: {  	v8 =	vld [tilespmem:s18+$0xFFFFFF80];
	[tilespmem:s18+$0xFFFFFF10] =	vst v6;
	v6 =	vmul.f32 v9, v2  }
0x3c3: {  	v9 =	vld [tilespmem:s18+$0xFFFFFF90];
	[tilespmem:s18+$0xFFFFFF20] =	vst v5;
	v5 =	vmul.f32 v10, v2  }
0x3c4: {  	v10 =	vld [tilespmem:s18+$0xFFFFFFA0];
	[tilespmem:s18+$0xFFFFFF30] =	vst v6;
	v6 =	vmul.f32 v11, v2  }
0x3c5: {  	v11 =	vld [tilespmem:s18+$0xFFFFFFB0];
	[tilespmem:s18+$0xFFFFFF40] =	vst v5;
	v5 =	vmul.f32 v12, v2  }
0x3c6: {  	v12 =	vld [tilespmem:s18+$0xFFFFFFC0];
	v7 =	vmul.f32 v7, v2;
	[tilespmem:s18+$0xFFFFFF50] =	vst v6  }
0x3c7: {  	v6 =	vmul.f32 v8, v4;
	v8 =	vld [tilespmem:s18+$0xFFFFFFD0];
	[tilespmem:s18+$0xFFFFFF60] =	vst v5  }
0x3c8: {  	s20 =	simm.s32 $0x3;
	v5 =	vld [tilespmem:s18+$0xFFFFFFE0];
	v9 =	vmul.f32 v9, v4;
	[tilespmem:s18+$0xFFFFFF70] =	vst v7  }
0x3c9: {  	v13 =	vmov s20;
	v7 =	vld [tilespmem:s18+$0xFFFFFFF0];
	[tilespmem:s18+$0xFFFFFF80] =	vst v6;
	v6 =	vmul.f32 v10, v4  }
0x3ca: {  	v10 =	vld [tilespmem:s18+$0x0];
	[tilespmem:s18+$0xFFFFFF90] =	vst v9;
	v9 =	vmul.f32 v11, v4  }
0x3cb: {  	v11 =	vld [tilespmem:s18+$0x10];
	[tilespmem:s18+$0xFFFFFFA0] =	vst v6;
	v6 =	vmul.f32 v12, v4  }
0x3cc: {  	[tilespmem:s18+$0xFFFFFFB0] =	vst v9;
	v8 =	vmul.f32 v8, v4;
	v9 =	vld [tilespmem:s18+$0x20]  }
0x3cd: {  	v12 =	vld [tilespmem:s18+$0x30];
	[tilespmem:s18+$0xFFFFFFC0] =	vst v6;
	v5 =	vmul.f32 v5, v4  }
0x3ce: {  	v2 =	vld.idx.msk [tilespmem:v13+s8+$0x0], $0xffff;
	v4 =	vmul.f32 v7, v4;
	[tilespmem:s18+$0xFFFFFFD0] =	vst v8  }
0x3cf: {  	v6 =	vmul.f32 v10, v3;
	[tilespmem:s18+$0xFFFFFFE0] =	vst v5;
	v5 =	vld [tilespmem:s18+$0x50]  }
0x3d0: {  	s21 =	simm.s32 $0x4;
	[tilespmem:s18+$0xFFFFFFF0] =	vst v4;
	v7 =	vmul.f32 v11, v3;
	v4 =	vld [tilespmem:s18+$0x60]  }
0x3d1: {  	s22 =	simm.s32 $0x7;
	v8 =	vmov s21;
	[tilespmem:s18+$0x0] =	vst v6;
	v10 =	vmul.f32 v9, v3;
	v9 =	vld [tilespmem:s18+$0x80]  }
0x3d2: {  	s23 =	simm.s32 $0x5;
	v13 =	vand.u32 $0xFFFFFFFC, v8;
	v8 =	vld [tilespmem:s18+$0x90];
	v6 =	vmov s22;
	v11 =	vmul.f32 v12, v3;
	[tilespmem:s18+$0x10] =	vst v7  }
0x3d3: {  	s20 =	simm.s32 $0x5480;
	s21 =	simm.s32 $0x8;
	s22 =	simm.s32 $0x6;
	v12 =	vmul.f32 v14, v3;
	v7 =	vbroadcast v13, $0x0;
	v13 =	vmov s23;
	[tilespmem:s18+$0x20] =	vst v10;
	v10 =	vld [tilespmem:s18+$0xA0]  }
.LBB2_11:
0x3d4: {  	p3 =	slt.u32 s21, $0x7C;
	v13 =	vand.u32 $0xFFFFFFFD, v13;
	v14 =	vmov s22;
	[tilespmem:s18+$0x30] =	vst v11;
	v5 =	vmul.f32 v5, v3;
	v11 =	vld [tilespmem:s18+$0xB0]  }
0x3d5: {  	v13 =	vbroadcast v13, $0x0;
	v14 =	vand.u32 $0xFFFFFFFE, v14;
	[tilespmem:s18+$0x40] =	vst v12;
	v3 =	vmul.f32 v4, v3;
	v4 =	vld [tilespmem:s18+$0xC0]  }
0x3d6: {  	v12 =	vbroadcast v14, $0x0;
	[tilespmem:s18+$0x50] =	vst v5;
	v5 =	vmul.f32 v9, v2;
	v9 =	vld [tilespmem:s18+$0xD0]  }
0x3d7: {  	[tilespmem:s18+$0x60] =	vst v3;
	v3 =	vmul.f32 v8, v2;
	v8 =	vld [tilespmem:s18+$0xE0]  }
0x3d8: {  	[tilespmem:s18+$0x80] =	vst v5;
	v5 =	vmul.f32 v10, v2;
	v10 =	vld [tilespmem:s18+$0xF0]  }
0x3d9: {  	v6 =	vld.idx.msk [tilespmem:v6+s8+$0x0], $0xffff;
	[tilespmem:s18+$0x90] =	vst v3;
	v3 =	vmul.f32 v11, v2  }
0x3da: {  	v7 =	vld.idx.msk [tilespmem:v7+s8+$0x0], $0xffff;
	[tilespmem:s18+$0xA0] =	vst v5;
	v4 =	vmul.f32 v4, v2  }
0x3db: {  	v5 =	vld.idx.msk [tilespmem:v13+s8+$0x0], $0xffff;
	[tilespmem:s18+$0xB0] =	vst v3;
	v9 =	vmul.f32 v9, v2  }
0x3dc: {  	s18 =	sadd.s32 $0x200, s18;
	v3 =	vld.idx.msk [tilespmem:v12+s8+$0x0], $0xffff;
	[tilespmem:s20+$0xC0] =	vst v4;
	v4 =	vmul.f32 v8, v2  }
0x3dd: {  	v8 =	vld [tilespmem:s18+$0x70];
	[tilespmem:s20+$0xD0] =	vst v9;
	v10 =	vmul.f32 v10, v2  }
0x3de: {  	v9 =	vld [tilespmem:s18+$0xFFFFFF00];
	[tilespmem:s20+$0xE0] =	vst v4  }
0x3df: {  	v2 =	vmov v6;
	v4 =	vld [tilespmem:s18+$0xFFFFFF10];
	[tilespmem:s20+$0xF0] =	vst v10;
	s20 =	smov.u32 s18  }
0x3e0: {  	v6 =	vld [tilespmem:s18+$0xFFFFFF20]  }
0x3e1: {  	v10 =	vld [tilespmem:s18+$0xFFFFFF30]  }
0x3e2: {  	v11 =	vld [tilespmem:s18+$0xFFFFFF40];
	v8 =	vmul.f32 v8, v3  }
0x3e3: {  	v9 =	vmul.f32 v9, v7;
	v12 =	vld [tilespmem:s18+$0xFFFFFF50]  }
0x3e4: {  	v4 =	vmul.f32 v4, v7;
	v13 =	vld [tilespmem:s18+$0xFFFFFF60];
	[tilespmem:s18+$0x70] =	vst v8  }
0x3e5: {  	[tilespmem:s18+$0xFFFFFF00] =	vst v9;
	v6 =	vmul.f32 v6, v7;
	v8 =	vld [tilespmem:s18+$0xFFFFFF70]  }
0x3e6: {  	[tilespmem:s18+$0xFFFFFF10] =	vst v4;
	v4 =	vmul.f32 v10, v7;
	v9 =	vld [tilespmem:s18+$0xFFFFFF80]  }
0x3e7: {  	[tilespmem:s18+$0xFFFFFF20] =	vst v6;
	v6 =	vmul.f32 v11, v7;
	v10 =	vld [tilespmem:s18+$0xFFFFFF90]  }
0x3e8: {  	[tilespmem:s18+$0xFFFFFF30] =	vst v4;
	v4 =	vmul.f32 v12, v7;
	v11 =	vld [tilespmem:s18+$0xFFFFFFA0]  }
0x3e9: {  	[tilespmem:s18+$0xFFFFFF40] =	vst v6;
	v6 =	vmul.f32 v13, v7;
	v12 =	vld [tilespmem:s18+$0xFFFFFFB0]  }
0x3ea: {  	[tilespmem:s18+$0xFFFFFF50] =	vst v4;
	v4 =	vmul.f32 v8, v7;
	v7 =	vld [tilespmem:s18+$0xFFFFFFC0]  }
0x3eb: {  	[tilespmem:s18+$0xFFFFFF60] =	vst v6;
	v6 =	vmul.f32 v9, v5;
	v8 =	vld [tilespmem:s18+$0xFFFFFFD0]  }
0x3ec: {  	[tilespmem:s18+$0xFFFFFF70] =	vst v4;
	v4 =	vmul.f32 v10, v5;
	v9 =	vld [tilespmem:s18+$0xFFFFFFE0]  }
0x3ed: {  	[tilespmem:s18+$0xFFFFFF80] =	vst v6;
	v6 =	vmul.f32 v11, v5;
	v10 =	vld [tilespmem:s18+$0xFFFFFFF0]  }
0x3ee: {  	[tilespmem:s18+$0xFFFFFF90] =	vst v4;
	v4 =	vmul.f32 v12, v5;
	v11 =	vld [tilespmem:s18+$0x0]  }
0x3ef: {  	[tilespmem:s18+$0xFFFFFFA0] =	vst v6;
	v6 =	vmul.f32 v7, v5;
	v7 =	vld [tilespmem:s18+$0x10]  }
0x3f0: {  	[tilespmem:s18+$0xFFFFFFB0] =	vst v4;
	v4 =	vmul.f32 v8, v5;
	v8 =	vld [tilespmem:s18+$0x20]  }
0x3f1: {  	[tilespmem:s18+$0xFFFFFFC0] =	vst v6;
	v6 =	vmul.f32 v9, v5;
	v12 =	vld [tilespmem:s18+$0x30]  }
0x3f2: {  	[tilespmem:s18+$0xFFFFFFD0] =	vst v4;
	v4 =	vmul.f32 v10, v5;
	v10 =	vld [tilespmem:s18+$0x40]  }
.Ltmp4:
0x3f3: {  	[tilespmem:s18+$0xFFFFFFE0] =	vst v6;
	v6 =	vmul.f32 v11, v3;
	v5 =	vld [tilespmem:s18+$0x50];
	(pc) =	sbr.rel @p3 .LBB2_11-.Ltmp4, $4  }
0x3f4: {  	[tilespmem:s18+$0xFFFFFFF0] =	vst v4;
	v7 =	vmul.f32 v7, v3;
	v4 =	vld [tilespmem:s18+$0x60]  }
0x3f5: {  	s7 =	sadd.s32 $0x3, s21;
	v11 =	vmov s21;
	[tilespmem:s18+$0x0] =	vst v6;
	v14 =	vmul.f32 v8, v3;
	v9 =	vld [tilespmem:s18+$0x80]  }
0x3f6: {  	s22 =	sadd.s32 $0x1, s21;
	v13 =	vand.u32 $0xFFFFFFFC, v11;
	v6 =	vmov s7;
	[tilespmem:s18+$0x10] =	vst v7;
	v11 =	vmul.f32 v12, v3;
	v8 =	vld [tilespmem:s18+$0x90]  }
0x3f7: {  	v7 =	vbroadcast v13, $0x0;
	v13 =	vmov s22;
	s22 =	sadd.s32 $0x2, s21;
	s21 =	sadd.s32 $0x4, s21;
	[tilespmem:s18+$0x20] =	vst v14;
	v12 =	vmul.f32 v10, v3;
	v10 =	vld [tilespmem:s18+$0xA0]  }
0x3f8: {  	v14 =	vld [tilespmem:s18+$0xB0]  }
0x3f9: {  	v16 =	vld [tilespmem:s18+$0xC0]  }
0x3fa: {  	v17 =	vld [tilespmem:s18+$0xD0]  }
0x3fb: {  	v18 =	vld [tilespmem:s18+$0xE0]  }
0x3fc: {  	v24 =	vld [tilespmem:s18+$0xF0];
	[tilespmem:s18+$0x30] =	vst v11;
	v5 =	vmul.f32 v5, v3  }
0x3fd: {  	v6 =	vld.idx.msk [tilespmem:v6+s8+$0x0], $0xffff;
	[tilespmem:s18+$0x40] =	vst v12;
	v3 =	vmul.f32 v4, v3  }
0x3fe: {  	s21 =	sadd.s32 $0x200, s18;
	v25 =	vld.idx.msk [tilespmem:v7+s8+$0x0], $0xffff;
	v9 =	vmul.f32 v9, v2;
	[tilespmem:s18+$0x50] =	vst v5  }
0x3ff: {  	v30 =	vld [tilespmem:s21+$0x70];
	v26 =	vmul.f32 v8, v2;
	[tilespmem:s18+$0x60] =	vst v3  }
0x400: {  	v31 =	vld [tilespmem:s21+$0xFFFFFF00];
	[tilespmem:s18+$0x80] =	vst v9;
	v3 =	vmul.f32 v10, v2  }
0x401: {  	v15 =	vmov s22;
	v33 =	vld [tilespmem:s21+$0xFFFFFF10];
	[tilespmem:s18+$0x90] =	vst v26;
	v29 =	vmul.f32 v14, v2  }
0x402: {  	v15 =	vand.u32 $0xFFFFFFFE, v15;
	v34 =	vld [tilespmem:s21+$0xFFFFFF20];
	[tilespmem:s18+$0xA0] =	vst v3;
	v3 =	vmul.f32 v16, v2  }
0x403: {  	v13 =	vand.u32 $0xFFFFFFFD, v13;
	v35 =	vld [tilespmem:s21+$0xFFFFFF30];
	v15 =	vbroadcast v15, $0x0;
	v32 =	vmul.f32 v17, v2;
	[tilespmem:s18+$0xB0] =	vst v29  }
0x404: {  	v13 =	vbroadcast v13, $0x0;
	v37 =	vld [tilespmem:s21+$0xFFFFFF50];
	[tilespmem:s20+$0xC0] =	vst v3;
	v3 =	vmul.f32 v18, v2  }
0x405: {  	v39 =	vld [tilespmem:s21+$0xFFFFFF60];
	[tilespmem:s20+$0xD0] =	vst v32;
	v2 =	vmul.f32 v24, v2  }
0x406: {  	v38 =	vmul.f32 v33, v25;
	[tilespmem:s20+$0xE0] =	vst v3;
	v3 =	vld [tilespmem:s21+$0xFFFFFF40]  }
0x407: {  	v40 =	vld [tilespmem:s21+$0xFFFFFF70];
	[tilespmem:s20+$0xF0] =	vst v2;
	v2 =	vmul.f32 v31, v25  }
0x408: {  	v41 =	vld [tilespmem:s21+$0xFFFFFF80];
	v5 =	vmul.f32 v35, v25;
	[tilespmem:s21+$0xFFFFFF10] =	vst v38  }
0x409: {  	v28 =	vld.idx.msk [tilespmem:v15+s8+$0x0], $0xffff;
	[tilespmem:s21+$0xFFFFFF00] =	vst v2;
	v2 =	vmul.f32 v34, v25  }
0x40a: {  	v42 =	vmul.f32 v37, v25;
	v27 =	vld.idx.msk [tilespmem:v13+s8+$0x0], $0xffff;
	[tilespmem:s21+$0xFFFFFF30] =	vst v5  }
0x40b: {  	[tilespmem:s21+$0xFFFFFF20] =	vst v2;
	v2 =	vmul.f32 v3, v25;
	v3 =	vld [tilespmem:s21+$0xFFFFFF90]  }
0x40c: {  	v43 =	vld [tilespmem:s21+$0xFFFFFFA0];
	v4 =	vmul.f32 v40, v25;
	[tilespmem:s21+$0xFFFFFF50] =	vst v42  }
0x40d: {  	v44 =	vld [tilespmem:s21+$0xFFFFFFB0];
	[tilespmem:s21+$0xFFFFFF40] =	vst v2;
	v2 =	vmul.f32 v39, v25  }
0x40e: {  	v45 =	vld [tilespmem:s21+$0xFFFFFFC0];
	[tilespmem:s21+$0xFFFFFF70] =	vst v4;
	v36 =	vmul.f32 v30, v28  }
0x40f: {  	v46 =	vld [tilespmem:s21+$0xFFFFFFD0];
	[tilespmem:s21+$0xFFFFFF60] =	vst v2;
	v2 =	vmul.f32 v41, v27  }
0x410: {  	v47 =	vld [tilespmem:s21+$0xFFFFFFE0];
	[tilespmem:s21+$0x70] =	vst v36;
	v3 =	vmul.f32 v3, v27  }
0x411: {  	v48 =	vld [tilespmem:s21+$0xFFFFFFF0];
	[tilespmem:s21+$0xFFFFFF80] =	vst v2;
	v2 =	vmul.f32 v43, v27  }
0x412: {  	v49 =	vld [tilespmem:s21+$0x0];
	[tilespmem:s21+$0xFFFFFF90] =	vst v3;
	v3 =	vmul.f32 v44, v27  }
0x413: {  	v50 =	vld [tilespmem:s21+$0x10];
	[tilespmem:s21+$0xFFFFFFA0] =	vst v2;
	v2 =	vmul.f32 v45, v27  }
0x414: {  	v51 =	vld [tilespmem:s21+$0x20];
	[tilespmem:s21+$0xFFFFFFB0] =	vst v3;
	v3 =	vmul.f32 v46, v27  }
0x415: {  	v52 =	vld [tilespmem:s21+$0x30];
	[tilespmem:s21+$0xFFFFFFC0] =	vst v2;
	v2 =	vmul.f32 v47, v27  }
0x416: {  	v53 =	vld [tilespmem:s21+$0x40];
	[tilespmem:s21+$0xFFFFFFD0] =	vst v3;
	v3 =	vmul.f32 v48, v27  }
0x417: {  	v54 =	vld [tilespmem:s21+$0x50];
	[tilespmem:s21+$0xFFFFFFE0] =	vst v2;
	v2 =	vmul.f32 v49, v28  }
0x418: {  	v55 =	vld [tilespmem:s21+$0x60];
	[tilespmem:s21+$0xFFFFFFF0] =	vst v3;
	v3 =	vmul.f32 v50, v28  }
0x419: {  	v56 =	vld [tilespmem:s21+$0x80];
	[tilespmem:s21+$0x0] =	vst v2;
	v2 =	vmul.f32 v51, v28  }
0x41a: {  	v57 =	vld [tilespmem:s21+$0x90];
	[tilespmem:s21+$0x10] =	vst v3;
	v3 =	vmul.f32 v52, v28  }
0x41b: {  	v58 =	vld [tilespmem:s21+$0xA0];
	[tilespmem:s21+$0x20] =	vst v2;
	v2 =	vmul.f32 v53, v28  }
0x41c: {  	v59 =	vld [tilespmem:s21+$0xB0];
	[tilespmem:s21+$0x30] =	vst v3;
	v3 =	vmul.f32 v54, v28  }
0x41d: {  	v60 =	vld [tilespmem:s21+$0xC0];
	[tilespmem:s21+$0x40] =	vst v2;
	v2 =	vmul.f32 v55, v28  }
0x41e: {  	v61 =	vld [tilespmem:s21+$0xD0];
	[tilespmem:s21+$0x50] =	vst v3;
	v3 =	vmul.f32 v56, v6  }
0x41f: {  	v62 =	vld [tilespmem:s21+$0xE0];
	[tilespmem:s21+$0x60] =	vst v2;
	v2 =	vmul.f32 v57, v6  }
0x420: {  	v63 =	vld [tilespmem:s21+$0xF0];
	[tilespmem:s21+$0x80] =	vst v3;
	v3 =	vmul.f32 v58, v6  }
0x421: {  	[tilespmem:s21+$0x90] =	vst v2;
	v2 =	vmul.f32 v59, v6  }
0x422: {  	[tilespmem:s21+$0xA0] =	vst v3;
	v3 =	vmul.f32 v60, v6  }
0x423: {  	[tilespmem:s21+$0xB0] =	vst v2;
	v2 =	vmul.f32 v61, v6  }
0x424: {  	[tilespmem:s21+$0xC0] =	vst v3;
	v3 =	vmul.f32 v62, v6  }
0x425: {  	s17 =	sadd.s32 $0x1, s17;
	[tilespmem:s21+$0xD0] =	vst v2;
	v2 =	vmul.f32 v63, v6  }
0x426: {  	p3 =	sne.s32 s17, s19;
	[tilespmem:s21+$0xE0] =	vst v3  }
.Ltmp5:
0x427: {  	[tilespmem:s21+$0xF0] =	vst v2;
	(pc) =	sbr.rel @p3 .LBB2_8-.Ltmp5, $4  }
0x428: {  	[spmem:s5] =	stream.indirect.scatter.add.f32 [tilespmem:s1], [sflag:$0x2], $0x80, s11, s31, $0xb8;
	[tilespmem:$0x1CE78] =	vst v63  }
0x429: {  	_ =	swait.ge [sflag:s26], $0x4000  }
0x42a: {  	[sflag:s26] =	ssyncset.done $0x0  }
0x42b: {  	[sflag:s26] =	ssyncadd.s32 $0xFFFFC000  }
0x42c: {  	[bflag:$0x0] =	sbarrier.arrive $0xFFFF  }
0x42d: {  	s7 =	simm.s32 @p2 $0x1FC2;
	s16 =	rddreg [dreg:$0x10]  }
0x42e: {  	[hbm:s16], [sflag:s7] =	dma.local @p2 [spmem:s13], $0x2800  }
0x42f: {  	s7 =	simm.s32 @p2 $0x2  }
0x430: {  	_ =	swait.ge @p2 [sflag:s7], $0x2800  }
0x431: {  	[sflag:s7] =	ssyncset.done @p2 $0x0  }
0x432: {  	[sflag:s7] =	ssyncadd.s32 @p2 $0xFFFFD800;
	s7 =	rddreg [dreg:$0xf]  }
0x433: {  	[hbm:s7], [sflag:s14] =	dma.local @!p2 [spmem:s15], $0x2700  }
0x434: {  	s7 =	simm.s32 @!p2 $0x2  }
0x435: {  	_ =	swait.ge @!p2 [sflag:s7], $0x2700  }
0x436: {  	s12 =	sadd.s32 $0x1, s12;
	s23 =	rddreg [dreg:$0x14]  }
0x437: {  	p3 =	sne.s32 s12, s23  }
.Ltmp6:
0x438: {  	_ = 	snop;
	(pc) =	sbr.rel @p3 .LBB2_1-.Ltmp6, $3  }
0x439: {  	_ =	sdelay $0x1  }
0x43a: {  	[sflag:s7] =	ssyncset.done @!p2 $0x0  }
0x43b: {  	[sflag:s7] =	ssyncadd.s32 @!p2 $0xFFFFD900  }
0x43c: {  	_ =	sfence.sel $0x180000  }
0x43d: {  	[bflag:$0x0] =	sbarrier.arrive $0xFFFF  }
0x43e: {  	_ =	strace $0x90000047  }
0x43f: {  	s0 =	stileid.u32;
	[bflag:$0x2] =	sbarrier.arrive $0xFFFF  }
0x440: {  	p0 =	sne.s32 s0, $0x0;
	s0 =	rddreg [dreg:$0x7]  }
0x441: {  	s0 =	sadd.s32 @!p0 $0x100000, s0  }
0x442: {  	[sflag:s0] =	ssyncadd.tile.s32 @!p0 $0x1;
	_ =	shalt  }
.Lfunc_end2:
_tile_overlayer_lowered:
.L_overlay_start_2:
0x443: {  	(tag) =	ssettag $0x2  }
0x444: {  	s0 =	rddreg [dreg:$0x0];
	s2 =	stileid.u32  }
0x445: {  	s1 =	rddreg [dreg:$0x1];
	p0 =	sne.s32 s2, $0x0  }
0x446: {  	s3 =	rddreg [dreg:$0x2];
	[bflag:$0x3] =	sbarrier.arrive $0xFFFF;
	s2 =	simm.s32 @!p0 $0x1C02  }
0x447: {  	[timem:s3], [sflag:s2] =	dma.local @!p0 [hbm:s0], s1  }
0x448: {  	s0 =	simm.s32 @!p0 $0x2  }
0x449: {  	_ =	swait.ge @!p0 [sflag:s0], s1  }
0x44a: {  	s1 =	ssub.s32 @!p0 $0x0, s1;
	[sflag:s0] =	ssyncset.done @!p0 $0x0  }
0x44b: {  	[sflag:s0] =	ssyncadd.s32 @!p0 s1  }
0x44c: {  	[bflag:$0x3] =	sbarrier.arrive $0xFFFF  }
0x44d: {  	_ =	shalt  }

</sc_bundles>
